<compile_context>
chip_gen: v7x
topology: tpu7x:2x2x1
jax: 0.10.2.dev20260603
libtpu: 0.0.44.dev20260713+nightly
codegen_flags: <defaults>
</compile_context>

<pallas_src>
import functools

import jax
import jax.numpy as jnp
from jax import lax
from jax.experimental import pallas as pl
from jax.experimental.pallas import tpu as pltpu
from jax.experimental.pallas import tpu_sc as plsc

WORD_PAD = 100000
EMBED = 64
NUM_QW = 200
NC = 2
NS = 16
NW = NC * NS
LANES = 16
NCH = EMBED // LANES
G = 8
SPLITS = ((0, 128), (128, 72))


def _sc_to_bf16(word_table):
  V = word_table.shape[0]
  CR = 640
  nchunks = (V + CR - 1) // CR
  last_base = V - CR
  kmax = (nchunks + NW - 1) // NW
  assert nchunks >= 2 * NW

  mesh = plsc.VectorSubcoreMesh(core_axis_name="c", subcore_axis_name="s")

  @functools.partial(
      pl.kernel,
      out_type=jax.ShapeDtypeStruct((V, EMBED), jnp.bfloat16),
      mesh=mesh,
      compiler_params=pltpu.CompilerParams(
          use_tc_tiling_on_sc=False, needs_layout_passes=False),
      scratch_types=[
          (pltpu.VMEM((CR, EMBED), jnp.float32),) * 2,
          (pltpu.VMEM((CR, EMBED), jnp.bfloat16),) * 2,
          (pltpu.SemaphoreType.DMA,) * 2,
          (pltpu.SemaphoreType.DMA,) * 2,
      ],
  )
  def cvt_kernel(wt_hbm, out_hbm, in_v, out_v, in_sems, out_sems):
    wid = lax.axis_index("s") * NC + lax.axis_index("c")

    def chunk_base(k):
      return jnp.minimum((wid + NW * k) * CR, last_base)

    def fire_in(k):
      @pl.when(wid + NW * k < nchunks)
      def _():
        pltpu.make_async_copy(
            wt_hbm.at[pl.ds(chunk_base(k), CR)], in_v[k % 2],
            in_sems[k % 2]).start()

    fire_in(0)
    for k in range(kmax):
      cid = wid + NW * k

      @pl.when(cid < nchunks)
      def _(cid=cid, k=k):
        base = chunk_base(k)
        fire_in(k + 1)
        pltpu.make_async_copy(
            wt_hbm.at[pl.ds(base, CR)], in_v[k % 2], in_sems[k % 2]).wait()

        @pl.when(k >= 2)
        def _():
          pltpu.make_async_copy(
              out_v[k % 2], out_hbm.at[pl.ds(base, CR)],
              out_sems[k % 2]).wait()

        @pl.loop(0, CR, unroll=4)
        def _r(r):
          for h in range(2):
            a = in_v[k % 2][r, pl.ds(h * 2 * LANES, LANES)]
            b = in_v[k % 2][r, pl.ds(h * 2 * LANES + LANES, LANES)]
            out_v[k % 2][r, pl.ds(h * 2 * LANES, 2 * LANES)] = plsc.pack(
                a, b, format=plsc.PackFormat.INTERLEAVED)

        pltpu.make_async_copy(
            out_v[k % 2], out_hbm.at[pl.ds(base, CR)],
            out_sems[k % 2]).start()

    for p in range(2):
      pltpu.make_async_copy(
          out_v[p], out_hbm.at[pl.ds(0, CR)], out_sems[p]).wait()

  return cvt_kernel(word_table)


def _sc_pooled_sum(word_table, qw, B):
  rows_per_w = B // NW
  steps = rows_per_w // G
  assert steps % 2 == 0

  mesh = plsc.VectorSubcoreMesh(core_axis_name="c", subcore_axis_name="s")

  @functools.partial(
      pl.kernel,
      out_type=jax.ShapeDtypeStruct((B, EMBED), jnp.float32),
      mesh=mesh,
      compiler_params=pltpu.CompilerParams(
          use_tc_tiling_on_sc=False, needs_layout_passes=False),
      scratch_types=[
          pltpu.VMEM((2, G, NUM_QW), jnp.int32),
          pltpu.VMEM((G * NUM_QW, EMBED), jnp.bfloat16),
          pltpu.VMEM((G * NUM_QW, EMBED), jnp.bfloat16),
          pltpu.VMEM((2, G, EMBED), jnp.float32),
          (pltpu.SemaphoreType.DMA,) * 2,
          (pltpu.SemaphoreType.DMA,) * 2,
          (pltpu.SemaphoreType.DMA,) * 2,
      ],
  )
  def sc_kernel(wt_hbm, qw_hbm, out_hbm, idx_v, rows0, rows1, out_v,
                idx_sems, gat_sems, out_sems):
    wid = lax.axis_index("s") * NC + lax.axis_index("c")
    row0 = wid * rows_per_w
    rows_bufs = (rows0, rows1)

    def idx_start(step, buf):
      pltpu.async_copy(
          qw_hbm.at[pl.ds(row0 + step * G, G)], idx_v.at[buf],
          idx_sems[buf])

    def idx_wait(buf):
      pltpu.make_async_copy(
          qw_hbm.at[pl.ds(row0, G)], idx_v.at[buf], idx_sems[buf]).wait()

    def fire(buf):
      for g in range(G):
        for off, n in SPLITS:
          pltpu.async_copy(
              wt_hbm.at[idx_v.at[buf, g, pl.ds(off, n)]],
              rows_bufs[buf].at[pl.ds(g * NUM_QW + off, n)],
              gat_sems[buf])

    def drain(buf):
      for g in range(G):
        for off, n in SPLITS:
          pltpu.make_async_copy(
              wt_hbm.at[idx_v.at[buf, g, pl.ds(off, n)]],
              rows_bufs[buf].at[pl.ds(g * NUM_QW + off, n)],
              gat_sems[buf]).wait()

    def out_wait(buf):
      pltpu.make_async_copy(
          out_v.at[buf], out_hbm.at[pl.ds(row0, G)], out_sems[buf]).wait()

    idx_start(0, 0)
    idx_wait(0)
    fire(0)
    idx_start(1, 1)

    @pl.loop(0, steps, step=2)
    def _outer(s0):
      for b in range(2):
        s = s0 + b

        @pl.when(s + 1 < steps)
        def _(b=b):
          idx_wait(1 - b)
          fire(1 - b)

        drain(b)
        @pl.when(s + 2 < steps)
        def _(s=s, b=b):
          idx_start(s + 2, b)
        rows_ref = rows_bufs[b]
        zero = jnp.zeros((LANES,), jnp.float32)

        @pl.loop(0, NUM_QW, init_carry=(zero,) * (G * NCH), unroll=2)
        def accs(l, carry, rows_ref=rows_ref):
          carry = list(carry)
          for g in range(G):
            for h in range(2):
              x = rows_ref[g * NUM_QW + l, pl.ds(h * 2 * LANES, 2 * LANES)]
              ev, od = plsc.unpack(x, format=plsc.PackFormat.INTERLEAVED)
              carry[g * NCH + 2 * h] = carry[g * NCH + 2 * h] + ev
              carry[g * NCH + 2 * h + 1] = carry[g * NCH + 2 * h + 1] + od
          return tuple(carry)

        @pl.when(s >= 2)
        def _(b=b):
          out_wait(b)

        for g in range(G):
          for c in range(NCH):
            out_v[b, g, pl.ds(c * LANES, LANES)] = accs[g * NCH + c]
        pltpu.async_copy(
            out_v.at[b], out_hbm.at[pl.ds(row0 + s * G, G)], out_sems[b])

    out_wait(0)
    out_wait(1)

  return sc_kernel(word_table, qw)


def _tc_finish(pooled_sum, query_words, W_proj, b_proj):
  B = pooled_sum.shape[0]
  blk = 2048
  grid = B // blk

  def body(qw_ref, ps_ref, w_ref, b_ref, o_ref):
    vl = jnp.sum((qw_ref[...] != WORD_PAD).astype(jnp.float32), axis=1,
                 keepdims=True)
    pooled = ps_ref[...] / (vl + 1e-6)
    o_ref[...] = jnp.tanh(
        lax.dot_general(pooled, w_ref[...], (((1,), (1,)), ((), ())),
                        preferred_element_type=jnp.float32) + b_ref[...])

  return pl.pallas_call(
      body,
      out_shape=jax.ShapeDtypeStruct((B, EMBED), jnp.float32),
      grid=(grid,),
      in_specs=[
          pl.BlockSpec((blk, NUM_QW), lambda i: (i, 0)),
          pl.BlockSpec((blk, EMBED), lambda i: (i, 0)),
          pl.BlockSpec((EMBED, EMBED), lambda i: (0, 0)),
          pl.BlockSpec((1, EMBED), lambda i: (0, 0)),
      ],
      out_specs=pl.BlockSpec((blk, EMBED), lambda i: (i, 0)),
  )(query_words, pooled_sum, W_proj, b_proj.reshape(1, EMBED))


def kernel(items, query_words, word_table, W_proj, b_proj, item_table):
  del items, item_table
  B = query_words.shape[0]
  qw = query_words.astype(jnp.int32)
  wt16 = _sc_to_bf16(word_table)
  pooled_sum = _sc_pooled_sum(wt16, qw, B)
  return _tc_finish(pooled_sum, qw, W_proj, b_proj)

# --- scband reference (transcript-rebuilt; emitter-appended) ---
"""Pipeline reference for scband-model-5196910428561 (READ-ONLY COPY).

The authoritative reference and input builder live on the scoring server;
editing this copy changes nothing except your own understanding.
"""

import jax, jax.numpy as jnp
import numpy as np

WORD_NUM = 100000
ITEM_NUM = 100000
EMBED = 64
BATCH = 16384
NUM_QW = 200


def setup_inputs(seed: int = 0) -> dict:
    key = jax.random.key(seed)
    k1, k2, k3, k4, k5, k6 = jax.random.split(key, 6)
    items = jax.random.randint(k1, (BATCH,), 0, ITEM_NUM, dtype=jnp.int64 if jax.config.jax_enable_x64 else jnp.int32)
    query_words = jax.random.randint(k2, (BATCH, NUM_QW), 0, WORD_NUM + 1, dtype=jnp.int64 if jax.config.jax_enable_x64 else jnp.int32)
    word_table = jax.random.normal(k3, (WORD_NUM + 1, EMBED), dtype=jnp.float32) * 0.02
    # padding_idx = word_num -> zero row
    word_table = word_table.at[WORD_NUM].set(0.0)
    W_proj = jax.random.normal(k4, (EMBED, EMBED), dtype=jnp.float32) * 0.05
    b_proj = jnp.zeros((EMBED,), dtype=jnp.float32)
    item_table = jax.random.normal(k5, (ITEM_NUM, EMBED), dtype=jnp.float32) * 0.02
    return {"items": items, "query_words": query_words, "word_table": word_table, "W_proj": W_proj, "b_proj": b_proj, "item_table": item_table}


def reference(items, query_words, word_table, W_proj, b_proj, item_table):
    # mode == 'test' path: query_embeddings = fse_func(query_words)
    # fse_func: embedding lookup -> masked mean over valid (non-padding) words -> linear -> tanh
    embeddings = jnp.take(word_table, query_words, axis=0)  # [B, L, d]
    nonzero_per_word = jnp.count_nonzero(embeddings, axis=-1)  # [B, L]
    valid_len = jnp.count_nonzero(nonzero_per_word, axis=-1).astype(jnp.float32)[:, None]  # [B, 1]
    pooled = jnp.sum(embeddings, axis=1) / (valid_len + 1e-06)  # [B, d]
    query_embeddings = jnp.tanh(pooled @ W_proj.T + b_proj)  # [B, d]
    return query_embeddings

if __name__ == "__main__":
    import jax
    _d = setup_inputs()
    print(jax.jit(kernel)(*tuple(_d.values())))

</pallas_src>

<mosaic_0001>
#map = affine_map<(d0, d1) -> (0, 0)>
module attributes {stable_mosaic.version = 14 : i64} {
  func.func @cvt_kernel(%arg0: i32, %arg1: i32, %arg2: memref<100001x64xf32, #tpu.memory_space<hbm>>, %arg3: memref<100001x64xbf16, #tpu.memory_space<hbm>>, %arg4: memref<640x64xf32, #tpu.memory_space<vmem>>, %arg5: memref<640x64xf32, #tpu.memory_space<vmem>>, %arg6: memref<640x64xbf16, #tpu.memory_space<vmem>>, %arg7: memref<640x64xbf16, #tpu.memory_space<vmem>>, %arg8: memref<!tpu.dma_semaphore, #tpu.memory_space<semaphore_mem>>, %arg9: memref<!tpu.dma_semaphore, #tpu.memory_space<semaphore_mem>>, %arg10: memref<!tpu.dma_semaphore, #tpu.memory_space<semaphore_mem>>, %arg11: memref<!tpu.dma_semaphore, #tpu.memory_space<semaphore_mem>>) attributes {dimension_semantics = [#tpu.dimension_semantics<core_parallel>, #tpu.dimension_semantics<subcore_parallel>], iteration_bounds = array<i64: 2, 16>, scalar_prefetch = 0 : i64, scratch_operands = 8 : i64, tpu.core_type = #tpu.core_type<sc_vector_subcore>, window_params = [{transform_indices = #map}, {transform_indices = #map}]} {
    %mul3A = arith.constant 2 : i32
    %mul3A_0 = arith.muli %arg1, %mul3A : i32
    %add3A = arith.addi %mul3A_0, %arg0 : i32
    %add3A_1 = arith.constant 0 : i32
    %add3A_2 = arith.addi %add3A, %add3A_1 : i32
    %lt3A = arith.constant 157 : i32
    %lt3A_3 = arith.cmpi slt, %add3A_2, %lt3A : i32
    %convert_element_type3A = arith.extui %lt3A_3 : i1 to i32
    %cond3A = arith.constant 0 : i32
    %cond3A_4 = arith.cmpi ne, %convert_element_type3A, %cond3A : i32
    scf.if %cond3A_4 {
      %add3A_51 = arith.constant 0 : i32
      %add3A_52 = arith.addi %add3A, %add3A_51 : i32
      %mul3A_53 = arith.constant 640 : i32
      %mul3A_54 = arith.muli %add3A_52, %mul3A_53 : i32
      %min3A = arith.constant 99361 : i32
      %min3A_55 = arith.minsi %mul3A_54, %min3A : i32
      %dma_start3A = arith.constant 0 : i32
      %dma_start3A_56 = tpu.memref_slice %arg2[%min3A_55, %dma_start3A] : memref<100001x64xf32, #tpu.memory_space<hbm>> -> memref<640x64xf32, #tpu.memory_space<hbm>>
      %dma_start3A_57 = arith.constant 0 : i32
      %dma_start3A_58 = tpu.memref_slice %arg2[%min3A_55, %dma_start3A_57] : memref<100001x64xf32, #tpu.memory_space<hbm>> -> memref<640x64xf32, #tpu.memory_space<hbm>>
      tpu.enqueue_dma source(%dma_start3A_58 : memref<640x64xf32, #tpu.memory_space<hbm>>) target(%arg4 : memref<640x64xf32, #tpu.memory_space<vmem>>) target_semaphore(%arg8 : memref<!tpu.dma_semaphore, #tpu.memory_space<semaphore_mem>>)
    } else {
    }
    %add3A_5 = arith.constant 0 : i32
    %add3A_6 = arith.addi %add3A, %add3A_5 : i32
    %lt3A_7 = arith.constant 157 : i32
    %lt3A_8 = arith.cmpi slt, %add3A_6, %lt3A_7 : i32
    %convert_element_type3A_9 = arith.extui %lt3A_8 : i1 to i32
    %cond3A_10 = arith.constant 0 : i32
    %cond3A_11 = arith.cmpi ne, %convert_element_type3A_9, %cond3A_10 : i32
    scf.if %cond3A_11 {
      %add3A_51 = arith.constant 0 : i32
      %add3A_52 = arith.addi %add3A, %add3A_51 : i32
      %mul3A_53 = arith.constant 640 : i32
      %mul3A_54 = arith.muli %add3A_52, %mul3A_53 : i32
      %min3A = arith.constant 99361 : i32
      %min3A_55 = arith.minsi %mul3A_54, %min3A : i32
      %add3A_56 = arith.constant 32 : i32
      %add3A_57 = arith.addi %add3A, %add3A_56 : i32
      %lt3A_58 = arith.constant 157 : i32
      %lt3A_59 = arith.cmpi slt, %add3A_57, %lt3A_58 : i32
      %convert_element_type3A_60 = arith.extui %lt3A_59 : i1 to i32
      %cond3A_61 = arith.constant 0 : i32
      %cond3A_62 = arith.cmpi ne, %convert_element_type3A_60, %cond3A_61 : i32
      scf.if %cond3A_62 {
        %add3A_74 = arith.constant 32 : i32
        %add3A_75 = arith.addi %add3A, %add3A_74 : i32
        %mul3A_76 = arith.constant 640 : i32
        %mul3A_77 = arith.muli %add3A_75, %mul3A_76 : i32
        %min3A_78 = arith.constant 99361 : i32
        %min3A_79 = arith.minsi %mul3A_77, %min3A_78 : i32
        %dma_start3A_80 = arith.constant 0 : i32
        %dma_start3A_81 = tpu.memref_slice %arg2[%min3A_79, %dma_start3A_80] : memref<100001x64xf32, #tpu.memory_space<hbm>> -> memref<640x64xf32, #tpu.memory_space<hbm>>
        %dma_start3A_82 = arith.constant 0 : i32
        %dma_start3A_83 = tpu.memref_slice %arg2[%min3A_79, %dma_start3A_82] : memref<100001x64xf32, #tpu.memory_space<hbm>> -> memref<640x64xf32, #tpu.memory_space<hbm>>
        tpu.enqueue_dma source(%dma_start3A_83 : memref<640x64xf32, #tpu.memory_space<hbm>>) target(%arg5 : memref<640x64xf32, #tpu.memory_space<vmem>>) target_semaphore(%arg9 : memref<!tpu.dma_semaphore, #tpu.memory_space<semaphore_mem>>)
      } else {
      }
      %dma_wait3A_63 = arith.constant 0 : i32
      %dma_wait3A_64 = tpu.memref_slice %arg2[%min3A_55, %dma_wait3A_63] : memref<100001x64xf32, #tpu.memory_space<hbm>> -> memref<640x64xf32, #tpu.memory_space<hbm>>
      %dma_wait3A_65 = arith.constant 0 : i32
      %dma_wait3A_66 = tpu.memref_slice %arg2[%min3A_55, %dma_wait3A_65] : memref<100001x64xf32, #tpu.memory_space<hbm>> -> memref<640x64xf32, #tpu.memory_space<hbm>>
      tpu.wait_dma2 semaphore(%arg8 : memref<!tpu.dma_semaphore, #tpu.memory_space<semaphore_mem>>) src(%dma_wait3A_66 : memref<640x64xf32, #tpu.memory_space<hbm>>) dst(%arg4 : memref<640x64xf32, #tpu.memory_space<vmem>>)
      %scan3A = arith.constant 0 : i32
      %scan3A_67 = arith.constant 640 : i32
      %scan3A_68 = arith.addi %scan3A, %scan3A_67 : i32
      %scan3A_69 = arith.constant 4 : i32
      scf.for %scan3A_74 = %scan3A to %scan3A_68 step %scan3A_69  : i32 {
        %mul3A_75 = arith.constant 1 : i32
        %mul3A_76 = arith.muli %scan3A_74, %mul3A_75 : i32
        %add3A_77 = arith.constant 0 : i32
        %add3A_78 = arith.addi %add3A_77, %mul3A_76 : i32
        %get3A = arith.index_cast %add3A_78 : i32 to index
        %get3A_79 = arith.constant 0 : index
        %get3A_80 = tpu.vector_load %arg4[%get3A, %get3A_79] {strides = array<i32>} : memref<640x64xf32, #tpu.memory_space<vmem>>, vector<16xf32>,
        %get3A_81 = arith.index_cast %add3A_78 : i32 to index
        %get3A_82 = arith.constant 16 : index
        %get3A_83 = tpu.vector_load %arg4[%get3A_81, %get3A_82] {strides = array<i32>} : memref<640x64xf32, #tpu.memory_space<vmem>>, vector<16xf32>,
        %pack3A = tpu.pack_subelements %get3A_80, %get3A_83 {pack_format = #tpu.pack_format<interleaved>, positions = array<i32: 0, 1>} : vector<16xf32>, vector<16xf32> -> vector<32xbf16>
        %swap3A = arith.index_cast %add3A_78 : i32 to index
        %swap3A_84 = arith.constant 0 : index
        %swap3A_85 = tpu.vector_load %arg6[%swap3A, %swap3A_84] {strides = array<i32>} : memref<640x64xbf16, #tpu.memory_space<vmem>>, vector<32xbf16>,
        tpu.vector_store %arg6[%swap3A, %swap3A_84], %pack3A {strides = array<i32>} : memref<640x64xbf16, #tpu.memory_space<vmem>>, vector<32xbf16>,
        %get3A_86 = arith.index_cast %add3A_78 : i32 to index
        %get3A_87 = arith.constant 32 : index
        %get3A_88 = tpu.vector_load %arg4[%get3A_86, %get3A_87] {strides = array<i32>} : memref<640x64xf32, #tpu.memory_space<vmem>>, vector<16xf32>,
        %get3A_89 = arith.index_cast %add3A_78 : i32 to index
        %get3A_90 = arith.constant 48 : index
        %get3A_91 = tpu.vector_load %arg4[%get3A_89, %get3A_90] {strides = array<i32>} : memref<640x64xf32, #tpu.memory_space<vmem>>, vector<16xf32>,
        %pack3A_92 = tpu.pack_subelements %get3A_88, %get3A_91 {pack_format = #tpu.pack_format<interleaved>, positions = array<i32: 0, 1>} : vector<16xf32>, vector<16xf32> -> vector<32xbf16>
        %swap3A_93 = arith.index_cast %add3A_78 : i32 to index
        %swap3A_94 = arith.constant 32 : index
        %swap3A_95 = tpu.vector_load %arg6[%swap3A_93, %swap3A_94] {strides = array<i32>} : memref<640x64xbf16, #tpu.memory_space<vmem>>, vector<32xbf16>,
        tpu.vector_store %arg6[%swap3A_93, %swap3A_94], %pack3A_92 {strides = array<i32>} : memref<640x64xbf16, #tpu.memory_space<vmem>>, vector<32xbf16>,
        %scan3A_96 = arith.constant 1 : i32
        %scan3A_97 = arith.addi %scan3A_74, %scan3A_96 : i32
        %mul3A_98 = arith.constant 1 : i32
        %mul3A_99 = arith.muli %scan3A_97, %mul3A_98 : i32
        %add3A_100 = arith.constant 0 : i32
        %add3A_101 = arith.addi %add3A_100, %mul3A_99 : i32
        %get3A_102 = arith.index_cast %add3A_101 : i32 to index
        %get3A_103 = arith.constant 0 : index
        %get3A_104 = tpu.vector_load %arg4[%get3A_102, %get3A_103] {strides = array<i32>} : memref<640x64xf32, #tpu.memory_space<vmem>>, vector<16xf32>,
        %get3A_105 = arith.index_cast %add3A_101 : i32 to index
        %get3A_106 = arith.constant 16 : index
        %get3A_107 = tpu.vector_load %arg4[%get3A_105, %get3A_106] {strides = array<i32>} : memref<640x64xf32, #tpu.memory_space<vmem>>, vector<16xf32>,
        %pack3A_108 = tpu.pack_subelements %get3A_104, %get3A_107 {pack_format = #tpu.pack_format<interleaved>, positions = array<i32: 0, 1>} : vector<16xf32>, vector<16xf32> -> vector<32xbf16>
        %swap3A_109 = arith.index_cast %add3A_101 : i32 to index
        %swap3A_110 = arith.constant 0 : index
        %swap3A_111 = tpu.vector_load %arg6[%swap3A_109, %swap3A_110] {strides = array<i32>} : memref<640x64xbf16, #tpu.memory_space<vmem>>, vector<32xbf16>,
        tpu.vector_store %arg6[%swap3A_109, %swap3A_110], %pack3A_108 {strides = array<i32>} : memref<640x64xbf16, #tpu.memory_space<vmem>>, vector<32xbf16>,
        %get3A_112 = arith.index_cast %add3A_101 : i32 to index
        %get3A_113 = arith.constant 32 : index
        %get3A_114 = tpu.vector_load %arg4[%get3A_112, %get3A_113] {strides = array<i32>} : memref<640x64xf32, #tpu.memory_space<vmem>>, vector<16xf32>,
        %get3A_115 = arith.index_cast %add3A_101 : i32 to index
        %get3A_116 = arith.constant 48 : index
        %get3A_117 = tpu.vector_load %arg4[%get3A_115, %get3A_116] {strides = array<i32>} : memref<640x64xf32, #tpu.memory_space<vmem>>, vector<16xf32>,
        %pack3A_118 = tpu.pack_subelements %get3A_114, %get3A_117 {pack_format = #tpu.pack_format<interleaved>, positions = array<i32: 0, 1>} : vector<16xf32>, vector<16xf32> -> vector<32xbf16>
        %swap3A_119 = arith.index_cast %add3A_101 : i32 to index
        %swap3A_120 = arith.constant 32 : index
        %swap3A_121 = tpu.vector_load %arg6[%swap3A_119, %swap3A_120] {strides = array<i32>} : memref<640x64xbf16, #tpu.memory_space<vmem>>, vector<32xbf16>,
        tpu.vector_store %arg6[%swap3A_119, %swap3A_120], %pack3A_118 {strides = array<i32>} : memref<640x64xbf16, #tpu.memory_space<vmem>>, vector<32xbf16>,
        %scan3A_122 = arith.constant 2 : i32
        %scan3A_123 = arith.addi %scan3A_74, %scan3A_122 : i32
        %mul3A_124 = arith.constant 1 : i32
        %mul3A_125 = arith.muli %scan3A_123, %mul3A_124 : i32
        %add3A_126 = arith.constant 0 : i32
        %add3A_127 = arith.addi %add3A_126, %mul3A_125 : i32
        %get3A_128 = arith.index_cast %add3A_127 : i32 to index
        %get3A_129 = arith.constant 0 : index
        %get3A_130 = tpu.vector_load %arg4[%get3A_128, %get3A_129] {strides = array<i32>} : memref<640x64xf32, #tpu.memory_space<vmem>>, vector<16xf32>,
        %get3A_131 = arith.index_cast %add3A_127 : i32 to index
        %get3A_132 = arith.constant 16 : index
        %get3A_133 = tpu.vector_load %arg4[%get3A_131, %get3A_132] {strides = array<i32>} : memref<640x64xf32, #tpu.memory_space<vmem>>, vector<16xf32>,
        %pack3A_134 = tpu.pack_subelements %get3A_130, %get3A_133 {pack_format = #tpu.pack_format<interleaved>, positions = array<i32: 0, 1>} : vector<16xf32>, vector<16xf32> -> vector<32xbf16>
        %swap3A_135 = arith.index_cast %add3A_127 : i32 to index
        %swap3A_136 = arith.constant 0 : index
        %swap3A_137 = tpu.vector_load %arg6[%swap3A_135, %swap3A_136] {strides = array<i32>} : memref<640x64xbf16, #tpu.memory_space<vmem>>, vector<32xbf16>,
        tpu.vector_store %arg6[%swap3A_135, %swap3A_136], %pack3A_134 {strides = array<i32>} : memref<640x64xbf16, #tpu.memory_space<vmem>>, vector<32xbf16>,
        %get3A_138 = arith.index_cast %add3A_127 : i32 to index
        %get3A_139 = arith.constant 32 : index
        %get3A_140 = tpu.vector_load %arg4[%get3A_138, %get3A_139] {strides = array<i32>} : memref<640x64xf32, #tpu.memory_space<vmem>>, vector<16xf32>,
        %get3A_141 = arith.index_cast %add3A_127 : i32 to index
        %get3A_142 = arith.constant 48 : index
        %get3A_143 = tpu.vector_load %arg4[%get3A_141, %get3A_142] {strides = array<i32>} : memref<640x64xf32, #tpu.memory_space<vmem>>, vector<16xf32>,
        %pack3A_144 = tpu.pack_subelements %get3A_140, %get3A_143 {pack_format = #tpu.pack_format<interleaved>, positions = array<i32: 0, 1>} : vector<16xf32>, vector<16xf32> -> vector<32xbf16>
        %swap3A_145 = arith.index_cast %add3A_127 : i32 to index
        %swap3A_146 = arith.constant 32 : index
        %swap3A_147 = tpu.vector_load %arg6[%swap3A_145, %swap3A_146] {strides = array<i32>} : memref<640x64xbf16, #tpu.memory_space<vmem>>, vector<32xbf16>,
        tpu.vector_store %arg6[%swap3A_145, %swap3A_146], %pack3A_144 {strides = array<i32>} : memref<640x64xbf16, #tpu.memory_space<vmem>>, vector<32xbf16>,
        %scan3A_148 = arith.constant 3 : i32
        %scan3A_149 = arith.addi %scan3A_74, %scan3A_148 : i32
        %mul3A_150 = arith.constant 1 : i32
        %mul3A_151 = arith.muli %scan3A_149, %mul3A_150 : i32
        %add3A_152 = arith.constant 0 : i32
        %add3A_153 = arith.addi %add3A_152, %mul3A_151 : i32
        %get3A_154 = arith.index_cast %add3A_153 : i32 to index
        %get3A_155 = arith.constant 0 : index
        %get3A_156 = tpu.vector_load %arg4[%get3A_154, %get3A_155] {strides = array<i32>} : memref<640x64xf32, #tpu.memory_space<vmem>>, vector<16xf32>,
        %get3A_157 = arith.index_cast %add3A_153 : i32 to index
        %get3A_158 = arith.constant 16 : index
        %get3A_159 = tpu.vector_load %arg4[%get3A_157, %get3A_158] {strides = array<i32>} : memref<640x64xf32, #tpu.memory_space<vmem>>, vector<16xf32>,
        %pack3A_160 = tpu.pack_subelements %get3A_156, %get3A_159 {pack_format = #tpu.pack_format<interleaved>, positions = array<i32: 0, 1>} : vector<16xf32>, vector<16xf32> -> vector<32xbf16>
        %swap3A_161 = arith.index_cast %add3A_153 : i32 to index
        %swap3A_162 = arith.constant 0 : index
        %swap3A_163 = tpu.vector_load %arg6[%swap3A_161, %swap3A_162] {strides = array<i32>} : memref<640x64xbf16, #tpu.memory_space<vmem>>, vector<32xbf16>,
        tpu.vector_store %arg6[%swap3A_161, %swap3A_162], %pack3A_160 {strides = array<i32>} : memref<640x64xbf16, #tpu.memory_space<vmem>>, vector<32xbf16>,
        %get3A_164 = arith.index_cast %add3A_153 : i32 to index
        %get3A_165 = arith.constant 32 : index
        %get3A_166 = tpu.vector_load %arg4[%get3A_164, %get3A_165] {strides = array<i32>} : memref<640x64xf32, #tpu.memory_space<vmem>>, vector<16xf32>,
        %get3A_167 = arith.index_cast %add3A_153 : i32 to index
        %get3A_168 = arith.constant 48 : index
        %get3A_169 = tpu.vector_load %arg4[%get3A_167, %get3A_168] {strides = array<i32>} : memref<640x64xf32, #tpu.memory_space<vmem>>, vector<16xf32>,
        %pack3A_170 = tpu.pack_subelements %get3A_166, %get3A_169 {pack_format = #tpu.pack_format<interleaved>, positions = array<i32: 0, 1>} : vector<16xf32>, vector<16xf32> -> vector<32xbf16>
        %swap3A_171 = arith.index_cast %add3A_153 : i32 to index
        %swap3A_172 = arith.constant 32 : index
        %swap3A_173 = tpu.vector_load %arg6[%swap3A_171, %swap3A_172] {strides = array<i32>} : memref<640x64xbf16, #tpu.memory_space<vmem>>, vector<32xbf16>,
        tpu.vector_store %arg6[%swap3A_171, %swap3A_172], %pack3A_170 {strides = array<i32>} : memref<640x64xbf16, #tpu.memory_space<vmem>>, vector<32xbf16>,
      }
      %scan3A_70 = arith.constant 640 : i32
      %dma_start3A = arith.constant 0 : i32
      %dma_start3A_71 = tpu.memref_slice %arg3[%min3A_55, %dma_start3A] : memref<100001x64xbf16, #tpu.memory_space<hbm>> -> memref<640x64xbf16, #tpu.memory_space<hbm>>
      %dma_start3A_72 = arith.constant 0 : i32
      %dma_start3A_73 = tpu.memref_slice %arg3[%min3A_55, %dma_start3A_72] : memref<100001x64xbf16, #tpu.memory_space<hbm>> -> memref<640x64xbf16, #tpu.memory_space<hbm>>
      tpu.enqueue_dma source(%arg6 : memref<640x64xbf16, #tpu.memory_space<vmem>>) target(%dma_start3A_73 : memref<640x64xbf16, #tpu.memory_space<hbm>>) target_semaphore(%arg10 : memref<!tpu.dma_semaphore, #tpu.memory_space<semaphore_mem>>)
    } else {
    }
    %add3A_12 = arith.constant 32 : i32
    %add3A_13 = arith.addi %add3A, %add3A_12 : i32
    %lt3A_14 = arith.constant 157 : i32
    %lt3A_15 = arith.cmpi slt, %add3A_13, %lt3A_14 : i32
    %convert_element_type3A_16 = arith.extui %lt3A_15 : i1 to i32
    %cond3A_17 = arith.constant 0 : i32
    %cond3A_18 = arith.cmpi ne, %convert_element_type3A_16, %cond3A_17 : i32
    scf.if %cond3A_18 {
      %add3A_51 = arith.constant 32 : i32
      %add3A_52 = arith.addi %add3A, %add3A_51 : i32
      %mul3A_53 = arith.constant 640 : i32
      %mul3A_54 = arith.muli %add3A_52, %mul3A_53 : i32
      %min3A = arith.constant 99361 : i32
      %min3A_55 = arith.minsi %mul3A_54, %min3A : i32
      %add3A_56 = arith.constant 64 : i32
      %add3A_57 = arith.addi %add3A, %add3A_56 : i32
      %lt3A_58 = arith.constant 157 : i32
      %lt3A_59 = arith.cmpi slt, %add3A_57, %lt3A_58 : i32
      %convert_element_type3A_60 = arith.extui %lt3A_59 : i1 to i32
      %cond3A_61 = arith.constant 0 : i32
      %cond3A_62 = arith.cmpi ne, %convert_element_type3A_60, %cond3A_61 : i32
      scf.if %cond3A_62 {
        %add3A_74 = arith.constant 64 : i32
        %add3A_75 = arith.addi %add3A, %add3A_74 : i32
        %mul3A_76 = arith.constant 640 : i32
        %mul3A_77 = arith.muli %add3A_75, %mul3A_76 : i32
        %min3A_78 = arith.constant 99361 : i32
        %min3A_79 = arith.minsi %mul3A_77, %min3A_78 : i32
        %dma_start3A_80 = arith.constant 0 : i32
        %dma_start3A_81 = tpu.memref_slice %arg2[%min3A_79, %dma_start3A_80] : memref<100001x64xf32, #tpu.memory_space<hbm>> -> memref<640x64xf32, #tpu.memory_space<hbm>>
        %dma_start3A_82 = arith.constant 0 : i32
        %dma_start3A_83 = tpu.memref_slice %arg2[%min3A_79, %dma_start3A_82] : memref<100001x64xf32, #tpu.memory_space<hbm>> -> memref<640x64xf32, #tpu.memory_space<hbm>>
        tpu.enqueue_dma source(%dma_start3A_83 : memref<640x64xf32, #tpu.memory_space<hbm>>) target(%arg4 : memref<640x64xf32, #tpu.memory_space<vmem>>) target_semaphore(%arg8 : memref<!tpu.dma_semaphore, #tpu.memory_space<semaphore_mem>>)
      } else {
      }
      %dma_wait3A_63 = arith.constant 0 : i32
      %dma_wait3A_64 = tpu.memref_slice %arg2[%min3A_55, %dma_wait3A_63] : memref<100001x64xf32, #tpu.memory_space<hbm>> -> memref<640x64xf32, #tpu.memory_space<hbm>>
      %dma_wait3A_65 = arith.constant 0 : i32
      %dma_wait3A_66 = tpu.memref_slice %arg2[%min3A_55, %dma_wait3A_65] : memref<100001x64xf32, #tpu.memory_space<hbm>> -> memref<640x64xf32, #tpu.memory_space<hbm>>
      tpu.wait_dma2 semaphore(%arg9 : memref<!tpu.dma_semaphore, #tpu.memory_space<semaphore_mem>>) src(%dma_wait3A_66 : memref<640x64xf32, #tpu.memory_space<hbm>>) dst(%arg5 : memref<640x64xf32, #tpu.memory_space<vmem>>)
      %scan3A = arith.constant 0 : i32
      %scan3A_67 = arith.constant 640 : i32
      %scan3A_68 = arith.addi %scan3A, %scan3A_67 : i32
      %scan3A_69 = arith.constant 4 : i32
      scf.for %scan3A_74 = %scan3A to %scan3A_68 step %scan3A_69  : i32 {
        %mul3A_75 = arith.constant 1 : i32
        %mul3A_76 = arith.muli %scan3A_74, %mul3A_75 : i32
        %add3A_77 = arith.constant 0 : i32
        %add3A_78 = arith.addi %add3A_77, %mul3A_76 : i32
        %get3A = arith.index_cast %add3A_78 : i32 to index
        %get3A_79 = arith.constant 0 : index
        %get3A_80 = tpu.vector_load %arg5[%get3A, %get3A_79] {strides = array<i32>} : memref<640x64xf32, #tpu.memory_space<vmem>>, vector<16xf32>,
        %get3A_81 = arith.index_cast %add3A_78 : i32 to index
        %get3A_82 = arith.constant 16 : index
        %get3A_83 = tpu.vector_load %arg5[%get3A_81, %get3A_82] {strides = array<i32>} : memref<640x64xf32, #tpu.memory_space<vmem>>, vector<16xf32>,
        %pack3A = tpu.pack_subelements %get3A_80, %get3A_83 {pack_format = #tpu.pack_format<interleaved>, positions = array<i32: 0, 1>} : vector<16xf32>, vector<16xf32> -> vector<32xbf16>
        %swap3A = arith.index_cast %add3A_78 : i32 to index
        %swap3A_84 = arith.constant 0 : index
        %swap3A_85 = tpu.vector_load %arg7[%swap3A, %swap3A_84] {strides = array<i32>} : memref<640x64xbf16, #tpu.memory_space<vmem>>, vector<32xbf16>,
        tpu.vector_store %arg7[%swap3A, %swap3A_84], %pack3A {strides = array<i32>} : memref<640x64xbf16, #tpu.memory_space<vmem>>, vector<32xbf16>,
        %get3A_86 = arith.index_cast %add3A_78 : i32 to index
        %get3A_87 = arith.constant 32 : index
        %get3A_88 = tpu.vector_load %arg5[%get3A_86, %get3A_87] {strides = array<i32>} : memref<640x64xf32, #tpu.memory_space<vmem>>, vector<16xf32>,
        %get3A_89 = arith.index_cast %add3A_78 : i32 to index
        %get3A_90 = arith.constant 48 : index
        %get3A_91 = tpu.vector_load %arg5[%get3A_89, %get3A_90] {strides = array<i32>} : memref<640x64xf32, #tpu.memory_space<vmem>>, vector<16xf32>,
        %pack3A_92 = tpu.pack_subelements %get3A_88, %get3A_91 {pack_format = #tpu.pack_format<interleaved>, positions = array<i32: 0, 1>} : vector<16xf32>, vector<16xf32> -> vector<32xbf16>
        %swap3A_93 = arith.index_cast %add3A_78 : i32 to index
        %swap3A_94 = arith.constant 32 : index
        %swap3A_95 = tpu.vector_load %arg7[%swap3A_93, %swap3A_94] {strides = array<i32>} : memref<640x64xbf16, #tpu.memory_space<vmem>>, vector<32xbf16>,
        tpu.vector_store %arg7[%swap3A_93, %swap3A_94], %pack3A_92 {strides = array<i32>} : memref<640x64xbf16, #tpu.memory_space<vmem>>, vector<32xbf16>,
        %scan3A_96 = arith.constant 1 : i32
        %scan3A_97 = arith.addi %scan3A_74, %scan3A_96 : i32
        %mul3A_98 = arith.constant 1 : i32
        %mul3A_99 = arith.muli %scan3A_97, %mul3A_98 : i32
        %add3A_100 = arith.constant 0 : i32
        %add3A_101 = arith.addi %add3A_100, %mul3A_99 : i32
        %get3A_102 = arith.index_cast %add3A_101 : i32 to index
        %get3A_103 = arith.constant 0 : index
        %get3A_104 = tpu.vector_load %arg5[%get3A_102, %get3A_103] {strides = array<i32>} : memref<640x64xf32, #tpu.memory_space<vmem>>, vector<16xf32>,
        %get3A_105 = arith.index_cast %add3A_101 : i32 to index
        %get3A_106 = arith.constant 16 : index
        %get3A_107 = tpu.vector_load %arg5[%get3A_105, %get3A_106] {strides = array<i32>} : memref<640x64xf32, #tpu.memory_space<vmem>>, vector<16xf32>,
        %pack3A_108 = tpu.pack_subelements %get3A_104, %get3A_107 {pack_format = #tpu.pack_format<interleaved>, positions = array<i32: 0, 1>} : vector<16xf32>, vector<16xf32> -> vector<32xbf16>
        %swap3A_109 = arith.index_cast %add3A_101 : i32 to index
        %swap3A_110 = arith.constant 0 : index
        %swap3A_111 = tpu.vector_load %arg7[%swap3A_109, %swap3A_110] {strides = array<i32>} : memref<640x64xbf16, #tpu.memory_space<vmem>>, vector<32xbf16>,
        tpu.vector_store %arg7[%swap3A_109, %swap3A_110], %pack3A_108 {strides = array<i32>} : memref<640x64xbf16, #tpu.memory_space<vmem>>, vector<32xbf16>,
        %get3A_112 = arith.index_cast %add3A_101 : i32 to index
        %get3A_113 = arith.constant 32 : index
        %get3A_114 = tpu.vector_load %arg5[%get3A_112, %get3A_113] {strides = array<i32>} : memref<640x64xf32, #tpu.memory_space<vmem>>, vector<16xf32>,
        %get3A_115 = arith.index_cast %add3A_101 : i32 to index
        %get3A_116 = arith.constant 48 : index
        %get3A_117 = tpu.vector_load %arg5[%get3A_115, %get3A_116] {strides = array<i32>} : memref<640x64xf32, #tpu.memory_space<vmem>>, vector<16xf32>,
        %pack3A_118 = tpu.pack_subelements %get3A_114, %get3A_117 {pack_format = #tpu.pack_format<interleaved>, positions = array<i32: 0, 1>} : vector<16xf32>, vector<16xf32> -> vector<32xbf16>
        %swap3A_119 = arith.index_cast %add3A_101 : i32 to index
        %swap3A_120 = arith.constant 32 : index
        %swap3A_121 = tpu.vector_load %arg7[%swap3A_119, %swap3A_120] {strides = array<i32>} : memref<640x64xbf16, #tpu.memory_space<vmem>>, vector<32xbf16>,
        tpu.vector_store %arg7[%swap3A_119, %swap3A_120], %pack3A_118 {strides = array<i32>} : memref<640x64xbf16, #tpu.memory_space<vmem>>, vector<32xbf16>,
        %scan3A_122 = arith.constant 2 : i32
        %scan3A_123 = arith.addi %scan3A_74, %scan3A_122 : i32
        %mul3A_124 = arith.constant 1 : i32
        %mul3A_125 = arith.muli %scan3A_123, %mul3A_124 : i32
        %add3A_126 = arith.constant 0 : i32
        %add3A_127 = arith.addi %add3A_126, %mul3A_125 : i32
        %get3A_128 = arith.index_cast %add3A_127 : i32 to index
        %get3A_129 = arith.constant 0 : index
        %get3A_130 = tpu.vector_load %arg5[%get3A_128, %get3A_129] {strides = array<i32>} : memref<640x64xf32, #tpu.memory_space<vmem>>, vector<16xf32>,
        %get3A_131 = arith.index_cast %add3A_127 : i32 to index
        %get3A_132 = arith.constant 16 : index
        %get3A_133 = tpu.vector_load %arg5[%get3A_131, %get3A_132] {strides = array<i32>} : memref<640x64xf32, #tpu.memory_space<vmem>>, vector<16xf32>,
        %pack3A_134 = tpu.pack_subelements %get3A_130, %get3A_133 {pack_format = #tpu.pack_format<interleaved>, positions = array<i32: 0, 1>} : vector<16xf32>, vector<16xf32> -> vector<32xbf16>
        %swap3A_135 = arith.index_cast %add3A_127 : i32 to index
        %swap3A_136 = arith.constant 0 : index
        %swap3A_137 = tpu.vector_load %arg7[%swap3A_135, %swap3A_136] {strides = array<i32>} : memref<640x64xbf16, #tpu.memory_space<vmem>>, vector<32xbf16>,
        tpu.vector_store %arg7[%swap3A_135, %swap3A_136], %pack3A_134 {strides = array<i32>} : memref<640x64xbf16, #tpu.memory_space<vmem>>, vector<32xbf16>,
        %get3A_138 = arith.index_cast %add3A_127 : i32 to index
        %get3A_139 = arith.constant 32 : index
        %get3A_140 = tpu.vector_load %arg5[%get3A_138, %get3A_139] {strides = array<i32>} : memref<640x64xf32, #tpu.memory_space<vmem>>, vector<16xf32>,
        %get3A_141 = arith.index_cast %add3A_127 : i32 to index
        %get3A_142 = arith.constant 48 : index
        %get3A_143 = tpu.vector_load %arg5[%get3A_141, %get3A_142] {strides = array<i32>} : memref<640x64xf32, #tpu.memory_space<vmem>>, vector<16xf32>,
        %pack3A_144 = tpu.pack_subelements %get3A_140, %get3A_143 {pack_format = #tpu.pack_format<interleaved>, positions = array<i32: 0, 1>} : vector<16xf32>, vector<16xf32> -> vector<32xbf16>
        %swap3A_145 = arith.index_cast %add3A_127 : i32 to index
        %swap3A_146 = arith.constant 32 : index
        %swap3A_147 = tpu.vector_load %arg7[%swap3A_145, %swap3A_146] {strides = array<i32>} : memref<640x64xbf16, #tpu.memory_space<vmem>>, vector<32xbf16>,
        tpu.vector_store %arg7[%swap3A_145, %swap3A_146], %pack3A_144 {strides = array<i32>} : memref<640x64xbf16, #tpu.memory_space<vmem>>, vector<32xbf16>,
        %scan3A_148 = arith.constant 3 : i32
        %scan3A_149 = arith.addi %scan3A_74, %scan3A_148 : i32
        %mul3A_150 = arith.constant 1 : i32
        %mul3A_151 = arith.muli %scan3A_149, %mul3A_150 : i32
        %add3A_152 = arith.constant 0 : i32
        %add3A_153 = arith.addi %add3A_152, %mul3A_151 : i32
        %get3A_154 = arith.index_cast %add3A_153 : i32 to index
        %get3A_155 = arith.constant 0 : index
        %get3A_156 = tpu.vector_load %arg5[%get3A_154, %get3A_155] {strides = array<i32>} : memref<640x64xf32, #tpu.memory_space<vmem>>, vector<16xf32>,
        %get3A_157 = arith.index_cast %add3A_153 : i32 to index
        %get3A_158 = arith.constant 16 : index
        %get3A_159 = tpu.vector_load %arg5[%get3A_157, %get3A_158] {strides = array<i32>} : memref<640x64xf32, #tpu.memory_space<vmem>>, vector<16xf32>,
        %pack3A_160 = tpu.pack_subelements %get3A_156, %get3A_159 {pack_format = #tpu.pack_format<interleaved>, positions = array<i32: 0, 1>} : vector<16xf32>, vector<16xf32> -> vector<32xbf16>
        %swap3A_161 = arith.index_cast %add3A_153 : i32 to index
        %swap3A_162 = arith.constant 0 : index
        %swap3A_163 = tpu.vector_load %arg7[%swap3A_161, %swap3A_162] {strides = array<i32>} : memref<640x64xbf16, #tpu.memory_space<vmem>>, vector<32xbf16>,
        tpu.vector_store %arg7[%swap3A_161, %swap3A_162], %pack3A_160 {strides = array<i32>} : memref<640x64xbf16, #tpu.memory_space<vmem>>, vector<32xbf16>,
        %get3A_164 = arith.index_cast %add3A_153 : i32 to index
        %get3A_165 = arith.constant 32 : index
        %get3A_166 = tpu.vector_load %arg5[%get3A_164, %get3A_165] {strides = array<i32>} : memref<640x64xf32, #tpu.memory_space<vmem>>, vector<16xf32>,
        %get3A_167 = arith.index_cast %add3A_153 : i32 to index
        %get3A_168 = arith.constant 48 : index
        %get3A_169 = tpu.vector_load %arg5[%get3A_167, %get3A_168] {strides = array<i32>} : memref<640x64xf32, #tpu.memory_space<vmem>>, vector<16xf32>,
        %pack3A_170 = tpu.pack_subelements %get3A_166, %get3A_169 {pack_format = #tpu.pack_format<interleaved>, positions = array<i32: 0, 1>} : vector<16xf32>, vector<16xf32> -> vector<32xbf16>
        %swap3A_171 = arith.index_cast %add3A_153 : i32 to index
        %swap3A_172 = arith.constant 32 : index
        %swap3A_173 = tpu.vector_load %arg7[%swap3A_171, %swap3A_172] {strides = array<i32>} : memref<640x64xbf16, #tpu.memory_space<vmem>>, vector<32xbf16>,
        tpu.vector_store %arg7[%swap3A_171, %swap3A_172], %pack3A_170 {strides = array<i32>} : memref<640x64xbf16, #tpu.memory_space<vmem>>, vector<32xbf16>,
      }
      %scan3A_70 = arith.constant 640 : i32
      %dma_start3A = arith.constant 0 : i32
      %dma_start3A_71 = tpu.memref_slice %arg3[%min3A_55, %dma_start3A] : memref<100001x64xbf16, #tpu.memory_space<hbm>> -> memref<640x64xbf16, #tpu.memory_space<hbm>>
      %dma_start3A_72 = arith.constant 0 : i32
      %dma_start3A_73 = tpu.memref_slice %arg3[%min3A_55, %dma_start3A_72] : memref<100001x64xbf16, #tpu.memory_space<hbm>> -> memref<640x64xbf16, #tpu.memory_space<hbm>>
      tpu.enqueue_dma source(%arg7 : memref<640x64xbf16, #tpu.memory_space<vmem>>) target(%dma_start3A_73 : memref<640x64xbf16, #tpu.memory_space<hbm>>) target_semaphore(%arg11 : memref<!tpu.dma_semaphore, #tpu.memory_space<semaphore_mem>>)
    } else {
    }
    %add3A_19 = arith.constant 64 : i32
    %add3A_20 = arith.addi %add3A, %add3A_19 : i32
    %lt3A_21 = arith.constant 157 : i32
    %lt3A_22 = arith.cmpi slt, %add3A_20, %lt3A_21 : i32
    %convert_element_type3A_23 = arith.extui %lt3A_22 : i1 to i32
    %cond3A_24 = arith.constant 0 : i32
    %cond3A_25 = arith.cmpi ne, %convert_element_type3A_23, %cond3A_24 : i32
    scf.if %cond3A_25 {
      %add3A_51 = arith.constant 64 : i32
      %add3A_52 = arith.addi %add3A, %add3A_51 : i32
      %mul3A_53 = arith.constant 640 : i32
      %mul3A_54 = arith.muli %add3A_52, %mul3A_53 : i32
      %min3A = arith.constant 99361 : i32
      %min3A_55 = arith.minsi %mul3A_54, %min3A : i32
      %add3A_56 = arith.constant 96 : i32
      %add3A_57 = arith.addi %add3A, %add3A_56 : i32
      %lt3A_58 = arith.constant 157 : i32
      %lt3A_59 = arith.cmpi slt, %add3A_57, %lt3A_58 : i32
      %convert_element_type3A_60 = arith.extui %lt3A_59 : i1 to i32
      %cond3A_61 = arith.constant 0 : i32
      %cond3A_62 = arith.cmpi ne, %convert_element_type3A_60, %cond3A_61 : i32
      scf.if %cond3A_62 {
        %add3A_78 = arith.constant 96 : i32
        %add3A_79 = arith.addi %add3A, %add3A_78 : i32
        %mul3A_80 = arith.constant 640 : i32
        %mul3A_81 = arith.muli %add3A_79, %mul3A_80 : i32
        %min3A_82 = arith.constant 99361 : i32
        %min3A_83 = arith.minsi %mul3A_81, %min3A_82 : i32
        %dma_start3A_84 = arith.constant 0 : i32
        %dma_start3A_85 = tpu.memref_slice %arg2[%min3A_83, %dma_start3A_84] : memref<100001x64xf32, #tpu.memory_space<hbm>> -> memref<640x64xf32, #tpu.memory_space<hbm>>
        %dma_start3A_86 = arith.constant 0 : i32
        %dma_start3A_87 = tpu.memref_slice %arg2[%min3A_83, %dma_start3A_86] : memref<100001x64xf32, #tpu.memory_space<hbm>> -> memref<640x64xf32, #tpu.memory_space<hbm>>
        tpu.enqueue_dma source(%dma_start3A_87 : memref<640x64xf32, #tpu.memory_space<hbm>>) target(%arg5 : memref<640x64xf32, #tpu.memory_space<vmem>>) target_semaphore(%arg9 : memref<!tpu.dma_semaphore, #tpu.memory_space<semaphore_mem>>)
      } else {
      }
      %dma_wait3A_63 = arith.constant 0 : i32
      %dma_wait3A_64 = tpu.memref_slice %arg2[%min3A_55, %dma_wait3A_63] : memref<100001x64xf32, #tpu.memory_space<hbm>> -> memref<640x64xf32, #tpu.memory_space<hbm>>
      %dma_wait3A_65 = arith.constant 0 : i32
      %dma_wait3A_66 = tpu.memref_slice %arg2[%min3A_55, %dma_wait3A_65] : memref<100001x64xf32, #tpu.memory_space<hbm>> -> memref<640x64xf32, #tpu.memory_space<hbm>>
      tpu.wait_dma2 semaphore(%arg8 : memref<!tpu.dma_semaphore, #tpu.memory_space<semaphore_mem>>) src(%dma_wait3A_66 : memref<640x64xf32, #tpu.memory_space<hbm>>) dst(%arg4 : memref<640x64xf32, #tpu.memory_space<vmem>>)
      %dma_wait3A_67 = arith.constant 0 : i32
      %dma_wait3A_68 = tpu.memref_slice %arg3[%min3A_55, %dma_wait3A_67] : memref<100001x64xbf16, #tpu.memory_space<hbm>> -> memref<640x64xbf16, #tpu.memory_space<hbm>>
      %dma_wait3A_69 = arith.constant 0 : i32
      %dma_wait3A_70 = tpu.memref_slice %arg3[%min3A_55, %dma_wait3A_69] : memref<100001x64xbf16, #tpu.memory_space<hbm>> -> memref<640x64xbf16, #tpu.memory_space<hbm>>
      tpu.wait_dma2 semaphore(%arg10 : memref<!tpu.dma_semaphore, #tpu.memory_space<semaphore_mem>>) src(%arg6 : memref<640x64xbf16, #tpu.memory_space<vmem>>) dst(%dma_wait3A_70 : memref<640x64xbf16, #tpu.memory_space<hbm>>)
      %scan3A = arith.constant 0 : i32
      %scan3A_71 = arith.constant 640 : i32
      %scan3A_72 = arith.addi %scan3A, %scan3A_71 : i32
      %scan3A_73 = arith.constant 4 : i32
      scf.for %scan3A_78 = %scan3A to %scan3A_72 step %scan3A_73  : i32 {
        %mul3A_79 = arith.constant 1 : i32
        %mul3A_80 = arith.muli %scan3A_78, %mul3A_79 : i32
        %add3A_81 = arith.constant 0 : i32
        %add3A_82 = arith.addi %add3A_81, %mul3A_80 : i32
        %get3A = arith.index_cast %add3A_82 : i32 to index
        %get3A_83 = arith.constant 0 : index
        %get3A_84 = tpu.vector_load %arg4[%get3A, %get3A_83] {strides = array<i32>} : memref<640x64xf32, #tpu.memory_space<vmem>>, vector<16xf32>,
        %get3A_85 = arith.index_cast %add3A_82 : i32 to index
        %get3A_86 = arith.constant 16 : index
        %get3A_87 = tpu.vector_load %arg4[%get3A_85, %get3A_86] {strides = array<i32>} : memref<640x64xf32, #tpu.memory_space<vmem>>, vector<16xf32>,
        %pack3A = tpu.pack_subelements %get3A_84, %get3A_87 {pack_format = #tpu.pack_format<interleaved>, positions = array<i32: 0, 1>} : vector<16xf32>, vector<16xf32> -> vector<32xbf16>
        %swap3A = arith.index_cast %add3A_82 : i32 to index
        %swap3A_88 = arith.constant 0 : index
        %swap3A_89 = tpu.vector_load %arg6[%swap3A, %swap3A_88] {strides = array<i32>} : memref<640x64xbf16, #tpu.memory_space<vmem>>, vector<32xbf16>,
        tpu.vector_store %arg6[%swap3A, %swap3A_88], %pack3A {strides = array<i32>} : memref<640x64xbf16, #tpu.memory_space<vmem>>, vector<32xbf16>,
        %get3A_90 = arith.index_cast %add3A_82 : i32 to index
        %get3A_91 = arith.constant 32 : index
        %get3A_92 = tpu.vector_load %arg4[%get3A_90, %get3A_91] {strides = array<i32>} : memref<640x64xf32, #tpu.memory_space<vmem>>, vector<16xf32>,
        %get3A_93 = arith.index_cast %add3A_82 : i32 to index
        %get3A_94 = arith.constant 48 : index
        %get3A_95 = tpu.vector_load %arg4[%get3A_93, %get3A_94] {strides = array<i32>} : memref<640x64xf32, #tpu.memory_space<vmem>>, vector<16xf32>,
        %pack3A_96 = tpu.pack_subelements %get3A_92, %get3A_95 {pack_format = #tpu.pack_format<interleaved>, positions = array<i32: 0, 1>} : vector<16xf32>, vector<16xf32> -> vector<32xbf16>
        %swap3A_97 = arith.index_cast %add3A_82 : i32 to index
        %swap3A_98 = arith.constant 32 : index
        %swap3A_99 = tpu.vector_load %arg6[%swap3A_97, %swap3A_98] {strides = array<i32>} : memref<640x64xbf16, #tpu.memory_space<vmem>>, vector<32xbf16>,
        tpu.vector_store %arg6[%swap3A_97, %swap3A_98], %pack3A_96 {strides = array<i32>} : memref<640x64xbf16, #tpu.memory_space<vmem>>, vector<32xbf16>,
        %scan3A_100 = arith.constant 1 : i32
        %scan3A_101 = arith.addi %scan3A_78, %scan3A_100 : i32
        %mul3A_102 = arith.constant 1 : i32
        %mul3A_103 = arith.muli %scan3A_101, %mul3A_102 : i32
        %add3A_104 = arith.constant 0 : i32
        %add3A_105 = arith.addi %add3A_104, %mul3A_103 : i32
        %get3A_106 = arith.index_cast %add3A_105 : i32 to index
        %get3A_107 = arith.constant 0 : index
        %get3A_108 = tpu.vector_load %arg4[%get3A_106, %get3A_107] {strides = array<i32>} : memref<640x64xf32, #tpu.memory_space<vmem>>, vector<16xf32>,
        %get3A_109 = arith.index_cast %add3A_105 : i32 to index
        %get3A_110 = arith.constant 16 : index
        %get3A_111 = tpu.vector_load %arg4[%get3A_109, %get3A_110] {strides = array<i32>} : memref<640x64xf32, #tpu.memory_space<vmem>>, vector<16xf32>,
        %pack3A_112 = tpu.pack_subelements %get3A_108, %get3A_111 {pack_format = #tpu.pack_format<interleaved>, positions = array<i32: 0, 1>} : vector<16xf32>, vector<16xf32> -> vector<32xbf16>
        %swap3A_113 = arith.index_cast %add3A_105 : i32 to index
        %swap3A_114 = arith.constant 0 : index
        %swap3A_115 = tpu.vector_load %arg6[%swap3A_113, %swap3A_114] {strides = array<i32>} : memref<640x64xbf16, #tpu.memory_space<vmem>>, vector<32xbf16>,
        tpu.vector_store %arg6[%swap3A_113, %swap3A_114], %pack3A_112 {strides = array<i32>} : memref<640x64xbf16, #tpu.memory_space<vmem>>, vector<32xbf16>,
        %get3A_116 = arith.index_cast %add3A_105 : i32 to index
        %get3A_117 = arith.constant 32 : index
        %get3A_118 = tpu.vector_load %arg4[%get3A_116, %get3A_117] {strides = array<i32>} : memref<640x64xf32, #tpu.memory_space<vmem>>, vector<16xf32>,
        %get3A_119 = arith.index_cast %add3A_105 : i32 to index
        %get3A_120 = arith.constant 48 : index
        %get3A_121 = tpu.vector_load %arg4[%get3A_119, %get3A_120] {strides = array<i32>} : memref<640x64xf32, #tpu.memory_space<vmem>>, vector<16xf32>,
        %pack3A_122 = tpu.pack_subelements %get3A_118, %get3A_121 {pack_format = #tpu.pack_format<interleaved>, positions = array<i32: 0, 1>} : vector<16xf32>, vector<16xf32> -> vector<32xbf16>
        %swap3A_123 = arith.index_cast %add3A_105 : i32 to index
        %swap3A_124 = arith.constant 32 : index
        %swap3A_125 = tpu.vector_load %arg6[%swap3A_123, %swap3A_124] {strides = array<i32>} : memref<640x64xbf16, #tpu.memory_space<vmem>>, vector<32xbf16>,
        tpu.vector_store %arg6[%swap3A_123, %swap3A_124], %pack3A_122 {strides = array<i32>} : memref<640x64xbf16, #tpu.memory_space<vmem>>, vector<32xbf16>,
        %scan3A_126 = arith.constant 2 : i32
        %scan3A_127 = arith.addi %scan3A_78, %scan3A_126 : i32
        %mul3A_128 = arith.constant 1 : i32
        %mul3A_129 = arith.muli %scan3A_127, %mul3A_128 : i32
        %add3A_130 = arith.constant 0 : i32
        %add3A_131 = arith.addi %add3A_130, %mul3A_129 : i32
        %get3A_132 = arith.index_cast %add3A_131 : i32 to index
        %get3A_133 = arith.constant 0 : index
        %get3A_134 = tpu.vector_load %arg4[%get3A_132, %get3A_133] {strides = array<i32>} : memref<640x64xf32, #tpu.memory_space<vmem>>, vector<16xf32>,
        %get3A_135 = arith.index_cast %add3A_131 : i32 to index
        %get3A_136 = arith.constant 16 : index
        %get3A_137 = tpu.vector_load %arg4[%get3A_135, %get3A_136] {strides = array<i32>} : memref<640x64xf32, #tpu.memory_space<vmem>>, vector<16xf32>,
        %pack3A_138 = tpu.pack_subelements %get3A_134, %get3A_137 {pack_format = #tpu.pack_format<interleaved>, positions = array<i32: 0, 1>} : vector<16xf32>, vector<16xf32> -> vector<32xbf16>
        %swap3A_139 = arith.index_cast %add3A_131 : i32 to index
        %swap3A_140 = arith.constant 0 : index
        %swap3A_141 = tpu.vector_load %arg6[%swap3A_139, %swap3A_140] {strides = array<i32>} : memref<640x64xbf16, #tpu.memory_space<vmem>>, vector<32xbf16>,
        tpu.vector_store %arg6[%swap3A_139, %swap3A_140], %pack3A_138 {strides = array<i32>} : memref<640x64xbf16, #tpu.memory_space<vmem>>, vector<32xbf16>,
        %get3A_142 = arith.index_cast %add3A_131 : i32 to index
        %get3A_143 = arith.constant 32 : index
        %get3A_144 = tpu.vector_load %arg4[%get3A_142, %get3A_143] {strides = array<i32>} : memref<640x64xf32, #tpu.memory_space<vmem>>, vector<16xf32>,
        %get3A_145 = arith.index_cast %add3A_131 : i32 to index
        %get3A_146 = arith.constant 48 : index
        %get3A_147 = tpu.vector_load %arg4[%get3A_145, %get3A_146] {strides = array<i32>} : memref<640x64xf32, #tpu.memory_space<vmem>>, vector<16xf32>,
        %pack3A_148 = tpu.pack_subelements %get3A_144, %get3A_147 {pack_format = #tpu.pack_format<interleaved>, positions = array<i32: 0, 1>} : vector<16xf32>, vector<16xf32> -> vector<32xbf16>
        %swap3A_149 = arith.index_cast %add3A_131 : i32 to index
        %swap3A_150 = arith.constant 32 : index
        %swap3A_151 = tpu.vector_load %arg6[%swap3A_149, %swap3A_150] {strides = array<i32>} : memref<640x64xbf16, #tpu.memory_space<vmem>>, vector<32xbf16>,
        tpu.vector_store %arg6[%swap3A_149, %swap3A_150], %pack3A_148 {strides = array<i32>} : memref<640x64xbf16, #tpu.memory_space<vmem>>, vector<32xbf16>,
        %scan3A_152 = arith.constant 3 : i32
        %scan3A_153 = arith.addi %scan3A_78, %scan3A_152 : i32
        %mul3A_154 = arith.constant 1 : i32
        %mul3A_155 = arith.muli %scan3A_153, %mul3A_154 : i32
        %add3A_156 = arith.constant 0 : i32
        %add3A_157 = arith.addi %add3A_156, %mul3A_155 : i32
        %get3A_158 = arith.index_cast %add3A_157 : i32 to index
        %get3A_159 = arith.constant 0 : index
        %get3A_160 = tpu.vector_load %arg4[%get3A_158, %get3A_159] {strides = array<i32>} : memref<640x64xf32, #tpu.memory_space<vmem>>, vector<16xf32>,
        %get3A_161 = arith.index_cast %add3A_157 : i32 to index
        %get3A_162 = arith.constant 16 : index
        %get3A_163 = tpu.vector_load %arg4[%get3A_161, %get3A_162] {strides = array<i32>} : memref<640x64xf32, #tpu.memory_space<vmem>>, vector<16xf32>,
        %pack3A_164 = tpu.pack_subelements %get3A_160, %get3A_163 {pack_format = #tpu.pack_format<interleaved>, positions = array<i32: 0, 1>} : vector<16xf32>, vector<16xf32> -> vector<32xbf16>
        %swap3A_165 = arith.index_cast %add3A_157 : i32 to index
        %swap3A_166 = arith.constant 0 : index
        %swap3A_167 = tpu.vector_load %arg6[%swap3A_165, %swap3A_166] {strides = array<i32>} : memref<640x64xbf16, #tpu.memory_space<vmem>>, vector<32xbf16>,
        tpu.vector_store %arg6[%swap3A_165, %swap3A_166], %pack3A_164 {strides = array<i32>} : memref<640x64xbf16, #tpu.memory_space<vmem>>, vector<32xbf16>,
        %get3A_168 = arith.index_cast %add3A_157 : i32 to index
        %get3A_169 = arith.constant 32 : index
        %get3A_170 = tpu.vector_load %arg4[%get3A_168, %get3A_169] {strides = array<i32>} : memref<640x64xf32, #tpu.memory_space<vmem>>, vector<16xf32>,
        %get3A_171 = arith.index_cast %add3A_157 : i32 to index
        %get3A_172 = arith.constant 48 : index
        %get3A_173 = tpu.vector_load %arg4[%get3A_171, %get3A_172] {strides = array<i32>} : memref<640x64xf32, #tpu.memory_space<vmem>>, vector<16xf32>,
        %pack3A_174 = tpu.pack_subelements %get3A_170, %get3A_173 {pack_format = #tpu.pack_format<interleaved>, positions = array<i32: 0, 1>} : vector<16xf32>, vector<16xf32> -> vector<32xbf16>
        %swap3A_175 = arith.index_cast %add3A_157 : i32 to index
        %swap3A_176 = arith.constant 32 : index
        %swap3A_177 = tpu.vector_load %arg6[%swap3A_175, %swap3A_176] {strides = array<i32>} : memref<640x64xbf16, #tpu.memory_space<vmem>>, vector<32xbf16>,
        tpu.vector_store %arg6[%swap3A_175, %swap3A_176], %pack3A_174 {strides = array<i32>} : memref<640x64xbf16, #tpu.memory_space<vmem>>, vector<32xbf16>,
      }
      %scan3A_74 = arith.constant 640 : i32
      %dma_start3A = arith.constant 0 : i32
      %dma_start3A_75 = tpu.memref_slice %arg3[%min3A_55, %dma_start3A] : memref<100001x64xbf16, #tpu.memory_space<hbm>> -> memref<640x64xbf16, #tpu.memory_space<hbm>>
      %dma_start3A_76 = arith.constant 0 : i32
      %dma_start3A_77 = tpu.memref_slice %arg3[%min3A_55, %dma_start3A_76] : memref<100001x64xbf16, #tpu.memory_space<hbm>> -> memref<640x64xbf16, #tpu.memory_space<hbm>>
      tpu.enqueue_dma source(%arg6 : memref<640x64xbf16, #tpu.memory_space<vmem>>) target(%dma_start3A_77 : memref<640x64xbf16, #tpu.memory_space<hbm>>) target_semaphore(%arg10 : memref<!tpu.dma_semaphore, #tpu.memory_space<semaphore_mem>>)
    } else {
    }
    %add3A_26 = arith.constant 96 : i32
    %add3A_27 = arith.addi %add3A, %add3A_26 : i32
    %lt3A_28 = arith.constant 157 : i32
    %lt3A_29 = arith.cmpi slt, %add3A_27, %lt3A_28 : i32
    %convert_element_type3A_30 = arith.extui %lt3A_29 : i1 to i32
    %cond3A_31 = arith.constant 0 : i32
    %cond3A_32 = arith.cmpi ne, %convert_element_type3A_30, %cond3A_31 : i32
    scf.if %cond3A_32 {
      %add3A_51 = arith.constant 96 : i32
      %add3A_52 = arith.addi %add3A, %add3A_51 : i32
      %mul3A_53 = arith.constant 640 : i32
      %mul3A_54 = arith.muli %add3A_52, %mul3A_53 : i32
      %min3A = arith.constant 99361 : i32
      %min3A_55 = arith.minsi %mul3A_54, %min3A : i32
      %add3A_56 = arith.constant 128 : i32
      %add3A_57 = arith.addi %add3A, %add3A_56 : i32
      %lt3A_58 = arith.constant 157 : i32
      %lt3A_59 = arith.cmpi slt, %add3A_57, %lt3A_58 : i32
      %convert_element_type3A_60 = arith.extui %lt3A_59 : i1 to i32
      %cond3A_61 = arith.constant 0 : i32
      %cond3A_62 = arith.cmpi ne, %convert_element_type3A_60, %cond3A_61 : i32
      scf.if %cond3A_62 {
        %add3A_78 = arith.constant 128 : i32
        %add3A_79 = arith.addi %add3A, %add3A_78 : i32
        %mul3A_80 = arith.constant 640 : i32
        %mul3A_81 = arith.muli %add3A_79, %mul3A_80 : i32
        %min3A_82 = arith.constant 99361 : i32
        %min3A_83 = arith.minsi %mul3A_81, %min3A_82 : i32
        %dma_start3A_84 = arith.constant 0 : i32
        %dma_start3A_85 = tpu.memref_slice %arg2[%min3A_83, %dma_start3A_84] : memref<100001x64xf32, #tpu.memory_space<hbm>> -> memref<640x64xf32, #tpu.memory_space<hbm>>
        %dma_start3A_86 = arith.constant 0 : i32
        %dma_start3A_87 = tpu.memref_slice %arg2[%min3A_83, %dma_start3A_86] : memref<100001x64xf32, #tpu.memory_space<hbm>> -> memref<640x64xf32, #tpu.memory_space<hbm>>
        tpu.enqueue_dma source(%dma_start3A_87 : memref<640x64xf32, #tpu.memory_space<hbm>>) target(%arg4 : memref<640x64xf32, #tpu.memory_space<vmem>>) target_semaphore(%arg8 : memref<!tpu.dma_semaphore, #tpu.memory_space<semaphore_mem>>)
      } else {
      }
      %dma_wait3A_63 = arith.constant 0 : i32
      %dma_wait3A_64 = tpu.memref_slice %arg2[%min3A_55, %dma_wait3A_63] : memref<100001x64xf32, #tpu.memory_space<hbm>> -> memref<640x64xf32, #tpu.memory_space<hbm>>
      %dma_wait3A_65 = arith.constant 0 : i32
      %dma_wait3A_66 = tpu.memref_slice %arg2[%min3A_55, %dma_wait3A_65] : memref<100001x64xf32, #tpu.memory_space<hbm>> -> memref<640x64xf32, #tpu.memory_space<hbm>>
      tpu.wait_dma2 semaphore(%arg9 : memref<!tpu.dma_semaphore, #tpu.memory_space<semaphore_mem>>) src(%dma_wait3A_66 : memref<640x64xf32, #tpu.memory_space<hbm>>) dst(%arg5 : memref<640x64xf32, #tpu.memory_space<vmem>>)
      %dma_wait3A_67 = arith.constant 0 : i32
      %dma_wait3A_68 = tpu.memref_slice %arg3[%min3A_55, %dma_wait3A_67] : memref<100001x64xbf16, #tpu.memory_space<hbm>> -> memref<640x64xbf16, #tpu.memory_space<hbm>>
      %dma_wait3A_69 = arith.constant 0 : i32
      %dma_wait3A_70 = tpu.memref_slice %arg3[%min3A_55, %dma_wait3A_69] : memref<100001x64xbf16, #tpu.memory_space<hbm>> -> memref<640x64xbf16, #tpu.memory_space<hbm>>
      tpu.wait_dma2 semaphore(%arg11 : memref<!tpu.dma_semaphore, #tpu.memory_space<semaphore_mem>>) src(%arg7 : memref<640x64xbf16, #tpu.memory_space<vmem>>) dst(%dma_wait3A_70 : memref<640x64xbf16, #tpu.memory_space<hbm>>)
      %scan3A = arith.constant 0 : i32
      %scan3A_71 = arith.constant 640 : i32
      %scan3A_72 = arith.addi %scan3A, %scan3A_71 : i32
      %scan3A_73 = arith.constant 4 : i32
      scf.for %scan3A_78 = %scan3A to %scan3A_72 step %scan3A_73  : i32 {
        %mul3A_79 = arith.constant 1 : i32
        %mul3A_80 = arith.muli %scan3A_78, %mul3A_79 : i32
        %add3A_81 = arith.constant 0 : i32
        %add3A_82 = arith.addi %add3A_81, %mul3A_80 : i32
        %get3A = arith.index_cast %add3A_82 : i32 to index
        %get3A_83 = arith.constant 0 : index
        %get3A_84 = tpu.vector_load %arg5[%get3A, %get3A_83] {strides = array<i32>} : memref<640x64xf32, #tpu.memory_space<vmem>>, vector<16xf32>,
        %get3A_85 = arith.index_cast %add3A_82 : i32 to index
        %get3A_86 = arith.constant 16 : index
        %get3A_87 = tpu.vector_load %arg5[%get3A_85, %get3A_86] {strides = array<i32>} : memref<640x64xf32, #tpu.memory_space<vmem>>, vector<16xf32>,
        %pack3A = tpu.pack_subelements %get3A_84, %get3A_87 {pack_format = #tpu.pack_format<interleaved>, positions = array<i32: 0, 1>} : vector<16xf32>, vector<16xf32> -> vector<32xbf16>
        %swap3A = arith.index_cast %add3A_82 : i32 to index
        %swap3A_88 = arith.constant 0 : index
        %swap3A_89 = tpu.vector_load %arg7[%swap3A, %swap3A_88] {strides = array<i32>} : memref<640x64xbf16, #tpu.memory_space<vmem>>, vector<32xbf16>,
        tpu.vector_store %arg7[%swap3A, %swap3A_88], %pack3A {strides = array<i32>} : memref<640x64xbf16, #tpu.memory_space<vmem>>, vector<32xbf16>,
        %get3A_90 = arith.index_cast %add3A_82 : i32 to index
        %get3A_91 = arith.constant 32 : index
        %get3A_92 = tpu.vector_load %arg5[%get3A_90, %get3A_91] {strides = array<i32>} : memref<640x64xf32, #tpu.memory_space<vmem>>, vector<16xf32>,
        %get3A_93 = arith.index_cast %add3A_82 : i32 to index
        %get3A_94 = arith.constant 48 : index
        %get3A_95 = tpu.vector_load %arg5[%get3A_93, %get3A_94] {strides = array<i32>} : memref<640x64xf32, #tpu.memory_space<vmem>>, vector<16xf32>,
        %pack3A_96 = tpu.pack_subelements %get3A_92, %get3A_95 {pack_format = #tpu.pack_format<interleaved>, positions = array<i32: 0, 1>} : vector<16xf32>, vector<16xf32> -> vector<32xbf16>
        %swap3A_97 = arith.index_cast %add3A_82 : i32 to index
        %swap3A_98 = arith.constant 32 : index
        %swap3A_99 = tpu.vector_load %arg7[%swap3A_97, %swap3A_98] {strides = array<i32>} : memref<640x64xbf16, #tpu.memory_space<vmem>>, vector<32xbf16>,
        tpu.vector_store %arg7[%swap3A_97, %swap3A_98], %pack3A_96 {strides = array<i32>} : memref<640x64xbf16, #tpu.memory_space<vmem>>, vector<32xbf16>,
        %scan3A_100 = arith.constant 1 : i32
        %scan3A_101 = arith.addi %scan3A_78, %scan3A_100 : i32
        %mul3A_102 = arith.constant 1 : i32
        %mul3A_103 = arith.muli %scan3A_101, %mul3A_102 : i32
        %add3A_104 = arith.constant 0 : i32
        %add3A_105 = arith.addi %add3A_104, %mul3A_103 : i32
        %get3A_106 = arith.index_cast %add3A_105 : i32 to index
        %get3A_107 = arith.constant 0 : index
        %get3A_108 = tpu.vector_load %arg5[%get3A_106, %get3A_107] {strides = array<i32>} : memref<640x64xf32, #tpu.memory_space<vmem>>, vector<16xf32>,
        %get3A_109 = arith.index_cast %add3A_105 : i32 to index
        %get3A_110 = arith.constant 16 : index
        %get3A_111 = tpu.vector_load %arg5[%get3A_109, %get3A_110] {strides = array<i32>} : memref<640x64xf32, #tpu.memory_space<vmem>>, vector<16xf32>,
        %pack3A_112 = tpu.pack_subelements %get3A_108, %get3A_111 {pack_format = #tpu.pack_format<interleaved>, positions = array<i32: 0, 1>} : vector<16xf32>, vector<16xf32> -> vector<32xbf16>
        %swap3A_113 = arith.index_cast %add3A_105 : i32 to index
        %swap3A_114 = arith.constant 0 : index
        %swap3A_115 = tpu.vector_load %arg7[%swap3A_113, %swap3A_114] {strides = array<i32>} : memref<640x64xbf16, #tpu.memory_space<vmem>>, vector<32xbf16>,
        tpu.vector_store %arg7[%swap3A_113, %swap3A_114], %pack3A_112 {strides = array<i32>} : memref<640x64xbf16, #tpu.memory_space<vmem>>, vector<32xbf16>,
        %get3A_116 = arith.index_cast %add3A_105 : i32 to index
        %get3A_117 = arith.constant 32 : index
        %get3A_118 = tpu.vector_load %arg5[%get3A_116, %get3A_117] {strides = array<i32>} : memref<640x64xf32, #tpu.memory_space<vmem>>, vector<16xf32>,
        %get3A_119 = arith.index_cast %add3A_105 : i32 to index
        %get3A_120 = arith.constant 48 : index
        %get3A_121 = tpu.vector_load %arg5[%get3A_119, %get3A_120] {strides = array<i32>} : memref<640x64xf32, #tpu.memory_space<vmem>>, vector<16xf32>,
        %pack3A_122 = tpu.pack_subelements %get3A_118, %get3A_121 {pack_format = #tpu.pack_format<interleaved>, positions = array<i32: 0, 1>} : vector<16xf32>, vector<16xf32> -> vector<32xbf16>
        %swap3A_123 = arith.index_cast %add3A_105 : i32 to index
        %swap3A_124 = arith.constant 32 : index
        %swap3A_125 = tpu.vector_load %arg7[%swap3A_123, %swap3A_124] {strides = array<i32>} : memref<640x64xbf16, #tpu.memory_space<vmem>>, vector<32xbf16>,
        tpu.vector_store %arg7[%swap3A_123, %swap3A_124], %pack3A_122 {strides = array<i32>} : memref<640x64xbf16, #tpu.memory_space<vmem>>, vector<32xbf16>,
        %scan3A_126 = arith.constant 2 : i32
        %scan3A_127 = arith.addi %scan3A_78, %scan3A_126 : i32
        %mul3A_128 = arith.constant 1 : i32
        %mul3A_129 = arith.muli %scan3A_127, %mul3A_128 : i32
        %add3A_130 = arith.constant 0 : i32
        %add3A_131 = arith.addi %add3A_130, %mul3A_129 : i32
        %get3A_132 = arith.index_cast %add3A_131 : i32 to index
        %get3A_133 = arith.constant 0 : index
        %get3A_134 = tpu.vector_load %arg5[%get3A_132, %get3A_133] {strides = array<i32>} : memref<640x64xf32, #tpu.memory_space<vmem>>, vector<16xf32>,
        %get3A_135 = arith.index_cast %add3A_131 : i32 to index
        %get3A_136 = arith.constant 16 : index
        %get3A_137 = tpu.vector_load %arg5[%get3A_135, %get3A_136] {strides = array<i32>} : memref<640x64xf32, #tpu.memory_space<vmem>>, vector<16xf32>,
        %pack3A_138 = tpu.pack_subelements %get3A_134, %get3A_137 {pack_format = #tpu.pack_format<interleaved>, positions = array<i32: 0, 1>} : vector<16xf32>, vector<16xf32> -> vector<32xbf16>
        %swap3A_139 = arith.index_cast %add3A_131 : i32 to index
        %swap3A_140 = arith.constant 0 : index
        %swap3A_141 = tpu.vector_load %arg7[%swap3A_139, %swap3A_140] {strides = array<i32>} : memref<640x64xbf16, #tpu.memory_space<vmem>>, vector<32xbf16>,
        tpu.vector_store %arg7[%swap3A_139, %swap3A_140], %pack3A_138 {strides = array<i32>} : memref<640x64xbf16, #tpu.memory_space<vmem>>, vector<32xbf16>,
        %get3A_142 = arith.index_cast %add3A_131 : i32 to index
        %get3A_143 = arith.constant 32 : index
        %get3A_144 = tpu.vector_load %arg5[%get3A_142, %get3A_143] {strides = array<i32>} : memref<640x64xf32, #tpu.memory_space<vmem>>, vector<16xf32>,
        %get3A_145 = arith.index_cast %add3A_131 : i32 to index
        %get3A_146 = arith.constant 48 : index
        %get3A_147 = tpu.vector_load %arg5[%get3A_145, %get3A_146] {strides = array<i32>} : memref<640x64xf32, #tpu.memory_space<vmem>>, vector<16xf32>,
        %pack3A_148 = tpu.pack_subelements %get3A_144, %get3A_147 {pack_format = #tpu.pack_format<interleaved>, positions = array<i32: 0, 1>} : vector<16xf32>, vector<16xf32> -> vector<32xbf16>
        %swap3A_149 = arith.index_cast %add3A_131 : i32 to index
        %swap3A_150 = arith.constant 32 : index
        %swap3A_151 = tpu.vector_load %arg7[%swap3A_149, %swap3A_150] {strides = array<i32>} : memref<640x64xbf16, #tpu.memory_space<vmem>>, vector<32xbf16>,
        tpu.vector_store %arg7[%swap3A_149, %swap3A_150], %pack3A_148 {strides = array<i32>} : memref<640x64xbf16, #tpu.memory_space<vmem>>, vector<32xbf16>,
        %scan3A_152 = arith.constant 3 : i32
        %scan3A_153 = arith.addi %scan3A_78, %scan3A_152 : i32
        %mul3A_154 = arith.constant 1 : i32
        %mul3A_155 = arith.muli %scan3A_153, %mul3A_154 : i32
        %add3A_156 = arith.constant 0 : i32
        %add3A_157 = arith.addi %add3A_156, %mul3A_155 : i32
        %get3A_158 = arith.index_cast %add3A_157 : i32 to index
        %get3A_159 = arith.constant 0 : index
        %get3A_160 = tpu.vector_load %arg5[%get3A_158, %get3A_159] {strides = array<i32>} : memref<640x64xf32, #tpu.memory_space<vmem>>, vector<16xf32>,
        %get3A_161 = arith.index_cast %add3A_157 : i32 to index
        %get3A_162 = arith.constant 16 : index
        %get3A_163 = tpu.vector_load %arg5[%get3A_161, %get3A_162] {strides = array<i32>} : memref<640x64xf32, #tpu.memory_space<vmem>>, vector<16xf32>,
        %pack3A_164 = tpu.pack_subelements %get3A_160, %get3A_163 {pack_format = #tpu.pack_format<interleaved>, positions = array<i32: 0, 1>} : vector<16xf32>, vector<16xf32> -> vector<32xbf16>
        %swap3A_165 = arith.index_cast %add3A_157 : i32 to index
        %swap3A_166 = arith.constant 0 : index
        %swap3A_167 = tpu.vector_load %arg7[%swap3A_165, %swap3A_166] {strides = array<i32>} : memref<640x64xbf16, #tpu.memory_space<vmem>>, vector<32xbf16>,
        tpu.vector_store %arg7[%swap3A_165, %swap3A_166], %pack3A_164 {strides = array<i32>} : memref<640x64xbf16, #tpu.memory_space<vmem>>, vector<32xbf16>,
        %get3A_168 = arith.index_cast %add3A_157 : i32 to index
        %get3A_169 = arith.constant 32 : index
        %get3A_170 = tpu.vector_load %arg5[%get3A_168, %get3A_169] {strides = array<i32>} : memref<640x64xf32, #tpu.memory_space<vmem>>, vector<16xf32>,
        %get3A_171 = arith.index_cast %add3A_157 : i32 to index
        %get3A_172 = arith.constant 48 : index
        %get3A_173 = tpu.vector_load %arg5[%get3A_171, %get3A_172] {strides = array<i32>} : memref<640x64xf32, #tpu.memory_space<vmem>>, vector<16xf32>,
        %pack3A_174 = tpu.pack_subelements %get3A_170, %get3A_173 {pack_format = #tpu.pack_format<interleaved>, positions = array<i32: 0, 1>} : vector<16xf32>, vector<16xf32> -> vector<32xbf16>
        %swap3A_175 = arith.index_cast %add3A_157 : i32 to index
        %swap3A_176 = arith.constant 32 : index
        %swap3A_177 = tpu.vector_load %arg7[%swap3A_175, %swap3A_176] {strides = array<i32>} : memref<640x64xbf16, #tpu.memory_space<vmem>>, vector<32xbf16>,
        tpu.vector_store %arg7[%swap3A_175, %swap3A_176], %pack3A_174 {strides = array<i32>} : memref<640x64xbf16, #tpu.memory_space<vmem>>, vector<32xbf16>,
      }
      %scan3A_74 = arith.constant 640 : i32
      %dma_start3A = arith.constant 0 : i32
      %dma_start3A_75 = tpu.memref_slice %arg3[%min3A_55, %dma_start3A] : memref<100001x64xbf16, #tpu.memory_space<hbm>> -> memref<640x64xbf16, #tpu.memory_space<hbm>>
      %dma_start3A_76 = arith.constant 0 : i32
      %dma_start3A_77 = tpu.memref_slice %arg3[%min3A_55, %dma_start3A_76] : memref<100001x64xbf16, #tpu.memory_space<hbm>> -> memref<640x64xbf16, #tpu.memory_space<hbm>>
      tpu.enqueue_dma source(%arg7 : memref<640x64xbf16, #tpu.memory_space<vmem>>) target(%dma_start3A_77 : memref<640x64xbf16, #tpu.memory_space<hbm>>) target_semaphore(%arg11 : memref<!tpu.dma_semaphore, #tpu.memory_space<semaphore_mem>>)
    } else {
    }
    %add3A_33 = arith.constant 128 : i32
    %add3A_34 = arith.addi %add3A, %add3A_33 : i32
    %lt3A_35 = arith.constant 157 : i32
    %lt3A_36 = arith.cmpi slt, %add3A_34, %lt3A_35 : i32
    %convert_element_type3A_37 = arith.extui %lt3A_36 : i1 to i32
    %cond3A_38 = arith.constant 0 : i32
    %cond3A_39 = arith.cmpi ne, %convert_element_type3A_37, %cond3A_38 : i32
    scf.if %cond3A_39 {
      %add3A_51 = arith.constant 128 : i32
      %add3A_52 = arith.addi %add3A, %add3A_51 : i32
      %mul3A_53 = arith.constant 640 : i32
      %mul3A_54 = arith.muli %add3A_52, %mul3A_53 : i32
      %min3A = arith.constant 99361 : i32
      %min3A_55 = arith.minsi %mul3A_54, %min3A : i32
      %add3A_56 = arith.constant 160 : i32
      %add3A_57 = arith.addi %add3A, %add3A_56 : i32
      %lt3A_58 = arith.constant 157 : i32
      %lt3A_59 = arith.cmpi slt, %add3A_57, %lt3A_58 : i32
      %convert_element_type3A_60 = arith.extui %lt3A_59 : i1 to i32
      %cond3A_61 = arith.constant 0 : i32
      %cond3A_62 = arith.cmpi ne, %convert_element_type3A_60, %cond3A_61 : i32
      scf.if %cond3A_62 {
        %add3A_78 = arith.constant 160 : i32
        %add3A_79 = arith.addi %add3A, %add3A_78 : i32
        %mul3A_80 = arith.constant 640 : i32
        %mul3A_81 = arith.muli %add3A_79, %mul3A_80 : i32
        %min3A_82 = arith.constant 99361 : i32
        %min3A_83 = arith.minsi %mul3A_81, %min3A_82 : i32
        %dma_start3A_84 = arith.constant 0 : i32
        %dma_start3A_85 = tpu.memref_slice %arg2[%min3A_83, %dma_start3A_84] : memref<100001x64xf32, #tpu.memory_space<hbm>> -> memref<640x64xf32, #tpu.memory_space<hbm>>
        %dma_start3A_86 = arith.constant 0 : i32
        %dma_start3A_87 = tpu.memref_slice %arg2[%min3A_83, %dma_start3A_86] : memref<100001x64xf32, #tpu.memory_space<hbm>> -> memref<640x64xf32, #tpu.memory_space<hbm>>
        tpu.enqueue_dma source(%dma_start3A_87 : memref<640x64xf32, #tpu.memory_space<hbm>>) target(%arg5 : memref<640x64xf32, #tpu.memory_space<vmem>>) target_semaphore(%arg9 : memref<!tpu.dma_semaphore, #tpu.memory_space<semaphore_mem>>)
      } else {
      }
      %dma_wait3A_63 = arith.constant 0 : i32
      %dma_wait3A_64 = tpu.memref_slice %arg2[%min3A_55, %dma_wait3A_63] : memref<100001x64xf32, #tpu.memory_space<hbm>> -> memref<640x64xf32, #tpu.memory_space<hbm>>
      %dma_wait3A_65 = arith.constant 0 : i32
      %dma_wait3A_66 = tpu.memref_slice %arg2[%min3A_55, %dma_wait3A_65] : memref<100001x64xf32, #tpu.memory_space<hbm>> -> memref<640x64xf32, #tpu.memory_space<hbm>>
      tpu.wait_dma2 semaphore(%arg8 : memref<!tpu.dma_semaphore, #tpu.memory_space<semaphore_mem>>) src(%dma_wait3A_66 : memref<640x64xf32, #tpu.memory_space<hbm>>) dst(%arg4 : memref<640x64xf32, #tpu.memory_space<vmem>>)
      %dma_wait3A_67 = arith.constant 0 : i32
      %dma_wait3A_68 = tpu.memref_slice %arg3[%min3A_55, %dma_wait3A_67] : memref<100001x64xbf16, #tpu.memory_space<hbm>> -> memref<640x64xbf16, #tpu.memory_space<hbm>>
      %dma_wait3A_69 = arith.constant 0 : i32
      %dma_wait3A_70 = tpu.memref_slice %arg3[%min3A_55, %dma_wait3A_69] : memref<100001x64xbf16, #tpu.memory_space<hbm>> -> memref<640x64xbf16, #tpu.memory_space<hbm>>
      tpu.wait_dma2 semaphore(%arg10 : memref<!tpu.dma_semaphore, #tpu.memory_space<semaphore_mem>>) src(%arg6 : memref<640x64xbf16, #tpu.memory_space<vmem>>) dst(%dma_wait3A_70 : memref<640x64xbf16, #tpu.memory_space<hbm>>)
      %scan3A = arith.constant 0 : i32
      %scan3A_71 = arith.constant 640 : i32
      %scan3A_72 = arith.addi %scan3A, %scan3A_71 : i32
      %scan3A_73 = arith.constant 4 : i32
      scf.for %scan3A_78 = %scan3A to %scan3A_72 step %scan3A_73  : i32 {
        %mul3A_79 = arith.constant 1 : i32
        %mul3A_80 = arith.muli %scan3A_78, %mul3A_79 : i32
        %add3A_81 = arith.constant 0 : i32
        %add3A_82 = arith.addi %add3A_81, %mul3A_80 : i32
        %get3A = arith.index_cast %add3A_82 : i32 to index
        %get3A_83 = arith.constant 0 : index
        %get3A_84 = tpu.vector_load %arg4[%get3A, %get3A_83] {strides = array<i32>} : memref<640x64xf32, #tpu.memory_space<vmem>>, vector<16xf32>,
        %get3A_85 = arith.index_cast %add3A_82 : i32 to index
        %get3A_86 = arith.constant 16 : index
        %get3A_87 = tpu.vector_load %arg4[%get3A_85, %get3A_86] {strides = array<i32>} : memref<640x64xf32, #tpu.memory_space<vmem>>, vector<16xf32>,
        %pack3A = tpu.pack_subelements %get3A_84, %get3A_87 {pack_format = #tpu.pack_format<interleaved>, positions = array<i32: 0, 1>} : vector<16xf32>, vector<16xf32> -> vector<32xbf16>
        %swap3A = arith.index_cast %add3A_82 : i32 to index
        %swap3A_88 = arith.constant 0 : index
        %swap3A_89 = tpu.vector_load %arg6[%swap3A, %swap3A_88] {strides = array<i32>} : memref<640x64xbf16, #tpu.memory_space<vmem>>, vector<32xbf16>,
        tpu.vector_store %arg6[%swap3A, %swap3A_88], %pack3A {strides = array<i32>} : memref<640x64xbf16, #tpu.memory_space<vmem>>, vector<32xbf16>,
        %get3A_90 = arith.index_cast %add3A_82 : i32 to index
        %get3A_91 = arith.constant 32 : index
        %get3A_92 = tpu.vector_load %arg4[%get3A_90, %get3A_91] {strides = array<i32>} : memref<640x64xf32, #tpu.memory_space<vmem>>, vector<16xf32>,
        %get3A_93 = arith.index_cast %add3A_82 : i32 to index
        %get3A_94 = arith.constant 48 : index
        %get3A_95 = tpu.vector_load %arg4[%get3A_93, %get3A_94] {strides = array<i32>} : memref<640x64xf32, #tpu.memory_space<vmem>>, vector<16xf32>,
        %pack3A_96 = tpu.pack_subelements %get3A_92, %get3A_95 {pack_format = #tpu.pack_format<interleaved>, positions = array<i32: 0, 1>} : vector<16xf32>, vector<16xf32> -> vector<32xbf16>
        %swap3A_97 = arith.index_cast %add3A_82 : i32 to index
        %swap3A_98 = arith.constant 32 : index
        %swap3A_99 = tpu.vector_load %arg6[%swap3A_97, %swap3A_98] {strides = array<i32>} : memref<640x64xbf16, #tpu.memory_space<vmem>>, vector<32xbf16>,
        tpu.vector_store %arg6[%swap3A_97, %swap3A_98], %pack3A_96 {strides = array<i32>} : memref<640x64xbf16, #tpu.memory_space<vmem>>, vector<32xbf16>,
        %scan3A_100 = arith.constant 1 : i32
        %scan3A_101 = arith.addi %scan3A_78, %scan3A_100 : i32
        %mul3A_102 = arith.constant 1 : i32
        %mul3A_103 = arith.muli %scan3A_101, %mul3A_102 : i32
        %add3A_104 = arith.constant 0 : i32
        %add3A_105 = arith.addi %add3A_104, %mul3A_103 : i32
        %get3A_106 = arith.index_cast %add3A_105 : i32 to index
        %get3A_107 = arith.constant 0 : index
        %get3A_108 = tpu.vector_load %arg4[%get3A_106, %get3A_107] {strides = array<i32>} : memref<640x64xf32, #tpu.memory_space<vmem>>, vector<16xf32>,
        %get3A_109 = arith.index_cast %add3A_105 : i32 to index
        %get3A_110 = arith.constant 16 : index
        %get3A_111 = tpu.vector_load %arg4[%get3A_109, %get3A_110] {strides = array<i32>} : memref<640x64xf32, #tpu.memory_space<vmem>>, vector<16xf32>,
        %pack3A_112 = tpu.pack_subelements %get3A_108, %get3A_111 {pack_format = #tpu.pack_format<interleaved>, positions = array<i32: 0, 1>} : vector<16xf32>, vector<16xf32> -> vector<32xbf16>
        %swap3A_113 = arith.index_cast %add3A_105 : i32 to index
        %swap3A_114 = arith.constant 0 : index
        %swap3A_115 = tpu.vector_load %arg6[%swap3A_113, %swap3A_114] {strides = array<i32>} : memref<640x64xbf16, #tpu.memory_space<vmem>>, vector<32xbf16>,
        tpu.vector_store %arg6[%swap3A_113, %swap3A_114], %pack3A_112 {strides = array<i32>} : memref<640x64xbf16, #tpu.memory_space<vmem>>, vector<32xbf16>,
        %get3A_116 = arith.index_cast %add3A_105 : i32 to index
        %get3A_117 = arith.constant 32 : index
        %get3A_118 = tpu.vector_load %arg4[%get3A_116, %get3A_117] {strides = array<i32>} : memref<640x64xf32, #tpu.memory_space<vmem>>, vector<16xf32>,
        %get3A_119 = arith.index_cast %add3A_105 : i32 to index
        %get3A_120 = arith.constant 48 : index
        %get3A_121 = tpu.vector_load %arg4[%get3A_119, %get3A_120] {strides = array<i32>} : memref<640x64xf32, #tpu.memory_space<vmem>>, vector<16xf32>,
        %pack3A_122 = tpu.pack_subelements %get3A_118, %get3A_121 {pack_format = #tpu.pack_format<interleaved>, positions = array<i32: 0, 1>} : vector<16xf32>, vector<16xf32> -> vector<32xbf16>
        %swap3A_123 = arith.index_cast %add3A_105 : i32 to index
        %swap3A_124 = arith.constant 32 : index
        %swap3A_125 = tpu.vector_load %arg6[%swap3A_123, %swap3A_124] {strides = array<i32>} : memref<640x64xbf16, #tpu.memory_space<vmem>>, vector<32xbf16>,
        tpu.vector_store %arg6[%swap3A_123, %swap3A_124], %pack3A_122 {strides = array<i32>} : memref<640x64xbf16, #tpu.memory_space<vmem>>, vector<32xbf16>,
        %scan3A_126 = arith.constant 2 : i32
        %scan3A_127 = arith.addi %scan3A_78, %scan3A_126 : i32
        %mul3A_128 = arith.constant 1 : i32
        %mul3A_129 = arith.muli %scan3A_127, %mul3A_128 : i32
        %add3A_130 = arith.constant 0 : i32
        %add3A_131 = arith.addi %add3A_130, %mul3A_129 : i32
        %get3A_132 = arith.index_cast %add3A_131 : i32 to index
        %get3A_133 = arith.constant 0 : index
        %get3A_134 = tpu.vector_load %arg4[%get3A_132, %get3A_133] {strides = array<i32>} : memref<640x64xf32, #tpu.memory_space<vmem>>, vector<16xf32>,
        %get3A_135 = arith.index_cast %add3A_131 : i32 to index
        %get3A_136 = arith.constant 16 : index
        %get3A_137 = tpu.vector_load %arg4[%get3A_135, %get3A_136] {strides = array<i32>} : memref<640x64xf32, #tpu.memory_space<vmem>>, vector<16xf32>,
        %pack3A_138 = tpu.pack_subelements %get3A_134, %get3A_137 {pack_format = #tpu.pack_format<interleaved>, positions = array<i32: 0, 1>} : vector<16xf32>, vector<16xf32> -> vector<32xbf16>
        %swap3A_139 = arith.index_cast %add3A_131 : i32 to index
        %swap3A_140 = arith.constant 0 : index
        %swap3A_141 = tpu.vector_load %arg6[%swap3A_139, %swap3A_140] {strides = array<i32>} : memref<640x64xbf16, #tpu.memory_space<vmem>>, vector<32xbf16>,
        tpu.vector_store %arg6[%swap3A_139, %swap3A_140], %pack3A_138 {strides = array<i32>} : memref<640x64xbf16, #tpu.memory_space<vmem>>, vector<32xbf16>,
        %get3A_142 = arith.index_cast %add3A_131 : i32 to index
        %get3A_143 = arith.constant 32 : index
        %get3A_144 = tpu.vector_load %arg4[%get3A_142, %get3A_143] {strides = array<i32>} : memref<640x64xf32, #tpu.memory_space<vmem>>, vector<16xf32>,
        %get3A_145 = arith.index_cast %add3A_131 : i32 to index
        %get3A_146 = arith.constant 48 : index
        %get3A_147 = tpu.vector_load %arg4[%get3A_145, %get3A_146] {strides = array<i32>} : memref<640x64xf32, #tpu.memory_space<vmem>>, vector<16xf32>,
        %pack3A_148 = tpu.pack_subelements %get3A_144, %get3A_147 {pack_format = #tpu.pack_format<interleaved>, positions = array<i32: 0, 1>} : vector<16xf32>, vector<16xf32> -> vector<32xbf16>
        %swap3A_149 = arith.index_cast %add3A_131 : i32 to index
        %swap3A_150 = arith.constant 32 : index
        %swap3A_151 = tpu.vector_load %arg6[%swap3A_149, %swap3A_150] {strides = array<i32>} : memref<640x64xbf16, #tpu.memory_space<vmem>>, vector<32xbf16>,
        tpu.vector_store %arg6[%swap3A_149, %swap3A_150], %pack3A_148 {strides = array<i32>} : memref<640x64xbf16, #tpu.memory_space<vmem>>, vector<32xbf16>,
        %scan3A_152 = arith.constant 3 : i32
        %scan3A_153 = arith.addi %scan3A_78, %scan3A_152 : i32
        %mul3A_154 = arith.constant 1 : i32
        %mul3A_155 = arith.muli %scan3A_153, %mul3A_154 : i32
        %add3A_156 = arith.constant 0 : i32
        %add3A_157 = arith.addi %add3A_156, %mul3A_155 : i32
        %get3A_158 = arith.index_cast %add3A_157 : i32 to index
        %get3A_159 = arith.constant 0 : index
        %get3A_160 = tpu.vector_load %arg4[%get3A_158, %get3A_159] {strides = array<i32>} : memref<640x64xf32, #tpu.memory_space<vmem>>, vector<16xf32>,
        %get3A_161 = arith.index_cast %add3A_157 : i32 to index
        %get3A_162 = arith.constant 16 : index
        %get3A_163 = tpu.vector_load %arg4[%get3A_161, %get3A_162] {strides = array<i32>} : memref<640x64xf32, #tpu.memory_space<vmem>>, vector<16xf32>,
        %pack3A_164 = tpu.pack_subelements %get3A_160, %get3A_163 {pack_format = #tpu.pack_format<interleaved>, positions = array<i32: 0, 1>} : vector<16xf32>, vector<16xf32> -> vector<32xbf16>
        %swap3A_165 = arith.index_cast %add3A_157 : i32 to index
        %swap3A_166 = arith.constant 0 : index
        %swap3A_167 = tpu.vector_load %arg6[%swap3A_165, %swap3A_166] {strides = array<i32>} : memref<640x64xbf16, #tpu.memory_space<vmem>>, vector<32xbf16>,
        tpu.vector_store %arg6[%swap3A_165, %swap3A_166], %pack3A_164 {strides = array<i32>} : memref<640x64xbf16, #tpu.memory_space<vmem>>, vector<32xbf16>,
        %get3A_168 = arith.index_cast %add3A_157 : i32 to index
        %get3A_169 = arith.constant 32 : index
        %get3A_170 = tpu.vector_load %arg4[%get3A_168, %get3A_169] {strides = array<i32>} : memref<640x64xf32, #tpu.memory_space<vmem>>, vector<16xf32>,
        %get3A_171 = arith.index_cast %add3A_157 : i32 to index
        %get3A_172 = arith.constant 48 : index
        %get3A_173 = tpu.vector_load %arg4[%get3A_171, %get3A_172] {strides = array<i32>} : memref<640x64xf32, #tpu.memory_space<vmem>>, vector<16xf32>,
        %pack3A_174 = tpu.pack_subelements %get3A_170, %get3A_173 {pack_format = #tpu.pack_format<interleaved>, positions = array<i32: 0, 1>} : vector<16xf32>, vector<16xf32> -> vector<32xbf16>
        %swap3A_175 = arith.index_cast %add3A_157 : i32 to index
        %swap3A_176 = arith.constant 32 : index
        %swap3A_177 = tpu.vector_load %arg6[%swap3A_175, %swap3A_176] {strides = array<i32>} : memref<640x64xbf16, #tpu.memory_space<vmem>>, vector<32xbf16>,
        tpu.vector_store %arg6[%swap3A_175, %swap3A_176], %pack3A_174 {strides = array<i32>} : memref<640x64xbf16, #tpu.memory_space<vmem>>, vector<32xbf16>,
      }
      %scan3A_74 = arith.constant 640 : i32
      %dma_start3A = arith.constant 0 : i32
      %dma_start3A_75 = tpu.memref_slice %arg3[%min3A_55, %dma_start3A] : memref<100001x64xbf16, #tpu.memory_space<hbm>> -> memref<640x64xbf16, #tpu.memory_space<hbm>>
      %dma_start3A_76 = arith.constant 0 : i32
      %dma_start3A_77 = tpu.memref_slice %arg3[%min3A_55, %dma_start3A_76] : memref<100001x64xbf16, #tpu.memory_space<hbm>> -> memref<640x64xbf16, #tpu.memory_space<hbm>>
      tpu.enqueue_dma source(%arg6 : memref<640x64xbf16, #tpu.memory_space<vmem>>) target(%dma_start3A_77 : memref<640x64xbf16, #tpu.memory_space<hbm>>) target_semaphore(%arg10 : memref<!tpu.dma_semaphore, #tpu.memory_space<semaphore_mem>>)
    } else {
    }
    %dma_wait3A = arith.constant 0 : i32
    %dma_wait3A_40 = arith.constant 0 : i32
    %dma_wait3A_41 = tpu.memref_slice %arg3[%dma_wait3A, %dma_wait3A_40] : memref<100001x64xbf16, #tpu.memory_space<hbm>> -> memref<640x64xbf16, #tpu.memory_space<hbm>>
    %dma_wait3A_42 = arith.constant 0 : i32
    %dma_wait3A_43 = arith.constant 0 : i32
    %dma_wait3A_44 = tpu.memref_slice %arg3[%dma_wait3A_42, %dma_wait3A_43] : memref<100001x64xbf16, #tpu.memory_space<hbm>> -> memref<640x64xbf16, #tpu.memory_space<hbm>>
    tpu.wait_dma2 semaphore(%arg10 : memref<!tpu.dma_semaphore, #tpu.memory_space<semaphore_mem>>) src(%arg6 : memref<640x64xbf16, #tpu.memory_space<vmem>>) dst(%dma_wait3A_44 : memref<640x64xbf16, #tpu.memory_space<hbm>>)
    %dma_wait3A_45 = arith.constant 0 : i32
    %dma_wait3A_46 = arith.constant 0 : i32
    %dma_wait3A_47 = tpu.memref_slice %arg3[%dma_wait3A_45, %dma_wait3A_46] : memref<100001x64xbf16, #tpu.memory_space<hbm>> -> memref<640x64xbf16, #tpu.memory_space<hbm>>
    %dma_wait3A_48 = arith.constant 0 : i32
    %dma_wait3A_49 = arith.constant 0 : i32
    %dma_wait3A_50 = tpu.memref_slice %arg3[%dma_wait3A_48, %dma_wait3A_49] : memref<100001x64xbf16, #tpu.memory_space<hbm>> -> memref<640x64xbf16, #tpu.memory_space<hbm>>
    tpu.wait_dma2 semaphore(%arg11 : memref<!tpu.dma_semaphore, #tpu.memory_space<semaphore_mem>>) src(%arg7 : memref<640x64xbf16, #tpu.memory_space<vmem>>) dst(%dma_wait3A_50 : memref<640x64xbf16, #tpu.memory_space<hbm>>)
    return
  }
}

#map = affine_map<(d0, d1) -> (0, 0)>
module attributes {stable_mosaic.version = 14 : i64} {
  func.func @sc_kernel(%arg0: i32, %arg1: i32, %arg2: memref<100001x64xbf16, #tpu.memory_space<hbm>>, %arg3: memref<16384x200xi32, #tpu.memory_space<hbm>>, %arg4: memref<16384x64xf32, #tpu.memory_space<hbm>>, %arg5: memref<2x8x200xi32, #tpu.memory_space<vmem>>, %arg6: memref<1600x64xbf16, #tpu.memory_space<vmem>>, %arg7: memref<1600x64xbf16, #tpu.memory_space<vmem>>, %arg8: memref<2x8x64xf32, #tpu.memory_space<vmem>>, %arg9: memref<!tpu.dma_semaphore, #tpu.memory_space<semaphore_mem>>, %arg10: memref<!tpu.dma_semaphore, #tpu.memory_space<semaphore_mem>>, %arg11: memref<!tpu.dma_semaphore, #tpu.memory_space<semaphore_mem>>, %arg12: memref<!tpu.dma_semaphore, #tpu.memory_space<semaphore_mem>>, %arg13: memref<!tpu.dma_semaphore, #tpu.memory_space<semaphore_mem>>, %arg14: memref<!tpu.dma_semaphore, #tpu.memory_space<semaphore_mem>>) attributes {dimension_semantics = [#tpu.dimension_semantics<core_parallel>, #tpu.dimension_semantics<subcore_parallel>], iteration_bounds = array<i64: 2, 16>, scalar_prefetch = 0 : i64, scratch_operands = 10 : i64, tpu.core_type = #tpu.core_type<sc_vector_subcore>, window_params = [{transform_indices = #map}, {transform_indices = #map}, {transform_indices = #map}]} {
    %mul3A = arith.constant 2 : i32
    %mul3A_0 = arith.muli %arg1, %mul3A : i32
    %add3A = arith.addi %mul3A_0, %arg0 : i32
    %mul3A_1 = arith.constant 512 : i32
    %mul3A_2 = arith.muli %add3A, %mul3A_1 : i32
    %add3A_3 = arith.constant 0 : i32
    %add3A_4 = arith.addi %mul3A_2, %add3A_3 : i32
    %dma_start3A = arith.constant 0 : i32
    %dma_start3A_5 = arith.constant 0 : i32
    %dma_start3A_6 = arith.constant 0 : i32
    %dma_start3A_7 = tpu.memref_slice %arg5[%dma_start3A, %dma_start3A_5, %dma_start3A_6] : memref<2x8x200xi32, #tpu.memory_space<vmem>> -> memref<1x8x200xi32, #tpu.memory_space<vmem>>
    %dma_start3A_8 = tpu.memref_squeeze %dma_start3A_7 : memref<1x8x200xi32, #tpu.memory_space<vmem>> -> memref<8x200xi32, #tpu.memory_space<vmem>>
    %dma_start3A_9 = arith.constant 0 : i32
    %dma_start3A_10 = tpu.memref_slice %arg3[%add3A_4, %dma_start3A_9] : memref<16384x200xi32, #tpu.memory_space<hbm>> -> memref<8x200xi32, #tpu.memory_space<hbm>>
    %dma_start3A_11 = arith.constant 0 : i32
    %dma_start3A_12 = arith.constant 0 : i32
    %dma_start3A_13 = tpu.memref_slice %arg5[%dma_start3A, %dma_start3A_11, %dma_start3A_12] : memref<2x8x200xi32, #tpu.memory_space<vmem>> -> memref<1x8x200xi32, #tpu.memory_space<vmem>>
    %dma_start3A_14 = tpu.memref_squeeze %dma_start3A_13 : memref<1x8x200xi32, #tpu.memory_space<vmem>> -> memref<8x200xi32, #tpu.memory_space<vmem>>
    %dma_start3A_15 = arith.constant 0 : i32
    %dma_start3A_16 = tpu.memref_slice %arg3[%add3A_4, %dma_start3A_15] : memref<16384x200xi32, #tpu.memory_space<hbm>> -> memref<8x200xi32, #tpu.memory_space<hbm>>
    tpu.enqueue_dma source(%dma_start3A_16 : memref<8x200xi32, #tpu.memory_space<hbm>>) target(%dma_start3A_14 : memref<8x200xi32, #tpu.memory_space<vmem>>) target_semaphore(%arg9 : memref<!tpu.dma_semaphore, #tpu.memory_space<semaphore_mem>>)
    %dma_wait3A = arith.constant 0 : i32
    %dma_wait3A_17 = arith.constant 0 : i32
    %dma_wait3A_18 = arith.constant 0 : i32
    %dma_wait3A_19 = tpu.memref_slice %arg5[%dma_wait3A, %dma_wait3A_17, %dma_wait3A_18] : memref<2x8x200xi32, #tpu.memory_space<vmem>> -> memref<1x8x200xi32, #tpu.memory_space<vmem>>
    %dma_wait3A_20 = tpu.memref_squeeze %dma_wait3A_19 : memref<1x8x200xi32, #tpu.memory_space<vmem>> -> memref<8x200xi32, #tpu.memory_space<vmem>>
    %dma_wait3A_21 = arith.constant 0 : i32
    %dma_wait3A_22 = tpu.memref_slice %arg3[%mul3A_2, %dma_wait3A_21] : memref<16384x200xi32, #tpu.memory_space<hbm>> -> memref<8x200xi32, #tpu.memory_space<hbm>>
    %dma_wait3A_23 = arith.constant 0 : i32
    %dma_wait3A_24 = arith.constant 0 : i32
    %dma_wait3A_25 = tpu.memref_slice %arg5[%dma_wait3A, %dma_wait3A_23, %dma_wait3A_24] : memref<2x8x200xi32, #tpu.memory_space<vmem>> -> memref<1x8x200xi32, #tpu.memory_space<vmem>>
    %dma_wait3A_26 = tpu.memref_squeeze %dma_wait3A_25 : memref<1x8x200xi32, #tpu.memory_space<vmem>> -> memref<8x200xi32, #tpu.memory_space<vmem>>
    %dma_wait3A_27 = arith.constant 0 : i32
    %dma_wait3A_28 = tpu.memref_slice %arg3[%mul3A_2, %dma_wait3A_27] : memref<16384x200xi32, #tpu.memory_space<hbm>> -> memref<8x200xi32, #tpu.memory_space<hbm>>
    tpu.wait_dma2 semaphore(%arg9 : memref<!tpu.dma_semaphore, #tpu.memory_space<semaphore_mem>>) src(%dma_wait3A_28 : memref<8x200xi32, #tpu.memory_space<hbm>>) dst(%dma_wait3A_26 : memref<8x200xi32, #tpu.memory_space<vmem>>)
    %dma_start3A_29 = arith.constant 0 : i32
    %dma_start3A_30 = arith.constant 0 : i32
    %dma_start3A_31 = arith.constant 0 : i32
    %dma_start3A_32 = arith.constant 0 : i32
    %dma_start3A_33 = tpu.memref_slice %arg6[%dma_start3A_31, %dma_start3A_32] : memref<1600x64xbf16, #tpu.memory_space<vmem>> -> memref<128x64xbf16, #tpu.memory_space<vmem>>
    %dma_start3A_34 = arith.constant 0 : i32
    %dma_start3A_35 = tpu.memref_slice %arg5[%dma_start3A_29, %dma_start3A_30, %dma_start3A_34] : memref<2x8x200xi32, #tpu.memory_space<vmem>> -> memref<1x1x128xi32, #tpu.memory_space<vmem>>
    %dma_start3A_36 = tpu.memref_squeeze %dma_start3A_35 : memref<1x1x128xi32, #tpu.memory_space<vmem>> -> memref<128xi32, #tpu.memory_space<vmem>>
    %dma_start3A_37 = arith.constant 0 : i32
    %dma_start3A_38 = arith.constant 0 : i32
    %dma_start3A_39 = tpu.memref_slice %arg2[%dma_start3A_37, %dma_start3A_38] : memref<100001x64xbf16, #tpu.memory_space<hbm>> -> memref<100001x64xbf16, #tpu.memory_space<hbm>>
    tpu.enqueue_indirect_dma source(%dma_start3A_39 : memref<100001x64xbf16, #tpu.memory_space<hbm>>) target(%dma_start3A_33 : memref<128x64xbf16, #tpu.memory_space<vmem>>) offsets(%dma_start3A_36 : memref<128xi32, #tpu.memory_space<vmem>>) semaphore(%arg11 : memref<!tpu.dma_semaphore, #tpu.memory_space<semaphore_mem>>)
    %dma_start3A_40 = arith.constant 0 : i32
    %dma_start3A_41 = arith.constant 0 : i32
    %dma_start3A_42 = arith.constant 128 : i32
    %dma_start3A_43 = arith.constant 0 : i32
    %dma_start3A_44 = tpu.memref_slice %arg6[%dma_start3A_42, %dma_start3A_43] : memref<1600x64xbf16, #tpu.memory_space<vmem>> -> memref<72x64xbf16, #tpu.memory_space<vmem>>
    %dma_start3A_45 = arith.constant 128 : i32
    %dma_start3A_46 = tpu.memref_slice %arg5[%dma_start3A_40, %dma_start3A_41, %dma_start3A_45] : memref<2x8x200xi32, #tpu.memory_space<vmem>> -> memref<1x1x72xi32, #tpu.memory_space<vmem>>
    %dma_start3A_47 = tpu.memref_squeeze %dma_start3A_46 : memref<1x1x72xi32, #tpu.memory_space<vmem>> -> memref<72xi32, #tpu.memory_space<vmem>>
    %dma_start3A_48 = arith.constant 0 : i32
    %dma_start3A_49 = arith.constant 0 : i32
    %dma_start3A_50 = tpu.memref_slice %arg2[%dma_start3A_48, %dma_start3A_49] : memref<100001x64xbf16, #tpu.memory_space<hbm>> -> memref<100001x64xbf16, #tpu.memory_space<hbm>>
    tpu.enqueue_indirect_dma source(%dma_start3A_50 : memref<100001x64xbf16, #tpu.memory_space<hbm>>) target(%dma_start3A_44 : memref<72x64xbf16, #tpu.memory_space<vmem>>) offsets(%dma_start3A_47 : memref<72xi32, #tpu.memory_space<vmem>>) semaphore(%arg11 : memref<!tpu.dma_semaphore, #tpu.memory_space<semaphore_mem>>)
    %dma_start3A_51 = arith.constant 0 : i32
    %dma_start3A_52 = arith.constant 1 : i32
    %dma_start3A_53 = arith.constant 200 : i32
    %dma_start3A_54 = arith.constant 0 : i32
    %dma_start3A_55 = tpu.memref_slice %arg6[%dma_start3A_53, %dma_start3A_54] : memref<1600x64xbf16, #tpu.memory_space<vmem>> -> memref<128x64xbf16, #tpu.memory_space<vmem>>
    %dma_start3A_56 = arith.constant 0 : i32
    %dma_start3A_57 = tpu.memref_slice %arg5[%dma_start3A_51, %dma_start3A_52, %dma_start3A_56] : memref<2x8x200xi32, #tpu.memory_space<vmem>> -> memref<1x1x128xi32, #tpu.memory_space<vmem>>
    %dma_start3A_58 = tpu.memref_squeeze %dma_start3A_57 : memref<1x1x128xi32, #tpu.memory_space<vmem>> -> memref<128xi32, #tpu.memory_space<vmem>>
    %dma_start3A_59 = arith.constant 0 : i32
    %dma_start3A_60 = arith.constant 0 : i32
    %dma_start3A_61 = tpu.memref_slice %arg2[%dma_start3A_59, %dma_start3A_60] : memref<100001x64xbf16, #tpu.memory_space<hbm>> -> memref<100001x64xbf16, #tpu.memory_space<hbm>>
    tpu.enqueue_indirect_dma source(%dma_start3A_61 : memref<100001x64xbf16, #tpu.memory_space<hbm>>) target(%dma_start3A_55 : memref<128x64xbf16, #tpu.memory_space<vmem>>) offsets(%dma_start3A_58 : memref<128xi32, #tpu.memory_space<vmem>>) semaphore(%arg11 : memref<!tpu.dma_semaphore, #tpu.memory_space<semaphore_mem>>)
    %dma_start3A_62 = arith.constant 0 : i32
    %dma_start3A_63 = arith.constant 1 : i32
    %dma_start3A_64 = arith.constant 328 : i32
    %dma_start3A_65 = arith.constant 0 : i32
    %dma_start3A_66 = tpu.memref_slice %arg6[%dma_start3A_64, %dma_start3A_65] : memref<1600x64xbf16, #tpu.memory_space<vmem>> -> memref<72x64xbf16, #tpu.memory_space<vmem>>
    %dma_start3A_67 = arith.constant 128 : i32
    %dma_start3A_68 = tpu.memref_slice %arg5[%dma_start3A_62, %dma_start3A_63, %dma_start3A_67] : memref<2x8x200xi32, #tpu.memory_space<vmem>> -> memref<1x1x72xi32, #tpu.memory_space<vmem>>
    %dma_start3A_69 = tpu.memref_squeeze %dma_start3A_68 : memref<1x1x72xi32, #tpu.memory_space<vmem>> -> memref<72xi32, #tpu.memory_space<vmem>>
    %dma_start3A_70 = arith.constant 0 : i32
    %dma_start3A_71 = arith.constant 0 : i32
    %dma_start3A_72 = tpu.memref_slice %arg2[%dma_start3A_70, %dma_start3A_71] : memref<100001x64xbf16, #tpu.memory_space<hbm>> -> memref<100001x64xbf16, #tpu.memory_space<hbm>>
    tpu.enqueue_indirect_dma source(%dma_start3A_72 : memref<100001x64xbf16, #tpu.memory_space<hbm>>) target(%dma_start3A_66 : memref<72x64xbf16, #tpu.memory_space<vmem>>) offsets(%dma_start3A_69 : memref<72xi32, #tpu.memory_space<vmem>>) semaphore(%arg11 : memref<!tpu.dma_semaphore, #tpu.memory_space<semaphore_mem>>)
    %dma_start3A_73 = arith.constant 0 : i32
    %dma_start3A_74 = arith.constant 2 : i32
    %dma_start3A_75 = arith.constant 400 : i32
    %dma_start3A_76 = arith.constant 0 : i32
    %dma_start3A_77 = tpu.memref_slice %arg6[%dma_start3A_75, %dma_start3A_76] : memref<1600x64xbf16, #tpu.memory_space<vmem>> -> memref<128x64xbf16, #tpu.memory_space<vmem>>
    %dma_start3A_78 = arith.constant 0 : i32
    %dma_start3A_79 = tpu.memref_slice %arg5[%dma_start3A_73, %dma_start3A_74, %dma_start3A_78] : memref<2x8x200xi32, #tpu.memory_space<vmem>> -> memref<1x1x128xi32, #tpu.memory_space<vmem>>
    %dma_start3A_80 = tpu.memref_squeeze %dma_start3A_79 : memref<1x1x128xi32, #tpu.memory_space<vmem>> -> memref<128xi32, #tpu.memory_space<vmem>>
    %dma_start3A_81 = arith.constant 0 : i32
    %dma_start3A_82 = arith.constant 0 : i32
    %dma_start3A_83 = tpu.memref_slice %arg2[%dma_start3A_81, %dma_start3A_82] : memref<100001x64xbf16, #tpu.memory_space<hbm>> -> memref<100001x64xbf16, #tpu.memory_space<hbm>>
    tpu.enqueue_indirect_dma source(%dma_start3A_83 : memref<100001x64xbf16, #tpu.memory_space<hbm>>) target(%dma_start3A_77 : memref<128x64xbf16, #tpu.memory_space<vmem>>) offsets(%dma_start3A_80 : memref<128xi32, #tpu.memory_space<vmem>>) semaphore(%arg11 : memref<!tpu.dma_semaphore, #tpu.memory_space<semaphore_mem>>)
    %dma_start3A_84 = arith.constant 0 : i32
    %dma_start3A_85 = arith.constant 2 : i32
    %dma_start3A_86 = arith.constant 528 : i32
    %dma_start3A_87 = arith.constant 0 : i32
    %dma_start3A_88 = tpu.memref_slice %arg6[%dma_start3A_86, %dma_start3A_87] : memref<1600x64xbf16, #tpu.memory_space<vmem>> -> memref<72x64xbf16, #tpu.memory_space<vmem>>
    %dma_start3A_89 = arith.constant 128 : i32
    %dma_start3A_90 = tpu.memref_slice %arg5[%dma_start3A_84, %dma_start3A_85, %dma_start3A_89] : memref<2x8x200xi32, #tpu.memory_space<vmem>> -> memref<1x1x72xi32, #tpu.memory_space<vmem>>
    %dma_start3A_91 = tpu.memref_squeeze %dma_start3A_90 : memref<1x1x72xi32, #tpu.memory_space<vmem>> -> memref<72xi32, #tpu.memory_space<vmem>>
    %dma_start3A_92 = arith.constant 0 : i32
    %dma_start3A_93 = arith.constant 0 : i32
    %dma_start3A_94 = tpu.memref_slice %arg2[%dma_start3A_92, %dma_start3A_93] : memref<100001x64xbf16, #tpu.memory_space<hbm>> -> memref<100001x64xbf16, #tpu.memory_space<hbm>>
    tpu.enqueue_indirect_dma source(%dma_start3A_94 : memref<100001x64xbf16, #tpu.memory_space<hbm>>) target(%dma_start3A_88 : memref<72x64xbf16, #tpu.memory_space<vmem>>) offsets(%dma_start3A_91 : memref<72xi32, #tpu.memory_space<vmem>>) semaphore(%arg11 : memref<!tpu.dma_semaphore, #tpu.memory_space<semaphore_mem>>)
    %dma_start3A_95 = arith.constant 0 : i32
    %dma_start3A_96 = arith.constant 3 : i32
    %dma_start3A_97 = arith.constant 600 : i32
    %dma_start3A_98 = arith.constant 0 : i32
    %dma_start3A_99 = tpu.memref_slice %arg6[%dma_start3A_97, %dma_start3A_98] : memref<1600x64xbf16, #tpu.memory_space<vmem>> -> memref<128x64xbf16, #tpu.memory_space<vmem>>
    %dma_start3A_100 = arith.constant 0 : i32
    %dma_start3A_101 = tpu.memref_slice %arg5[%dma_start3A_95, %dma_start3A_96, %dma_start3A_100] : memref<2x8x200xi32, #tpu.memory_space<vmem>> -> memref<1x1x128xi32, #tpu.memory_space<vmem>>
    %dma_start3A_102 = tpu.memref_squeeze %dma_start3A_101 : memref<1x1x128xi32, #tpu.memory_space<vmem>> -> memref<128xi32, #tpu.memory_space<vmem>>
    %dma_start3A_103 = arith.constant 0 : i32
    %dma_start3A_104 = arith.constant 0 : i32
    %dma_start3A_105 = tpu.memref_slice %arg2[%dma_start3A_103, %dma_start3A_104] : memref<100001x64xbf16, #tpu.memory_space<hbm>> -> memref<100001x64xbf16, #tpu.memory_space<hbm>>
    tpu.enqueue_indirect_dma source(%dma_start3A_105 : memref<100001x64xbf16, #tpu.memory_space<hbm>>) target(%dma_start3A_99 : memref<128x64xbf16, #tpu.memory_space<vmem>>) offsets(%dma_start3A_102 : memref<128xi32, #tpu.memory_space<vmem>>) semaphore(%arg11 : memref<!tpu.dma_semaphore, #tpu.memory_space<semaphore_mem>>)
    %dma_start3A_106 = arith.constant 0 : i32
    %dma_start3A_107 = arith.constant 3 : i32
    %dma_start3A_108 = arith.constant 728 : i32
    %dma_start3A_109 = arith.constant 0 : i32
    %dma_start3A_110 = tpu.memref_slice %arg6[%dma_start3A_108, %dma_start3A_109] : memref<1600x64xbf16, #tpu.memory_space<vmem>> -> memref<72x64xbf16, #tpu.memory_space<vmem>>
    %dma_start3A_111 = arith.constant 128 : i32
    %dma_start3A_112 = tpu.memref_slice %arg5[%dma_start3A_106, %dma_start3A_107, %dma_start3A_111] : memref<2x8x200xi32, #tpu.memory_space<vmem>> -> memref<1x1x72xi32, #tpu.memory_space<vmem>>
    %dma_start3A_113 = tpu.memref_squeeze %dma_start3A_112 : memref<1x1x72xi32, #tpu.memory_space<vmem>> -> memref<72xi32, #tpu.memory_space<vmem>>
    %dma_start3A_114 = arith.constant 0 : i32
    %dma_start3A_115 = arith.constant 0 : i32
    %dma_start3A_116 = tpu.memref_slice %arg2[%dma_start3A_114, %dma_start3A_115] : memref<100001x64xbf16, #tpu.memory_space<hbm>> -> memref<100001x64xbf16, #tpu.memory_space<hbm>>
    tpu.enqueue_indirect_dma source(%dma_start3A_116 : memref<100001x64xbf16, #tpu.memory_space<hbm>>) target(%dma_start3A_110 : memref<72x64xbf16, #tpu.memory_space<vmem>>) offsets(%dma_start3A_113 : memref<72xi32, #tpu.memory_space<vmem>>) semaphore(%arg11 : memref<!tpu.dma_semaphore, #tpu.memory_space<semaphore_mem>>)
    %dma_start3A_117 = arith.constant 0 : i32
    %dma_start3A_118 = arith.constant 4 : i32
    %dma_start3A_119 = arith.constant 800 : i32
    %dma_start3A_120 = arith.constant 0 : i32
    %dma_start3A_121 = tpu.memref_slice %arg6[%dma_start3A_119, %dma_start3A_120] : memref<1600x64xbf16, #tpu.memory_space<vmem>> -> memref<128x64xbf16, #tpu.memory_space<vmem>>
    %dma_start3A_122 = arith.constant 0 : i32
    %dma_start3A_123 = tpu.memref_slice %arg5[%dma_start3A_117, %dma_start3A_118, %dma_start3A_122] : memref<2x8x200xi32, #tpu.memory_space<vmem>> -> memref<1x1x128xi32, #tpu.memory_space<vmem>>
    %dma_start3A_124 = tpu.memref_squeeze %dma_start3A_123 : memref<1x1x128xi32, #tpu.memory_space<vmem>> -> memref<128xi32, #tpu.memory_space<vmem>>
    %dma_start3A_125 = arith.constant 0 : i32
    %dma_start3A_126 = arith.constant 0 : i32
    %dma_start3A_127 = tpu.memref_slice %arg2[%dma_start3A_125, %dma_start3A_126] : memref<100001x64xbf16, #tpu.memory_space<hbm>> -> memref<100001x64xbf16, #tpu.memory_space<hbm>>
    tpu.enqueue_indirect_dma source(%dma_start3A_127 : memref<100001x64xbf16, #tpu.memory_space<hbm>>) target(%dma_start3A_121 : memref<128x64xbf16, #tpu.memory_space<vmem>>) offsets(%dma_start3A_124 : memref<128xi32, #tpu.memory_space<vmem>>) semaphore(%arg11 : memref<!tpu.dma_semaphore, #tpu.memory_space<semaphore_mem>>)
    %dma_start3A_128 = arith.constant 0 : i32
    %dma_start3A_129 = arith.constant 4 : i32
    %dma_start3A_130 = arith.constant 928 : i32
    %dma_start3A_131 = arith.constant 0 : i32
    %dma_start3A_132 = tpu.memref_slice %arg6[%dma_start3A_130, %dma_start3A_131] : memref<1600x64xbf16, #tpu.memory_space<vmem>> -> memref<72x64xbf16, #tpu.memory_space<vmem>>
    %dma_start3A_133 = arith.constant 128 : i32
    %dma_start3A_134 = tpu.memref_slice %arg5[%dma_start3A_128, %dma_start3A_129, %dma_start3A_133] : memref<2x8x200xi32, #tpu.memory_space<vmem>> -> memref<1x1x72xi32, #tpu.memory_space<vmem>>
    %dma_start3A_135 = tpu.memref_squeeze %dma_start3A_134 : memref<1x1x72xi32, #tpu.memory_space<vmem>> -> memref<72xi32, #tpu.memory_space<vmem>>
    %dma_start3A_136 = arith.constant 0 : i32
    %dma_start3A_137 = arith.constant 0 : i32
    %dma_start3A_138 = tpu.memref_slice %arg2[%dma_start3A_136, %dma_start3A_137] : memref<100001x64xbf16, #tpu.memory_space<hbm>> -> memref<100001x64xbf16, #tpu.memory_space<hbm>>
    tpu.enqueue_indirect_dma source(%dma_start3A_138 : memref<100001x64xbf16, #tpu.memory_space<hbm>>) target(%dma_start3A_132 : memref<72x64xbf16, #tpu.memory_space<vmem>>) offsets(%dma_start3A_135 : memref<72xi32, #tpu.memory_space<vmem>>) semaphore(%arg11 : memref<!tpu.dma_semaphore, #tpu.memory_space<semaphore_mem>>)
    %dma_start3A_139 = arith.constant 0 : i32
    %dma_start3A_140 = arith.constant 5 : i32
    %dma_start3A_141 = arith.constant 1000 : i32
    %dma_start3A_142 = arith.constant 0 : i32
    %dma_start3A_143 = tpu.memref_slice %arg6[%dma_start3A_141, %dma_start3A_142] : memref<1600x64xbf16, #tpu.memory_space<vmem>> -> memref<128x64xbf16, #tpu.memory_space<vmem>>
    %dma_start3A_144 = arith.constant 0 : i32
    %dma_start3A_145 = tpu.memref_slice %arg5[%dma_start3A_139, %dma_start3A_140, %dma_start3A_144] : memref<2x8x200xi32, #tpu.memory_space<vmem>> -> memref<1x1x128xi32, #tpu.memory_space<vmem>>
    %dma_start3A_146 = tpu.memref_squeeze %dma_start3A_145 : memref<1x1x128xi32, #tpu.memory_space<vmem>> -> memref<128xi32, #tpu.memory_space<vmem>>
    %dma_start3A_147 = arith.constant 0 : i32
    %dma_start3A_148 = arith.constant 0 : i32
    %dma_start3A_149 = tpu.memref_slice %arg2[%dma_start3A_147, %dma_start3A_148] : memref<100001x64xbf16, #tpu.memory_space<hbm>> -> memref<100001x64xbf16, #tpu.memory_space<hbm>>
    tpu.enqueue_indirect_dma source(%dma_start3A_149 : memref<100001x64xbf16, #tpu.memory_space<hbm>>) target(%dma_start3A_143 : memref<128x64xbf16, #tpu.memory_space<vmem>>) offsets(%dma_start3A_146 : memref<128xi32, #tpu.memory_space<vmem>>) semaphore(%arg11 : memref<!tpu.dma_semaphore, #tpu.memory_space<semaphore_mem>>)
    %dma_start3A_150 = arith.constant 0 : i32
    %dma_start3A_151 = arith.constant 5 : i32
    %dma_start3A_152 = arith.constant 1128 : i32
    %dma_start3A_153 = arith.constant 0 : i32
    %dma_start3A_154 = tpu.memref_slice %arg6[%dma_start3A_152, %dma_start3A_153] : memref<1600x64xbf16, #tpu.memory_space<vmem>> -> memref<72x64xbf16, #tpu.memory_space<vmem>>
    %dma_start3A_155 = arith.constant 128 : i32
    %dma_start3A_156 = tpu.memref_slice %arg5[%dma_start3A_150, %dma_start3A_151, %dma_start3A_155] : memref<2x8x200xi32, #tpu.memory_space<vmem>> -> memref<1x1x72xi32, #tpu.memory_space<vmem>>
    %dma_start3A_157 = tpu.memref_squeeze %dma_start3A_156 : memref<1x1x72xi32, #tpu.memory_space<vmem>> -> memref<72xi32, #tpu.memory_space<vmem>>
    %dma_start3A_158 = arith.constant 0 : i32
    %dma_start3A_159 = arith.constant 0 : i32
    %dma_start3A_160 = tpu.memref_slice %arg2[%dma_start3A_158, %dma_start3A_159] : memref<100001x64xbf16, #tpu.memory_space<hbm>> -> memref<100001x64xbf16, #tpu.memory_space<hbm>>
    tpu.enqueue_indirect_dma source(%dma_start3A_160 : memref<100001x64xbf16, #tpu.memory_space<hbm>>) target(%dma_start3A_154 : memref<72x64xbf16, #tpu.memory_space<vmem>>) offsets(%dma_start3A_157 : memref<72xi32, #tpu.memory_space<vmem>>) semaphore(%arg11 : memref<!tpu.dma_semaphore, #tpu.memory_space<semaphore_mem>>)
    %dma_start3A_161 = arith.constant 0 : i32
    %dma_start3A_162 = arith.constant 6 : i32
    %dma_start3A_163 = arith.constant 1200 : i32
    %dma_start3A_164 = arith.constant 0 : i32
    %dma_start3A_165 = tpu.memref_slice %arg6[%dma_start3A_163, %dma_start3A_164] : memref<1600x64xbf16, #tpu.memory_space<vmem>> -> memref<128x64xbf16, #tpu.memory_space<vmem>>
    %dma_start3A_166 = arith.constant 0 : i32
    %dma_start3A_167 = tpu.memref_slice %arg5[%dma_start3A_161, %dma_start3A_162, %dma_start3A_166] : memref<2x8x200xi32, #tpu.memory_space<vmem>> -> memref<1x1x128xi32, #tpu.memory_space<vmem>>
    %dma_start3A_168 = tpu.memref_squeeze %dma_start3A_167 : memref<1x1x128xi32, #tpu.memory_space<vmem>> -> memref<128xi32, #tpu.memory_space<vmem>>
    %dma_start3A_169 = arith.constant 0 : i32
    %dma_start3A_170 = arith.constant 0 : i32
    %dma_start3A_171 = tpu.memref_slice %arg2[%dma_start3A_169, %dma_start3A_170] : memref<100001x64xbf16, #tpu.memory_space<hbm>> -> memref<100001x64xbf16, #tpu.memory_space<hbm>>
    tpu.enqueue_indirect_dma source(%dma_start3A_171 : memref<100001x64xbf16, #tpu.memory_space<hbm>>) target(%dma_start3A_165 : memref<128x64xbf16, #tpu.memory_space<vmem>>) offsets(%dma_start3A_168 : memref<128xi32, #tpu.memory_space<vmem>>) semaphore(%arg11 : memref<!tpu.dma_semaphore, #tpu.memory_space<semaphore_mem>>)
    %dma_start3A_172 = arith.constant 0 : i32
    %dma_start3A_173 = arith.constant 6 : i32
    %dma_start3A_174 = arith.constant 1328 : i32
    %dma_start3A_175 = arith.constant 0 : i32
    %dma_start3A_176 = tpu.memref_slice %arg6[%dma_start3A_174, %dma_start3A_175] : memref<1600x64xbf16, #tpu.memory_space<vmem>> -> memref<72x64xbf16, #tpu.memory_space<vmem>>
    %dma_start3A_177 = arith.constant 128 : i32
    %dma_start3A_178 = tpu.memref_slice %arg5[%dma_start3A_172, %dma_start3A_173, %dma_start3A_177] : memref<2x8x200xi32, #tpu.memory_space<vmem>> -> memref<1x1x72xi32, #tpu.memory_space<vmem>>
    %dma_start3A_179 = tpu.memref_squeeze %dma_start3A_178 : memref<1x1x72xi32, #tpu.memory_space<vmem>> -> memref<72xi32, #tpu.memory_space<vmem>>
    %dma_start3A_180 = arith.constant 0 : i32
    %dma_start3A_181 = arith.constant 0 : i32
    %dma_start3A_182 = tpu.memref_slice %arg2[%dma_start3A_180, %dma_start3A_181] : memref<100001x64xbf16, #tpu.memory_space<hbm>> -> memref<100001x64xbf16, #tpu.memory_space<hbm>>
    tpu.enqueue_indirect_dma source(%dma_start3A_182 : memref<100001x64xbf16, #tpu.memory_space<hbm>>) target(%dma_start3A_176 : memref<72x64xbf16, #tpu.memory_space<vmem>>) offsets(%dma_start3A_179 : memref<72xi32, #tpu.memory_space<vmem>>) semaphore(%arg11 : memref<!tpu.dma_semaphore, #tpu.memory_space<semaphore_mem>>)
    %dma_start3A_183 = arith.constant 0 : i32
    %dma_start3A_184 = arith.constant 7 : i32
    %dma_start3A_185 = arith.constant 1400 : i32
    %dma_start3A_186 = arith.constant 0 : i32
    %dma_start3A_187 = tpu.memref_slice %arg6[%dma_start3A_185, %dma_start3A_186] : memref<1600x64xbf16, #tpu.memory_space<vmem>> -> memref<128x64xbf16, #tpu.memory_space<vmem>>
    %dma_start3A_188 = arith.constant 0 : i32
    %dma_start3A_189 = tpu.memref_slice %arg5[%dma_start3A_183, %dma_start3A_184, %dma_start3A_188] : memref<2x8x200xi32, #tpu.memory_space<vmem>> -> memref<1x1x128xi32, #tpu.memory_space<vmem>>
    %dma_start3A_190 = tpu.memref_squeeze %dma_start3A_189 : memref<1x1x128xi32, #tpu.memory_space<vmem>> -> memref<128xi32, #tpu.memory_space<vmem>>
    %dma_start3A_191 = arith.constant 0 : i32
    %dma_start3A_192 = arith.constant 0 : i32
    %dma_start3A_193 = tpu.memref_slice %arg2[%dma_start3A_191, %dma_start3A_192] : memref<100001x64xbf16, #tpu.memory_space<hbm>> -> memref<100001x64xbf16, #tpu.memory_space<hbm>>
    tpu.enqueue_indirect_dma source(%dma_start3A_193 : memref<100001x64xbf16, #tpu.memory_space<hbm>>) target(%dma_start3A_187 : memref<128x64xbf16, #tpu.memory_space<vmem>>) offsets(%dma_start3A_190 : memref<128xi32, #tpu.memory_space<vmem>>) semaphore(%arg11 : memref<!tpu.dma_semaphore, #tpu.memory_space<semaphore_mem>>)
    %dma_start3A_194 = arith.constant 0 : i32
    %dma_start3A_195 = arith.constant 7 : i32
    %dma_start3A_196 = arith.constant 1528 : i32
    %dma_start3A_197 = arith.constant 0 : i32
    %dma_start3A_198 = tpu.memref_slice %arg6[%dma_start3A_196, %dma_start3A_197] : memref<1600x64xbf16, #tpu.memory_space<vmem>> -> memref<72x64xbf16, #tpu.memory_space<vmem>>
    %dma_start3A_199 = arith.constant 128 : i32
    %dma_start3A_200 = tpu.memref_slice %arg5[%dma_start3A_194, %dma_start3A_195, %dma_start3A_199] : memref<2x8x200xi32, #tpu.memory_space<vmem>> -> memref<1x1x72xi32, #tpu.memory_space<vmem>>
    %dma_start3A_201 = tpu.memref_squeeze %dma_start3A_200 : memref<1x1x72xi32, #tpu.memory_space<vmem>> -> memref<72xi32, #tpu.memory_space<vmem>>
    %dma_start3A_202 = arith.constant 0 : i32
    %dma_start3A_203 = arith.constant 0 : i32
    %dma_start3A_204 = tpu.memref_slice %arg2[%dma_start3A_202, %dma_start3A_203] : memref<100001x64xbf16, #tpu.memory_space<hbm>> -> memref<100001x64xbf16, #tpu.memory_space<hbm>>
    tpu.enqueue_indirect_dma source(%dma_start3A_204 : memref<100001x64xbf16, #tpu.memory_space<hbm>>) target(%dma_start3A_198 : memref<72x64xbf16, #tpu.memory_space<vmem>>) offsets(%dma_start3A_201 : memref<72xi32, #tpu.memory_space<vmem>>) semaphore(%arg11 : memref<!tpu.dma_semaphore, #tpu.memory_space<semaphore_mem>>)
    %add3A_205 = arith.constant 8 : i32
    %add3A_206 = arith.addi %mul3A_2, %add3A_205 : i32
    %dma_start3A_207 = arith.constant 1 : i32
    %dma_start3A_208 = arith.constant 0 : i32
    %dma_start3A_209 = arith.constant 0 : i32
    %dma_start3A_210 = tpu.memref_slice %arg5[%dma_start3A_207, %dma_start3A_208, %dma_start3A_209] : memref<2x8x200xi32, #tpu.memory_space<vmem>> -> memref<1x8x200xi32, #tpu.memory_space<vmem>>
    %dma_start3A_211 = tpu.memref_squeeze %dma_start3A_210 : memref<1x8x200xi32, #tpu.memory_space<vmem>> -> memref<8x200xi32, #tpu.memory_space<vmem>>
    %dma_start3A_212 = arith.constant 0 : i32
    %dma_start3A_213 = tpu.memref_slice %arg3[%add3A_206, %dma_start3A_212] : memref<16384x200xi32, #tpu.memory_space<hbm>> -> memref<8x200xi32, #tpu.memory_space<hbm>>
    %dma_start3A_214 = arith.constant 0 : i32
    %dma_start3A_215 = arith.constant 0 : i32
    %dma_start3A_216 = tpu.memref_slice %arg5[%dma_start3A_207, %dma_start3A_214, %dma_start3A_215] : memref<2x8x200xi32, #tpu.memory_space<vmem>> -> memref<1x8x200xi32, #tpu.memory_space<vmem>>
    %dma_start3A_217 = tpu.memref_squeeze %dma_start3A_216 : memref<1x8x200xi32, #tpu.memory_space<vmem>> -> memref<8x200xi32, #tpu.memory_space<vmem>>
    %dma_start3A_218 = arith.constant 0 : i32
    %dma_start3A_219 = tpu.memref_slice %arg3[%add3A_206, %dma_start3A_218] : memref<16384x200xi32, #tpu.memory_space<hbm>> -> memref<8x200xi32, #tpu.memory_space<hbm>>
    tpu.enqueue_dma source(%dma_start3A_219 : memref<8x200xi32, #tpu.memory_space<hbm>>) target(%dma_start3A_217 : memref<8x200xi32, #tpu.memory_space<vmem>>) target_semaphore(%arg10 : memref<!tpu.dma_semaphore, #tpu.memory_space<semaphore_mem>>)
    %scan3A = arith.constant 0 : i32
    %scan3A_220 = arith.constant 32 : i32
    %scan3A_221 = arith.addi %scan3A, %scan3A_220 : i32
    %scan3A_222 = arith.constant 1 : i32
    scf.for %scan3A_250 = %scan3A to %scan3A_221 step %scan3A_222  : i32 {
      %mul3A_251 = arith.constant 2 : i32
      %mul3A_252 = arith.muli %scan3A_250, %mul3A_251 : i32
      %add3A_253 = arith.constant 0 : i32
      %add3A_254 = arith.addi %add3A_253, %mul3A_252 : i32
      %add3A_255 = arith.constant 0 : i32
      %add3A_256 = arith.addi %add3A_254, %add3A_255 : i32
      %add3A_257 = arith.constant 1 : i32
      %add3A_258 = arith.addi %add3A_256, %add3A_257 : i32
      %lt3A = arith.constant 64 : i32
      %lt3A_259 = arith.cmpi slt, %add3A_258, %lt3A : i32
      %convert_element_type3A = arith.extui %lt3A_259 : i1 to i32
      %cond3A = arith.constant 0 : i32
      %cond3A_260 = arith.cmpi ne, %convert_element_type3A, %cond3A : i32
      scf.if %cond3A_260 {
        %dma_wait3A_1075 = arith.constant 1 : i32
        %dma_wait3A_1076 = arith.constant 0 : i32
        %dma_wait3A_1077 = arith.constant 0 : i32
        %dma_wait3A_1078 = tpu.memref_slice %arg5[%dma_wait3A_1075, %dma_wait3A_1076, %dma_wait3A_1077] : memref<2x8x200xi32, #tpu.memory_space<vmem>> -> memref<1x8x200xi32, #tpu.memory_space<vmem>>
        %dma_wait3A_1079 = tpu.memref_squeeze %dma_wait3A_1078 : memref<1x8x200xi32, #tpu.memory_space<vmem>> -> memref<8x200xi32, #tpu.memory_space<vmem>>
        %dma_wait3A_1080 = arith.constant 0 : i32
        %dma_wait3A_1081 = tpu.memref_slice %arg3[%mul3A_2, %dma_wait3A_1080] : memref<16384x200xi32, #tpu.memory_space<hbm>> -> memref<8x200xi32, #tpu.memory_space<hbm>>
        %dma_wait3A_1082 = arith.constant 0 : i32
        %dma_wait3A_1083 = arith.constant 0 : i32
        %dma_wait3A_1084 = tpu.memref_slice %arg5[%dma_wait3A_1075, %dma_wait3A_1082, %dma_wait3A_1083] : memref<2x8x200xi32, #tpu.memory_space<vmem>> -> memref<1x8x200xi32, #tpu.memory_space<vmem>>
        %dma_wait3A_1085 = tpu.memref_squeeze %dma_wait3A_1084 : memref<1x8x200xi32, #tpu.memory_space<vmem>> -> memref<8x200xi32, #tpu.memory_space<vmem>>
        %dma_wait3A_1086 = arith.constant 0 : i32
        %dma_wait3A_1087 = tpu.memref_slice %arg3[%mul3A_2, %dma_wait3A_1086] : memref<16384x200xi32, #tpu.memory_space<hbm>> -> memref<8x200xi32, #tpu.memory_space<hbm>>
        tpu.wait_dma2 semaphore(%arg10 : memref<!tpu.dma_semaphore, #tpu.memory_space<semaphore_mem>>) src(%dma_wait3A_1087 : memref<8x200xi32, #tpu.memory_space<hbm>>) dst(%dma_wait3A_1085 : memref<8x200xi32, #tpu.memory_space<vmem>>)
        %dma_start3A_1088 = arith.constant 1 : i32
        %dma_start3A_1089 = arith.constant 0 : i32
        %dma_start3A_1090 = arith.constant 0 : i32
        %dma_start3A_1091 = arith.constant 0 : i32
        %dma_start3A_1092 = tpu.memref_slice %arg7[%dma_start3A_1090, %dma_start3A_1091] : memref<1600x64xbf16, #tpu.memory_space<vmem>> -> memref<128x64xbf16, #tpu.memory_space<vmem>>
        %dma_start3A_1093 = arith.constant 0 : i32
        %dma_start3A_1094 = tpu.memref_slice %arg5[%dma_start3A_1088, %dma_start3A_1089, %dma_start3A_1093] : memref<2x8x200xi32, #tpu.memory_space<vmem>> -> memref<1x1x128xi32, #tpu.memory_space<vmem>>
        %dma_start3A_1095 = tpu.memref_squeeze %dma_start3A_1094 : memref<1x1x128xi32, #tpu.memory_space<vmem>> -> memref<128xi32, #tpu.memory_space<vmem>>
        %dma_start3A_1096 = arith.constant 0 : i32
        %dma_start3A_1097 = arith.constant 0 : i32
        %dma_start3A_1098 = tpu.memref_slice %arg2[%dma_start3A_1096, %dma_start3A_1097] : memref<100001x64xbf16, #tpu.memory_space<hbm>> -> memref<100001x64xbf16, #tpu.memory_space<hbm>>
        tpu.enqueue_indirect_dma source(%dma_start3A_1098 : memref<100001x64xbf16, #tpu.memory_space<hbm>>) target(%dma_start3A_1092 : memref<128x64xbf16, #tpu.memory_space<vmem>>) offsets(%dma_start3A_1095 : memref<128xi32, #tpu.memory_space<vmem>>) semaphore(%arg12 : memref<!tpu.dma_semaphore, #tpu.memory_space<semaphore_mem>>)
        %dma_start3A_1099 = arith.constant 1 : i32
        %dma_start3A_1100 = arith.constant 0 : i32
        %dma_start3A_1101 = arith.constant 128 : i32
        %dma_start3A_1102 = arith.constant 0 : i32
        %dma_start3A_1103 = tpu.memref_slice %arg7[%dma_start3A_1101, %dma_start3A_1102] : memref<1600x64xbf16, #tpu.memory_space<vmem>> -> memref<72x64xbf16, #tpu.memory_space<vmem>>
        %dma_start3A_1104 = arith.constant 128 : i32
        %dma_start3A_1105 = tpu.memref_slice %arg5[%dma_start3A_1099, %dma_start3A_1100, %dma_start3A_1104] : memref<2x8x200xi32, #tpu.memory_space<vmem>> -> memref<1x1x72xi32, #tpu.memory_space<vmem>>
        %dma_start3A_1106 = tpu.memref_squeeze %dma_start3A_1105 : memref<1x1x72xi32, #tpu.memory_space<vmem>> -> memref<72xi32, #tpu.memory_space<vmem>>
        %dma_start3A_1107 = arith.constant 0 : i32
        %dma_start3A_1108 = arith.constant 0 : i32
        %dma_start3A_1109 = tpu.memref_slice %arg2[%dma_start3A_1107, %dma_start3A_1108] : memref<100001x64xbf16, #tpu.memory_space<hbm>> -> memref<100001x64xbf16, #tpu.memory_space<hbm>>
        tpu.enqueue_indirect_dma source(%dma_start3A_1109 : memref<100001x64xbf16, #tpu.memory_space<hbm>>) target(%dma_start3A_1103 : memref<72x64xbf16, #tpu.memory_space<vmem>>) offsets(%dma_start3A_1106 : memref<72xi32, #tpu.memory_space<vmem>>) semaphore(%arg12 : memref<!tpu.dma_semaphore, #tpu.memory_space<semaphore_mem>>)
        %dma_start3A_1110 = arith.constant 1 : i32
        %dma_start3A_1111 = arith.constant 1 : i32
        %dma_start3A_1112 = arith.constant 200 : i32
        %dma_start3A_1113 = arith.constant 0 : i32
        %dma_start3A_1114 = tpu.memref_slice %arg7[%dma_start3A_1112, %dma_start3A_1113] : memref<1600x64xbf16, #tpu.memory_space<vmem>> -> memref<128x64xbf16, #tpu.memory_space<vmem>>
        %dma_start3A_1115 = arith.constant 0 : i32
        %dma_start3A_1116 = tpu.memref_slice %arg5[%dma_start3A_1110, %dma_start3A_1111, %dma_start3A_1115] : memref<2x8x200xi32, #tpu.memory_space<vmem>> -> memref<1x1x128xi32, #tpu.memory_space<vmem>>
        %dma_start3A_1117 = tpu.memref_squeeze %dma_start3A_1116 : memref<1x1x128xi32, #tpu.memory_space<vmem>> -> memref<128xi32, #tpu.memory_space<vmem>>
        %dma_start3A_1118 = arith.constant 0 : i32
        %dma_start3A_1119 = arith.constant 0 : i32
        %dma_start3A_1120 = tpu.memref_slice %arg2[%dma_start3A_1118, %dma_start3A_1119] : memref<100001x64xbf16, #tpu.memory_space<hbm>> -> memref<100001x64xbf16, #tpu.memory_space<hbm>>
        tpu.enqueue_indirect_dma source(%dma_start3A_1120 : memref<100001x64xbf16, #tpu.memory_space<hbm>>) target(%dma_start3A_1114 : memref<128x64xbf16, #tpu.memory_space<vmem>>) offsets(%dma_start3A_1117 : memref<128xi32, #tpu.memory_space<vmem>>) semaphore(%arg12 : memref<!tpu.dma_semaphore, #tpu.memory_space<semaphore_mem>>)
        %dma_start3A_1121 = arith.constant 1 : i32
        %dma_start3A_1122 = arith.constant 1 : i32
        %dma_start3A_1123 = arith.constant 328 : i32
        %dma_start3A_1124 = arith.constant 0 : i32
        %dma_start3A_1125 = tpu.memref_slice %arg7[%dma_start3A_1123, %dma_start3A_1124] : memref<1600x64xbf16, #tpu.memory_space<vmem>> -> memref<72x64xbf16, #tpu.memory_space<vmem>>
        %dma_start3A_1126 = arith.constant 128 : i32
        %dma_start3A_1127 = tpu.memref_slice %arg5[%dma_start3A_1121, %dma_start3A_1122, %dma_start3A_1126] : memref<2x8x200xi32, #tpu.memory_space<vmem>> -> memref<1x1x72xi32, #tpu.memory_space<vmem>>
        %dma_start3A_1128 = tpu.memref_squeeze %dma_start3A_1127 : memref<1x1x72xi32, #tpu.memory_space<vmem>> -> memref<72xi32, #tpu.memory_space<vmem>>
        %dma_start3A_1129 = arith.constant 0 : i32
        %dma_start3A_1130 = arith.constant 0 : i32
        %dma_start3A_1131 = tpu.memref_slice %arg2[%dma_start3A_1129, %dma_start3A_1130] : memref<100001x64xbf16, #tpu.memory_space<hbm>> -> memref<100001x64xbf16, #tpu.memory_space<hbm>>
        tpu.enqueue_indirect_dma source(%dma_start3A_1131 : memref<100001x64xbf16, #tpu.memory_space<hbm>>) target(%dma_start3A_1125 : memref<72x64xbf16, #tpu.memory_space<vmem>>) offsets(%dma_start3A_1128 : memref<72xi32, #tpu.memory_space<vmem>>) semaphore(%arg12 : memref<!tpu.dma_semaphore, #tpu.memory_space<semaphore_mem>>)
        %dma_start3A_1132 = arith.constant 1 : i32
        %dma_start3A_1133 = arith.constant 2 : i32
        %dma_start3A_1134 = arith.constant 400 : i32
        %dma_start3A_1135 = arith.constant 0 : i32
        %dma_start3A_1136 = tpu.memref_slice %arg7[%dma_start3A_1134, %dma_start3A_1135] : memref<1600x64xbf16, #tpu.memory_space<vmem>> -> memref<128x64xbf16, #tpu.memory_space<vmem>>
        %dma_start3A_1137 = arith.constant 0 : i32
        %dma_start3A_1138 = tpu.memref_slice %arg5[%dma_start3A_1132, %dma_start3A_1133, %dma_start3A_1137] : memref<2x8x200xi32, #tpu.memory_space<vmem>> -> memref<1x1x128xi32, #tpu.memory_space<vmem>>
        %dma_start3A_1139 = tpu.memref_squeeze %dma_start3A_1138 : memref<1x1x128xi32, #tpu.memory_space<vmem>> -> memref<128xi32, #tpu.memory_space<vmem>>
        %dma_start3A_1140 = arith.constant 0 : i32
        %dma_start3A_1141 = arith.constant 0 : i32
        %dma_start3A_1142 = tpu.memref_slice %arg2[%dma_start3A_1140, %dma_start3A_1141] : memref<100001x64xbf16, #tpu.memory_space<hbm>> -> memref<100001x64xbf16, #tpu.memory_space<hbm>>
        tpu.enqueue_indirect_dma source(%dma_start3A_1142 : memref<100001x64xbf16, #tpu.memory_space<hbm>>) target(%dma_start3A_1136 : memref<128x64xbf16, #tpu.memory_space<vmem>>) offsets(%dma_start3A_1139 : memref<128xi32, #tpu.memory_space<vmem>>) semaphore(%arg12 : memref<!tpu.dma_semaphore, #tpu.memory_space<semaphore_mem>>)
        %dma_start3A_1143 = arith.constant 1 : i32
        %dma_start3A_1144 = arith.constant 2 : i32
        %dma_start3A_1145 = arith.constant 528 : i32
        %dma_start3A_1146 = arith.constant 0 : i32
        %dma_start3A_1147 = tpu.memref_slice %arg7[%dma_start3A_1145, %dma_start3A_1146] : memref<1600x64xbf16, #tpu.memory_space<vmem>> -> memref<72x64xbf16, #tpu.memory_space<vmem>>
        %dma_start3A_1148 = arith.constant 128 : i32
        %dma_start3A_1149 = tpu.memref_slice %arg5[%dma_start3A_1143, %dma_start3A_1144, %dma_start3A_1148] : memref<2x8x200xi32, #tpu.memory_space<vmem>> -> memref<1x1x72xi32, #tpu.memory_space<vmem>>
        %dma_start3A_1150 = tpu.memref_squeeze %dma_start3A_1149 : memref<1x1x72xi32, #tpu.memory_space<vmem>> -> memref<72xi32, #tpu.memory_space<vmem>>
        %dma_start3A_1151 = arith.constant 0 : i32
        %dma_start3A_1152 = arith.constant 0 : i32
        %dma_start3A_1153 = tpu.memref_slice %arg2[%dma_start3A_1151, %dma_start3A_1152] : memref<100001x64xbf16, #tpu.memory_space<hbm>> -> memref<100001x64xbf16, #tpu.memory_space<hbm>>
        tpu.enqueue_indirect_dma source(%dma_start3A_1153 : memref<100001x64xbf16, #tpu.memory_space<hbm>>) target(%dma_start3A_1147 : memref<72x64xbf16, #tpu.memory_space<vmem>>) offsets(%dma_start3A_1150 : memref<72xi32, #tpu.memory_space<vmem>>) semaphore(%arg12 : memref<!tpu.dma_semaphore, #tpu.memory_space<semaphore_mem>>)
        %dma_start3A_1154 = arith.constant 1 : i32
        %dma_start3A_1155 = arith.constant 3 : i32
        %dma_start3A_1156 = arith.constant 600 : i32
        %dma_start3A_1157 = arith.constant 0 : i32
        %dma_start3A_1158 = tpu.memref_slice %arg7[%dma_start3A_1156, %dma_start3A_1157] : memref<1600x64xbf16, #tpu.memory_space<vmem>> -> memref<128x64xbf16, #tpu.memory_space<vmem>>
        %dma_start3A_1159 = arith.constant 0 : i32
        %dma_start3A_1160 = tpu.memref_slice %arg5[%dma_start3A_1154, %dma_start3A_1155, %dma_start3A_1159] : memref<2x8x200xi32, #tpu.memory_space<vmem>> -> memref<1x1x128xi32, #tpu.memory_space<vmem>>
        %dma_start3A_1161 = tpu.memref_squeeze %dma_start3A_1160 : memref<1x1x128xi32, #tpu.memory_space<vmem>> -> memref<128xi32, #tpu.memory_space<vmem>>
        %dma_start3A_1162 = arith.constant 0 : i32
        %dma_start3A_1163 = arith.constant 0 : i32
        %dma_start3A_1164 = tpu.memref_slice %arg2[%dma_start3A_1162, %dma_start3A_1163] : memref<100001x64xbf16, #tpu.memory_space<hbm>> -> memref<100001x64xbf16, #tpu.memory_space<hbm>>
        tpu.enqueue_indirect_dma source(%dma_start3A_1164 : memref<100001x64xbf16, #tpu.memory_space<hbm>>) target(%dma_start3A_1158 : memref<128x64xbf16, #tpu.memory_space<vmem>>) offsets(%dma_start3A_1161 : memref<128xi32, #tpu.memory_space<vmem>>) semaphore(%arg12 : memref<!tpu.dma_semaphore, #tpu.memory_space<semaphore_mem>>)
        %dma_start3A_1165 = arith.constant 1 : i32
        %dma_start3A_1166 = arith.constant 3 : i32
        %dma_start3A_1167 = arith.constant 728 : i32
        %dma_start3A_1168 = arith.constant 0 : i32
        %dma_start3A_1169 = tpu.memref_slice %arg7[%dma_start3A_1167, %dma_start3A_1168] : memref<1600x64xbf16, #tpu.memory_space<vmem>> -> memref<72x64xbf16, #tpu.memory_space<vmem>>
        %dma_start3A_1170 = arith.constant 128 : i32
        %dma_start3A_1171 = tpu.memref_slice %arg5[%dma_start3A_1165, %dma_start3A_1166, %dma_start3A_1170] : memref<2x8x200xi32, #tpu.memory_space<vmem>> -> memref<1x1x72xi32, #tpu.memory_space<vmem>>
        %dma_start3A_1172 = tpu.memref_squeeze %dma_start3A_1171 : memref<1x1x72xi32, #tpu.memory_space<vmem>> -> memref<72xi32, #tpu.memory_space<vmem>>
        %dma_start3A_1173 = arith.constant 0 : i32
        %dma_start3A_1174 = arith.constant 0 : i32
        %dma_start3A_1175 = tpu.memref_slice %arg2[%dma_start3A_1173, %dma_start3A_1174] : memref<100001x64xbf16, #tpu.memory_space<hbm>> -> memref<100001x64xbf16, #tpu.memory_space<hbm>>
        tpu.enqueue_indirect_dma source(%dma_start3A_1175 : memref<100001x64xbf16, #tpu.memory_space<hbm>>) target(%dma_start3A_1169 : memref<72x64xbf16, #tpu.memory_space<vmem>>) offsets(%dma_start3A_1172 : memref<72xi32, #tpu.memory_space<vmem>>) semaphore(%arg12 : memref<!tpu.dma_semaphore, #tpu.memory_space<semaphore_mem>>)
        %dma_start3A_1176 = arith.constant 1 : i32
        %dma_start3A_1177 = arith.constant 4 : i32
        %dma_start3A_1178 = arith.constant 800 : i32
        %dma_start3A_1179 = arith.constant 0 : i32
        %dma_start3A_1180 = tpu.memref_slice %arg7[%dma_start3A_1178, %dma_start3A_1179] : memref<1600x64xbf16, #tpu.memory_space<vmem>> -> memref<128x64xbf16, #tpu.memory_space<vmem>>
        %dma_start3A_1181 = arith.constant 0 : i32
        %dma_start3A_1182 = tpu.memref_slice %arg5[%dma_start3A_1176, %dma_start3A_1177, %dma_start3A_1181] : memref<2x8x200xi32, #tpu.memory_space<vmem>> -> memref<1x1x128xi32, #tpu.memory_space<vmem>>
        %dma_start3A_1183 = tpu.memref_squeeze %dma_start3A_1182 : memref<1x1x128xi32, #tpu.memory_space<vmem>> -> memref<128xi32, #tpu.memory_space<vmem>>
        %dma_start3A_1184 = arith.constant 0 : i32
        %dma_start3A_1185 = arith.constant 0 : i32
        %dma_start3A_1186 = tpu.memref_slice %arg2[%dma_start3A_1184, %dma_start3A_1185] : memref<100001x64xbf16, #tpu.memory_space<hbm>> -> memref<100001x64xbf16, #tpu.memory_space<hbm>>
        tpu.enqueue_indirect_dma source(%dma_start3A_1186 : memref<100001x64xbf16, #tpu.memory_space<hbm>>) target(%dma_start3A_1180 : memref<128x64xbf16, #tpu.memory_space<vmem>>) offsets(%dma_start3A_1183 : memref<128xi32, #tpu.memory_space<vmem>>) semaphore(%arg12 : memref<!tpu.dma_semaphore, #tpu.memory_space<semaphore_mem>>)
        %dma_start3A_1187 = arith.constant 1 : i32
        %dma_start3A_1188 = arith.constant 4 : i32
        %dma_start3A_1189 = arith.constant 928 : i32
        %dma_start3A_1190 = arith.constant 0 : i32
        %dma_start3A_1191 = tpu.memref_slice %arg7[%dma_start3A_1189, %dma_start3A_1190] : memref<1600x64xbf16, #tpu.memory_space<vmem>> -> memref<72x64xbf16, #tpu.memory_space<vmem>>
        %dma_start3A_1192 = arith.constant 128 : i32
        %dma_start3A_1193 = tpu.memref_slice %arg5[%dma_start3A_1187, %dma_start3A_1188, %dma_start3A_1192] : memref<2x8x200xi32, #tpu.memory_space<vmem>> -> memref<1x1x72xi32, #tpu.memory_space<vmem>>
        %dma_start3A_1194 = tpu.memref_squeeze %dma_start3A_1193 : memref<1x1x72xi32, #tpu.memory_space<vmem>> -> memref<72xi32, #tpu.memory_space<vmem>>
        %dma_start3A_1195 = arith.constant 0 : i32
        %dma_start3A_1196 = arith.constant 0 : i32
        %dma_start3A_1197 = tpu.memref_slice %arg2[%dma_start3A_1195, %dma_start3A_1196] : memref<100001x64xbf16, #tpu.memory_space<hbm>> -> memref<100001x64xbf16, #tpu.memory_space<hbm>>
        tpu.enqueue_indirect_dma source(%dma_start3A_1197 : memref<100001x64xbf16, #tpu.memory_space<hbm>>) target(%dma_start3A_1191 : memref<72x64xbf16, #tpu.memory_space<vmem>>) offsets(%dma_start3A_1194 : memref<72xi32, #tpu.memory_space<vmem>>) semaphore(%arg12 : memref<!tpu.dma_semaphore, #tpu.memory_space<semaphore_mem>>)
        %dma_start3A_1198 = arith.constant 1 : i32
        %dma_start3A_1199 = arith.constant 5 : i32
        %dma_start3A_1200 = arith.constant 1000 : i32
        %dma_start3A_1201 = arith.constant 0 : i32
        %dma_start3A_1202 = tpu.memref_slice %arg7[%dma_start3A_1200, %dma_start3A_1201] : memref<1600x64xbf16, #tpu.memory_space<vmem>> -> memref<128x64xbf16, #tpu.memory_space<vmem>>
        %dma_start3A_1203 = arith.constant 0 : i32
        %dma_start3A_1204 = tpu.memref_slice %arg5[%dma_start3A_1198, %dma_start3A_1199, %dma_start3A_1203] : memref<2x8x200xi32, #tpu.memory_space<vmem>> -> memref<1x1x128xi32, #tpu.memory_space<vmem>>
        %dma_start3A_1205 = tpu.memref_squeeze %dma_start3A_1204 : memref<1x1x128xi32, #tpu.memory_space<vmem>> -> memref<128xi32, #tpu.memory_space<vmem>>
        %dma_start3A_1206 = arith.constant 0 : i32
        %dma_start3A_1207 = arith.constant 0 : i32
        %dma_start3A_1208 = tpu.memref_slice %arg2[%dma_start3A_1206, %dma_start3A_1207] : memref<100001x64xbf16, #tpu.memory_space<hbm>> -> memref<100001x64xbf16, #tpu.memory_space<hbm>>
        tpu.enqueue_indirect_dma source(%dma_start3A_1208 : memref<100001x64xbf16, #tpu.memory_space<hbm>>) target(%dma_start3A_1202 : memref<128x64xbf16, #tpu.memory_space<vmem>>) offsets(%dma_start3A_1205 : memref<128xi32, #tpu.memory_space<vmem>>) semaphore(%arg12 : memref<!tpu.dma_semaphore, #tpu.memory_space<semaphore_mem>>)
        %dma_start3A_1209 = arith.constant 1 : i32
        %dma_start3A_1210 = arith.constant 5 : i32
        %dma_start3A_1211 = arith.constant 1128 : i32
        %dma_start3A_1212 = arith.constant 0 : i32
        %dma_start3A_1213 = tpu.memref_slice %arg7[%dma_start3A_1211, %dma_start3A_1212] : memref<1600x64xbf16, #tpu.memory_space<vmem>> -> memref<72x64xbf16, #tpu.memory_space<vmem>>
        %dma_start3A_1214 = arith.constant 128 : i32
        %dma_start3A_1215 = tpu.memref_slice %arg5[%dma_start3A_1209, %dma_start3A_1210, %dma_start3A_1214] : memref<2x8x200xi32, #tpu.memory_space<vmem>> -> memref<1x1x72xi32, #tpu.memory_space<vmem>>
        %dma_start3A_1216 = tpu.memref_squeeze %dma_start3A_1215 : memref<1x1x72xi32, #tpu.memory_space<vmem>> -> memref<72xi32, #tpu.memory_space<vmem>>
        %dma_start3A_1217 = arith.constant 0 : i32
        %dma_start3A_1218 = arith.constant 0 : i32
        %dma_start3A_1219 = tpu.memref_slice %arg2[%dma_start3A_1217, %dma_start3A_1218] : memref<100001x64xbf16, #tpu.memory_space<hbm>> -> memref<100001x64xbf16, #tpu.memory_space<hbm>>
        tpu.enqueue_indirect_dma source(%dma_start3A_1219 : memref<100001x64xbf16, #tpu.memory_space<hbm>>) target(%dma_start3A_1213 : memref<72x64xbf16, #tpu.memory_space<vmem>>) offsets(%dma_start3A_1216 : memref<72xi32, #tpu.memory_space<vmem>>) semaphore(%arg12 : memref<!tpu.dma_semaphore, #tpu.memory_space<semaphore_mem>>)
        %dma_start3A_1220 = arith.constant 1 : i32
        %dma_start3A_1221 = arith.constant 6 : i32
        %dma_start3A_1222 = arith.constant 1200 : i32
        %dma_start3A_1223 = arith.constant 0 : i32
        %dma_start3A_1224 = tpu.memref_slice %arg7[%dma_start3A_1222, %dma_start3A_1223] : memref<1600x64xbf16, #tpu.memory_space<vmem>> -> memref<128x64xbf16, #tpu.memory_space<vmem>>
        %dma_start3A_1225 = arith.constant 0 : i32
        %dma_start3A_1226 = tpu.memref_slice %arg5[%dma_start3A_1220, %dma_start3A_1221, %dma_start3A_1225] : memref<2x8x200xi32, #tpu.memory_space<vmem>> -> memref<1x1x128xi32, #tpu.memory_space<vmem>>
        %dma_start3A_1227 = tpu.memref_squeeze %dma_start3A_1226 : memref<1x1x128xi32, #tpu.memory_space<vmem>> -> memref<128xi32, #tpu.memory_space<vmem>>
        %dma_start3A_1228 = arith.constant 0 : i32
        %dma_start3A_1229 = arith.constant 0 : i32
        %dma_start3A_1230 = tpu.memref_slice %arg2[%dma_start3A_1228, %dma_start3A_1229] : memref<100001x64xbf16, #tpu.memory_space<hbm>> -> memref<100001x64xbf16, #tpu.memory_space<hbm>>
        tpu.enqueue_indirect_dma source(%dma_start3A_1230 : memref<100001x64xbf16, #tpu.memory_space<hbm>>) target(%dma_start3A_1224 : memref<128x64xbf16, #tpu.memory_space<vmem>>) offsets(%dma_start3A_1227 : memref<128xi32, #tpu.memory_space<vmem>>) semaphore(%arg12 : memref<!tpu.dma_semaphore, #tpu.memory_space<semaphore_mem>>)
        %dma_start3A_1231 = arith.constant 1 : i32
        %dma_start3A_1232 = arith.constant 6 : i32
        %dma_start3A_1233 = arith.constant 1328 : i32
        %dma_start3A_1234 = arith.constant 0 : i32
        %dma_start3A_1235 = tpu.memref_slice %arg7[%dma_start3A_1233, %dma_start3A_1234] : memref<1600x64xbf16, #tpu.memory_space<vmem>> -> memref<72x64xbf16, #tpu.memory_space<vmem>>
        %dma_start3A_1236 = arith.constant 128 : i32
        %dma_start3A_1237 = tpu.memref_slice %arg5[%dma_start3A_1231, %dma_start3A_1232, %dma_start3A_1236] : memref<2x8x200xi32, #tpu.memory_space<vmem>> -> memref<1x1x72xi32, #tpu.memory_space<vmem>>
        %dma_start3A_1238 = tpu.memref_squeeze %dma_start3A_1237 : memref<1x1x72xi32, #tpu.memory_space<vmem>> -> memref<72xi32, #tpu.memory_space<vmem>>
        %dma_start3A_1239 = arith.constant 0 : i32
        %dma_start3A_1240 = arith.constant 0 : i32
        %dma_start3A_1241 = tpu.memref_slice %arg2[%dma_start3A_1239, %dma_start3A_1240] : memref<100001x64xbf16, #tpu.memory_space<hbm>> -> memref<100001x64xbf16, #tpu.memory_space<hbm>>
        tpu.enqueue_indirect_dma source(%dma_start3A_1241 : memref<100001x64xbf16, #tpu.memory_space<hbm>>) target(%dma_start3A_1235 : memref<72x64xbf16, #tpu.memory_space<vmem>>) offsets(%dma_start3A_1238 : memref<72xi32, #tpu.memory_space<vmem>>) semaphore(%arg12 : memref<!tpu.dma_semaphore, #tpu.memory_space<semaphore_mem>>)
        %dma_start3A_1242 = arith.constant 1 : i32
        %dma_start3A_1243 = arith.constant 7 : i32
        %dma_start3A_1244 = arith.constant 1400 : i32
        %dma_start3A_1245 = arith.constant 0 : i32
        %dma_start3A_1246 = tpu.memref_slice %arg7[%dma_start3A_1244, %dma_start3A_1245] : memref<1600x64xbf16, #tpu.memory_space<vmem>> -> memref<128x64xbf16, #tpu.memory_space<vmem>>
        %dma_start3A_1247 = arith.constant 0 : i32
        %dma_start3A_1248 = tpu.memref_slice %arg5[%dma_start3A_1242, %dma_start3A_1243, %dma_start3A_1247] : memref<2x8x200xi32, #tpu.memory_space<vmem>> -> memref<1x1x128xi32, #tpu.memory_space<vmem>>
        %dma_start3A_1249 = tpu.memref_squeeze %dma_start3A_1248 : memref<1x1x128xi32, #tpu.memory_space<vmem>> -> memref<128xi32, #tpu.memory_space<vmem>>
        %dma_start3A_1250 = arith.constant 0 : i32
        %dma_start3A_1251 = arith.constant 0 : i32
        %dma_start3A_1252 = tpu.memref_slice %arg2[%dma_start3A_1250, %dma_start3A_1251] : memref<100001x64xbf16, #tpu.memory_space<hbm>> -> memref<100001x64xbf16, #tpu.memory_space<hbm>>
        tpu.enqueue_indirect_dma source(%dma_start3A_1252 : memref<100001x64xbf16, #tpu.memory_space<hbm>>) target(%dma_start3A_1246 : memref<128x64xbf16, #tpu.memory_space<vmem>>) offsets(%dma_start3A_1249 : memref<128xi32, #tpu.memory_space<vmem>>) semaphore(%arg12 : memref<!tpu.dma_semaphore, #tpu.memory_space<semaphore_mem>>)
        %dma_start3A_1253 = arith.constant 1 : i32
        %dma_start3A_1254 = arith.constant 7 : i32
        %dma_start3A_1255 = arith.constant 1528 : i32
        %dma_start3A_1256 = arith.constant 0 : i32
        %dma_start3A_1257 = tpu.memref_slice %arg7[%dma_start3A_1255, %dma_start3A_1256] : memref<1600x64xbf16, #tpu.memory_space<vmem>> -> memref<72x64xbf16, #tpu.memory_space<vmem>>
        %dma_start3A_1258 = arith.constant 128 : i32
        %dma_start3A_1259 = tpu.memref_slice %arg5[%dma_start3A_1253, %dma_start3A_1254, %dma_start3A_1258] : memref<2x8x200xi32, #tpu.memory_space<vmem>> -> memref<1x1x72xi32, #tpu.memory_space<vmem>>
        %dma_start3A_1260 = tpu.memref_squeeze %dma_start3A_1259 : memref<1x1x72xi32, #tpu.memory_space<vmem>> -> memref<72xi32, #tpu.memory_space<vmem>>
        %dma_start3A_1261 = arith.constant 0 : i32
        %dma_start3A_1262 = arith.constant 0 : i32
        %dma_start3A_1263 = tpu.memref_slice %arg2[%dma_start3A_1261, %dma_start3A_1262] : memref<100001x64xbf16, #tpu.memory_space<hbm>> -> memref<100001x64xbf16, #tpu.memory_space<hbm>>
        tpu.enqueue_indirect_dma source(%dma_start3A_1263 : memref<100001x64xbf16, #tpu.memory_space<hbm>>) target(%dma_start3A_1257 : memref<72x64xbf16, #tpu.memory_space<vmem>>) offsets(%dma_start3A_1260 : memref<72xi32, #tpu.memory_space<vmem>>) semaphore(%arg12 : memref<!tpu.dma_semaphore, #tpu.memory_space<semaphore_mem>>)
      } else {
      }
      %dma_wait3A_261 = arith.constant 0 : i32
      %dma_wait3A_262 = arith.constant 0 : i32
      %dma_wait3A_263 = arith.constant 0 : i32
      %dma_wait3A_264 = arith.constant 0 : i32
      %dma_wait3A_265 = tpu.memref_slice %arg6[%dma_wait3A_263, %dma_wait3A_264] : memref<1600x64xbf16, #tpu.memory_space<vmem>> -> memref<128x64xbf16, #tpu.memory_space<vmem>>
      %dma_wait3A_266 = arith.constant 0 : i32
      %dma_wait3A_267 = tpu.memref_slice %arg5[%dma_wait3A_261, %dma_wait3A_262, %dma_wait3A_266] : memref<2x8x200xi32, #tpu.memory_space<vmem>> -> memref<1x1x128xi32, #tpu.memory_space<vmem>>
      %dma_wait3A_268 = tpu.memref_squeeze %dma_wait3A_267 : memref<1x1x128xi32, #tpu.memory_space<vmem>> -> memref<128xi32, #tpu.memory_space<vmem>>
      %dma_wait3A_269 = arith.constant 0 : i32
      %dma_wait3A_270 = arith.constant 0 : i32
      %dma_wait3A_271 = tpu.memref_slice %arg2[%dma_wait3A_269, %dma_wait3A_270] : memref<100001x64xbf16, #tpu.memory_space<hbm>> -> memref<100001x64xbf16, #tpu.memory_space<hbm>>
      tpu.wait_indirect_dma semaphore(%arg11 : memref<!tpu.dma_semaphore, #tpu.memory_space<semaphore_mem>>) src(%dma_wait3A_271 : memref<100001x64xbf16, #tpu.memory_space<hbm>>) dst(%dma_wait3A_265 : memref<128x64xbf16, #tpu.memory_space<vmem>>)
      %dma_wait3A_272 = arith.constant 0 : i32
      %dma_wait3A_273 = arith.constant 0 : i32
      %dma_wait3A_274 = arith.constant 128 : i32
      %dma_wait3A_275 = arith.constant 0 : i32
      %dma_wait3A_276 = tpu.memref_slice %arg6[%dma_wait3A_274, %dma_wait3A_275] : memref<1600x64xbf16, #tpu.memory_space<vmem>> -> memref<72x64xbf16, #tpu.memory_space<vmem>>
      %dma_wait3A_277 = arith.constant 128 : i32
      %dma_wait3A_278 = tpu.memref_slice %arg5[%dma_wait3A_272, %dma_wait3A_273, %dma_wait3A_277] : memref<2x8x200xi32, #tpu.memory_space<vmem>> -> memref<1x1x72xi32, #tpu.memory_space<vmem>>
      %dma_wait3A_279 = tpu.memref_squeeze %dma_wait3A_278 : memref<1x1x72xi32, #tpu.memory_space<vmem>> -> memref<72xi32, #tpu.memory_space<vmem>>
      %dma_wait3A_280 = arith.constant 0 : i32
      %dma_wait3A_281 = arith.constant 0 : i32
      %dma_wait3A_282 = tpu.memref_slice %arg2[%dma_wait3A_280, %dma_wait3A_281] : memref<100001x64xbf16, #tpu.memory_space<hbm>> -> memref<100001x64xbf16, #tpu.memory_space<hbm>>
      tpu.wait_indirect_dma semaphore(%arg11 : memref<!tpu.dma_semaphore, #tpu.memory_space<semaphore_mem>>) src(%dma_wait3A_282 : memref<100001x64xbf16, #tpu.memory_space<hbm>>) dst(%dma_wait3A_276 : memref<72x64xbf16, #tpu.memory_space<vmem>>)
      %dma_wait3A_283 = arith.constant 0 : i32
      %dma_wait3A_284 = arith.constant 1 : i32
      %dma_wait3A_285 = arith.constant 200 : i32
      %dma_wait3A_286 = arith.constant 0 : i32
      %dma_wait3A_287 = tpu.memref_slice %arg6[%dma_wait3A_285, %dma_wait3A_286] : memref<1600x64xbf16, #tpu.memory_space<vmem>> -> memref<128x64xbf16, #tpu.memory_space<vmem>>
      %dma_wait3A_288 = arith.constant 0 : i32
      %dma_wait3A_289 = tpu.memref_slice %arg5[%dma_wait3A_283, %dma_wait3A_284, %dma_wait3A_288] : memref<2x8x200xi32, #tpu.memory_space<vmem>> -> memref<1x1x128xi32, #tpu.memory_space<vmem>>
      %dma_wait3A_290 = tpu.memref_squeeze %dma_wait3A_289 : memref<1x1x128xi32, #tpu.memory_space<vmem>> -> memref<128xi32, #tpu.memory_space<vmem>>
      %dma_wait3A_291 = arith.constant 0 : i32
      %dma_wait3A_292 = arith.constant 0 : i32
      %dma_wait3A_293 = tpu.memref_slice %arg2[%dma_wait3A_291, %dma_wait3A_292] : memref<100001x64xbf16, #tpu.memory_space<hbm>> -> memref<100001x64xbf16, #tpu.memory_space<hbm>>
      tpu.wait_indirect_dma semaphore(%arg11 : memref<!tpu.dma_semaphore, #tpu.memory_space<semaphore_mem>>) src(%dma_wait3A_293 : memref<100001x64xbf16, #tpu.memory_space<hbm>>) dst(%dma_wait3A_287 : memref<128x64xbf16, #tpu.memory_space<vmem>>)
      %dma_wait3A_294 = arith.constant 0 : i32
      %dma_wait3A_295 = arith.constant 1 : i32
      %dma_wait3A_296 = arith.constant 328 : i32
      %dma_wait3A_297 = arith.constant 0 : i32
      %dma_wait3A_298 = tpu.memref_slice %arg6[%dma_wait3A_296, %dma_wait3A_297] : memref<1600x64xbf16, #tpu.memory_space<vmem>> -> memref<72x64xbf16, #tpu.memory_space<vmem>>
      %dma_wait3A_299 = arith.constant 128 : i32
      %dma_wait3A_300 = tpu.memref_slice %arg5[%dma_wait3A_294, %dma_wait3A_295, %dma_wait3A_299] : memref<2x8x200xi32, #tpu.memory_space<vmem>> -> memref<1x1x72xi32, #tpu.memory_space<vmem>>
      %dma_wait3A_301 = tpu.memref_squeeze %dma_wait3A_300 : memref<1x1x72xi32, #tpu.memory_space<vmem>> -> memref<72xi32, #tpu.memory_space<vmem>>
      %dma_wait3A_302 = arith.constant 0 : i32
      %dma_wait3A_303 = arith.constant 0 : i32
      %dma_wait3A_304 = tpu.memref_slice %arg2[%dma_wait3A_302, %dma_wait3A_303] : memref<100001x64xbf16, #tpu.memory_space<hbm>> -> memref<100001x64xbf16, #tpu.memory_space<hbm>>
      tpu.wait_indirect_dma semaphore(%arg11 : memref<!tpu.dma_semaphore, #tpu.memory_space<semaphore_mem>>) src(%dma_wait3A_304 : memref<100001x64xbf16, #tpu.memory_space<hbm>>) dst(%dma_wait3A_298 : memref<72x64xbf16, #tpu.memory_space<vmem>>)
      %dma_wait3A_305 = arith.constant 0 : i32
      %dma_wait3A_306 = arith.constant 2 : i32
      %dma_wait3A_307 = arith.constant 400 : i32
      %dma_wait3A_308 = arith.constant 0 : i32
      %dma_wait3A_309 = tpu.memref_slice %arg6[%dma_wait3A_307, %dma_wait3A_308] : memref<1600x64xbf16, #tpu.memory_space<vmem>> -> memref<128x64xbf16, #tpu.memory_space<vmem>>
      %dma_wait3A_310 = arith.constant 0 : i32
      %dma_wait3A_311 = tpu.memref_slice %arg5[%dma_wait3A_305, %dma_wait3A_306, %dma_wait3A_310] : memref<2x8x200xi32, #tpu.memory_space<vmem>> -> memref<1x1x128xi32, #tpu.memory_space<vmem>>
      %dma_wait3A_312 = tpu.memref_squeeze %dma_wait3A_311 : memref<1x1x128xi32, #tpu.memory_space<vmem>> -> memref<128xi32, #tpu.memory_space<vmem>>
      %dma_wait3A_313 = arith.constant 0 : i32
      %dma_wait3A_314 = arith.constant 0 : i32
      %dma_wait3A_315 = tpu.memref_slice %arg2[%dma_wait3A_313, %dma_wait3A_314] : memref<100001x64xbf16, #tpu.memory_space<hbm>> -> memref<100001x64xbf16, #tpu.memory_space<hbm>>
      tpu.wait_indirect_dma semaphore(%arg11 : memref<!tpu.dma_semaphore, #tpu.memory_space<semaphore_mem>>) src(%dma_wait3A_315 : memref<100001x64xbf16, #tpu.memory_space<hbm>>) dst(%dma_wait3A_309 : memref<128x64xbf16, #tpu.memory_space<vmem>>)
      %dma_wait3A_316 = arith.constant 0 : i32
      %dma_wait3A_317 = arith.constant 2 : i32
      %dma_wait3A_318 = arith.constant 528 : i32
      %dma_wait3A_319 = arith.constant 0 : i32
      %dma_wait3A_320 = tpu.memref_slice %arg6[%dma_wait3A_318, %dma_wait3A_319] : memref<1600x64xbf16, #tpu.memory_space<vmem>> -> memref<72x64xbf16, #tpu.memory_space<vmem>>
      %dma_wait3A_321 = arith.constant 128 : i32
      %dma_wait3A_322 = tpu.memref_slice %arg5[%dma_wait3A_316, %dma_wait3A_317, %dma_wait3A_321] : memref<2x8x200xi32, #tpu.memory_space<vmem>> -> memref<1x1x72xi32, #tpu.memory_space<vmem>>
      %dma_wait3A_323 = tpu.memref_squeeze %dma_wait3A_322 : memref<1x1x72xi32, #tpu.memory_space<vmem>> -> memref<72xi32, #tpu.memory_space<vmem>>
      %dma_wait3A_324 = arith.constant 0 : i32
      %dma_wait3A_325 = arith.constant 0 : i32
      %dma_wait3A_326 = tpu.memref_slice %arg2[%dma_wait3A_324, %dma_wait3A_325] : memref<100001x64xbf16, #tpu.memory_space<hbm>> -> memref<100001x64xbf16, #tpu.memory_space<hbm>>
      tpu.wait_indirect_dma semaphore(%arg11 : memref<!tpu.dma_semaphore, #tpu.memory_space<semaphore_mem>>) src(%dma_wait3A_326 : memref<100001x64xbf16, #tpu.memory_space<hbm>>) dst(%dma_wait3A_320 : memref<72x64xbf16, #tpu.memory_space<vmem>>)
      %dma_wait3A_327 = arith.constant 0 : i32
      %dma_wait3A_328 = arith.constant 3 : i32
      %dma_wait3A_329 = arith.constant 600 : i32
      %dma_wait3A_330 = arith.constant 0 : i32
      %dma_wait3A_331 = tpu.memref_slice %arg6[%dma_wait3A_329, %dma_wait3A_330] : memref<1600x64xbf16, #tpu.memory_space<vmem>> -> memref<128x64xbf16, #tpu.memory_space<vmem>>
      %dma_wait3A_332 = arith.constant 0 : i32
      %dma_wait3A_333 = tpu.memref_slice %arg5[%dma_wait3A_327, %dma_wait3A_328, %dma_wait3A_332] : memref<2x8x200xi32, #tpu.memory_space<vmem>> -> memref<1x1x128xi32, #tpu.memory_space<vmem>>
      %dma_wait3A_334 = tpu.memref_squeeze %dma_wait3A_333 : memref<1x1x128xi32, #tpu.memory_space<vmem>> -> memref<128xi32, #tpu.memory_space<vmem>>
      %dma_wait3A_335 = arith.constant 0 : i32
      %dma_wait3A_336 = arith.constant 0 : i32
      %dma_wait3A_337 = tpu.memref_slice %arg2[%dma_wait3A_335, %dma_wait3A_336] : memref<100001x64xbf16, #tpu.memory_space<hbm>> -> memref<100001x64xbf16, #tpu.memory_space<hbm>>
      tpu.wait_indirect_dma semaphore(%arg11 : memref<!tpu.dma_semaphore, #tpu.memory_space<semaphore_mem>>) src(%dma_wait3A_337 : memref<100001x64xbf16, #tpu.memory_space<hbm>>) dst(%dma_wait3A_331 : memref<128x64xbf16, #tpu.memory_space<vmem>>)
      %dma_wait3A_338 = arith.constant 0 : i32
      %dma_wait3A_339 = arith.constant 3 : i32
      %dma_wait3A_340 = arith.constant 728 : i32
      %dma_wait3A_341 = arith.constant 0 : i32
      %dma_wait3A_342 = tpu.memref_slice %arg6[%dma_wait3A_340, %dma_wait3A_341] : memref<1600x64xbf16, #tpu.memory_space<vmem>> -> memref<72x64xbf16, #tpu.memory_space<vmem>>
      %dma_wait3A_343 = arith.constant 128 : i32
      %dma_wait3A_344 = tpu.memref_slice %arg5[%dma_wait3A_338, %dma_wait3A_339, %dma_wait3A_343] : memref<2x8x200xi32, #tpu.memory_space<vmem>> -> memref<1x1x72xi32, #tpu.memory_space<vmem>>
      %dma_wait3A_345 = tpu.memref_squeeze %dma_wait3A_344 : memref<1x1x72xi32, #tpu.memory_space<vmem>> -> memref<72xi32, #tpu.memory_space<vmem>>
      %dma_wait3A_346 = arith.constant 0 : i32
      %dma_wait3A_347 = arith.constant 0 : i32
      %dma_wait3A_348 = tpu.memref_slice %arg2[%dma_wait3A_346, %dma_wait3A_347] : memref<100001x64xbf16, #tpu.memory_space<hbm>> -> memref<100001x64xbf16, #tpu.memory_space<hbm>>
      tpu.wait_indirect_dma semaphore(%arg11 : memref<!tpu.dma_semaphore, #tpu.memory_space<semaphore_mem>>) src(%dma_wait3A_348 : memref<100001x64xbf16, #tpu.memory_space<hbm>>) dst(%dma_wait3A_342 : memref<72x64xbf16, #tpu.memory_space<vmem>>)
      %dma_wait3A_349 = arith.constant 0 : i32
      %dma_wait3A_350 = arith.constant 4 : i32
      %dma_wait3A_351 = arith.constant 800 : i32
      %dma_wait3A_352 = arith.constant 0 : i32
      %dma_wait3A_353 = tpu.memref_slice %arg6[%dma_wait3A_351, %dma_wait3A_352] : memref<1600x64xbf16, #tpu.memory_space<vmem>> -> memref<128x64xbf16, #tpu.memory_space<vmem>>
      %dma_wait3A_354 = arith.constant 0 : i32
      %dma_wait3A_355 = tpu.memref_slice %arg5[%dma_wait3A_349, %dma_wait3A_350, %dma_wait3A_354] : memref<2x8x200xi32, #tpu.memory_space<vmem>> -> memref<1x1x128xi32, #tpu.memory_space<vmem>>
      %dma_wait3A_356 = tpu.memref_squeeze %dma_wait3A_355 : memref<1x1x128xi32, #tpu.memory_space<vmem>> -> memref<128xi32, #tpu.memory_space<vmem>>
      %dma_wait3A_357 = arith.constant 0 : i32
      %dma_wait3A_358 = arith.constant 0 : i32
      %dma_wait3A_359 = tpu.memref_slice %arg2[%dma_wait3A_357, %dma_wait3A_358] : memref<100001x64xbf16, #tpu.memory_space<hbm>> -> memref<100001x64xbf16, #tpu.memory_space<hbm>>
      tpu.wait_indirect_dma semaphore(%arg11 : memref<!tpu.dma_semaphore, #tpu.memory_space<semaphore_mem>>) src(%dma_wait3A_359 : memref<100001x64xbf16, #tpu.memory_space<hbm>>) dst(%dma_wait3A_353 : memref<128x64xbf16, #tpu.memory_space<vmem>>)
      %dma_wait3A_360 = arith.constant 0 : i32
      %dma_wait3A_361 = arith.constant 4 : i32
      %dma_wait3A_362 = arith.constant 928 : i32
      %dma_wait3A_363 = arith.constant 0 : i32
      %dma_wait3A_364 = tpu.memref_slice %arg6[%dma_wait3A_362, %dma_wait3A_363] : memref<1600x64xbf16, #tpu.memory_space<vmem>> -> memref<72x64xbf16, #tpu.memory_space<vmem>>
      %dma_wait3A_365 = arith.constant 128 : i32
      %dma_wait3A_366 = tpu.memref_slice %arg5[%dma_wait3A_360, %dma_wait3A_361, %dma_wait3A_365] : memref<2x8x200xi32, #tpu.memory_space<vmem>> -> memref<1x1x72xi32, #tpu.memory_space<vmem>>
      %dma_wait3A_367 = tpu.memref_squeeze %dma_wait3A_366 : memref<1x1x72xi32, #tpu.memory_space<vmem>> -> memref<72xi32, #tpu.memory_space<vmem>>
      %dma_wait3A_368 = arith.constant 0 : i32
      %dma_wait3A_369 = arith.constant 0 : i32
      %dma_wait3A_370 = tpu.memref_slice %arg2[%dma_wait3A_368, %dma_wait3A_369] : memref<100001x64xbf16, #tpu.memory_space<hbm>> -> memref<100001x64xbf16, #tpu.memory_space<hbm>>
      tpu.wait_indirect_dma semaphore(%arg11 : memref<!tpu.dma_semaphore, #tpu.memory_space<semaphore_mem>>) src(%dma_wait3A_370 : memref<100001x64xbf16, #tpu.memory_space<hbm>>) dst(%dma_wait3A_364 : memref<72x64xbf16, #tpu.memory_space<vmem>>)
      %dma_wait3A_371 = arith.constant 0 : i32
      %dma_wait3A_372 = arith.constant 5 : i32
      %dma_wait3A_373 = arith.constant 1000 : i32
      %dma_wait3A_374 = arith.constant 0 : i32
      %dma_wait3A_375 = tpu.memref_slice %arg6[%dma_wait3A_373, %dma_wait3A_374] : memref<1600x64xbf16, #tpu.memory_space<vmem>> -> memref<128x64xbf16, #tpu.memory_space<vmem>>
      %dma_wait3A_376 = arith.constant 0 : i32
      %dma_wait3A_377 = tpu.memref_slice %arg5[%dma_wait3A_371, %dma_wait3A_372, %dma_wait3A_376] : memref<2x8x200xi32, #tpu.memory_space<vmem>> -> memref<1x1x128xi32, #tpu.memory_space<vmem>>
      %dma_wait3A_378 = tpu.memref_squeeze %dma_wait3A_377 : memref<1x1x128xi32, #tpu.memory_space<vmem>> -> memref<128xi32, #tpu.memory_space<vmem>>
      %dma_wait3A_379 = arith.constant 0 : i32
      %dma_wait3A_380 = arith.constant 0 : i32
      %dma_wait3A_381 = tpu.memref_slice %arg2[%dma_wait3A_379, %dma_wait3A_380] : memref<100001x64xbf16, #tpu.memory_space<hbm>> -> memref<100001x64xbf16, #tpu.memory_space<hbm>>
      tpu.wait_indirect_dma semaphore(%arg11 : memref<!tpu.dma_semaphore, #tpu.memory_space<semaphore_mem>>) src(%dma_wait3A_381 : memref<100001x64xbf16, #tpu.memory_space<hbm>>) dst(%dma_wait3A_375 : memref<128x64xbf16, #tpu.memory_space<vmem>>)
      %dma_wait3A_382 = arith.constant 0 : i32
      %dma_wait3A_383 = arith.constant 5 : i32
      %dma_wait3A_384 = arith.constant 1128 : i32
      %dma_wait3A_385 = arith.constant 0 : i32
      %dma_wait3A_386 = tpu.memref_slice %arg6[%dma_wait3A_384, %dma_wait3A_385] : memref<1600x64xbf16, #tpu.memory_space<vmem>> -> memref<72x64xbf16, #tpu.memory_space<vmem>>
      %dma_wait3A_387 = arith.constant 128 : i32
      %dma_wait3A_388 = tpu.memref_slice %arg5[%dma_wait3A_382, %dma_wait3A_383, %dma_wait3A_387] : memref<2x8x200xi32, #tpu.memory_space<vmem>> -> memref<1x1x72xi32, #tpu.memory_space<vmem>>
      %dma_wait3A_389 = tpu.memref_squeeze %dma_wait3A_388 : memref<1x1x72xi32, #tpu.memory_space<vmem>> -> memref<72xi32, #tpu.memory_space<vmem>>
      %dma_wait3A_390 = arith.constant 0 : i32
      %dma_wait3A_391 = arith.constant 0 : i32
      %dma_wait3A_392 = tpu.memref_slice %arg2[%dma_wait3A_390, %dma_wait3A_391] : memref<100001x64xbf16, #tpu.memory_space<hbm>> -> memref<100001x64xbf16, #tpu.memory_space<hbm>>
      tpu.wait_indirect_dma semaphore(%arg11 : memref<!tpu.dma_semaphore, #tpu.memory_space<semaphore_mem>>) src(%dma_wait3A_392 : memref<100001x64xbf16, #tpu.memory_space<hbm>>) dst(%dma_wait3A_386 : memref<72x64xbf16, #tpu.memory_space<vmem>>)
      %dma_wait3A_393 = arith.constant 0 : i32
      %dma_wait3A_394 = arith.constant 6 : i32
      %dma_wait3A_395 = arith.constant 1200 : i32
      %dma_wait3A_396 = arith.constant 0 : i32
      %dma_wait3A_397 = tpu.memref_slice %arg6[%dma_wait3A_395, %dma_wait3A_396] : memref<1600x64xbf16, #tpu.memory_space<vmem>> -> memref<128x64xbf16, #tpu.memory_space<vmem>>
      %dma_wait3A_398 = arith.constant 0 : i32
      %dma_wait3A_399 = tpu.memref_slice %arg5[%dma_wait3A_393, %dma_wait3A_394, %dma_wait3A_398] : memref<2x8x200xi32, #tpu.memory_space<vmem>> -> memref<1x1x128xi32, #tpu.memory_space<vmem>>
      %dma_wait3A_400 = tpu.memref_squeeze %dma_wait3A_399 : memref<1x1x128xi32, #tpu.memory_space<vmem>> -> memref<128xi32, #tpu.memory_space<vmem>>
      %dma_wait3A_401 = arith.constant 0 : i32
      %dma_wait3A_402 = arith.constant 0 : i32
      %dma_wait3A_403 = tpu.memref_slice %arg2[%dma_wait3A_401, %dma_wait3A_402] : memref<100001x64xbf16, #tpu.memory_space<hbm>> -> memref<100001x64xbf16, #tpu.memory_space<hbm>>
      tpu.wait_indirect_dma semaphore(%arg11 : memref<!tpu.dma_semaphore, #tpu.memory_space<semaphore_mem>>) src(%dma_wait3A_403 : memref<100001x64xbf16, #tpu.memory_space<hbm>>) dst(%dma_wait3A_397 : memref<128x64xbf16, #tpu.memory_space<vmem>>)
      %dma_wait3A_404 = arith.constant 0 : i32
      %dma_wait3A_405 = arith.constant 6 : i32
      %dma_wait3A_406 = arith.constant 1328 : i32
      %dma_wait3A_407 = arith.constant 0 : i32
      %dma_wait3A_408 = tpu.memref_slice %arg6[%dma_wait3A_406, %dma_wait3A_407] : memref<1600x64xbf16, #tpu.memory_space<vmem>> -> memref<72x64xbf16, #tpu.memory_space<vmem>>
      %dma_wait3A_409 = arith.constant 128 : i32
      %dma_wait3A_410 = tpu.memref_slice %arg5[%dma_wait3A_404, %dma_wait3A_405, %dma_wait3A_409] : memref<2x8x200xi32, #tpu.memory_space<vmem>> -> memref<1x1x72xi32, #tpu.memory_space<vmem>>
      %dma_wait3A_411 = tpu.memref_squeeze %dma_wait3A_410 : memref<1x1x72xi32, #tpu.memory_space<vmem>> -> memref<72xi32, #tpu.memory_space<vmem>>
      %dma_wait3A_412 = arith.constant 0 : i32
      %dma_wait3A_413 = arith.constant 0 : i32
      %dma_wait3A_414 = tpu.memref_slice %arg2[%dma_wait3A_412, %dma_wait3A_413] : memref<100001x64xbf16, #tpu.memory_space<hbm>> -> memref<100001x64xbf16, #tpu.memory_space<hbm>>
      tpu.wait_indirect_dma semaphore(%arg11 : memref<!tpu.dma_semaphore, #tpu.memory_space<semaphore_mem>>) src(%dma_wait3A_414 : memref<100001x64xbf16, #tpu.memory_space<hbm>>) dst(%dma_wait3A_408 : memref<72x64xbf16, #tpu.memory_space<vmem>>)
      %dma_wait3A_415 = arith.constant 0 : i32
      %dma_wait3A_416 = arith.constant 7 : i32
      %dma_wait3A_417 = arith.constant 1400 : i32
      %dma_wait3A_418 = arith.constant 0 : i32
      %dma_wait3A_419 = tpu.memref_slice %arg6[%dma_wait3A_417, %dma_wait3A_418] : memref<1600x64xbf16, #tpu.memory_space<vmem>> -> memref<128x64xbf16, #tpu.memory_space<vmem>>
      %dma_wait3A_420 = arith.constant 0 : i32
      %dma_wait3A_421 = tpu.memref_slice %arg5[%dma_wait3A_415, %dma_wait3A_416, %dma_wait3A_420] : memref<2x8x200xi32, #tpu.memory_space<vmem>> -> memref<1x1x128xi32, #tpu.memory_space<vmem>>
      %dma_wait3A_422 = tpu.memref_squeeze %dma_wait3A_421 : memref<1x1x128xi32, #tpu.memory_space<vmem>> -> memref<128xi32, #tpu.memory_space<vmem>>
      %dma_wait3A_423 = arith.constant 0 : i32
      %dma_wait3A_424 = arith.constant 0 : i32
      %dma_wait3A_425 = tpu.memref_slice %arg2[%dma_wait3A_423, %dma_wait3A_424] : memref<100001x64xbf16, #tpu.memory_space<hbm>> -> memref<100001x64xbf16, #tpu.memory_space<hbm>>
      tpu.wait_indirect_dma semaphore(%arg11 : memref<!tpu.dma_semaphore, #tpu.memory_space<semaphore_mem>>) src(%dma_wait3A_425 : memref<100001x64xbf16, #tpu.memory_space<hbm>>) dst(%dma_wait3A_419 : memref<128x64xbf16, #tpu.memory_space<vmem>>)
      %dma_wait3A_426 = arith.constant 0 : i32
      %dma_wait3A_427 = arith.constant 7 : i32
      %dma_wait3A_428 = arith.constant 1528 : i32
      %dma_wait3A_429 = arith.constant 0 : i32
      %dma_wait3A_430 = tpu.memref_slice %arg6[%dma_wait3A_428, %dma_wait3A_429] : memref<1600x64xbf16, #tpu.memory_space<vmem>> -> memref<72x64xbf16, #tpu.memory_space<vmem>>
      %dma_wait3A_431 = arith.constant 128 : i32
      %dma_wait3A_432 = tpu.memref_slice %arg5[%dma_wait3A_426, %dma_wait3A_427, %dma_wait3A_431] : memref<2x8x200xi32, #tpu.memory_space<vmem>> -> memref<1x1x72xi32, #tpu.memory_space<vmem>>
      %dma_wait3A_433 = tpu.memref_squeeze %dma_wait3A_432 : memref<1x1x72xi32, #tpu.memory_space<vmem>> -> memref<72xi32, #tpu.memory_space<vmem>>
      %dma_wait3A_434 = arith.constant 0 : i32
      %dma_wait3A_435 = arith.constant 0 : i32
      %dma_wait3A_436 = tpu.memref_slice %arg2[%dma_wait3A_434, %dma_wait3A_435] : memref<100001x64xbf16, #tpu.memory_space<hbm>> -> memref<100001x64xbf16, #tpu.memory_space<hbm>>
      tpu.wait_indirect_dma semaphore(%arg11 : memref<!tpu.dma_semaphore, #tpu.memory_space<semaphore_mem>>) src(%dma_wait3A_436 : memref<100001x64xbf16, #tpu.memory_space<hbm>>) dst(%dma_wait3A_430 : memref<72x64xbf16, #tpu.memory_space<vmem>>)
      %add3A_437 = arith.constant 2 : i32
      %add3A_438 = arith.addi %add3A_256, %add3A_437 : i32
      %lt3A_439 = arith.constant 64 : i32
      %lt3A_440 = arith.cmpi slt, %add3A_438, %lt3A_439 : i32
      %convert_element_type3A_441 = arith.extui %lt3A_440 : i1 to i32
      %cond3A_442 = arith.constant 0 : i32
      %cond3A_443 = arith.cmpi ne, %convert_element_type3A_441, %cond3A_442 : i32
      scf.if %cond3A_443 {
        %add3A_1075 = arith.constant 2 : i32
        %add3A_1076 = arith.addi %add3A_256, %add3A_1075 : i32
        %mul3A_1077 = arith.constant 8 : i32
        %mul3A_1078 = arith.muli %add3A_1076, %mul3A_1077 : i32
        %add3A_1079 = arith.addi %mul3A_2, %mul3A_1078 : i32
        %dma_start3A_1080 = arith.constant 0 : i32
        %dma_start3A_1081 = arith.constant 0 : i32
        %dma_start3A_1082 = arith.constant 0 : i32
        %dma_start3A_1083 = tpu.memref_slice %arg5[%dma_start3A_1080, %dma_start3A_1081, %dma_start3A_1082] : memref<2x8x200xi32, #tpu.memory_space<vmem>> -> memref<1x8x200xi32, #tpu.memory_space<vmem>>
        %dma_start3A_1084 = tpu.memref_squeeze %dma_start3A_1083 : memref<1x8x200xi32, #tpu.memory_space<vmem>> -> memref<8x200xi32, #tpu.memory_space<vmem>>
        %dma_start3A_1085 = arith.constant 0 : i32
        %dma_start3A_1086 = tpu.memref_slice %arg3[%add3A_1079, %dma_start3A_1085] : memref<16384x200xi32, #tpu.memory_space<hbm>> -> memref<8x200xi32, #tpu.memory_space<hbm>>
        %dma_start3A_1087 = arith.constant 0 : i32
        %dma_start3A_1088 = arith.constant 0 : i32
        %dma_start3A_1089 = tpu.memref_slice %arg5[%dma_start3A_1080, %dma_start3A_1087, %dma_start3A_1088] : memref<2x8x200xi32, #tpu.memory_space<vmem>> -> memref<1x8x200xi32, #tpu.memory_space<vmem>>
        %dma_start3A_1090 = tpu.memref_squeeze %dma_start3A_1089 : memref<1x8x200xi32, #tpu.memory_space<vmem>> -> memref<8x200xi32, #tpu.memory_space<vmem>>
        %dma_start3A_1091 = arith.constant 0 : i32
        %dma_start3A_1092 = tpu.memref_slice %arg3[%add3A_1079, %dma_start3A_1091] : memref<16384x200xi32, #tpu.memory_space<hbm>> -> memref<8x200xi32, #tpu.memory_space<hbm>>
        tpu.enqueue_dma source(%dma_start3A_1092 : memref<8x200xi32, #tpu.memory_space<hbm>>) target(%dma_start3A_1090 : memref<8x200xi32, #tpu.memory_space<vmem>>) target_semaphore(%arg9 : memref<!tpu.dma_semaphore, #tpu.memory_space<semaphore_mem>>)
      } else {
      }
      %broadcast_in_dim3A = arith.constant 0.000000e+00 : f32
      %broadcast_in_dim3A_444 = vector.broadcast %broadcast_in_dim3A : f32 to vector<16xf32>
      %scan3A_445 = arith.constant 0 : i32
      %scan3A_446 = arith.constant 200 : i32
      %scan3A_447 = arith.addi %scan3A_445, %scan3A_446 : i32
      %scan3A_448 = arith.constant 2 : i32
      %scan3A_449:32 = scf.for %scan3A_1075 = %scan3A_445 to %scan3A_447 step %scan3A_448 iter_args(%scan3A_1076 = %broadcast_in_dim3A_444, %scan3A_1077 = %broadcast_in_dim3A_444, %scan3A_1078 = %broadcast_in_dim3A_444, %scan3A_1079 = %broadcast_in_dim3A_444, %scan3A_1080 = %broadcast_in_dim3A_444, %scan3A_1081 = %broadcast_in_dim3A_444, %scan3A_1082 = %broadcast_in_dim3A_444, %scan3A_1083 = %broadcast_in_dim3A_444, %scan3A_1084 = %broadcast_in_dim3A_444, %scan3A_1085 = %broadcast_in_dim3A_444, %scan3A_1086 = %broadcast_in_dim3A_444, %scan3A_1087 = %broadcast_in_dim3A_444, %scan3A_1088 = %broadcast_in_dim3A_444, %scan3A_1089 = %broadcast_in_dim3A_444, %scan3A_1090 = %broadcast_in_dim3A_444, %scan3A_1091 = %broadcast_in_dim3A_444, %scan3A_1092 = %broadcast_in_dim3A_444, %scan3A_1093 = %broadcast_in_dim3A_444, %scan3A_1094 = %broadcast_in_dim3A_444, %scan3A_1095 = %broadcast_in_dim3A_444, %scan3A_1096 = %broadcast_in_dim3A_444, %scan3A_1097 = %broadcast_in_dim3A_444, %scan3A_1098 = %broadcast_in_dim3A_444, %scan3A_1099 = %broadcast_in_dim3A_444, %scan3A_1100 = %broadcast_in_dim3A_444, %scan3A_1101 = %broadcast_in_dim3A_444, %scan3A_1102 = %broadcast_in_dim3A_444, %scan3A_1103 = %broadcast_in_dim3A_444, %scan3A_1104 = %broadcast_in_dim3A_444, %scan3A_1105 = %broadcast_in_dim3A_444, %scan3A_1106 = %broadcast_in_dim3A_444, %scan3A_1107 = %broadcast_in_dim3A_444) -> (vector<16xf32>, vector<16xf32>, vector<16xf32>, vector<16xf32>, vector<16xf32>, vector<16xf32>, vector<16xf32>, vector<16xf32>, vector<16xf32>, vector<16xf32>, vector<16xf32>, vector<16xf32>, vector<16xf32>, vector<16xf32>, vector<16xf32>, vector<16xf32>, vector<16xf32>, vector<16xf32>, vector<16xf32>, vector<16xf32>, vector<16xf32>, vector<16xf32>, vector<16xf32>, vector<16xf32>, vector<16xf32>, vector<16xf32>, vector<16xf32>, vector<16xf32>, vector<16xf32>, vector<16xf32>, vector<16xf32>, vector<16xf32>)  : i32 {
        %mul3A_1108 = arith.constant 1 : i32
        %mul3A_1109 = arith.muli %scan3A_1075, %mul3A_1108 : i32
        %add3A_1110 = arith.constant 0 : i32
        %add3A_1111 = arith.addi %add3A_1110, %mul3A_1109 : i32
        %add3A_1112 = arith.constant 0 : i32
        %add3A_1113 = arith.addi %add3A_1112, %add3A_1111 : i32
        %get3A = arith.index_cast %add3A_1113 : i32 to index
        %get3A_1114 = arith.constant 0 : index
        %get3A_1115 = tpu.vector_load %arg6[%get3A, %get3A_1114] {strides = array<i32>} : memref<1600x64xbf16, #tpu.memory_space<vmem>>, vector<32xbf16>,
        %unpack3A = tpu.unpack_subelements %get3A_1115, 0 {pack_format = #tpu.pack_format<interleaved>} : vector<32xbf16> -> vector<16xf32>
        %unpack3A_1116 = tpu.unpack_subelements %get3A_1115, 1 {pack_format = #tpu.pack_format<interleaved>} : vector<32xbf16> -> vector<16xf32>
        %add3A_1117 = arith.addf %scan3A_1076, %unpack3A : vector<16xf32>
        %add3A_1118 = arith.addf %scan3A_1077, %unpack3A_1116 : vector<16xf32>
        %add3A_1119 = arith.constant 0 : i32
        %add3A_1120 = arith.addi %add3A_1119, %add3A_1111 : i32
        %get3A_1121 = arith.index_cast %add3A_1120 : i32 to index
        %get3A_1122 = arith.constant 32 : index
        %get3A_1123 = tpu.vector_load %arg6[%get3A_1121, %get3A_1122] {strides = array<i32>} : memref<1600x64xbf16, #tpu.memory_space<vmem>>, vector<32xbf16>,
        %unpack3A_1124 = tpu.unpack_subelements %get3A_1123, 0 {pack_format = #tpu.pack_format<interleaved>} : vector<32xbf16> -> vector<16xf32>
        %unpack3A_1125 = tpu.unpack_subelements %get3A_1123, 1 {pack_format = #tpu.pack_format<interleaved>} : vector<32xbf16> -> vector<16xf32>
        %add3A_1126 = arith.addf %scan3A_1078, %unpack3A_1124 : vector<16xf32>
        %add3A_1127 = arith.addf %scan3A_1079, %unpack3A_1125 : vector<16xf32>
        %add3A_1128 = arith.constant 200 : i32
        %add3A_1129 = arith.addi %add3A_1128, %add3A_1111 : i32
        %get3A_1130 = arith.index_cast %add3A_1129 : i32 to index
        %get3A_1131 = arith.constant 0 : index
        %get3A_1132 = tpu.vector_load %arg6[%get3A_1130, %get3A_1131] {strides = array<i32>} : memref<1600x64xbf16, #tpu.memory_space<vmem>>, vector<32xbf16>,
        %unpack3A_1133 = tpu.unpack_subelements %get3A_1132, 0 {pack_format = #tpu.pack_format<interleaved>} : vector<32xbf16> -> vector<16xf32>
        %unpack3A_1134 = tpu.unpack_subelements %get3A_1132, 1 {pack_format = #tpu.pack_format<interleaved>} : vector<32xbf16> -> vector<16xf32>
        %add3A_1135 = arith.addf %scan3A_1080, %unpack3A_1133 : vector<16xf32>
        %add3A_1136 = arith.addf %scan3A_1081, %unpack3A_1134 : vector<16xf32>
        %add3A_1137 = arith.constant 200 : i32
        %add3A_1138 = arith.addi %add3A_1137, %add3A_1111 : i32
        %get3A_1139 = arith.index_cast %add3A_1138 : i32 to index
        %get3A_1140 = arith.constant 32 : index
        %get3A_1141 = tpu.vector_load %arg6[%get3A_1139, %get3A_1140] {strides = array<i32>} : memref<1600x64xbf16, #tpu.memory_space<vmem>>, vector<32xbf16>,
        %unpack3A_1142 = tpu.unpack_subelements %get3A_1141, 0 {pack_format = #tpu.pack_format<interleaved>} : vector<32xbf16> -> vector<16xf32>
        %unpack3A_1143 = tpu.unpack_subelements %get3A_1141, 1 {pack_format = #tpu.pack_format<interleaved>} : vector<32xbf16> -> vector<16xf32>
        %add3A_1144 = arith.addf %scan3A_1082, %unpack3A_1142 : vector<16xf32>
        %add3A_1145 = arith.addf %scan3A_1083, %unpack3A_1143 : vector<16xf32>
        %add3A_1146 = arith.constant 400 : i32
        %add3A_1147 = arith.addi %add3A_1146, %add3A_1111 : i32
        %get3A_1148 = arith.index_cast %add3A_1147 : i32 to index
        %get3A_1149 = arith.constant 0 : index
        %get3A_1150 = tpu.vector_load %arg6[%get3A_1148, %get3A_1149] {strides = array<i32>} : memref<1600x64xbf16, #tpu.memory_space<vmem>>, vector<32xbf16>,
        %unpack3A_1151 = tpu.unpack_subelements %get3A_1150, 0 {pack_format = #tpu.pack_format<interleaved>} : vector<32xbf16> -> vector<16xf32>
        %unpack3A_1152 = tpu.unpack_subelements %get3A_1150, 1 {pack_format = #tpu.pack_format<interleaved>} : vector<32xbf16> -> vector<16xf32>
        %add3A_1153 = arith.addf %scan3A_1084, %unpack3A_1151 : vector<16xf32>
        %add3A_1154 = arith.addf %scan3A_1085, %unpack3A_1152 : vector<16xf32>
        %add3A_1155 = arith.constant 400 : i32
        %add3A_1156 = arith.addi %add3A_1155, %add3A_1111 : i32
        %get3A_1157 = arith.index_cast %add3A_1156 : i32 to index
        %get3A_1158 = arith.constant 32 : index
        %get3A_1159 = tpu.vector_load %arg6[%get3A_1157, %get3A_1158] {strides = array<i32>} : memref<1600x64xbf16, #tpu.memory_space<vmem>>, vector<32xbf16>,
        %unpack3A_1160 = tpu.unpack_subelements %get3A_1159, 0 {pack_format = #tpu.pack_format<interleaved>} : vector<32xbf16> -> vector<16xf32>
        %unpack3A_1161 = tpu.unpack_subelements %get3A_1159, 1 {pack_format = #tpu.pack_format<interleaved>} : vector<32xbf16> -> vector<16xf32>
        %add3A_1162 = arith.addf %scan3A_1086, %unpack3A_1160 : vector<16xf32>
        %add3A_1163 = arith.addf %scan3A_1087, %unpack3A_1161 : vector<16xf32>
        %add3A_1164 = arith.constant 600 : i32
        %add3A_1165 = arith.addi %add3A_1164, %add3A_1111 : i32
        %get3A_1166 = arith.index_cast %add3A_1165 : i32 to index
        %get3A_1167 = arith.constant 0 : index
        %get3A_1168 = tpu.vector_load %arg6[%get3A_1166, %get3A_1167] {strides = array<i32>} : memref<1600x64xbf16, #tpu.memory_space<vmem>>, vector<32xbf16>,
        %unpack3A_1169 = tpu.unpack_subelements %get3A_1168, 0 {pack_format = #tpu.pack_format<interleaved>} : vector<32xbf16> -> vector<16xf32>
        %unpack3A_1170 = tpu.unpack_subelements %get3A_1168, 1 {pack_format = #tpu.pack_format<interleaved>} : vector<32xbf16> -> vector<16xf32>
        %add3A_1171 = arith.addf %scan3A_1088, %unpack3A_1169 : vector<16xf32>
        %add3A_1172 = arith.addf %scan3A_1089, %unpack3A_1170 : vector<16xf32>
        %add3A_1173 = arith.constant 600 : i32
        %add3A_1174 = arith.addi %add3A_1173, %add3A_1111 : i32
        %get3A_1175 = arith.index_cast %add3A_1174 : i32 to index
        %get3A_1176 = arith.constant 32 : index
        %get3A_1177 = tpu.vector_load %arg6[%get3A_1175, %get3A_1176] {strides = array<i32>} : memref<1600x64xbf16, #tpu.memory_space<vmem>>, vector<32xbf16>,
        %unpack3A_1178 = tpu.unpack_subelements %get3A_1177, 0 {pack_format = #tpu.pack_format<interleaved>} : vector<32xbf16> -> vector<16xf32>
        %unpack3A_1179 = tpu.unpack_subelements %get3A_1177, 1 {pack_format = #tpu.pack_format<interleaved>} : vector<32xbf16> -> vector<16xf32>
        %add3A_1180 = arith.addf %scan3A_1090, %unpack3A_1178 : vector<16xf32>
        %add3A_1181 = arith.addf %scan3A_1091, %unpack3A_1179 : vector<16xf32>
        %add3A_1182 = arith.constant 800 : i32
        %add3A_1183 = arith.addi %add3A_1182, %add3A_1111 : i32
        %get3A_1184 = arith.index_cast %add3A_1183 : i32 to index
        %get3A_1185 = arith.constant 0 : index
        %get3A_1186 = tpu.vector_load %arg6[%get3A_1184, %get3A_1185] {strides = array<i32>} : memref<1600x64xbf16, #tpu.memory_space<vmem>>, vector<32xbf16>,
        %unpack3A_1187 = tpu.unpack_subelements %get3A_1186, 0 {pack_format = #tpu.pack_format<interleaved>} : vector<32xbf16> -> vector<16xf32>
        %unpack3A_1188 = tpu.unpack_subelements %get3A_1186, 1 {pack_format = #tpu.pack_format<interleaved>} : vector<32xbf16> -> vector<16xf32>
        %add3A_1189 = arith.addf %scan3A_1092, %unpack3A_1187 : vector<16xf32>
        %add3A_1190 = arith.addf %scan3A_1093, %unpack3A_1188 : vector<16xf32>
        %add3A_1191 = arith.constant 800 : i32
        %add3A_1192 = arith.addi %add3A_1191, %add3A_1111 : i32
        %get3A_1193 = arith.index_cast %add3A_1192 : i32 to index
        %get3A_1194 = arith.constant 32 : index
        %get3A_1195 = tpu.vector_load %arg6[%get3A_1193, %get3A_1194] {strides = array<i32>} : memref<1600x64xbf16, #tpu.memory_space<vmem>>, vector<32xbf16>,
        %unpack3A_1196 = tpu.unpack_subelements %get3A_1195, 0 {pack_format = #tpu.pack_format<interleaved>} : vector<32xbf16> -> vector<16xf32>
        %unpack3A_1197 = tpu.unpack_subelements %get3A_1195, 1 {pack_format = #tpu.pack_format<interleaved>} : vector<32xbf16> -> vector<16xf32>
        %add3A_1198 = arith.addf %scan3A_1094, %unpack3A_1196 : vector<16xf32>
        %add3A_1199 = arith.addf %scan3A_1095, %unpack3A_1197 : vector<16xf32>
        %add3A_1200 = arith.constant 1000 : i32
        %add3A_1201 = arith.addi %add3A_1200, %add3A_1111 : i32
        %get3A_1202 = arith.index_cast %add3A_1201 : i32 to index
        %get3A_1203 = arith.constant 0 : index
        %get3A_1204 = tpu.vector_load %arg6[%get3A_1202, %get3A_1203] {strides = array<i32>} : memref<1600x64xbf16, #tpu.memory_space<vmem>>, vector<32xbf16>,
        %unpack3A_1205 = tpu.unpack_subelements %get3A_1204, 0 {pack_format = #tpu.pack_format<interleaved>} : vector<32xbf16> -> vector<16xf32>
        %unpack3A_1206 = tpu.unpack_subelements %get3A_1204, 1 {pack_format = #tpu.pack_format<interleaved>} : vector<32xbf16> -> vector<16xf32>
        %add3A_1207 = arith.addf %scan3A_1096, %unpack3A_1205 : vector<16xf32>
        %add3A_1208 = arith.addf %scan3A_1097, %unpack3A_1206 : vector<16xf32>
        %add3A_1209 = arith.constant 1000 : i32
        %add3A_1210 = arith.addi %add3A_1209, %add3A_1111 : i32
        %get3A_1211 = arith.index_cast %add3A_1210 : i32 to index
        %get3A_1212 = arith.constant 32 : index
        %get3A_1213 = tpu.vector_load %arg6[%get3A_1211, %get3A_1212] {strides = array<i32>} : memref<1600x64xbf16, #tpu.memory_space<vmem>>, vector<32xbf16>,
        %unpack3A_1214 = tpu.unpack_subelements %get3A_1213, 0 {pack_format = #tpu.pack_format<interleaved>} : vector<32xbf16> -> vector<16xf32>
        %unpack3A_1215 = tpu.unpack_subelements %get3A_1213, 1 {pack_format = #tpu.pack_format<interleaved>} : vector<32xbf16> -> vector<16xf32>
        %add3A_1216 = arith.addf %scan3A_1098, %unpack3A_1214 : vector<16xf32>
        %add3A_1217 = arith.addf %scan3A_1099, %unpack3A_1215 : vector<16xf32>
        %add3A_1218 = arith.constant 1200 : i32
        %add3A_1219 = arith.addi %add3A_1218, %add3A_1111 : i32
        %get3A_1220 = arith.index_cast %add3A_1219 : i32 to index
        %get3A_1221 = arith.constant 0 : index
        %get3A_1222 = tpu.vector_load %arg6[%get3A_1220, %get3A_1221] {strides = array<i32>} : memref<1600x64xbf16, #tpu.memory_space<vmem>>, vector<32xbf16>,
        %unpack3A_1223 = tpu.unpack_subelements %get3A_1222, 0 {pack_format = #tpu.pack_format<interleaved>} : vector<32xbf16> -> vector<16xf32>
        %unpack3A_1224 = tpu.unpack_subelements %get3A_1222, 1 {pack_format = #tpu.pack_format<interleaved>} : vector<32xbf16> -> vector<16xf32>
        %add3A_1225 = arith.addf %scan3A_1100, %unpack3A_1223 : vector<16xf32>
        %add3A_1226 = arith.addf %scan3A_1101, %unpack3A_1224 : vector<16xf32>
        %add3A_1227 = arith.constant 1200 : i32
        %add3A_1228 = arith.addi %add3A_1227, %add3A_1111 : i32
        %get3A_1229 = arith.index_cast %add3A_1228 : i32 to index
        %get3A_1230 = arith.constant 32 : index
        %get3A_1231 = tpu.vector_load %arg6[%get3A_1229, %get3A_1230] {strides = array<i32>} : memref<1600x64xbf16, #tpu.memory_space<vmem>>, vector<32xbf16>,
        %unpack3A_1232 = tpu.unpack_subelements %get3A_1231, 0 {pack_format = #tpu.pack_format<interleaved>} : vector<32xbf16> -> vector<16xf32>
        %unpack3A_1233 = tpu.unpack_subelements %get3A_1231, 1 {pack_format = #tpu.pack_format<interleaved>} : vector<32xbf16> -> vector<16xf32>
        %add3A_1234 = arith.addf %scan3A_1102, %unpack3A_1232 : vector<16xf32>
        %add3A_1235 = arith.addf %scan3A_1103, %unpack3A_1233 : vector<16xf32>
        %add3A_1236 = arith.constant 1400 : i32
        %add3A_1237 = arith.addi %add3A_1236, %add3A_1111 : i32
        %get3A_1238 = arith.index_cast %add3A_1237 : i32 to index
        %get3A_1239 = arith.constant 0 : index
        %get3A_1240 = tpu.vector_load %arg6[%get3A_1238, %get3A_1239] {strides = array<i32>} : memref<1600x64xbf16, #tpu.memory_space<vmem>>, vector<32xbf16>,
        %unpack3A_1241 = tpu.unpack_subelements %get3A_1240, 0 {pack_format = #tpu.pack_format<interleaved>} : vector<32xbf16> -> vector<16xf32>
        %unpack3A_1242 = tpu.unpack_subelements %get3A_1240, 1 {pack_format = #tpu.pack_format<interleaved>} : vector<32xbf16> -> vector<16xf32>
        %add3A_1243 = arith.addf %scan3A_1104, %unpack3A_1241 : vector<16xf32>
        %add3A_1244 = arith.addf %scan3A_1105, %unpack3A_1242 : vector<16xf32>
        %add3A_1245 = arith.constant 1400 : i32
        %add3A_1246 = arith.addi %add3A_1245, %add3A_1111 : i32
        %get3A_1247 = arith.index_cast %add3A_1246 : i32 to index
        %get3A_1248 = arith.constant 32 : index
        %get3A_1249 = tpu.vector_load %arg6[%get3A_1247, %get3A_1248] {strides = array<i32>} : memref<1600x64xbf16, #tpu.memory_space<vmem>>, vector<32xbf16>,
        %unpack3A_1250 = tpu.unpack_subelements %get3A_1249, 0 {pack_format = #tpu.pack_format<interleaved>} : vector<32xbf16> -> vector<16xf32>
        %unpack3A_1251 = tpu.unpack_subelements %get3A_1249, 1 {pack_format = #tpu.pack_format<interleaved>} : vector<32xbf16> -> vector<16xf32>
        %add3A_1252 = arith.addf %scan3A_1106, %unpack3A_1250 : vector<16xf32>
        %add3A_1253 = arith.addf %scan3A_1107, %unpack3A_1251 : vector<16xf32>
        %scan3A_1254 = arith.constant 1 : i32
        %scan3A_1255 = arith.addi %scan3A_1075, %scan3A_1254 : i32
        %mul3A_1256 = arith.constant 1 : i32
        %mul3A_1257 = arith.muli %scan3A_1255, %mul3A_1256 : i32
        %add3A_1258 = arith.constant 0 : i32
        %add3A_1259 = arith.addi %add3A_1258, %mul3A_1257 : i32
        %add3A_1260 = arith.constant 0 : i32
        %add3A_1261 = arith.addi %add3A_1260, %add3A_1259 : i32
        %get3A_1262 = arith.index_cast %add3A_1261 : i32 to index
        %get3A_1263 = arith.constant 0 : index
        %get3A_1264 = tpu.vector_load %arg6[%get3A_1262, %get3A_1263] {strides = array<i32>} : memref<1600x64xbf16, #tpu.memory_space<vmem>>, vector<32xbf16>,
        %unpack3A_1265 = tpu.unpack_subelements %get3A_1264, 0 {pack_format = #tpu.pack_format<interleaved>} : vector<32xbf16> -> vector<16xf32>
        %unpack3A_1266 = tpu.unpack_subelements %get3A_1264, 1 {pack_format = #tpu.pack_format<interleaved>} : vector<32xbf16> -> vector<16xf32>
        %add3A_1267 = arith.addf %add3A_1117, %unpack3A_1265 : vector<16xf32>
        %add3A_1268 = arith.addf %add3A_1118, %unpack3A_1266 : vector<16xf32>
        %add3A_1269 = arith.constant 0 : i32
        %add3A_1270 = arith.addi %add3A_1269, %add3A_1259 : i32
        %get3A_1271 = arith.index_cast %add3A_1270 : i32 to index
        %get3A_1272 = arith.constant 32 : index
        %get3A_1273 = tpu.vector_load %arg6[%get3A_1271, %get3A_1272] {strides = array<i32>} : memref<1600x64xbf16, #tpu.memory_space<vmem>>, vector<32xbf16>,
        %unpack3A_1274 = tpu.unpack_subelements %get3A_1273, 0 {pack_format = #tpu.pack_format<interleaved>} : vector<32xbf16> -> vector<16xf32>
        %unpack3A_1275 = tpu.unpack_subelements %get3A_1273, 1 {pack_format = #tpu.pack_format<interleaved>} : vector<32xbf16> -> vector<16xf32>
        %add3A_1276 = arith.addf %add3A_1126, %unpack3A_1274 : vector<16xf32>
        %add3A_1277 = arith.addf %add3A_1127, %unpack3A_1275 : vector<16xf32>
        %add3A_1278 = arith.constant 200 : i32
        %add3A_1279 = arith.addi %add3A_1278, %add3A_1259 : i32
        %get3A_1280 = arith.index_cast %add3A_1279 : i32 to index
        %get3A_1281 = arith.constant 0 : index
        %get3A_1282 = tpu.vector_load %arg6[%get3A_1280, %get3A_1281] {strides = array<i32>} : memref<1600x64xbf16, #tpu.memory_space<vmem>>, vector<32xbf16>,
        %unpack3A_1283 = tpu.unpack_subelements %get3A_1282, 0 {pack_format = #tpu.pack_format<interleaved>} : vector<32xbf16> -> vector<16xf32>
        %unpack3A_1284 = tpu.unpack_subelements %get3A_1282, 1 {pack_format = #tpu.pack_format<interleaved>} : vector<32xbf16> -> vector<16xf32>
        %add3A_1285 = arith.addf %add3A_1135, %unpack3A_1283 : vector<16xf32>
        %add3A_1286 = arith.addf %add3A_1136, %unpack3A_1284 : vector<16xf32>
        %add3A_1287 = arith.constant 200 : i32
        %add3A_1288 = arith.addi %add3A_1287, %add3A_1259 : i32
        %get3A_1289 = arith.index_cast %add3A_1288 : i32 to index
        %get3A_1290 = arith.constant 32 : index
        %get3A_1291 = tpu.vector_load %arg6[%get3A_1289, %get3A_1290] {strides = array<i32>} : memref<1600x64xbf16, #tpu.memory_space<vmem>>, vector<32xbf16>,
        %unpack3A_1292 = tpu.unpack_subelements %get3A_1291, 0 {pack_format = #tpu.pack_format<interleaved>} : vector<32xbf16> -> vector<16xf32>
        %unpack3A_1293 = tpu.unpack_subelements %get3A_1291, 1 {pack_format = #tpu.pack_format<interleaved>} : vector<32xbf16> -> vector<16xf32>
        %add3A_1294 = arith.addf %add3A_1144, %unpack3A_1292 : vector<16xf32>
        %add3A_1295 = arith.addf %add3A_1145, %unpack3A_1293 : vector<16xf32>
        %add3A_1296 = arith.constant 400 : i32
        %add3A_1297 = arith.addi %add3A_1296, %add3A_1259 : i32
        %get3A_1298 = arith.index_cast %add3A_1297 : i32 to index
        %get3A_1299 = arith.constant 0 : index
        %get3A_1300 = tpu.vector_load %arg6[%get3A_1298, %get3A_1299] {strides = array<i32>} : memref<1600x64xbf16, #tpu.memory_space<vmem>>, vector<32xbf16>,
        %unpack3A_1301 = tpu.unpack_subelements %get3A_1300, 0 {pack_format = #tpu.pack_format<interleaved>} : vector<32xbf16> -> vector<16xf32>
        %unpack3A_1302 = tpu.unpack_subelements %get3A_1300, 1 {pack_format = #tpu.pack_format<interleaved>} : vector<32xbf16> -> vector<16xf32>
        %add3A_1303 = arith.addf %add3A_1153, %unpack3A_1301 : vector<16xf32>
        %add3A_1304 = arith.addf %add3A_1154, %unpack3A_1302 : vector<16xf32>
        %add3A_1305 = arith.constant 400 : i32
        %add3A_1306 = arith.addi %add3A_1305, %add3A_1259 : i32
        %get3A_1307 = arith.index_cast %add3A_1306 : i32 to index
        %get3A_1308 = arith.constant 32 : index
        %get3A_1309 = tpu.vector_load %arg6[%get3A_1307, %get3A_1308] {strides = array<i32>} : memref<1600x64xbf16, #tpu.memory_space<vmem>>, vector<32xbf16>,
        %unpack3A_1310 = tpu.unpack_subelements %get3A_1309, 0 {pack_format = #tpu.pack_format<interleaved>} : vector<32xbf16> -> vector<16xf32>
        %unpack3A_1311 = tpu.unpack_subelements %get3A_1309, 1 {pack_format = #tpu.pack_format<interleaved>} : vector<32xbf16> -> vector<16xf32>
        %add3A_1312 = arith.addf %add3A_1162, %unpack3A_1310 : vector<16xf32>
        %add3A_1313 = arith.addf %add3A_1163, %unpack3A_1311 : vector<16xf32>
        %add3A_1314 = arith.constant 600 : i32
        %add3A_1315 = arith.addi %add3A_1314, %add3A_1259 : i32
        %get3A_1316 = arith.index_cast %add3A_1315 : i32 to index
        %get3A_1317 = arith.constant 0 : index
        %get3A_1318 = tpu.vector_load %arg6[%get3A_1316, %get3A_1317] {strides = array<i32>} : memref<1600x64xbf16, #tpu.memory_space<vmem>>, vector<32xbf16>,
        %unpack3A_1319 = tpu.unpack_subelements %get3A_1318, 0 {pack_format = #tpu.pack_format<interleaved>} : vector<32xbf16> -> vector<16xf32>
        %unpack3A_1320 = tpu.unpack_subelements %get3A_1318, 1 {pack_format = #tpu.pack_format<interleaved>} : vector<32xbf16> -> vector<16xf32>
        %add3A_1321 = arith.addf %add3A_1171, %unpack3A_1319 : vector<16xf32>
        %add3A_1322 = arith.addf %add3A_1172, %unpack3A_1320 : vector<16xf32>
        %add3A_1323 = arith.constant 600 : i32
        %add3A_1324 = arith.addi %add3A_1323, %add3A_1259 : i32
        %get3A_1325 = arith.index_cast %add3A_1324 : i32 to index
        %get3A_1326 = arith.constant 32 : index
        %get3A_1327 = tpu.vector_load %arg6[%get3A_1325, %get3A_1326] {strides = array<i32>} : memref<1600x64xbf16, #tpu.memory_space<vmem>>, vector<32xbf16>,
        %unpack3A_1328 = tpu.unpack_subelements %get3A_1327, 0 {pack_format = #tpu.pack_format<interleaved>} : vector<32xbf16> -> vector<16xf32>
        %unpack3A_1329 = tpu.unpack_subelements %get3A_1327, 1 {pack_format = #tpu.pack_format<interleaved>} : vector<32xbf16> -> vector<16xf32>
        %add3A_1330 = arith.addf %add3A_1180, %unpack3A_1328 : vector<16xf32>
        %add3A_1331 = arith.addf %add3A_1181, %unpack3A_1329 : vector<16xf32>
        %add3A_1332 = arith.constant 800 : i32
        %add3A_1333 = arith.addi %add3A_1332, %add3A_1259 : i32
        %get3A_1334 = arith.index_cast %add3A_1333 : i32 to index
        %get3A_1335 = arith.constant 0 : index
        %get3A_1336 = tpu.vector_load %arg6[%get3A_1334, %get3A_1335] {strides = array<i32>} : memref<1600x64xbf16, #tpu.memory_space<vmem>>, vector<32xbf16>,
        %unpack3A_1337 = tpu.unpack_subelements %get3A_1336, 0 {pack_format = #tpu.pack_format<interleaved>} : vector<32xbf16> -> vector<16xf32>
        %unpack3A_1338 = tpu.unpack_subelements %get3A_1336, 1 {pack_format = #tpu.pack_format<interleaved>} : vector<32xbf16> -> vector<16xf32>
        %add3A_1339 = arith.addf %add3A_1189, %unpack3A_1337 : vector<16xf32>
        %add3A_1340 = arith.addf %add3A_1190, %unpack3A_1338 : vector<16xf32>
        %add3A_1341 = arith.constant 800 : i32
        %add3A_1342 = arith.addi %add3A_1341, %add3A_1259 : i32
        %get3A_1343 = arith.index_cast %add3A_1342 : i32 to index
        %get3A_1344 = arith.constant 32 : index
        %get3A_1345 = tpu.vector_load %arg6[%get3A_1343, %get3A_1344] {strides = array<i32>} : memref<1600x64xbf16, #tpu.memory_space<vmem>>, vector<32xbf16>,
        %unpack3A_1346 = tpu.unpack_subelements %get3A_1345, 0 {pack_format = #tpu.pack_format<interleaved>} : vector<32xbf16> -> vector<16xf32>
        %unpack3A_1347 = tpu.unpack_subelements %get3A_1345, 1 {pack_format = #tpu.pack_format<interleaved>} : vector<32xbf16> -> vector<16xf32>
        %add3A_1348 = arith.addf %add3A_1198, %unpack3A_1346 : vector<16xf32>
        %add3A_1349 = arith.addf %add3A_1199, %unpack3A_1347 : vector<16xf32>
        %add3A_1350 = arith.constant 1000 : i32
        %add3A_1351 = arith.addi %add3A_1350, %add3A_1259 : i32
        %get3A_1352 = arith.index_cast %add3A_1351 : i32 to index
        %get3A_1353 = arith.constant 0 : index
        %get3A_1354 = tpu.vector_load %arg6[%get3A_1352, %get3A_1353] {strides = array<i32>} : memref<1600x64xbf16, #tpu.memory_space<vmem>>, vector<32xbf16>,
        %unpack3A_1355 = tpu.unpack_subelements %get3A_1354, 0 {pack_format = #tpu.pack_format<interleaved>} : vector<32xbf16> -> vector<16xf32>
        %unpack3A_1356 = tpu.unpack_subelements %get3A_1354, 1 {pack_format = #tpu.pack_format<interleaved>} : vector<32xbf16> -> vector<16xf32>
        %add3A_1357 = arith.addf %add3A_1207, %unpack3A_1355 : vector<16xf32>
        %add3A_1358 = arith.addf %add3A_1208, %unpack3A_1356 : vector<16xf32>
        %add3A_1359 = arith.constant 1000 : i32
        %add3A_1360 = arith.addi %add3A_1359, %add3A_1259 : i32
        %get3A_1361 = arith.index_cast %add3A_1360 : i32 to index
        %get3A_1362 = arith.constant 32 : index
        %get3A_1363 = tpu.vector_load %arg6[%get3A_1361, %get3A_1362] {strides = array<i32>} : memref<1600x64xbf16, #tpu.memory_space<vmem>>, vector<32xbf16>,
        %unpack3A_1364 = tpu.unpack_subelements %get3A_1363, 0 {pack_format = #tpu.pack_format<interleaved>} : vector<32xbf16> -> vector<16xf32>
        %unpack3A_1365 = tpu.unpack_subelements %get3A_1363, 1 {pack_format = #tpu.pack_format<interleaved>} : vector<32xbf16> -> vector<16xf32>
        %add3A_1366 = arith.addf %add3A_1216, %unpack3A_1364 : vector<16xf32>
        %add3A_1367 = arith.addf %add3A_1217, %unpack3A_1365 : vector<16xf32>
        %add3A_1368 = arith.constant 1200 : i32
        %add3A_1369 = arith.addi %add3A_1368, %add3A_1259 : i32
        %get3A_1370 = arith.index_cast %add3A_1369 : i32 to index
        %get3A_1371 = arith.constant 0 : index
        %get3A_1372 = tpu.vector_load %arg6[%get3A_1370, %get3A_1371] {strides = array<i32>} : memref<1600x64xbf16, #tpu.memory_space<vmem>>, vector<32xbf16>,
        %unpack3A_1373 = tpu.unpack_subelements %get3A_1372, 0 {pack_format = #tpu.pack_format<interleaved>} : vector<32xbf16> -> vector<16xf32>
        %unpack3A_1374 = tpu.unpack_subelements %get3A_1372, 1 {pack_format = #tpu.pack_format<interleaved>} : vector<32xbf16> -> vector<16xf32>
        %add3A_1375 = arith.addf %add3A_1225, %unpack3A_1373 : vector<16xf32>
        %add3A_1376 = arith.addf %add3A_1226, %unpack3A_1374 : vector<16xf32>
        %add3A_1377 = arith.constant 1200 : i32
        %add3A_1378 = arith.addi %add3A_1377, %add3A_1259 : i32
        %get3A_1379 = arith.index_cast %add3A_1378 : i32 to index
        %get3A_1380 = arith.constant 32 : index
        %get3A_1381 = tpu.vector_load %arg6[%get3A_1379, %get3A_1380] {strides = array<i32>} : memref<1600x64xbf16, #tpu.memory_space<vmem>>, vector<32xbf16>,
        %unpack3A_1382 = tpu.unpack_subelements %get3A_1381, 0 {pack_format = #tpu.pack_format<interleaved>} : vector<32xbf16> -> vector<16xf32>
        %unpack3A_1383 = tpu.unpack_subelements %get3A_1381, 1 {pack_format = #tpu.pack_format<interleaved>} : vector<32xbf16> -> vector<16xf32>
        %add3A_1384 = arith.addf %add3A_1234, %unpack3A_1382 : vector<16xf32>
        %add3A_1385 = arith.addf %add3A_1235, %unpack3A_1383 : vector<16xf32>
        %add3A_1386 = arith.constant 1400 : i32
        %add3A_1387 = arith.addi %add3A_1386, %add3A_1259 : i32
        %get3A_1388 = arith.index_cast %add3A_1387 : i32 to index
        %get3A_1389 = arith.constant 0 : index
        %get3A_1390 = tpu.vector_load %arg6[%get3A_1388, %get3A_1389] {strides = array<i32>} : memref<1600x64xbf16, #tpu.memory_space<vmem>>, vector<32xbf16>,
        %unpack3A_1391 = tpu.unpack_subelements %get3A_1390, 0 {pack_format = #tpu.pack_format<interleaved>} : vector<32xbf16> -> vector<16xf32>
        %unpack3A_1392 = tpu.unpack_subelements %get3A_1390, 1 {pack_format = #tpu.pack_format<interleaved>} : vector<32xbf16> -> vector<16xf32>
        %add3A_1393 = arith.addf %add3A_1243, %unpack3A_1391 : vector<16xf32>
        %add3A_1394 = arith.addf %add3A_1244, %unpack3A_1392 : vector<16xf32>
        %add3A_1395 = arith.constant 1400 : i32
        %add3A_1396 = arith.addi %add3A_1395, %add3A_1259 : i32
        %get3A_1397 = arith.index_cast %add3A_1396 : i32 to index
        %get3A_1398 = arith.constant 32 : index
        %get3A_1399 = tpu.vector_load %arg6[%get3A_1397, %get3A_1398] {strides = array<i32>} : memref<1600x64xbf16, #tpu.memory_space<vmem>>, vector<32xbf16>,
        %unpack3A_1400 = tpu.unpack_subelements %get3A_1399, 0 {pack_format = #tpu.pack_format<interleaved>} : vector<32xbf16> -> vector<16xf32>
        %unpack3A_1401 = tpu.unpack_subelements %get3A_1399, 1 {pack_format = #tpu.pack_format<interleaved>} : vector<32xbf16> -> vector<16xf32>
        %add3A_1402 = arith.addf %add3A_1252, %unpack3A_1400 : vector<16xf32>
        %add3A_1403 = arith.addf %add3A_1253, %unpack3A_1401 : vector<16xf32>
        scf.yield %add3A_1267, %add3A_1268, %add3A_1276, %add3A_1277, %add3A_1285, %add3A_1286, %add3A_1294, %add3A_1295, %add3A_1303, %add3A_1304, %add3A_1312, %add3A_1313, %add3A_1321, %add3A_1322, %add3A_1330, %add3A_1331, %add3A_1339, %add3A_1340, %add3A_1348, %add3A_1349, %add3A_1357, %add3A_1358, %add3A_1366, %add3A_1367, %add3A_1375, %add3A_1376, %add3A_1384, %add3A_1385, %add3A_1393, %add3A_1394, %add3A_1402, %add3A_1403 : vector<16xf32>, vector<16xf32>, vector<16xf32>, vector<16xf32>, vector<16xf32>, vector<16xf32>, vector<16xf32>, vector<16xf32>, vector<16xf32>, vector<16xf32>, vector<16xf32>, vector<16xf32>, vector<16xf32>, vector<16xf32>, vector<16xf32>, vector<16xf32>, vector<16xf32>, vector<16xf32>, vector<16xf32>, vector<16xf32>, vector<16xf32>, vector<16xf32>, vector<16xf32>, vector<16xf32>, vector<16xf32>, vector<16xf32>, vector<16xf32>, vector<16xf32>, vector<16xf32>, vector<16xf32>, vector<16xf32>, vector<16xf32>
      }
      %scan3A_450 = arith.constant 200 : i32
      %ge3A = arith.constant 2 : i32
      %ge3A_451 = arith.cmpi sge, %add3A_256, %ge3A : i32
      %convert_element_type3A_452 = arith.extui %ge3A_451 : i1 to i32
      %cond3A_453 = arith.constant 0 : i32
      %cond3A_454 = arith.cmpi ne, %convert_element_type3A_452, %cond3A_453 : i32
      scf.if %cond3A_454 {
        %dma_wait3A_1075 = arith.constant 0 : i32
        %dma_wait3A_1076 = arith.constant 0 : i32
        %dma_wait3A_1077 = arith.constant 0 : i32
        %dma_wait3A_1078 = tpu.memref_slice %arg8[%dma_wait3A_1075, %dma_wait3A_1076, %dma_wait3A_1077] : memref<2x8x64xf32, #tpu.memory_space<vmem>> -> memref<1x8x64xf32, #tpu.memory_space<vmem>>
        %dma_wait3A_1079 = tpu.memref_squeeze %dma_wait3A_1078 : memref<1x8x64xf32, #tpu.memory_space<vmem>> -> memref<8x64xf32, #tpu.memory_space<vmem>>
        %dma_wait3A_1080 = arith.constant 0 : i32
        %dma_wait3A_1081 = tpu.memref_slice %arg4[%mul3A_2, %dma_wait3A_1080] : memref<16384x64xf32, #tpu.memory_space<hbm>> -> memref<8x64xf32, #tpu.memory_space<hbm>>
        %dma_wait3A_1082 = arith.constant 0 : i32
        %dma_wait3A_1083 = tpu.memref_slice %arg4[%mul3A_2, %dma_wait3A_1082] : memref<16384x64xf32, #tpu.memory_space<hbm>> -> memref<8x64xf32, #tpu.memory_space<hbm>>
        %dma_wait3A_1084 = arith.constant 0 : i32
        %dma_wait3A_1085 = arith.constant 0 : i32
        %dma_wait3A_1086 = tpu.memref_slice %arg8[%dma_wait3A_1075, %dma_wait3A_1084, %dma_wait3A_1085] : memref<2x8x64xf32, #tpu.memory_space<vmem>> -> memref<1x8x64xf32, #tpu.memory_space<vmem>>
        %dma_wait3A_1087 = tpu.memref_squeeze %dma_wait3A_1086 : memref<1x8x64xf32, #tpu.memory_space<vmem>> -> memref<8x64xf32, #tpu.memory_space<vmem>>
        tpu.wait_dma2 semaphore(%arg13 : memref<!tpu.dma_semaphore, #tpu.memory_space<semaphore_mem>>) src(%dma_wait3A_1087 : memref<8x64xf32, #tpu.memory_space<vmem>>) dst(%dma_wait3A_1083 : memref<8x64xf32, #tpu.memory_space<hbm>>)
      } else {
      }
      %swap3A = arith.constant 0 : i32
      %swap3A_455 = arith.constant 0 : i32
      %swap3A_456 = arith.index_cast %swap3A : i32 to index
      %swap3A_457 = arith.index_cast %swap3A_455 : i32 to index
      %swap3A_458 = arith.constant 0 : index
      %swap3A_459 = tpu.vector_load %arg8[%swap3A_456, %swap3A_457, %swap3A_458] {strides = array<i32>} : memref<2x8x64xf32, #tpu.memory_space<vmem>>, vector<16xf32>,
      tpu.vector_store %arg8[%swap3A_456, %swap3A_457, %swap3A_458], %scan3A_449#0 {strides = array<i32>} : memref<2x8x64xf32, #tpu.memory_space<vmem>>, vector<16xf32>,
      %swap3A_460 = arith.constant 0 : i32
      %swap3A_461 = arith.constant 0 : i32
      %swap3A_462 = arith.index_cast %swap3A_460 : i32 to index
      %swap3A_463 = arith.index_cast %swap3A_461 : i32 to index
      %swap3A_464 = arith.constant 16 : index
      %swap3A_465 = tpu.vector_load %arg8[%swap3A_462, %swap3A_463, %swap3A_464] {strides = array<i32>} : memref<2x8x64xf32, #tpu.memory_space<vmem>>, vector<16xf32>,
      tpu.vector_store %arg8[%swap3A_462, %swap3A_463, %swap3A_464], %scan3A_449#1 {strides = array<i32>} : memref<2x8x64xf32, #tpu.memory_space<vmem>>, vector<16xf32>,
      %swap3A_466 = arith.constant 0 : i32
      %swap3A_467 = arith.constant 0 : i32
      %swap3A_468 = arith.index_cast %swap3A_466 : i32 to index
      %swap3A_469 = arith.index_cast %swap3A_467 : i32 to index
      %swap3A_470 = arith.constant 32 : index
      %swap3A_471 = tpu.vector_load %arg8[%swap3A_468, %swap3A_469, %swap3A_470] {strides = array<i32>} : memref<2x8x64xf32, #tpu.memory_space<vmem>>, vector<16xf32>,
      tpu.vector_store %arg8[%swap3A_468, %swap3A_469, %swap3A_470], %scan3A_449#2 {strides = array<i32>} : memref<2x8x64xf32, #tpu.memory_space<vmem>>, vector<16xf32>,
      %swap3A_472 = arith.constant 0 : i32
      %swap3A_473 = arith.constant 0 : i32
      %swap3A_474 = arith.index_cast %swap3A_472 : i32 to index
      %swap3A_475 = arith.index_cast %swap3A_473 : i32 to index
      %swap3A_476 = arith.constant 48 : index
      %swap3A_477 = tpu.vector_load %arg8[%swap3A_474, %swap3A_475, %swap3A_476] {strides = array<i32>} : memref<2x8x64xf32, #tpu.memory_space<vmem>>, vector<16xf32>,
      tpu.vector_store %arg8[%swap3A_474, %swap3A_475, %swap3A_476], %scan3A_449#3 {strides = array<i32>} : memref<2x8x64xf32, #tpu.memory_space<vmem>>, vector<16xf32>,
      %swap3A_478 = arith.constant 0 : i32
      %swap3A_479 = arith.constant 1 : i32
      %swap3A_480 = arith.index_cast %swap3A_478 : i32 to index
      %swap3A_481 = arith.index_cast %swap3A_479 : i32 to index
      %swap3A_482 = arith.constant 0 : index
      %swap3A_483 = tpu.vector_load %arg8[%swap3A_480, %swap3A_481, %swap3A_482] {strides = array<i32>} : memref<2x8x64xf32, #tpu.memory_space<vmem>>, vector<16xf32>,
      tpu.vector_store %arg8[%swap3A_480, %swap3A_481, %swap3A_482], %scan3A_449#4 {strides = array<i32>} : memref<2x8x64xf32, #tpu.memory_space<vmem>>, vector<16xf32>,
      %swap3A_484 = arith.constant 0 : i32
      %swap3A_485 = arith.constant 1 : i32
      %swap3A_486 = arith.index_cast %swap3A_484 : i32 to index
      %swap3A_487 = arith.index_cast %swap3A_485 : i32 to index
      %swap3A_488 = arith.constant 16 : index
      %swap3A_489 = tpu.vector_load %arg8[%swap3A_486, %swap3A_487, %swap3A_488] {strides = array<i32>} : memref<2x8x64xf32, #tpu.memory_space<vmem>>, vector<16xf32>,
      tpu.vector_store %arg8[%swap3A_486, %swap3A_487, %swap3A_488], %scan3A_449#5 {strides = array<i32>} : memref<2x8x64xf32, #tpu.memory_space<vmem>>, vector<16xf32>,
      %swap3A_490 = arith.constant 0 : i32
      %swap3A_491 = arith.constant 1 : i32
      %swap3A_492 = arith.index_cast %swap3A_490 : i32 to index
      %swap3A_493 = arith.index_cast %swap3A_491 : i32 to index
      %swap3A_494 = arith.constant 32 : index
      %swap3A_495 = tpu.vector_load %arg8[%swap3A_492, %swap3A_493, %swap3A_494] {strides = array<i32>} : memref<2x8x64xf32, #tpu.memory_space<vmem>>, vector<16xf32>,
      tpu.vector_store %arg8[%swap3A_492, %swap3A_493, %swap3A_494], %scan3A_449#6 {strides = array<i32>} : memref<2x8x64xf32, #tpu.memory_space<vmem>>, vector<16xf32>,
      %swap3A_496 = arith.constant 0 : i32
      %swap3A_497 = arith.constant 1 : i32
      %swap3A_498 = arith.index_cast %swap3A_496 : i32 to index
      %swap3A_499 = arith.index_cast %swap3A_497 : i32 to index
      %swap3A_500 = arith.constant 48 : index
      %swap3A_501 = tpu.vector_load %arg8[%swap3A_498, %swap3A_499, %swap3A_500] {strides = array<i32>} : memref<2x8x64xf32, #tpu.memory_space<vmem>>, vector<16xf32>,
      tpu.vector_store %arg8[%swap3A_498, %swap3A_499, %swap3A_500], %scan3A_449#7 {strides = array<i32>} : memref<2x8x64xf32, #tpu.memory_space<vmem>>, vector<16xf32>,
      %swap3A_502 = arith.constant 0 : i32
      %swap3A_503 = arith.constant 2 : i32
      %swap3A_504 = arith.index_cast %swap3A_502 : i32 to index
      %swap3A_505 = arith.index_cast %swap3A_503 : i32 to index
      %swap3A_506 = arith.constant 0 : index
      %swap3A_507 = tpu.vector_load %arg8[%swap3A_504, %swap3A_505, %swap3A_506] {strides = array<i32>} : memref<2x8x64xf32, #tpu.memory_space<vmem>>, vector<16xf32>,
      tpu.vector_store %arg8[%swap3A_504, %swap3A_505, %swap3A_506], %scan3A_449#8 {strides = array<i32>} : memref<2x8x64xf32, #tpu.memory_space<vmem>>, vector<16xf32>,
      %swap3A_508 = arith.constant 0 : i32
      %swap3A_509 = arith.constant 2 : i32
      %swap3A_510 = arith.index_cast %swap3A_508 : i32 to index
      %swap3A_511 = arith.index_cast %swap3A_509 : i32 to index
      %swap3A_512 = arith.constant 16 : index
      %swap3A_513 = tpu.vector_load %arg8[%swap3A_510, %swap3A_511, %swap3A_512] {strides = array<i32>} : memref<2x8x64xf32, #tpu.memory_space<vmem>>, vector<16xf32>,
      tpu.vector_store %arg8[%swap3A_510, %swap3A_511, %swap3A_512], %scan3A_449#9 {strides = array<i32>} : memref<2x8x64xf32, #tpu.memory_space<vmem>>, vector<16xf32>,
      %swap3A_514 = arith.constant 0 : i32
      %swap3A_515 = arith.constant 2 : i32
      %swap3A_516 = arith.index_cast %swap3A_514 : i32 to index
      %swap3A_517 = arith.index_cast %swap3A_515 : i32 to index
      %swap3A_518 = arith.constant 32 : index
      %swap3A_519 = tpu.vector_load %arg8[%swap3A_516, %swap3A_517, %swap3A_518] {strides = array<i32>} : memref<2x8x64xf32, #tpu.memory_space<vmem>>, vector<16xf32>,
      tpu.vector_store %arg8[%swap3A_516, %swap3A_517, %swap3A_518], %scan3A_449#10 {strides = array<i32>} : memref<2x8x64xf32, #tpu.memory_space<vmem>>, vector<16xf32>,
      %swap3A_520 = arith.constant 0 : i32
      %swap3A_521 = arith.constant 2 : i32
      %swap3A_522 = arith.index_cast %swap3A_520 : i32 to index
      %swap3A_523 = arith.index_cast %swap3A_521 : i32 to index
      %swap3A_524 = arith.constant 48 : index
      %swap3A_525 = tpu.vector_load %arg8[%swap3A_522, %swap3A_523, %swap3A_524] {strides = array<i32>} : memref<2x8x64xf32, #tpu.memory_space<vmem>>, vector<16xf32>,
      tpu.vector_store %arg8[%swap3A_522, %swap3A_523, %swap3A_524], %scan3A_449#11 {strides = array<i32>} : memref<2x8x64xf32, #tpu.memory_space<vmem>>, vector<16xf32>,
      %swap3A_526 = arith.constant 0 : i32
      %swap3A_527 = arith.constant 3 : i32
      %swap3A_528 = arith.index_cast %swap3A_526 : i32 to index
      %swap3A_529 = arith.index_cast %swap3A_527 : i32 to index
      %swap3A_530 = arith.constant 0 : index
      %swap3A_531 = tpu.vector_load %arg8[%swap3A_528, %swap3A_529, %swap3A_530] {strides = array<i32>} : memref<2x8x64xf32, #tpu.memory_space<vmem>>, vector<16xf32>,
      tpu.vector_store %arg8[%swap3A_528, %swap3A_529, %swap3A_530], %scan3A_449#12 {strides = array<i32>} : memref<2x8x64xf32, #tpu.memory_space<vmem>>, vector<16xf32>,
      %swap3A_532 = arith.constant 0 : i32
      %swap3A_533 = arith.constant 3 : i32
      %swap3A_534 = arith.index_cast %swap3A_532 : i32 to index
      %swap3A_535 = arith.index_cast %swap3A_533 : i32 to index
      %swap3A_536 = arith.constant 16 : index
      %swap3A_537 = tpu.vector_load %arg8[%swap3A_534, %swap3A_535, %swap3A_536] {strides = array<i32>} : memref<2x8x64xf32, #tpu.memory_space<vmem>>, vector<16xf32>,
      tpu.vector_store %arg8[%swap3A_534, %swap3A_535, %swap3A_536], %scan3A_449#13 {strides = array<i32>} : memref<2x8x64xf32, #tpu.memory_space<vmem>>, vector<16xf32>,
      %swap3A_538 = arith.constant 0 : i32
      %swap3A_539 = arith.constant 3 : i32
      %swap3A_540 = arith.index_cast %swap3A_538 : i32 to index
      %swap3A_541 = arith.index_cast %swap3A_539 : i32 to index
      %swap3A_542 = arith.constant 32 : index
      %swap3A_543 = tpu.vector_load %arg8[%swap3A_540, %swap3A_541, %swap3A_542] {strides = array<i32>} : memref<2x8x64xf32, #tpu.memory_space<vmem>>, vector<16xf32>,
      tpu.vector_store %arg8[%swap3A_540, %swap3A_541, %swap3A_542], %scan3A_449#14 {strides = array<i32>} : memref<2x8x64xf32, #tpu.memory_space<vmem>>, vector<16xf32>,
      %swap3A_544 = arith.constant 0 : i32
      %swap3A_545 = arith.constant 3 : i32
      %swap3A_546 = arith.index_cast %swap3A_544 : i32 to index
      %swap3A_547 = arith.index_cast %swap3A_545 : i32 to index
      %swap3A_548 = arith.constant 48 : index
      %swap3A_549 = tpu.vector_load %arg8[%swap3A_546, %swap3A_547, %swap3A_548] {strides = array<i32>} : memref<2x8x64xf32, #tpu.memory_space<vmem>>, vector<16xf32>,
      tpu.vector_store %arg8[%swap3A_546, %swap3A_547, %swap3A_548], %scan3A_449#15 {strides = array<i32>} : memref<2x8x64xf32, #tpu.memory_space<vmem>>, vector<16xf32>,
      %swap3A_550 = arith.constant 0 : i32
      %swap3A_551 = arith.constant 4 : i32
      %swap3A_552 = arith.index_cast %swap3A_550 : i32 to index
      %swap3A_553 = arith.index_cast %swap3A_551 : i32 to index
      %swap3A_554 = arith.constant 0 : index
      %swap3A_555 = tpu.vector_load %arg8[%swap3A_552, %swap3A_553, %swap3A_554] {strides = array<i32>} : memref<2x8x64xf32, #tpu.memory_space<vmem>>, vector<16xf32>,
      tpu.vector_store %arg8[%swap3A_552, %swap3A_553, %swap3A_554], %scan3A_449#16 {strides = array<i32>} : memref<2x8x64xf32, #tpu.memory_space<vmem>>, vector<16xf32>,
      %swap3A_556 = arith.constant 0 : i32
      %swap3A_557 = arith.constant 4 : i32
      %swap3A_558 = arith.index_cast %swap3A_556 : i32 to index
      %swap3A_559 = arith.index_cast %swap3A_557 : i32 to index
      %swap3A_560 = arith.constant 16 : index
      %swap3A_561 = tpu.vector_load %arg8[%swap3A_558, %swap3A_559, %swap3A_560] {strides = array<i32>} : memref<2x8x64xf32, #tpu.memory_space<vmem>>, vector<16xf32>,
      tpu.vector_store %arg8[%swap3A_558, %swap3A_559, %swap3A_560], %scan3A_449#17 {strides = array<i32>} : memref<2x8x64xf32, #tpu.memory_space<vmem>>, vector<16xf32>,
      %swap3A_562 = arith.constant 0 : i32
      %swap3A_563 = arith.constant 4 : i32
      %swap3A_564 = arith.index_cast %swap3A_562 : i32 to index
      %swap3A_565 = arith.index_cast %swap3A_563 : i32 to index
      %swap3A_566 = arith.constant 32 : index
      %swap3A_567 = tpu.vector_load %arg8[%swap3A_564, %swap3A_565, %swap3A_566] {strides = array<i32>} : memref<2x8x64xf32, #tpu.memory_space<vmem>>, vector<16xf32>,
      tpu.vector_store %arg8[%swap3A_564, %swap3A_565, %swap3A_566], %scan3A_449#18 {strides = array<i32>} : memref<2x8x64xf32, #tpu.memory_space<vmem>>, vector<16xf32>,
      %swap3A_568 = arith.constant 0 : i32
      %swap3A_569 = arith.constant 4 : i32
      %swap3A_570 = arith.index_cast %swap3A_568 : i32 to index
      %swap3A_571 = arith.index_cast %swap3A_569 : i32 to index
      %swap3A_572 = arith.constant 48 : index
      %swap3A_573 = tpu.vector_load %arg8[%swap3A_570, %swap3A_571, %swap3A_572] {strides = array<i32>} : memref<2x8x64xf32, #tpu.memory_space<vmem>>, vector<16xf32>,
      tpu.vector_store %arg8[%swap3A_570, %swap3A_571, %swap3A_572], %scan3A_449#19 {strides = array<i32>} : memref<2x8x64xf32, #tpu.memory_space<vmem>>, vector<16xf32>,
      %swap3A_574 = arith.constant 0 : i32
      %swap3A_575 = arith.constant 5 : i32
      %swap3A_576 = arith.index_cast %swap3A_574 : i32 to index
      %swap3A_577 = arith.index_cast %swap3A_575 : i32 to index
      %swap3A_578 = arith.constant 0 : index
      %swap3A_579 = tpu.vector_load %arg8[%swap3A_576, %swap3A_577, %swap3A_578] {strides = array<i32>} : memref<2x8x64xf32, #tpu.memory_space<vmem>>, vector<16xf32>,
      tpu.vector_store %arg8[%swap3A_576, %swap3A_577, %swap3A_578], %scan3A_449#20 {strides = array<i32>} : memref<2x8x64xf32, #tpu.memory_space<vmem>>, vector<16xf32>,
      %swap3A_580 = arith.constant 0 : i32
      %swap3A_581 = arith.constant 5 : i32
      %swap3A_582 = arith.index_cast %swap3A_580 : i32 to index
      %swap3A_583 = arith.index_cast %swap3A_581 : i32 to index
      %swap3A_584 = arith.constant 16 : index
      %swap3A_585 = tpu.vector_load %arg8[%swap3A_582, %swap3A_583, %swap3A_584] {strides = array<i32>} : memref<2x8x64xf32, #tpu.memory_space<vmem>>, vector<16xf32>,
      tpu.vector_store %arg8[%swap3A_582, %swap3A_583, %swap3A_584], %scan3A_449#21 {strides = array<i32>} : memref<2x8x64xf32, #tpu.memory_space<vmem>>, vector<16xf32>,
      %swap3A_586 = arith.constant 0 : i32
      %swap3A_587 = arith.constant 5 : i32
      %swap3A_588 = arith.index_cast %swap3A_586 : i32 to index
      %swap3A_589 = arith.index_cast %swap3A_587 : i32 to index
      %swap3A_590 = arith.constant 32 : index
      %swap3A_591 = tpu.vector_load %arg8[%swap3A_588, %swap3A_589, %swap3A_590] {strides = array<i32>} : memref<2x8x64xf32, #tpu.memory_space<vmem>>, vector<16xf32>,
      tpu.vector_store %arg8[%swap3A_588, %swap3A_589, %swap3A_590], %scan3A_449#22 {strides = array<i32>} : memref<2x8x64xf32, #tpu.memory_space<vmem>>, vector<16xf32>,
      %swap3A_592 = arith.constant 0 : i32
      %swap3A_593 = arith.constant 5 : i32
      %swap3A_594 = arith.index_cast %swap3A_592 : i32 to index
      %swap3A_595 = arith.index_cast %swap3A_593 : i32 to index
      %swap3A_596 = arith.constant 48 : index
      %swap3A_597 = tpu.vector_load %arg8[%swap3A_594, %swap3A_595, %swap3A_596] {strides = array<i32>} : memref<2x8x64xf32, #tpu.memory_space<vmem>>, vector<16xf32>,
      tpu.vector_store %arg8[%swap3A_594, %swap3A_595, %swap3A_596], %scan3A_449#23 {strides = array<i32>} : memref<2x8x64xf32, #tpu.memory_space<vmem>>, vector<16xf32>,
      %swap3A_598 = arith.constant 0 : i32
      %swap3A_599 = arith.constant 6 : i32
      %swap3A_600 = arith.index_cast %swap3A_598 : i32 to index
      %swap3A_601 = arith.index_cast %swap3A_599 : i32 to index
      %swap3A_602 = arith.constant 0 : index
      %swap3A_603 = tpu.vector_load %arg8[%swap3A_600, %swap3A_601, %swap3A_602] {strides = array<i32>} : memref<2x8x64xf32, #tpu.memory_space<vmem>>, vector<16xf32>,
      tpu.vector_store %arg8[%swap3A_600, %swap3A_601, %swap3A_602], %scan3A_449#24 {strides = array<i32>} : memref<2x8x64xf32, #tpu.memory_space<vmem>>, vector<16xf32>,
      %swap3A_604 = arith.constant 0 : i32
      %swap3A_605 = arith.constant 6 : i32
      %swap3A_606 = arith.index_cast %swap3A_604 : i32 to index
      %swap3A_607 = arith.index_cast %swap3A_605 : i32 to index
      %swap3A_608 = arith.constant 16 : index
      %swap3A_609 = tpu.vector_load %arg8[%swap3A_606, %swap3A_607, %swap3A_608] {strides = array<i32>} : memref<2x8x64xf32, #tpu.memory_space<vmem>>, vector<16xf32>,
      tpu.vector_store %arg8[%swap3A_606, %swap3A_607, %swap3A_608], %scan3A_449#25 {strides = array<i32>} : memref<2x8x64xf32, #tpu.memory_space<vmem>>, vector<16xf32>,
      %swap3A_610 = arith.constant 0 : i32
      %swap3A_611 = arith.constant 6 : i32
      %swap3A_612 = arith.index_cast %swap3A_610 : i32 to index
      %swap3A_613 = arith.index_cast %swap3A_611 : i32 to index
      %swap3A_614 = arith.constant 32 : index
      %swap3A_615 = tpu.vector_load %arg8[%swap3A_612, %swap3A_613, %swap3A_614] {strides = array<i32>} : memref<2x8x64xf32, #tpu.memory_space<vmem>>, vector<16xf32>,
      tpu.vector_store %arg8[%swap3A_612, %swap3A_613, %swap3A_614], %scan3A_449#26 {strides = array<i32>} : memref<2x8x64xf32, #tpu.memory_space<vmem>>, vector<16xf32>,
      %swap3A_616 = arith.constant 0 : i32
      %swap3A_617 = arith.constant 6 : i32
      %swap3A_618 = arith.index_cast %swap3A_616 : i32 to index
      %swap3A_619 = arith.index_cast %swap3A_617 : i32 to index
      %swap3A_620 = arith.constant 48 : index
      %swap3A_621 = tpu.vector_load %arg8[%swap3A_618, %swap3A_619, %swap3A_620] {strides = array<i32>} : memref<2x8x64xf32, #tpu.memory_space<vmem>>, vector<16xf32>,
      tpu.vector_store %arg8[%swap3A_618, %swap3A_619, %swap3A_620], %scan3A_449#27 {strides = array<i32>} : memref<2x8x64xf32, #tpu.memory_space<vmem>>, vector<16xf32>,
      %swap3A_622 = arith.constant 0 : i32
      %swap3A_623 = arith.constant 7 : i32
      %swap3A_624 = arith.index_cast %swap3A_622 : i32 to index
      %swap3A_625 = arith.index_cast %swap3A_623 : i32 to index
      %swap3A_626 = arith.constant 0 : index
      %swap3A_627 = tpu.vector_load %arg8[%swap3A_624, %swap3A_625, %swap3A_626] {strides = array<i32>} : memref<2x8x64xf32, #tpu.memory_space<vmem>>, vector<16xf32>,
      tpu.vector_store %arg8[%swap3A_624, %swap3A_625, %swap3A_626], %scan3A_449#28 {strides = array<i32>} : memref<2x8x64xf32, #tpu.memory_space<vmem>>, vector<16xf32>,
      %swap3A_628 = arith.constant 0 : i32
      %swap3A_629 = arith.constant 7 : i32
      %swap3A_630 = arith.index_cast %swap3A_628 : i32 to index
      %swap3A_631 = arith.index_cast %swap3A_629 : i32 to index
      %swap3A_632 = arith.constant 16 : index
      %swap3A_633 = tpu.vector_load %arg8[%swap3A_630, %swap3A_631, %swap3A_632] {strides = array<i32>} : memref<2x8x64xf32, #tpu.memory_space<vmem>>, vector<16xf32>,
      tpu.vector_store %arg8[%swap3A_630, %swap3A_631, %swap3A_632], %scan3A_449#29 {strides = array<i32>} : memref<2x8x64xf32, #tpu.memory_space<vmem>>, vector<16xf32>,
      %swap3A_634 = arith.constant 0 : i32
      %swap3A_635 = arith.constant 7 : i32
      %swap3A_636 = arith.index_cast %swap3A_634 : i32 to index
      %swap3A_637 = arith.index_cast %swap3A_635 : i32 to index
      %swap3A_638 = arith.constant 32 : index
      %swap3A_639 = tpu.vector_load %arg8[%swap3A_636, %swap3A_637, %swap3A_638] {strides = array<i32>} : memref<2x8x64xf32, #tpu.memory_space<vmem>>, vector<16xf32>,
      tpu.vector_store %arg8[%swap3A_636, %swap3A_637, %swap3A_638], %scan3A_449#30 {strides = array<i32>} : memref<2x8x64xf32, #tpu.memory_space<vmem>>, vector<16xf32>,
      %swap3A_640 = arith.constant 0 : i32
      %swap3A_641 = arith.constant 7 : i32
      %swap3A_642 = arith.index_cast %swap3A_640 : i32 to index
      %swap3A_643 = arith.index_cast %swap3A_641 : i32 to index
      %swap3A_644 = arith.constant 48 : index
      %swap3A_645 = tpu.vector_load %arg8[%swap3A_642, %swap3A_643, %swap3A_644] {strides = array<i32>} : memref<2x8x64xf32, #tpu.memory_space<vmem>>, vector<16xf32>,
      tpu.vector_store %arg8[%swap3A_642, %swap3A_643, %swap3A_644], %scan3A_449#31 {strides = array<i32>} : memref<2x8x64xf32, #tpu.memory_space<vmem>>, vector<16xf32>,
      %mul3A_646 = arith.constant 8 : i32
      %mul3A_647 = arith.muli %add3A_256, %mul3A_646 : i32
      %add3A_648 = arith.addi %mul3A_2, %mul3A_647 : i32
      %dma_start3A_649 = arith.constant 0 : i32
      %dma_start3A_650 = arith.constant 0 : i32
      %dma_start3A_651 = arith.constant 0 : i32
      %dma_start3A_652 = tpu.memref_slice %arg8[%dma_start3A_649, %dma_start3A_650, %dma_start3A_651] : memref<2x8x64xf32, #tpu.memory_space<vmem>> -> memref<1x8x64xf32, #tpu.memory_space<vmem>>
      %dma_start3A_653 = tpu.memref_squeeze %dma_start3A_652 : memref<1x8x64xf32, #tpu.memory_space<vmem>> -> memref<8x64xf32, #tpu.memory_space<vmem>>
      %dma_start3A_654 = arith.constant 0 : i32
      %dma_start3A_655 = tpu.memref_slice %arg4[%add3A_648, %dma_start3A_654] : memref<16384x64xf32, #tpu.memory_space<hbm>> -> memref<8x64xf32, #tpu.memory_space<hbm>>
      %dma_start3A_656 = arith.constant 0 : i32
      %dma_start3A_657 = tpu.memref_slice %arg4[%add3A_648, %dma_start3A_656] : memref<16384x64xf32, #tpu.memory_space<hbm>> -> memref<8x64xf32, #tpu.memory_space<hbm>>
      %dma_start3A_658 = arith.constant 0 : i32
      %dma_start3A_659 = arith.constant 0 : i32
      %dma_start3A_660 = tpu.memref_slice %arg8[%dma_start3A_649, %dma_start3A_658, %dma_start3A_659] : memref<2x8x64xf32, #tpu.memory_space<vmem>> -> memref<1x8x64xf32, #tpu.memory_space<vmem>>
      %dma_start3A_661 = tpu.memref_squeeze %dma_start3A_660 : memref<1x8x64xf32, #tpu.memory_space<vmem>> -> memref<8x64xf32, #tpu.memory_space<vmem>>
      tpu.enqueue_dma source(%dma_start3A_661 : memref<8x64xf32, #tpu.memory_space<vmem>>) target(%dma_start3A_657 : memref<8x64xf32, #tpu.memory_space<hbm>>) target_semaphore(%arg13 : memref<!tpu.dma_semaphore, #tpu.memory_space<semaphore_mem>>)
      %add3A_662 = arith.constant 1 : i32
      %add3A_663 = arith.addi %add3A_254, %add3A_662 : i32
      %add3A_664 = arith.constant 1 : i32
      %add3A_665 = arith.addi %add3A_663, %add3A_664 : i32
      %lt3A_666 = arith.constant 64 : i32
      %lt3A_667 = arith.cmpi slt, %add3A_665, %lt3A_666 : i32
      %convert_element_type3A_668 = arith.extui %lt3A_667 : i1 to i32
      %cond3A_669 = arith.constant 0 : i32
      %cond3A_670 = arith.cmpi ne, %convert_element_type3A_668, %cond3A_669 : i32
      scf.if %cond3A_670 {
        %dma_wait3A_1075 = arith.constant 0 : i32
        %dma_wait3A_1076 = arith.constant 0 : i32
        %dma_wait3A_1077 = arith.constant 0 : i32
        %dma_wait3A_1078 = tpu.memref_slice %arg5[%dma_wait3A_1075, %dma_wait3A_1076, %dma_wait3A_1077] : memref<2x8x200xi32, #tpu.memory_space<vmem>> -> memref<1x8x200xi32, #tpu.memory_space<vmem>>
        %dma_wait3A_1079 = tpu.memref_squeeze %dma_wait3A_1078 : memref<1x8x200xi32, #tpu.memory_space<vmem>> -> memref<8x200xi32, #tpu.memory_space<vmem>>
        %dma_wait3A_1080 = arith.constant 0 : i32
        %dma_wait3A_1081 = tpu.memref_slice %arg3[%mul3A_2, %dma_wait3A_1080] : memref<16384x200xi32, #tpu.memory_space<hbm>> -> memref<8x200xi32, #tpu.memory_space<hbm>>
        %dma_wait3A_1082 = arith.constant 0 : i32
        %dma_wait3A_1083 = arith.constant 0 : i32
        %dma_wait3A_1084 = tpu.memref_slice %arg5[%dma_wait3A_1075, %dma_wait3A_1082, %dma_wait3A_1083] : memref<2x8x200xi32, #tpu.memory_space<vmem>> -> memref<1x8x200xi32, #tpu.memory_space<vmem>>
        %dma_wait3A_1085 = tpu.memref_squeeze %dma_wait3A_1084 : memref<1x8x200xi32, #tpu.memory_space<vmem>> -> memref<8x200xi32, #tpu.memory_space<vmem>>
        %dma_wait3A_1086 = arith.constant 0 : i32
        %dma_wait3A_1087 = tpu.memref_slice %arg3[%mul3A_2, %dma_wait3A_1086] : memref<16384x200xi32, #tpu.memory_space<hbm>> -> memref<8x200xi32, #tpu.memory_space<hbm>>
        tpu.wait_dma2 semaphore(%arg9 : memref<!tpu.dma_semaphore, #tpu.memory_space<semaphore_mem>>) src(%dma_wait3A_1087 : memref<8x200xi32, #tpu.memory_space<hbm>>) dst(%dma_wait3A_1085 : memref<8x200xi32, #tpu.memory_space<vmem>>)
        %dma_start3A_1088 = arith.constant 0 : i32
        %dma_start3A_1089 = arith.constant 0 : i32
        %dma_start3A_1090 = arith.constant 0 : i32
        %dma_start3A_1091 = arith.constant 0 : i32
        %dma_start3A_1092 = tpu.memref_slice %arg6[%dma_start3A_1090, %dma_start3A_1091] : memref<1600x64xbf16, #tpu.memory_space<vmem>> -> memref<128x64xbf16, #tpu.memory_space<vmem>>
        %dma_start3A_1093 = arith.constant 0 : i32
        %dma_start3A_1094 = tpu.memref_slice %arg5[%dma_start3A_1088, %dma_start3A_1089, %dma_start3A_1093] : memref<2x8x200xi32, #tpu.memory_space<vmem>> -> memref<1x1x128xi32, #tpu.memory_space<vmem>>
        %dma_start3A_1095 = tpu.memref_squeeze %dma_start3A_1094 : memref<1x1x128xi32, #tpu.memory_space<vmem>> -> memref<128xi32, #tpu.memory_space<vmem>>
        %dma_start3A_1096 = arith.constant 0 : i32
        %dma_start3A_1097 = arith.constant 0 : i32
        %dma_start3A_1098 = tpu.memref_slice %arg2[%dma_start3A_1096, %dma_start3A_1097] : memref<100001x64xbf16, #tpu.memory_space<hbm>> -> memref<100001x64xbf16, #tpu.memory_space<hbm>>
        tpu.enqueue_indirect_dma source(%dma_start3A_1098 : memref<100001x64xbf16, #tpu.memory_space<hbm>>) target(%dma_start3A_1092 : memref<128x64xbf16, #tpu.memory_space<vmem>>) offsets(%dma_start3A_1095 : memref<128xi32, #tpu.memory_space<vmem>>) semaphore(%arg11 : memref<!tpu.dma_semaphore, #tpu.memory_space<semaphore_mem>>)
        %dma_start3A_1099 = arith.constant 0 : i32
        %dma_start3A_1100 = arith.constant 0 : i32
        %dma_start3A_1101 = arith.constant 128 : i32
        %dma_start3A_1102 = arith.constant 0 : i32
        %dma_start3A_1103 = tpu.memref_slice %arg6[%dma_start3A_1101, %dma_start3A_1102] : memref<1600x64xbf16, #tpu.memory_space<vmem>> -> memref<72x64xbf16, #tpu.memory_space<vmem>>
        %dma_start3A_1104 = arith.constant 128 : i32
        %dma_start3A_1105 = tpu.memref_slice %arg5[%dma_start3A_1099, %dma_start3A_1100, %dma_start3A_1104] : memref<2x8x200xi32, #tpu.memory_space<vmem>> -> memref<1x1x72xi32, #tpu.memory_space<vmem>>
        %dma_start3A_1106 = tpu.memref_squeeze %dma_start3A_1105 : memref<1x1x72xi32, #tpu.memory_space<vmem>> -> memref<72xi32, #tpu.memory_space<vmem>>
        %dma_start3A_1107 = arith.constant 0 : i32
        %dma_start3A_1108 = arith.constant 0 : i32
        %dma_start3A_1109 = tpu.memref_slice %arg2[%dma_start3A_1107, %dma_start3A_1108] : memref<100001x64xbf16, #tpu.memory_space<hbm>> -> memref<100001x64xbf16, #tpu.memory_space<hbm>>
        tpu.enqueue_indirect_dma source(%dma_start3A_1109 : memref<100001x64xbf16, #tpu.memory_space<hbm>>) target(%dma_start3A_1103 : memref<72x64xbf16, #tpu.memory_space<vmem>>) offsets(%dma_start3A_1106 : memref<72xi32, #tpu.memory_space<vmem>>) semaphore(%arg11 : memref<!tpu.dma_semaphore, #tpu.memory_space<semaphore_mem>>)
        %dma_start3A_1110 = arith.constant 0 : i32
        %dma_start3A_1111 = arith.constant 1 : i32
        %dma_start3A_1112 = arith.constant 200 : i32
        %dma_start3A_1113 = arith.constant 0 : i32
        %dma_start3A_1114 = tpu.memref_slice %arg6[%dma_start3A_1112, %dma_start3A_1113] : memref<1600x64xbf16, #tpu.memory_space<vmem>> -> memref<128x64xbf16, #tpu.memory_space<vmem>>
        %dma_start3A_1115 = arith.constant 0 : i32
        %dma_start3A_1116 = tpu.memref_slice %arg5[%dma_start3A_1110, %dma_start3A_1111, %dma_start3A_1115] : memref<2x8x200xi32, #tpu.memory_space<vmem>> -> memref<1x1x128xi32, #tpu.memory_space<vmem>>
        %dma_start3A_1117 = tpu.memref_squeeze %dma_start3A_1116 : memref<1x1x128xi32, #tpu.memory_space<vmem>> -> memref<128xi32, #tpu.memory_space<vmem>>
        %dma_start3A_1118 = arith.constant 0 : i32
        %dma_start3A_1119 = arith.constant 0 : i32
        %dma_start3A_1120 = tpu.memref_slice %arg2[%dma_start3A_1118, %dma_start3A_1119] : memref<100001x64xbf16, #tpu.memory_space<hbm>> -> memref<100001x64xbf16, #tpu.memory_space<hbm>>
        tpu.enqueue_indirect_dma source(%dma_start3A_1120 : memref<100001x64xbf16, #tpu.memory_space<hbm>>) target(%dma_start3A_1114 : memref<128x64xbf16, #tpu.memory_space<vmem>>) offsets(%dma_start3A_1117 : memref<128xi32, #tpu.memory_space<vmem>>) semaphore(%arg11 : memref<!tpu.dma_semaphore, #tpu.memory_space<semaphore_mem>>)
        %dma_start3A_1121 = arith.constant 0 : i32
        %dma_start3A_1122 = arith.constant 1 : i32
        %dma_start3A_1123 = arith.constant 328 : i32
        %dma_start3A_1124 = arith.constant 0 : i32
        %dma_start3A_1125 = tpu.memref_slice %arg6[%dma_start3A_1123, %dma_start3A_1124] : memref<1600x64xbf16, #tpu.memory_space<vmem>> -> memref<72x64xbf16, #tpu.memory_space<vmem>>
        %dma_start3A_1126 = arith.constant 128 : i32
        %dma_start3A_1127 = tpu.memref_slice %arg5[%dma_start3A_1121, %dma_start3A_1122, %dma_start3A_1126] : memref<2x8x200xi32, #tpu.memory_space<vmem>> -> memref<1x1x72xi32, #tpu.memory_space<vmem>>
        %dma_start3A_1128 = tpu.memref_squeeze %dma_start3A_1127 : memref<1x1x72xi32, #tpu.memory_space<vmem>> -> memref<72xi32, #tpu.memory_space<vmem>>
        %dma_start3A_1129 = arith.constant 0 : i32
        %dma_start3A_1130 = arith.constant 0 : i32
        %dma_start3A_1131 = tpu.memref_slice %arg2[%dma_start3A_1129, %dma_start3A_1130] : memref<100001x64xbf16, #tpu.memory_space<hbm>> -> memref<100001x64xbf16, #tpu.memory_space<hbm>>
        tpu.enqueue_indirect_dma source(%dma_start3A_1131 : memref<100001x64xbf16, #tpu.memory_space<hbm>>) target(%dma_start3A_1125 : memref<72x64xbf16, #tpu.memory_space<vmem>>) offsets(%dma_start3A_1128 : memref<72xi32, #tpu.memory_space<vmem>>) semaphore(%arg11 : memref<!tpu.dma_semaphore, #tpu.memory_space<semaphore_mem>>)
        %dma_start3A_1132 = arith.constant 0 : i32
        %dma_start3A_1133 = arith.constant 2 : i32
        %dma_start3A_1134 = arith.constant 400 : i32
        %dma_start3A_1135 = arith.constant 0 : i32
        %dma_start3A_1136 = tpu.memref_slice %arg6[%dma_start3A_1134, %dma_start3A_1135] : memref<1600x64xbf16, #tpu.memory_space<vmem>> -> memref<128x64xbf16, #tpu.memory_space<vmem>>
        %dma_start3A_1137 = arith.constant 0 : i32
        %dma_start3A_1138 = tpu.memref_slice %arg5[%dma_start3A_1132, %dma_start3A_1133, %dma_start3A_1137] : memref<2x8x200xi32, #tpu.memory_space<vmem>> -> memref<1x1x128xi32, #tpu.memory_space<vmem>>
        %dma_start3A_1139 = tpu.memref_squeeze %dma_start3A_1138 : memref<1x1x128xi32, #tpu.memory_space<vmem>> -> memref<128xi32, #tpu.memory_space<vmem>>
        %dma_start3A_1140 = arith.constant 0 : i32
        %dma_start3A_1141 = arith.constant 0 : i32
        %dma_start3A_1142 = tpu.memref_slice %arg2[%dma_start3A_1140, %dma_start3A_1141] : memref<100001x64xbf16, #tpu.memory_space<hbm>> -> memref<100001x64xbf16, #tpu.memory_space<hbm>>
        tpu.enqueue_indirect_dma source(%dma_start3A_1142 : memref<100001x64xbf16, #tpu.memory_space<hbm>>) target(%dma_start3A_1136 : memref<128x64xbf16, #tpu.memory_space<vmem>>) offsets(%dma_start3A_1139 : memref<128xi32, #tpu.memory_space<vmem>>) semaphore(%arg11 : memref<!tpu.dma_semaphore, #tpu.memory_space<semaphore_mem>>)
        %dma_start3A_1143 = arith.constant 0 : i32
        %dma_start3A_1144 = arith.constant 2 : i32
        %dma_start3A_1145 = arith.constant 528 : i32
        %dma_start3A_1146 = arith.constant 0 : i32
        %dma_start3A_1147 = tpu.memref_slice %arg6[%dma_start3A_1145, %dma_start3A_1146] : memref<1600x64xbf16, #tpu.memory_space<vmem>> -> memref<72x64xbf16, #tpu.memory_space<vmem>>
        %dma_start3A_1148 = arith.constant 128 : i32
        %dma_start3A_1149 = tpu.memref_slice %arg5[%dma_start3A_1143, %dma_start3A_1144, %dma_start3A_1148] : memref<2x8x200xi32, #tpu.memory_space<vmem>> -> memref<1x1x72xi32, #tpu.memory_space<vmem>>
        %dma_start3A_1150 = tpu.memref_squeeze %dma_start3A_1149 : memref<1x1x72xi32, #tpu.memory_space<vmem>> -> memref<72xi32, #tpu.memory_space<vmem>>
        %dma_start3A_1151 = arith.constant 0 : i32
        %dma_start3A_1152 = arith.constant 0 : i32
        %dma_start3A_1153 = tpu.memref_slice %arg2[%dma_start3A_1151, %dma_start3A_1152] : memref<100001x64xbf16, #tpu.memory_space<hbm>> -> memref<100001x64xbf16, #tpu.memory_space<hbm>>
        tpu.enqueue_indirect_dma source(%dma_start3A_1153 : memref<100001x64xbf16, #tpu.memory_space<hbm>>) target(%dma_start3A_1147 : memref<72x64xbf16, #tpu.memory_space<vmem>>) offsets(%dma_start3A_1150 : memref<72xi32, #tpu.memory_space<vmem>>) semaphore(%arg11 : memref<!tpu.dma_semaphore, #tpu.memory_space<semaphore_mem>>)
        %dma_start3A_1154 = arith.constant 0 : i32
        %dma_start3A_1155 = arith.constant 3 : i32
        %dma_start3A_1156 = arith.constant 600 : i32
        %dma_start3A_1157 = arith.constant 0 : i32
        %dma_start3A_1158 = tpu.memref_slice %arg6[%dma_start3A_1156, %dma_start3A_1157] : memref<1600x64xbf16, #tpu.memory_space<vmem>> -> memref<128x64xbf16, #tpu.memory_space<vmem>>
        %dma_start3A_1159 = arith.constant 0 : i32
        %dma_start3A_1160 = tpu.memref_slice %arg5[%dma_start3A_1154, %dma_start3A_1155, %dma_start3A_1159] : memref<2x8x200xi32, #tpu.memory_space<vmem>> -> memref<1x1x128xi32, #tpu.memory_space<vmem>>
        %dma_start3A_1161 = tpu.memref_squeeze %dma_start3A_1160 : memref<1x1x128xi32, #tpu.memory_space<vmem>> -> memref<128xi32, #tpu.memory_space<vmem>>
        %dma_start3A_1162 = arith.constant 0 : i32
        %dma_start3A_1163 = arith.constant 0 : i32
        %dma_start3A_1164 = tpu.memref_slice %arg2[%dma_start3A_1162, %dma_start3A_1163] : memref<100001x64xbf16, #tpu.memory_space<hbm>> -> memref<100001x64xbf16, #tpu.memory_space<hbm>>
        tpu.enqueue_indirect_dma source(%dma_start3A_1164 : memref<100001x64xbf16, #tpu.memory_space<hbm>>) target(%dma_start3A_1158 : memref<128x64xbf16, #tpu.memory_space<vmem>>) offsets(%dma_start3A_1161 : memref<128xi32, #tpu.memory_space<vmem>>) semaphore(%arg11 : memref<!tpu.dma_semaphore, #tpu.memory_space<semaphore_mem>>)
        %dma_start3A_1165 = arith.constant 0 : i32
        %dma_start3A_1166 = arith.constant 3 : i32
        %dma_start3A_1167 = arith.constant 728 : i32
        %dma_start3A_1168 = arith.constant 0 : i32
        %dma_start3A_1169 = tpu.memref_slice %arg6[%dma_start3A_1167, %dma_start3A_1168] : memref<1600x64xbf16, #tpu.memory_space<vmem>> -> memref<72x64xbf16, #tpu.memory_space<vmem>>
        %dma_start3A_1170 = arith.constant 128 : i32
        %dma_start3A_1171 = tpu.memref_slice %arg5[%dma_start3A_1165, %dma_start3A_1166, %dma_start3A_1170] : memref<2x8x200xi32, #tpu.memory_space<vmem>> -> memref<1x1x72xi32, #tpu.memory_space<vmem>>
        %dma_start3A_1172 = tpu.memref_squeeze %dma_start3A_1171 : memref<1x1x72xi32, #tpu.memory_space<vmem>> -> memref<72xi32, #tpu.memory_space<vmem>>
        %dma_start3A_1173 = arith.constant 0 : i32
        %dma_start3A_1174 = arith.constant 0 : i32
        %dma_start3A_1175 = tpu.memref_slice %arg2[%dma_start3A_1173, %dma_start3A_1174] : memref<100001x64xbf16, #tpu.memory_space<hbm>> -> memref<100001x64xbf16, #tpu.memory_space<hbm>>
        tpu.enqueue_indirect_dma source(%dma_start3A_1175 : memref<100001x64xbf16, #tpu.memory_space<hbm>>) target(%dma_start3A_1169 : memref<72x64xbf16, #tpu.memory_space<vmem>>) offsets(%dma_start3A_1172 : memref<72xi32, #tpu.memory_space<vmem>>) semaphore(%arg11 : memref<!tpu.dma_semaphore, #tpu.memory_space<semaphore_mem>>)
        %dma_start3A_1176 = arith.constant 0 : i32
        %dma_start3A_1177 = arith.constant 4 : i32
        %dma_start3A_1178 = arith.constant 800 : i32
        %dma_start3A_1179 = arith.constant 0 : i32
        %dma_start3A_1180 = tpu.memref_slice %arg6[%dma_start3A_1178, %dma_start3A_1179] : memref<1600x64xbf16, #tpu.memory_space<vmem>> -> memref<128x64xbf16, #tpu.memory_space<vmem>>
        %dma_start3A_1181 = arith.constant 0 : i32
        %dma_start3A_1182 = tpu.memref_slice %arg5[%dma_start3A_1176, %dma_start3A_1177, %dma_start3A_1181] : memref<2x8x200xi32, #tpu.memory_space<vmem>> -> memref<1x1x128xi32, #tpu.memory_space<vmem>>
        %dma_start3A_1183 = tpu.memref_squeeze %dma_start3A_1182 : memref<1x1x128xi32, #tpu.memory_space<vmem>> -> memref<128xi32, #tpu.memory_space<vmem>>
        %dma_start3A_1184 = arith.constant 0 : i32
        %dma_start3A_1185 = arith.constant 0 : i32
        %dma_start3A_1186 = tpu.memref_slice %arg2[%dma_start3A_1184, %dma_start3A_1185] : memref<100001x64xbf16, #tpu.memory_space<hbm>> -> memref<100001x64xbf16, #tpu.memory_space<hbm>>
        tpu.enqueue_indirect_dma source(%dma_start3A_1186 : memref<100001x64xbf16, #tpu.memory_space<hbm>>) target(%dma_start3A_1180 : memref<128x64xbf16, #tpu.memory_space<vmem>>) offsets(%dma_start3A_1183 : memref<128xi32, #tpu.memory_space<vmem>>) semaphore(%arg11 : memref<!tpu.dma_semaphore, #tpu.memory_space<semaphore_mem>>)
        %dma_start3A_1187 = arith.constant 0 : i32
        %dma_start3A_1188 = arith.constant 4 : i32
        %dma_start3A_1189 = arith.constant 928 : i32
        %dma_start3A_1190 = arith.constant 0 : i32
        %dma_start3A_1191 = tpu.memref_slice %arg6[%dma_start3A_1189, %dma_start3A_1190] : memref<1600x64xbf16, #tpu.memory_space<vmem>> -> memref<72x64xbf16, #tpu.memory_space<vmem>>
        %dma_start3A_1192 = arith.constant 128 : i32
        %dma_start3A_1193 = tpu.memref_slice %arg5[%dma_start3A_1187, %dma_start3A_1188, %dma_start3A_1192] : memref<2x8x200xi32, #tpu.memory_space<vmem>> -> memref<1x1x72xi32, #tpu.memory_space<vmem>>
        %dma_start3A_1194 = tpu.memref_squeeze %dma_start3A_1193 : memref<1x1x72xi32, #tpu.memory_space<vmem>> -> memref<72xi32, #tpu.memory_space<vmem>>
        %dma_start3A_1195 = arith.constant 0 : i32
        %dma_start3A_1196 = arith.constant 0 : i32
        %dma_start3A_1197 = tpu.memref_slice %arg2[%dma_start3A_1195, %dma_start3A_1196] : memref<100001x64xbf16, #tpu.memory_space<hbm>> -> memref<100001x64xbf16, #tpu.memory_space<hbm>>
        tpu.enqueue_indirect_dma source(%dma_start3A_1197 : memref<100001x64xbf16, #tpu.memory_space<hbm>>) target(%dma_start3A_1191 : memref<72x64xbf16, #tpu.memory_space<vmem>>) offsets(%dma_start3A_1194 : memref<72xi32, #tpu.memory_space<vmem>>) semaphore(%arg11 : memref<!tpu.dma_semaphore, #tpu.memory_space<semaphore_mem>>)
        %dma_start3A_1198 = arith.constant 0 : i32
        %dma_start3A_1199 = arith.constant 5 : i32
        %dma_start3A_1200 = arith.constant 1000 : i32
        %dma_start3A_1201 = arith.constant 0 : i32
        %dma_start3A_1202 = tpu.memref_slice %arg6[%dma_start3A_1200, %dma_start3A_1201] : memref<1600x64xbf16, #tpu.memory_space<vmem>> -> memref<128x64xbf16, #tpu.memory_space<vmem>>
        %dma_start3A_1203 = arith.constant 0 : i32
        %dma_start3A_1204 = tpu.memref_slice %arg5[%dma_start3A_1198, %dma_start3A_1199, %dma_start3A_1203] : memref<2x8x200xi32, #tpu.memory_space<vmem>> -> memref<1x1x128xi32, #tpu.memory_space<vmem>>
        %dma_start3A_1205 = tpu.memref_squeeze %dma_start3A_1204 : memref<1x1x128xi32, #tpu.memory_space<vmem>> -> memref<128xi32, #tpu.memory_space<vmem>>
        %dma_start3A_1206 = arith.constant 0 : i32
        %dma_start3A_1207 = arith.constant 0 : i32
        %dma_start3A_1208 = tpu.memref_slice %arg2[%dma_start3A_1206, %dma_start3A_1207] : memref<100001x64xbf16, #tpu.memory_space<hbm>> -> memref<100001x64xbf16, #tpu.memory_space<hbm>>
        tpu.enqueue_indirect_dma source(%dma_start3A_1208 : memref<100001x64xbf16, #tpu.memory_space<hbm>>) target(%dma_start3A_1202 : memref<128x64xbf16, #tpu.memory_space<vmem>>) offsets(%dma_start3A_1205 : memref<128xi32, #tpu.memory_space<vmem>>) semaphore(%arg11 : memref<!tpu.dma_semaphore, #tpu.memory_space<semaphore_mem>>)
        %dma_start3A_1209 = arith.constant 0 : i32
        %dma_start3A_1210 = arith.constant 5 : i32
        %dma_start3A_1211 = arith.constant 1128 : i32
        %dma_start3A_1212 = arith.constant 0 : i32
        %dma_start3A_1213 = tpu.memref_slice %arg6[%dma_start3A_1211, %dma_start3A_1212] : memref<1600x64xbf16, #tpu.memory_space<vmem>> -> memref<72x64xbf16, #tpu.memory_space<vmem>>
        %dma_start3A_1214 = arith.constant 128 : i32
        %dma_start3A_1215 = tpu.memref_slice %arg5[%dma_start3A_1209, %dma_start3A_1210, %dma_start3A_1214] : memref<2x8x200xi32, #tpu.memory_space<vmem>> -> memref<1x1x72xi32, #tpu.memory_space<vmem>>
        %dma_start3A_1216 = tpu.memref_squeeze %dma_start3A_1215 : memref<1x1x72xi32, #tpu.memory_space<vmem>> -> memref<72xi32, #tpu.memory_space<vmem>>
        %dma_start3A_1217 = arith.constant 0 : i32
        %dma_start3A_1218 = arith.constant 0 : i32
        %dma_start3A_1219 = tpu.memref_slice %arg2[%dma_start3A_1217, %dma_start3A_1218] : memref<100001x64xbf16, #tpu.memory_space<hbm>> -> memref<100001x64xbf16, #tpu.memory_space<hbm>>
        tpu.enqueue_indirect_dma source(%dma_start3A_1219 : memref<100001x64xbf16, #tpu.memory_space<hbm>>) target(%dma_start3A_1213 : memref<72x64xbf16, #tpu.memory_space<vmem>>) offsets(%dma_start3A_1216 : memref<72xi32, #tpu.memory_space<vmem>>) semaphore(%arg11 : memref<!tpu.dma_semaphore, #tpu.memory_space<semaphore_mem>>)
        %dma_start3A_1220 = arith.constant 0 : i32
        %dma_start3A_1221 = arith.constant 6 : i32
        %dma_start3A_1222 = arith.constant 1200 : i32
        %dma_start3A_1223 = arith.constant 0 : i32
        %dma_start3A_1224 = tpu.memref_slice %arg6[%dma_start3A_1222, %dma_start3A_1223] : memref<1600x64xbf16, #tpu.memory_space<vmem>> -> memref<128x64xbf16, #tpu.memory_space<vmem>>
        %dma_start3A_1225 = arith.constant 0 : i32
        %dma_start3A_1226 = tpu.memref_slice %arg5[%dma_start3A_1220, %dma_start3A_1221, %dma_start3A_1225] : memref<2x8x200xi32, #tpu.memory_space<vmem>> -> memref<1x1x128xi32, #tpu.memory_space<vmem>>
        %dma_start3A_1227 = tpu.memref_squeeze %dma_start3A_1226 : memref<1x1x128xi32, #tpu.memory_space<vmem>> -> memref<128xi32, #tpu.memory_space<vmem>>
        %dma_start3A_1228 = arith.constant 0 : i32
        %dma_start3A_1229 = arith.constant 0 : i32
        %dma_start3A_1230 = tpu.memref_slice %arg2[%dma_start3A_1228, %dma_start3A_1229] : memref<100001x64xbf16, #tpu.memory_space<hbm>> -> memref<100001x64xbf16, #tpu.memory_space<hbm>>
        tpu.enqueue_indirect_dma source(%dma_start3A_1230 : memref<100001x64xbf16, #tpu.memory_space<hbm>>) target(%dma_start3A_1224 : memref<128x64xbf16, #tpu.memory_space<vmem>>) offsets(%dma_start3A_1227 : memref<128xi32, #tpu.memory_space<vmem>>) semaphore(%arg11 : memref<!tpu.dma_semaphore, #tpu.memory_space<semaphore_mem>>)
        %dma_start3A_1231 = arith.constant 0 : i32
        %dma_start3A_1232 = arith.constant 6 : i32
        %dma_start3A_1233 = arith.constant 1328 : i32
        %dma_start3A_1234 = arith.constant 0 : i32
        %dma_start3A_1235 = tpu.memref_slice %arg6[%dma_start3A_1233, %dma_start3A_1234] : memref<1600x64xbf16, #tpu.memory_space<vmem>> -> memref<72x64xbf16, #tpu.memory_space<vmem>>
        %dma_start3A_1236 = arith.constant 128 : i32
        %dma_start3A_1237 = tpu.memref_slice %arg5[%dma_start3A_1231, %dma_start3A_1232, %dma_start3A_1236] : memref<2x8x200xi32, #tpu.memory_space<vmem>> -> memref<1x1x72xi32, #tpu.memory_space<vmem>>
        %dma_start3A_1238 = tpu.memref_squeeze %dma_start3A_1237 : memref<1x1x72xi32, #tpu.memory_space<vmem>> -> memref<72xi32, #tpu.memory_space<vmem>>
        %dma_start3A_1239 = arith.constant 0 : i32
        %dma_start3A_1240 = arith.constant 0 : i32
        %dma_start3A_1241 = tpu.memref_slice %arg2[%dma_start3A_1239, %dma_start3A_1240] : memref<100001x64xbf16, #tpu.memory_space<hbm>> -> memref<100001x64xbf16, #tpu.memory_space<hbm>>
        tpu.enqueue_indirect_dma source(%dma_start3A_1241 : memref<100001x64xbf16, #tpu.memory_space<hbm>>) target(%dma_start3A_1235 : memref<72x64xbf16, #tpu.memory_space<vmem>>) offsets(%dma_start3A_1238 : memref<72xi32, #tpu.memory_space<vmem>>) semaphore(%arg11 : memref<!tpu.dma_semaphore, #tpu.memory_space<semaphore_mem>>)
        %dma_start3A_1242 = arith.constant 0 : i32
        %dma_start3A_1243 = arith.constant 7 : i32
        %dma_start3A_1244 = arith.constant 1400 : i32
        %dma_start3A_1245 = arith.constant 0 : i32
        %dma_start3A_1246 = tpu.memref_slice %arg6[%dma_start3A_1244, %dma_start3A_1245] : memref<1600x64xbf16, #tpu.memory_space<vmem>> -> memref<128x64xbf16, #tpu.memory_space<vmem>>
        %dma_start3A_1247 = arith.constant 0 : i32
        %dma_start3A_1248 = tpu.memref_slice %arg5[%dma_start3A_1242, %dma_start3A_1243, %dma_start3A_1247] : memref<2x8x200xi32, #tpu.memory_space<vmem>> -> memref<1x1x128xi32, #tpu.memory_space<vmem>>
        %dma_start3A_1249 = tpu.memref_squeeze %dma_start3A_1248 : memref<1x1x128xi32, #tpu.memory_space<vmem>> -> memref<128xi32, #tpu.memory_space<vmem>>
        %dma_start3A_1250 = arith.constant 0 : i32
        %dma_start3A_1251 = arith.constant 0 : i32
        %dma_start3A_1252 = tpu.memref_slice %arg2[%dma_start3A_1250, %dma_start3A_1251] : memref<100001x64xbf16, #tpu.memory_space<hbm>> -> memref<100001x64xbf16, #tpu.memory_space<hbm>>
        tpu.enqueue_indirect_dma source(%dma_start3A_1252 : memref<100001x64xbf16, #tpu.memory_space<hbm>>) target(%dma_start3A_1246 : memref<128x64xbf16, #tpu.memory_space<vmem>>) offsets(%dma_start3A_1249 : memref<128xi32, #tpu.memory_space<vmem>>) semaphore(%arg11 : memref<!tpu.dma_semaphore, #tpu.memory_space<semaphore_mem>>)
        %dma_start3A_1253 = arith.constant 0 : i32
        %dma_start3A_1254 = arith.constant 7 : i32
        %dma_start3A_1255 = arith.constant 1528 : i32
        %dma_start3A_1256 = arith.constant 0 : i32
        %dma_start3A_1257 = tpu.memref_slice %arg6[%dma_start3A_1255, %dma_start3A_1256] : memref<1600x64xbf16, #tpu.memory_space<vmem>> -> memref<72x64xbf16, #tpu.memory_space<vmem>>
        %dma_start3A_1258 = arith.constant 128 : i32
        %dma_start3A_1259 = tpu.memref_slice %arg5[%dma_start3A_1253, %dma_start3A_1254, %dma_start3A_1258] : memref<2x8x200xi32, #tpu.memory_space<vmem>> -> memref<1x1x72xi32, #tpu.memory_space<vmem>>
        %dma_start3A_1260 = tpu.memref_squeeze %dma_start3A_1259 : memref<1x1x72xi32, #tpu.memory_space<vmem>> -> memref<72xi32, #tpu.memory_space<vmem>>
        %dma_start3A_1261 = arith.constant 0 : i32
        %dma_start3A_1262 = arith.constant 0 : i32
        %dma_start3A_1263 = tpu.memref_slice %arg2[%dma_start3A_1261, %dma_start3A_1262] : memref<100001x64xbf16, #tpu.memory_space<hbm>> -> memref<100001x64xbf16, #tpu.memory_space<hbm>>
        tpu.enqueue_indirect_dma source(%dma_start3A_1263 : memref<100001x64xbf16, #tpu.memory_space<hbm>>) target(%dma_start3A_1257 : memref<72x64xbf16, #tpu.memory_space<vmem>>) offsets(%dma_start3A_1260 : memref<72xi32, #tpu.memory_space<vmem>>) semaphore(%arg11 : memref<!tpu.dma_semaphore, #tpu.memory_space<semaphore_mem>>)
      } else {
      }
      %dma_wait3A_671 = arith.constant 1 : i32
      %dma_wait3A_672 = arith.constant 0 : i32
      %dma_wait3A_673 = arith.constant 0 : i32
      %dma_wait3A_674 = arith.constant 0 : i32
      %dma_wait3A_675 = tpu.memref_slice %arg7[%dma_wait3A_673, %dma_wait3A_674] : memref<1600x64xbf16, #tpu.memory_space<vmem>> -> memref<128x64xbf16, #tpu.memory_space<vmem>>
      %dma_wait3A_676 = arith.constant 0 : i32
      %dma_wait3A_677 = tpu.memref_slice %arg5[%dma_wait3A_671, %dma_wait3A_672, %dma_wait3A_676] : memref<2x8x200xi32, #tpu.memory_space<vmem>> -> memref<1x1x128xi32, #tpu.memory_space<vmem>>
      %dma_wait3A_678 = tpu.memref_squeeze %dma_wait3A_677 : memref<1x1x128xi32, #tpu.memory_space<vmem>> -> memref<128xi32, #tpu.memory_space<vmem>>
      %dma_wait3A_679 = arith.constant 0 : i32
      %dma_wait3A_680 = arith.constant 0 : i32
      %dma_wait3A_681 = tpu.memref_slice %arg2[%dma_wait3A_679, %dma_wait3A_680] : memref<100001x64xbf16, #tpu.memory_space<hbm>> -> memref<100001x64xbf16, #tpu.memory_space<hbm>>
      tpu.wait_indirect_dma semaphore(%arg12 : memref<!tpu.dma_semaphore, #tpu.memory_space<semaphore_mem>>) src(%dma_wait3A_681 : memref<100001x64xbf16, #tpu.memory_space<hbm>>) dst(%dma_wait3A_675 : memref<128x64xbf16, #tpu.memory_space<vmem>>)
      %dma_wait3A_682 = arith.constant 1 : i32
      %dma_wait3A_683 = arith.constant 0 : i32
      %dma_wait3A_684 = arith.constant 128 : i32
      %dma_wait3A_685 = arith.constant 0 : i32
      %dma_wait3A_686 = tpu.memref_slice %arg7[%dma_wait3A_684, %dma_wait3A_685] : memref<1600x64xbf16, #tpu.memory_space<vmem>> -> memref<72x64xbf16, #tpu.memory_space<vmem>>
      %dma_wait3A_687 = arith.constant 128 : i32
      %dma_wait3A_688 = tpu.memref_slice %arg5[%dma_wait3A_682, %dma_wait3A_683, %dma_wait3A_687] : memref<2x8x200xi32, #tpu.memory_space<vmem>> -> memref<1x1x72xi32, #tpu.memory_space<vmem>>
      %dma_wait3A_689 = tpu.memref_squeeze %dma_wait3A_688 : memref<1x1x72xi32, #tpu.memory_space<vmem>> -> memref<72xi32, #tpu.memory_space<vmem>>
      %dma_wait3A_690 = arith.constant 0 : i32
      %dma_wait3A_691 = arith.constant 0 : i32
      %dma_wait3A_692 = tpu.memref_slice %arg2[%dma_wait3A_690, %dma_wait3A_691] : memref<100001x64xbf16, #tpu.memory_space<hbm>> -> memref<100001x64xbf16, #tpu.memory_space<hbm>>
      tpu.wait_indirect_dma semaphore(%arg12 : memref<!tpu.dma_semaphore, #tpu.memory_space<semaphore_mem>>) src(%dma_wait3A_692 : memref<100001x64xbf16, #tpu.memory_space<hbm>>) dst(%dma_wait3A_686 : memref<72x64xbf16, #tpu.memory_space<vmem>>)
      %dma_wait3A_693 = arith.constant 1 : i32
      %dma_wait3A_694 = arith.constant 1 : i32
      %dma_wait3A_695 = arith.constant 200 : i32
      %dma_wait3A_696 = arith.constant 0 : i32
      %dma_wait3A_697 = tpu.memref_slice %arg7[%dma_wait3A_695, %dma_wait3A_696] : memref<1600x64xbf16, #tpu.memory_space<vmem>> -> memref<128x64xbf16, #tpu.memory_space<vmem>>
      %dma_wait3A_698 = arith.constant 0 : i32
      %dma_wait3A_699 = tpu.memref_slice %arg5[%dma_wait3A_693, %dma_wait3A_694, %dma_wait3A_698] : memref<2x8x200xi32, #tpu.memory_space<vmem>> -> memref<1x1x128xi32, #tpu.memory_space<vmem>>
      %dma_wait3A_700 = tpu.memref_squeeze %dma_wait3A_699 : memref<1x1x128xi32, #tpu.memory_space<vmem>> -> memref<128xi32, #tpu.memory_space<vmem>>
      %dma_wait3A_701 = arith.constant 0 : i32
      %dma_wait3A_702 = arith.constant 0 : i32
      %dma_wait3A_703 = tpu.memref_slice %arg2[%dma_wait3A_701, %dma_wait3A_702] : memref<100001x64xbf16, #tpu.memory_space<hbm>> -> memref<100001x64xbf16, #tpu.memory_space<hbm>>
      tpu.wait_indirect_dma semaphore(%arg12 : memref<!tpu.dma_semaphore, #tpu.memory_space<semaphore_mem>>) src(%dma_wait3A_703 : memref<100001x64xbf16, #tpu.memory_space<hbm>>) dst(%dma_wait3A_697 : memref<128x64xbf16, #tpu.memory_space<vmem>>)
      %dma_wait3A_704 = arith.constant 1 : i32
      %dma_wait3A_705 = arith.constant 1 : i32
      %dma_wait3A_706 = arith.constant 328 : i32
      %dma_wait3A_707 = arith.constant 0 : i32
      %dma_wait3A_708 = tpu.memref_slice %arg7[%dma_wait3A_706, %dma_wait3A_707] : memref<1600x64xbf16, #tpu.memory_space<vmem>> -> memref<72x64xbf16, #tpu.memory_space<vmem>>
      %dma_wait3A_709 = arith.constant 128 : i32
      %dma_wait3A_710 = tpu.memref_slice %arg5[%dma_wait3A_704, %dma_wait3A_705, %dma_wait3A_709] : memref<2x8x200xi32, #tpu.memory_space<vmem>> -> memref<1x1x72xi32, #tpu.memory_space<vmem>>
      %dma_wait3A_711 = tpu.memref_squeeze %dma_wait3A_710 : memref<1x1x72xi32, #tpu.memory_space<vmem>> -> memref<72xi32, #tpu.memory_space<vmem>>
      %dma_wait3A_712 = arith.constant 0 : i32
      %dma_wait3A_713 = arith.constant 0 : i32
      %dma_wait3A_714 = tpu.memref_slice %arg2[%dma_wait3A_712, %dma_wait3A_713] : memref<100001x64xbf16, #tpu.memory_space<hbm>> -> memref<100001x64xbf16, #tpu.memory_space<hbm>>
      tpu.wait_indirect_dma semaphore(%arg12 : memref<!tpu.dma_semaphore, #tpu.memory_space<semaphore_mem>>) src(%dma_wait3A_714 : memref<100001x64xbf16, #tpu.memory_space<hbm>>) dst(%dma_wait3A_708 : memref<72x64xbf16, #tpu.memory_space<vmem>>)
      %dma_wait3A_715 = arith.constant 1 : i32
      %dma_wait3A_716 = arith.constant 2 : i32
      %dma_wait3A_717 = arith.constant 400 : i32
      %dma_wait3A_718 = arith.constant 0 : i32
      %dma_wait3A_719 = tpu.memref_slice %arg7[%dma_wait3A_717, %dma_wait3A_718] : memref<1600x64xbf16, #tpu.memory_space<vmem>> -> memref<128x64xbf16, #tpu.memory_space<vmem>>
      %dma_wait3A_720 = arith.constant 0 : i32
      %dma_wait3A_721 = tpu.memref_slice %arg5[%dma_wait3A_715, %dma_wait3A_716, %dma_wait3A_720] : memref<2x8x200xi32, #tpu.memory_space<vmem>> -> memref<1x1x128xi32, #tpu.memory_space<vmem>>
      %dma_wait3A_722 = tpu.memref_squeeze %dma_wait3A_721 : memref<1x1x128xi32, #tpu.memory_space<vmem>> -> memref<128xi32, #tpu.memory_space<vmem>>
      %dma_wait3A_723 = arith.constant 0 : i32
      %dma_wait3A_724 = arith.constant 0 : i32
      %dma_wait3A_725 = tpu.memref_slice %arg2[%dma_wait3A_723, %dma_wait3A_724] : memref<100001x64xbf16, #tpu.memory_space<hbm>> -> memref<100001x64xbf16, #tpu.memory_space<hbm>>
      tpu.wait_indirect_dma semaphore(%arg12 : memref<!tpu.dma_semaphore, #tpu.memory_space<semaphore_mem>>) src(%dma_wait3A_725 : memref<100001x64xbf16, #tpu.memory_space<hbm>>) dst(%dma_wait3A_719 : memref<128x64xbf16, #tpu.memory_space<vmem>>)
      %dma_wait3A_726 = arith.constant 1 : i32
      %dma_wait3A_727 = arith.constant 2 : i32
      %dma_wait3A_728 = arith.constant 528 : i32
      %dma_wait3A_729 = arith.constant 0 : i32
      %dma_wait3A_730 = tpu.memref_slice %arg7[%dma_wait3A_728, %dma_wait3A_729] : memref<1600x64xbf16, #tpu.memory_space<vmem>> -> memref<72x64xbf16, #tpu.memory_space<vmem>>
      %dma_wait3A_731 = arith.constant 128 : i32
      %dma_wait3A_732 = tpu.memref_slice %arg5[%dma_wait3A_726, %dma_wait3A_727, %dma_wait3A_731] : memref<2x8x200xi32, #tpu.memory_space<vmem>> -> memref<1x1x72xi32, #tpu.memory_space<vmem>>
      %dma_wait3A_733 = tpu.memref_squeeze %dma_wait3A_732 : memref<1x1x72xi32, #tpu.memory_space<vmem>> -> memref<72xi32, #tpu.memory_space<vmem>>
      %dma_wait3A_734 = arith.constant 0 : i32
      %dma_wait3A_735 = arith.constant 0 : i32
      %dma_wait3A_736 = tpu.memref_slice %arg2[%dma_wait3A_734, %dma_wait3A_735] : memref<100001x64xbf16, #tpu.memory_space<hbm>> -> memref<100001x64xbf16, #tpu.memory_space<hbm>>
      tpu.wait_indirect_dma semaphore(%arg12 : memref<!tpu.dma_semaphore, #tpu.memory_space<semaphore_mem>>) src(%dma_wait3A_736 : memref<100001x64xbf16, #tpu.memory_space<hbm>>) dst(%dma_wait3A_730 : memref<72x64xbf16, #tpu.memory_space<vmem>>)
      %dma_wait3A_737 = arith.constant 1 : i32
      %dma_wait3A_738 = arith.constant 3 : i32
      %dma_wait3A_739 = arith.constant 600 : i32
      %dma_wait3A_740 = arith.constant 0 : i32
      %dma_wait3A_741 = tpu.memref_slice %arg7[%dma_wait3A_739, %dma_wait3A_740] : memref<1600x64xbf16, #tpu.memory_space<vmem>> -> memref<128x64xbf16, #tpu.memory_space<vmem>>
      %dma_wait3A_742 = arith.constant 0 : i32
      %dma_wait3A_743 = tpu.memref_slice %arg5[%dma_wait3A_737, %dma_wait3A_738, %dma_wait3A_742] : memref<2x8x200xi32, #tpu.memory_space<vmem>> -> memref<1x1x128xi32, #tpu.memory_space<vmem>>
      %dma_wait3A_744 = tpu.memref_squeeze %dma_wait3A_743 : memref<1x1x128xi32, #tpu.memory_space<vmem>> -> memref<128xi32, #tpu.memory_space<vmem>>
      %dma_wait3A_745 = arith.constant 0 : i32
      %dma_wait3A_746 = arith.constant 0 : i32
      %dma_wait3A_747 = tpu.memref_slice %arg2[%dma_wait3A_745, %dma_wait3A_746] : memref<100001x64xbf16, #tpu.memory_space<hbm>> -> memref<100001x64xbf16, #tpu.memory_space<hbm>>
      tpu.wait_indirect_dma semaphore(%arg12 : memref<!tpu.dma_semaphore, #tpu.memory_space<semaphore_mem>>) src(%dma_wait3A_747 : memref<100001x64xbf16, #tpu.memory_space<hbm>>) dst(%dma_wait3A_741 : memref<128x64xbf16, #tpu.memory_space<vmem>>)
      %dma_wait3A_748 = arith.constant 1 : i32
      %dma_wait3A_749 = arith.constant 3 : i32
      %dma_wait3A_750 = arith.constant 728 : i32
      %dma_wait3A_751 = arith.constant 0 : i32
      %dma_wait3A_752 = tpu.memref_slice %arg7[%dma_wait3A_750, %dma_wait3A_751] : memref<1600x64xbf16, #tpu.memory_space<vmem>> -> memref<72x64xbf16, #tpu.memory_space<vmem>>
      %dma_wait3A_753 = arith.constant 128 : i32
      %dma_wait3A_754 = tpu.memref_slice %arg5[%dma_wait3A_748, %dma_wait3A_749, %dma_wait3A_753] : memref<2x8x200xi32, #tpu.memory_space<vmem>> -> memref<1x1x72xi32, #tpu.memory_space<vmem>>
      %dma_wait3A_755 = tpu.memref_squeeze %dma_wait3A_754 : memref<1x1x72xi32, #tpu.memory_space<vmem>> -> memref<72xi32, #tpu.memory_space<vmem>>
      %dma_wait3A_756 = arith.constant 0 : i32
      %dma_wait3A_757 = arith.constant 0 : i32
      %dma_wait3A_758 = tpu.memref_slice %arg2[%dma_wait3A_756, %dma_wait3A_757] : memref<100001x64xbf16, #tpu.memory_space<hbm>> -> memref<100001x64xbf16, #tpu.memory_space<hbm>>
      tpu.wait_indirect_dma semaphore(%arg12 : memref<!tpu.dma_semaphore, #tpu.memory_space<semaphore_mem>>) src(%dma_wait3A_758 : memref<100001x64xbf16, #tpu.memory_space<hbm>>) dst(%dma_wait3A_752 : memref<72x64xbf16, #tpu.memory_space<vmem>>)
      %dma_wait3A_759 = arith.constant 1 : i32
      %dma_wait3A_760 = arith.constant 4 : i32
      %dma_wait3A_761 = arith.constant 800 : i32
      %dma_wait3A_762 = arith.constant 0 : i32
      %dma_wait3A_763 = tpu.memref_slice %arg7[%dma_wait3A_761, %dma_wait3A_762] : memref<1600x64xbf16, #tpu.memory_space<vmem>> -> memref<128x64xbf16, #tpu.memory_space<vmem>>
      %dma_wait3A_764 = arith.constant 0 : i32
      %dma_wait3A_765 = tpu.memref_slice %arg5[%dma_wait3A_759, %dma_wait3A_760, %dma_wait3A_764] : memref<2x8x200xi32, #tpu.memory_space<vmem>> -> memref<1x1x128xi32, #tpu.memory_space<vmem>>
      %dma_wait3A_766 = tpu.memref_squeeze %dma_wait3A_765 : memref<1x1x128xi32, #tpu.memory_space<vmem>> -> memref<128xi32, #tpu.memory_space<vmem>>
      %dma_wait3A_767 = arith.constant 0 : i32
      %dma_wait3A_768 = arith.constant 0 : i32
      %dma_wait3A_769 = tpu.memref_slice %arg2[%dma_wait3A_767, %dma_wait3A_768] : memref<100001x64xbf16, #tpu.memory_space<hbm>> -> memref<100001x64xbf16, #tpu.memory_space<hbm>>
      tpu.wait_indirect_dma semaphore(%arg12 : memref<!tpu.dma_semaphore, #tpu.memory_space<semaphore_mem>>) src(%dma_wait3A_769 : memref<100001x64xbf16, #tpu.memory_space<hbm>>) dst(%dma_wait3A_763 : memref<128x64xbf16, #tpu.memory_space<vmem>>)
      %dma_wait3A_770 = arith.constant 1 : i32
      %dma_wait3A_771 = arith.constant 4 : i32
      %dma_wait3A_772 = arith.constant 928 : i32
      %dma_wait3A_773 = arith.constant 0 : i32
      %dma_wait3A_774 = tpu.memref_slice %arg7[%dma_wait3A_772, %dma_wait3A_773] : memref<1600x64xbf16, #tpu.memory_space<vmem>> -> memref<72x64xbf16, #tpu.memory_space<vmem>>
      %dma_wait3A_775 = arith.constant 128 : i32
      %dma_wait3A_776 = tpu.memref_slice %arg5[%dma_wait3A_770, %dma_wait3A_771, %dma_wait3A_775] : memref<2x8x200xi32, #tpu.memory_space<vmem>> -> memref<1x1x72xi32, #tpu.memory_space<vmem>>
      %dma_wait3A_777 = tpu.memref_squeeze %dma_wait3A_776 : memref<1x1x72xi32, #tpu.memory_space<vmem>> -> memref<72xi32, #tpu.memory_space<vmem>>
      %dma_wait3A_778 = arith.constant 0 : i32
      %dma_wait3A_779 = arith.constant 0 : i32
      %dma_wait3A_780 = tpu.memref_slice %arg2[%dma_wait3A_778, %dma_wait3A_779] : memref<100001x64xbf16, #tpu.memory_space<hbm>> -> memref<100001x64xbf16, #tpu.memory_space<hbm>>
      tpu.wait_indirect_dma semaphore(%arg12 : memref<!tpu.dma_semaphore, #tpu.memory_space<semaphore_mem>>) src(%dma_wait3A_780 : memref<100001x64xbf16, #tpu.memory_space<hbm>>) dst(%dma_wait3A_774 : memref<72x64xbf16, #tpu.memory_space<vmem>>)
      %dma_wait3A_781 = arith.constant 1 : i32
      %dma_wait3A_782 = arith.constant 5 : i32
      %dma_wait3A_783 = arith.constant 1000 : i32
      %dma_wait3A_784 = arith.constant 0 : i32
      %dma_wait3A_785 = tpu.memref_slice %arg7[%dma_wait3A_783, %dma_wait3A_784] : memref<1600x64xbf16, #tpu.memory_space<vmem>> -> memref<128x64xbf16, #tpu.memory_space<vmem>>
      %dma_wait3A_786 = arith.constant 0 : i32
      %dma_wait3A_787 = tpu.memref_slice %arg5[%dma_wait3A_781, %dma_wait3A_782, %dma_wait3A_786] : memref<2x8x200xi32, #tpu.memory_space<vmem>> -> memref<1x1x128xi32, #tpu.memory_space<vmem>>
      %dma_wait3A_788 = tpu.memref_squeeze %dma_wait3A_787 : memref<1x1x128xi32, #tpu.memory_space<vmem>> -> memref<128xi32, #tpu.memory_space<vmem>>
      %dma_wait3A_789 = arith.constant 0 : i32
      %dma_wait3A_790 = arith.constant 0 : i32
      %dma_wait3A_791 = tpu.memref_slice %arg2[%dma_wait3A_789, %dma_wait3A_790] : memref<100001x64xbf16, #tpu.memory_space<hbm>> -> memref<100001x64xbf16, #tpu.memory_space<hbm>>
      tpu.wait_indirect_dma semaphore(%arg12 : memref<!tpu.dma_semaphore, #tpu.memory_space<semaphore_mem>>) src(%dma_wait3A_791 : memref<100001x64xbf16, #tpu.memory_space<hbm>>) dst(%dma_wait3A_785 : memref<128x64xbf16, #tpu.memory_space<vmem>>)
      %dma_wait3A_792 = arith.constant 1 : i32
      %dma_wait3A_793 = arith.constant 5 : i32
      %dma_wait3A_794 = arith.constant 1128 : i32
      %dma_wait3A_795 = arith.constant 0 : i32
      %dma_wait3A_796 = tpu.memref_slice %arg7[%dma_wait3A_794, %dma_wait3A_795] : memref<1600x64xbf16, #tpu.memory_space<vmem>> -> memref<72x64xbf16, #tpu.memory_space<vmem>>
      %dma_wait3A_797 = arith.constant 128 : i32
      %dma_wait3A_798 = tpu.memref_slice %arg5[%dma_wait3A_792, %dma_wait3A_793, %dma_wait3A_797] : memref<2x8x200xi32, #tpu.memory_space<vmem>> -> memref<1x1x72xi32, #tpu.memory_space<vmem>>
      %dma_wait3A_799 = tpu.memref_squeeze %dma_wait3A_798 : memref<1x1x72xi32, #tpu.memory_space<vmem>> -> memref<72xi32, #tpu.memory_space<vmem>>
      %dma_wait3A_800 = arith.constant 0 : i32
      %dma_wait3A_801 = arith.constant 0 : i32
      %dma_wait3A_802 = tpu.memref_slice %arg2[%dma_wait3A_800, %dma_wait3A_801] : memref<100001x64xbf16, #tpu.memory_space<hbm>> -> memref<100001x64xbf16, #tpu.memory_space<hbm>>
      tpu.wait_indirect_dma semaphore(%arg12 : memref<!tpu.dma_semaphore, #tpu.memory_space<semaphore_mem>>) src(%dma_wait3A_802 : memref<100001x64xbf16, #tpu.memory_space<hbm>>) dst(%dma_wait3A_796 : memref<72x64xbf16, #tpu.memory_space<vmem>>)
      %dma_wait3A_803 = arith.constant 1 : i32
      %dma_wait3A_804 = arith.constant 6 : i32
      %dma_wait3A_805 = arith.constant 1200 : i32
      %dma_wait3A_806 = arith.constant 0 : i32
      %dma_wait3A_807 = tpu.memref_slice %arg7[%dma_wait3A_805, %dma_wait3A_806] : memref<1600x64xbf16, #tpu.memory_space<vmem>> -> memref<128x64xbf16, #tpu.memory_space<vmem>>
      %dma_wait3A_808 = arith.constant 0 : i32
      %dma_wait3A_809 = tpu.memref_slice %arg5[%dma_wait3A_803, %dma_wait3A_804, %dma_wait3A_808] : memref<2x8x200xi32, #tpu.memory_space<vmem>> -> memref<1x1x128xi32, #tpu.memory_space<vmem>>
      %dma_wait3A_810 = tpu.memref_squeeze %dma_wait3A_809 : memref<1x1x128xi32, #tpu.memory_space<vmem>> -> memref<128xi32, #tpu.memory_space<vmem>>
      %dma_wait3A_811 = arith.constant 0 : i32
      %dma_wait3A_812 = arith.constant 0 : i32
      %dma_wait3A_813 = tpu.memref_slice %arg2[%dma_wait3A_811, %dma_wait3A_812] : memref<100001x64xbf16, #tpu.memory_space<hbm>> -> memref<100001x64xbf16, #tpu.memory_space<hbm>>
      tpu.wait_indirect_dma semaphore(%arg12 : memref<!tpu.dma_semaphore, #tpu.memory_space<semaphore_mem>>) src(%dma_wait3A_813 : memref<100001x64xbf16, #tpu.memory_space<hbm>>) dst(%dma_wait3A_807 : memref<128x64xbf16, #tpu.memory_space<vmem>>)
      %dma_wait3A_814 = arith.constant 1 : i32
      %dma_wait3A_815 = arith.constant 6 : i32
      %dma_wait3A_816 = arith.constant 1328 : i32
      %dma_wait3A_817 = arith.constant 0 : i32
      %dma_wait3A_818 = tpu.memref_slice %arg7[%dma_wait3A_816, %dma_wait3A_817] : memref<1600x64xbf16, #tpu.memory_space<vmem>> -> memref<72x64xbf16, #tpu.memory_space<vmem>>
      %dma_wait3A_819 = arith.constant 128 : i32
      %dma_wait3A_820 = tpu.memref_slice %arg5[%dma_wait3A_814, %dma_wait3A_815, %dma_wait3A_819] : memref<2x8x200xi32, #tpu.memory_space<vmem>> -> memref<1x1x72xi32, #tpu.memory_space<vmem>>
      %dma_wait3A_821 = tpu.memref_squeeze %dma_wait3A_820 : memref<1x1x72xi32, #tpu.memory_space<vmem>> -> memref<72xi32, #tpu.memory_space<vmem>>
      %dma_wait3A_822 = arith.constant 0 : i32
      %dma_wait3A_823 = arith.constant 0 : i32
      %dma_wait3A_824 = tpu.memref_slice %arg2[%dma_wait3A_822, %dma_wait3A_823] : memref<100001x64xbf16, #tpu.memory_space<hbm>> -> memref<100001x64xbf16, #tpu.memory_space<hbm>>
      tpu.wait_indirect_dma semaphore(%arg12 : memref<!tpu.dma_semaphore, #tpu.memory_space<semaphore_mem>>) src(%dma_wait3A_824 : memref<100001x64xbf16, #tpu.memory_space<hbm>>) dst(%dma_wait3A_818 : memref<72x64xbf16, #tpu.memory_space<vmem>>)
      %dma_wait3A_825 = arith.constant 1 : i32
      %dma_wait3A_826 = arith.constant 7 : i32
      %dma_wait3A_827 = arith.constant 1400 : i32
      %dma_wait3A_828 = arith.constant 0 : i32
      %dma_wait3A_829 = tpu.memref_slice %arg7[%dma_wait3A_827, %dma_wait3A_828] : memref<1600x64xbf16, #tpu.memory_space<vmem>> -> memref<128x64xbf16, #tpu.memory_space<vmem>>
      %dma_wait3A_830 = arith.constant 0 : i32
      %dma_wait3A_831 = tpu.memref_slice %arg5[%dma_wait3A_825, %dma_wait3A_826, %dma_wait3A_830] : memref<2x8x200xi32, #tpu.memory_space<vmem>> -> memref<1x1x128xi32, #tpu.memory_space<vmem>>
      %dma_wait3A_832 = tpu.memref_squeeze %dma_wait3A_831 : memref<1x1x128xi32, #tpu.memory_space<vmem>> -> memref<128xi32, #tpu.memory_space<vmem>>
      %dma_wait3A_833 = arith.constant 0 : i32
      %dma_wait3A_834 = arith.constant 0 : i32
      %dma_wait3A_835 = tpu.memref_slice %arg2[%dma_wait3A_833, %dma_wait3A_834] : memref<100001x64xbf16, #tpu.memory_space<hbm>> -> memref<100001x64xbf16, #tpu.memory_space<hbm>>
      tpu.wait_indirect_dma semaphore(%arg12 : memref<!tpu.dma_semaphore, #tpu.memory_space<semaphore_mem>>) src(%dma_wait3A_835 : memref<100001x64xbf16, #tpu.memory_space<hbm>>) dst(%dma_wait3A_829 : memref<128x64xbf16, #tpu.memory_space<vmem>>)
      %dma_wait3A_836 = arith.constant 1 : i32
      %dma_wait3A_837 = arith.constant 7 : i32
      %dma_wait3A_838 = arith.constant 1528 : i32
      %dma_wait3A_839 = arith.constant 0 : i32
      %dma_wait3A_840 = tpu.memref_slice %arg7[%dma_wait3A_838, %dma_wait3A_839] : memref<1600x64xbf16, #tpu.memory_space<vmem>> -> memref<72x64xbf16, #tpu.memory_space<vmem>>
      %dma_wait3A_841 = arith.constant 128 : i32
      %dma_wait3A_842 = tpu.memref_slice %arg5[%dma_wait3A_836, %dma_wait3A_837, %dma_wait3A_841] : memref<2x8x200xi32, #tpu.memory_space<vmem>> -> memref<1x1x72xi32, #tpu.memory_space<vmem>>
      %dma_wait3A_843 = tpu.memref_squeeze %dma_wait3A_842 : memref<1x1x72xi32, #tpu.memory_space<vmem>> -> memref<72xi32, #tpu.memory_space<vmem>>
      %dma_wait3A_844 = arith.constant 0 : i32
      %dma_wait3A_845 = arith.constant 0 : i32
      %dma_wait3A_846 = tpu.memref_slice %arg2[%dma_wait3A_844, %dma_wait3A_845] : memref<100001x64xbf16, #tpu.memory_space<hbm>> -> memref<100001x64xbf16, #tpu.memory_space<hbm>>
      tpu.wait_indirect_dma semaphore(%arg12 : memref<!tpu.dma_semaphore, #tpu.memory_space<semaphore_mem>>) src(%dma_wait3A_846 : memref<100001x64xbf16, #tpu.memory_space<hbm>>) dst(%dma_wait3A_840 : memref<72x64xbf16, #tpu.memory_space<vmem>>)
      %add3A_847 = arith.constant 2 : i32
      %add3A_848 = arith.addi %add3A_663, %add3A_847 : i32
      %lt3A_849 = arith.constant 64 : i32
      %lt3A_850 = arith.cmpi slt, %add3A_848, %lt3A_849 : i32
      %convert_element_type3A_851 = arith.extui %lt3A_850 : i1 to i32
      %cond3A_852 = arith.constant 0 : i32
      %cond3A_853 = arith.cmpi ne, %convert_element_type3A_851, %cond3A_852 : i32
      scf.if %cond3A_853 {
        %add3A_1075 = arith.constant 2 : i32
        %add3A_1076 = arith.addi %add3A_663, %add3A_1075 : i32
        %mul3A_1077 = arith.constant 8 : i32
        %mul3A_1078 = arith.muli %add3A_1076, %mul3A_1077 : i32
        %add3A_1079 = arith.addi %mul3A_2, %mul3A_1078 : i32
        %dma_start3A_1080 = arith.constant 1 : i32
        %dma_start3A_1081 = arith.constant 0 : i32
        %dma_start3A_1082 = arith.constant 0 : i32
        %dma_start3A_1083 = tpu.memref_slice %arg5[%dma_start3A_1080, %dma_start3A_1081, %dma_start3A_1082] : memref<2x8x200xi32, #tpu.memory_space<vmem>> -> memref<1x8x200xi32, #tpu.memory_space<vmem>>
        %dma_start3A_1084 = tpu.memref_squeeze %dma_start3A_1083 : memref<1x8x200xi32, #tpu.memory_space<vmem>> -> memref<8x200xi32, #tpu.memory_space<vmem>>
        %dma_start3A_1085 = arith.constant 0 : i32
        %dma_start3A_1086 = tpu.memref_slice %arg3[%add3A_1079, %dma_start3A_1085] : memref<16384x200xi32, #tpu.memory_space<hbm>> -> memref<8x200xi32, #tpu.memory_space<hbm>>
        %dma_start3A_1087 = arith.constant 0 : i32
        %dma_start3A_1088 = arith.constant 0 : i32
        %dma_start3A_1089 = tpu.memref_slice %arg5[%dma_start3A_1080, %dma_start3A_1087, %dma_start3A_1088] : memref<2x8x200xi32, #tpu.memory_space<vmem>> -> memref<1x8x200xi32, #tpu.memory_space<vmem>>
        %dma_start3A_1090 = tpu.memref_squeeze %dma_start3A_1089 : memref<1x8x200xi32, #tpu.memory_space<vmem>> -> memref<8x200xi32, #tpu.memory_space<vmem>>
        %dma_start3A_1091 = arith.constant 0 : i32
        %dma_start3A_1092 = tpu.memref_slice %arg3[%add3A_1079, %dma_start3A_1091] : memref<16384x200xi32, #tpu.memory_space<hbm>> -> memref<8x200xi32, #tpu.memory_space<hbm>>
        tpu.enqueue_dma source(%dma_start3A_1092 : memref<8x200xi32, #tpu.memory_space<hbm>>) target(%dma_start3A_1090 : memref<8x200xi32, #tpu.memory_space<vmem>>) target_semaphore(%arg10 : memref<!tpu.dma_semaphore, #tpu.memory_space<semaphore_mem>>)
      } else {
      }
      %broadcast_in_dim3A_854 = arith.constant 0.000000e+00 : f32
      %broadcast_in_dim3A_855 = vector.broadcast %broadcast_in_dim3A_854 : f32 to vector<16xf32>
      %scan3A_856 = arith.constant 0 : i32
      %scan3A_857 = arith.constant 200 : i32
      %scan3A_858 = arith.addi %scan3A_856, %scan3A_857 : i32
      %scan3A_859 = arith.constant 2 : i32
      %scan3A_860:32 = scf.for %scan3A_1075 = %scan3A_856 to %scan3A_858 step %scan3A_859 iter_args(%scan3A_1076 = %broadcast_in_dim3A_855, %scan3A_1077 = %broadcast_in_dim3A_855, %scan3A_1078 = %broadcast_in_dim3A_855, %scan3A_1079 = %broadcast_in_dim3A_855, %scan3A_1080 = %broadcast_in_dim3A_855, %scan3A_1081 = %broadcast_in_dim3A_855, %scan3A_1082 = %broadcast_in_dim3A_855, %scan3A_1083 = %broadcast_in_dim3A_855, %scan3A_1084 = %broadcast_in_dim3A_855, %scan3A_1085 = %broadcast_in_dim3A_855, %scan3A_1086 = %broadcast_in_dim3A_855, %scan3A_1087 = %broadcast_in_dim3A_855, %scan3A_1088 = %broadcast_in_dim3A_855, %scan3A_1089 = %broadcast_in_dim3A_855, %scan3A_1090 = %broadcast_in_dim3A_855, %scan3A_1091 = %broadcast_in_dim3A_855, %scan3A_1092 = %broadcast_in_dim3A_855, %scan3A_1093 = %broadcast_in_dim3A_855, %scan3A_1094 = %broadcast_in_dim3A_855, %scan3A_1095 = %broadcast_in_dim3A_855, %scan3A_1096 = %broadcast_in_dim3A_855, %scan3A_1097 = %broadcast_in_dim3A_855, %scan3A_1098 = %broadcast_in_dim3A_855, %scan3A_1099 = %broadcast_in_dim3A_855, %scan3A_1100 = %broadcast_in_dim3A_855, %scan3A_1101 = %broadcast_in_dim3A_855, %scan3A_1102 = %broadcast_in_dim3A_855, %scan3A_1103 = %broadcast_in_dim3A_855, %scan3A_1104 = %broadcast_in_dim3A_855, %scan3A_1105 = %broadcast_in_dim3A_855, %scan3A_1106 = %broadcast_in_dim3A_855, %scan3A_1107 = %broadcast_in_dim3A_855) -> (vector<16xf32>, vector<16xf32>, vector<16xf32>, vector<16xf32>, vector<16xf32>, vector<16xf32>, vector<16xf32>, vector<16xf32>, vector<16xf32>, vector<16xf32>, vector<16xf32>, vector<16xf32>, vector<16xf32>, vector<16xf32>, vector<16xf32>, vector<16xf32>, vector<16xf32>, vector<16xf32>, vector<16xf32>, vector<16xf32>, vector<16xf32>, vector<16xf32>, vector<16xf32>, vector<16xf32>, vector<16xf32>, vector<16xf32>, vector<16xf32>, vector<16xf32>, vector<16xf32>, vector<16xf32>, vector<16xf32>, vector<16xf32>)  : i32 {
        %mul3A_1108 = arith.constant 1 : i32
        %mul3A_1109 = arith.muli %scan3A_1075, %mul3A_1108 : i32
        %add3A_1110 = arith.constant 0 : i32
        %add3A_1111 = arith.addi %add3A_1110, %mul3A_1109 : i32
        %add3A_1112 = arith.constant 0 : i32
        %add3A_1113 = arith.addi %add3A_1112, %add3A_1111 : i32
        %get3A = arith.index_cast %add3A_1113 : i32 to index
        %get3A_1114 = arith.constant 0 : index
        %get3A_1115 = tpu.vector_load %arg7[%get3A, %get3A_1114] {strides = array<i32>} : memref<1600x64xbf16, #tpu.memory_space<vmem>>, vector<32xbf16>,
        %unpack3A = tpu.unpack_subelements %get3A_1115, 0 {pack_format = #tpu.pack_format<interleaved>} : vector<32xbf16> -> vector<16xf32>
        %unpack3A_1116 = tpu.unpack_subelements %get3A_1115, 1 {pack_format = #tpu.pack_format<interleaved>} : vector<32xbf16> -> vector<16xf32>
        %add3A_1117 = arith.addf %scan3A_1076, %unpack3A : vector<16xf32>
        %add3A_1118 = arith.addf %scan3A_1077, %unpack3A_1116 : vector<16xf32>
        %add3A_1119 = arith.constant 0 : i32
        %add3A_1120 = arith.addi %add3A_1119, %add3A_1111 : i32
        %get3A_1121 = arith.index_cast %add3A_1120 : i32 to index
        %get3A_1122 = arith.constant 32 : index
        %get3A_1123 = tpu.vector_load %arg7[%get3A_1121, %get3A_1122] {strides = array<i32>} : memref<1600x64xbf16, #tpu.memory_space<vmem>>, vector<32xbf16>,
        %unpack3A_1124 = tpu.unpack_subelements %get3A_1123, 0 {pack_format = #tpu.pack_format<interleaved>} : vector<32xbf16> -> vector<16xf32>
        %unpack3A_1125 = tpu.unpack_subelements %get3A_1123, 1 {pack_format = #tpu.pack_format<interleaved>} : vector<32xbf16> -> vector<16xf32>
        %add3A_1126 = arith.addf %scan3A_1078, %unpack3A_1124 : vector<16xf32>
        %add3A_1127 = arith.addf %scan3A_1079, %unpack3A_1125 : vector<16xf32>
        %add3A_1128 = arith.constant 200 : i32
        %add3A_1129 = arith.addi %add3A_1128, %add3A_1111 : i32
        %get3A_1130 = arith.index_cast %add3A_1129 : i32 to index
        %get3A_1131 = arith.constant 0 : index
        %get3A_1132 = tpu.vector_load %arg7[%get3A_1130, %get3A_1131] {strides = array<i32>} : memref<1600x64xbf16, #tpu.memory_space<vmem>>, vector<32xbf16>,
        %unpack3A_1133 = tpu.unpack_subelements %get3A_1132, 0 {pack_format = #tpu.pack_format<interleaved>} : vector<32xbf16> -> vector<16xf32>
        %unpack3A_1134 = tpu.unpack_subelements %get3A_1132, 1 {pack_format = #tpu.pack_format<interleaved>} : vector<32xbf16> -> vector<16xf32>
        %add3A_1135 = arith.addf %scan3A_1080, %unpack3A_1133 : vector<16xf32>
        %add3A_1136 = arith.addf %scan3A_1081, %unpack3A_1134 : vector<16xf32>
        %add3A_1137 = arith.constant 200 : i32
        %add3A_1138 = arith.addi %add3A_1137, %add3A_1111 : i32
        %get3A_1139 = arith.index_cast %add3A_1138 : i32 to index
        %get3A_1140 = arith.constant 32 : index
        %get3A_1141 = tpu.vector_load %arg7[%get3A_1139, %get3A_1140] {strides = array<i32>} : memref<1600x64xbf16, #tpu.memory_space<vmem>>, vector<32xbf16>,
        %unpack3A_1142 = tpu.unpack_subelements %get3A_1141, 0 {pack_format = #tpu.pack_format<interleaved>} : vector<32xbf16> -> vector<16xf32>
        %unpack3A_1143 = tpu.unpack_subelements %get3A_1141, 1 {pack_format = #tpu.pack_format<interleaved>} : vector<32xbf16> -> vector<16xf32>
        %add3A_1144 = arith.addf %scan3A_1082, %unpack3A_1142 : vector<16xf32>
        %add3A_1145 = arith.addf %scan3A_1083, %unpack3A_1143 : vector<16xf32>
        %add3A_1146 = arith.constant 400 : i32
        %add3A_1147 = arith.addi %add3A_1146, %add3A_1111 : i32
        %get3A_1148 = arith.index_cast %add3A_1147 : i32 to index
        %get3A_1149 = arith.constant 0 : index
        %get3A_1150 = tpu.vector_load %arg7[%get3A_1148, %get3A_1149] {strides = array<i32>} : memref<1600x64xbf16, #tpu.memory_space<vmem>>, vector<32xbf16>,
        %unpack3A_1151 = tpu.unpack_subelements %get3A_1150, 0 {pack_format = #tpu.pack_format<interleaved>} : vector<32xbf16> -> vector<16xf32>
        %unpack3A_1152 = tpu.unpack_subelements %get3A_1150, 1 {pack_format = #tpu.pack_format<interleaved>} : vector<32xbf16> -> vector<16xf32>
        %add3A_1153 = arith.addf %scan3A_1084, %unpack3A_1151 : vector<16xf32>
        %add3A_1154 = arith.addf %scan3A_1085, %unpack3A_1152 : vector<16xf32>
        %add3A_1155 = arith.constant 400 : i32
        %add3A_1156 = arith.addi %add3A_1155, %add3A_1111 : i32
        %get3A_1157 = arith.index_cast %add3A_1156 : i32 to index
        %get3A_1158 = arith.constant 32 : index
        %get3A_1159 = tpu.vector_load %arg7[%get3A_1157, %get3A_1158] {strides = array<i32>} : memref<1600x64xbf16, #tpu.memory_space<vmem>>, vector<32xbf16>,
        %unpack3A_1160 = tpu.unpack_subelements %get3A_1159, 0 {pack_format = #tpu.pack_format<interleaved>} : vector<32xbf16> -> vector<16xf32>
        %unpack3A_1161 = tpu.unpack_subelements %get3A_1159, 1 {pack_format = #tpu.pack_format<interleaved>} : vector<32xbf16> -> vector<16xf32>
        %add3A_1162 = arith.addf %scan3A_1086, %unpack3A_1160 : vector<16xf32>
        %add3A_1163 = arith.addf %scan3A_1087, %unpack3A_1161 : vector<16xf32>
        %add3A_1164 = arith.constant 600 : i32
        %add3A_1165 = arith.addi %add3A_1164, %add3A_1111 : i32
        %get3A_1166 = arith.index_cast %add3A_1165 : i32 to index
        %get3A_1167 = arith.constant 0 : index
        %get3A_1168 = tpu.vector_load %arg7[%get3A_1166, %get3A_1167] {strides = array<i32>} : memref<1600x64xbf16, #tpu.memory_space<vmem>>, vector<32xbf16>,
        %unpack3A_1169 = tpu.unpack_subelements %get3A_1168, 0 {pack_format = #tpu.pack_format<interleaved>} : vector<32xbf16> -> vector<16xf32>
        %unpack3A_1170 = tpu.unpack_subelements %get3A_1168, 1 {pack_format = #tpu.pack_format<interleaved>} : vector<32xbf16> -> vector<16xf32>
        %add3A_1171 = arith.addf %scan3A_1088, %unpack3A_1169 : vector<16xf32>
        %add3A_1172 = arith.addf %scan3A_1089, %unpack3A_1170 : vector<16xf32>
        %add3A_1173 = arith.constant 600 : i32
        %add3A_1174 = arith.addi %add3A_1173, %add3A_1111 : i32
        %get3A_1175 = arith.index_cast %add3A_1174 : i32 to index
        %get3A_1176 = arith.constant 32 : index
        %get3A_1177 = tpu.vector_load %arg7[%get3A_1175, %get3A_1176] {strides = array<i32>} : memref<1600x64xbf16, #tpu.memory_space<vmem>>, vector<32xbf16>,
        %unpack3A_1178 = tpu.unpack_subelements %get3A_1177, 0 {pack_format = #tpu.pack_format<interleaved>} : vector<32xbf16> -> vector<16xf32>
        %unpack3A_1179 = tpu.unpack_subelements %get3A_1177, 1 {pack_format = #tpu.pack_format<interleaved>} : vector<32xbf16> -> vector<16xf32>
        %add3A_1180 = arith.addf %scan3A_1090, %unpack3A_1178 : vector<16xf32>
        %add3A_1181 = arith.addf %scan3A_1091, %unpack3A_1179 : vector<16xf32>
        %add3A_1182 = arith.constant 800 : i32
        %add3A_1183 = arith.addi %add3A_1182, %add3A_1111 : i32
        %get3A_1184 = arith.index_cast %add3A_1183 : i32 to index
        %get3A_1185 = arith.constant 0 : index
        %get3A_1186 = tpu.vector_load %arg7[%get3A_1184, %get3A_1185] {strides = array<i32>} : memref<1600x64xbf16, #tpu.memory_space<vmem>>, vector<32xbf16>,
        %unpack3A_1187 = tpu.unpack_subelements %get3A_1186, 0 {pack_format = #tpu.pack_format<interleaved>} : vector<32xbf16> -> vector<16xf32>
        %unpack3A_1188 = tpu.unpack_subelements %get3A_1186, 1 {pack_format = #tpu.pack_format<interleaved>} : vector<32xbf16> -> vector<16xf32>
        %add3A_1189 = arith.addf %scan3A_1092, %unpack3A_1187 : vector<16xf32>
        %add3A_1190 = arith.addf %scan3A_1093, %unpack3A_1188 : vector<16xf32>
        %add3A_1191 = arith.constant 800 : i32
        %add3A_1192 = arith.addi %add3A_1191, %add3A_1111 : i32
        %get3A_1193 = arith.index_cast %add3A_1192 : i32 to index
        %get3A_1194 = arith.constant 32 : index
        %get3A_1195 = tpu.vector_load %arg7[%get3A_1193, %get3A_1194] {strides = array<i32>} : memref<1600x64xbf16, #tpu.memory_space<vmem>>, vector<32xbf16>,
        %unpack3A_1196 = tpu.unpack_subelements %get3A_1195, 0 {pack_format = #tpu.pack_format<interleaved>} : vector<32xbf16> -> vector<16xf32>
        %unpack3A_1197 = tpu.unpack_subelements %get3A_1195, 1 {pack_format = #tpu.pack_format<interleaved>} : vector<32xbf16> -> vector<16xf32>
        %add3A_1198 = arith.addf %scan3A_1094, %unpack3A_1196 : vector<16xf32>
        %add3A_1199 = arith.addf %scan3A_1095, %unpack3A_1197 : vector<16xf32>
        %add3A_1200 = arith.constant 1000 : i32
        %add3A_1201 = arith.addi %add3A_1200, %add3A_1111 : i32
        %get3A_1202 = arith.index_cast %add3A_1201 : i32 to index
        %get3A_1203 = arith.constant 0 : index
        %get3A_1204 = tpu.vector_load %arg7[%get3A_1202, %get3A_1203] {strides = array<i32>} : memref<1600x64xbf16, #tpu.memory_space<vmem>>, vector<32xbf16>,
        %unpack3A_1205 = tpu.unpack_subelements %get3A_1204, 0 {pack_format = #tpu.pack_format<interleaved>} : vector<32xbf16> -> vector<16xf32>
        %unpack3A_1206 = tpu.unpack_subelements %get3A_1204, 1 {pack_format = #tpu.pack_format<interleaved>} : vector<32xbf16> -> vector<16xf32>
        %add3A_1207 = arith.addf %scan3A_1096, %unpack3A_1205 : vector<16xf32>
        %add3A_1208 = arith.addf %scan3A_1097, %unpack3A_1206 : vector<16xf32>
        %add3A_1209 = arith.constant 1000 : i32
        %add3A_1210 = arith.addi %add3A_1209, %add3A_1111 : i32
        %get3A_1211 = arith.index_cast %add3A_1210 : i32 to index
        %get3A_1212 = arith.constant 32 : index
        %get3A_1213 = tpu.vector_load %arg7[%get3A_1211, %get3A_1212] {strides = array<i32>} : memref<1600x64xbf16, #tpu.memory_space<vmem>>, vector<32xbf16>,
        %unpack3A_1214 = tpu.unpack_subelements %get3A_1213, 0 {pack_format = #tpu.pack_format<interleaved>} : vector<32xbf16> -> vector<16xf32>
        %unpack3A_1215 = tpu.unpack_subelements %get3A_1213, 1 {pack_format = #tpu.pack_format<interleaved>} : vector<32xbf16> -> vector<16xf32>
        %add3A_1216 = arith.addf %scan3A_1098, %unpack3A_1214 : vector<16xf32>
        %add3A_1217 = arith.addf %scan3A_1099, %unpack3A_1215 : vector<16xf32>
        %add3A_1218 = arith.constant 1200 : i32
        %add3A_1219 = arith.addi %add3A_1218, %add3A_1111 : i32
        %get3A_1220 = arith.index_cast %add3A_1219 : i32 to index
        %get3A_1221 = arith.constant 0 : index
        %get3A_1222 = tpu.vector_load %arg7[%get3A_1220, %get3A_1221] {strides = array<i32>} : memref<1600x64xbf16, #tpu.memory_space<vmem>>, vector<32xbf16>,
        %unpack3A_1223 = tpu.unpack_subelements %get3A_1222, 0 {pack_format = #tpu.pack_format<interleaved>} : vector<32xbf16> -> vector<16xf32>
        %unpack3A_1224 = tpu.unpack_subelements %get3A_1222, 1 {pack_format = #tpu.pack_format<interleaved>} : vector<32xbf16> -> vector<16xf32>
        %add3A_1225 = arith.addf %scan3A_1100, %unpack3A_1223 : vector<16xf32>
        %add3A_1226 = arith.addf %scan3A_1101, %unpack3A_1224 : vector<16xf32>
        %add3A_1227 = arith.constant 1200 : i32
        %add3A_1228 = arith.addi %add3A_1227, %add3A_1111 : i32
        %get3A_1229 = arith.index_cast %add3A_1228 : i32 to index
        %get3A_1230 = arith.constant 32 : index
        %get3A_1231 = tpu.vector_load %arg7[%get3A_1229, %get3A_1230] {strides = array<i32>} : memref<1600x64xbf16, #tpu.memory_space<vmem>>, vector<32xbf16>,
        %unpack3A_1232 = tpu.unpack_subelements %get3A_1231, 0 {pack_format = #tpu.pack_format<interleaved>} : vector<32xbf16> -> vector<16xf32>
        %unpack3A_1233 = tpu.unpack_subelements %get3A_1231, 1 {pack_format = #tpu.pack_format<interleaved>} : vector<32xbf16> -> vector<16xf32>
        %add3A_1234 = arith.addf %scan3A_1102, %unpack3A_1232 : vector<16xf32>
        %add3A_1235 = arith.addf %scan3A_1103, %unpack3A_1233 : vector<16xf32>
        %add3A_1236 = arith.constant 1400 : i32
        %add3A_1237 = arith.addi %add3A_1236, %add3A_1111 : i32
        %get3A_1238 = arith.index_cast %add3A_1237 : i32 to index
        %get3A_1239 = arith.constant 0 : index
        %get3A_1240 = tpu.vector_load %arg7[%get3A_1238, %get3A_1239] {strides = array<i32>} : memref<1600x64xbf16, #tpu.memory_space<vmem>>, vector<32xbf16>,
        %unpack3A_1241 = tpu.unpack_subelements %get3A_1240, 0 {pack_format = #tpu.pack_format<interleaved>} : vector<32xbf16> -> vector<16xf32>
        %unpack3A_1242 = tpu.unpack_subelements %get3A_1240, 1 {pack_format = #tpu.pack_format<interleaved>} : vector<32xbf16> -> vector<16xf32>
        %add3A_1243 = arith.addf %scan3A_1104, %unpack3A_1241 : vector<16xf32>
        %add3A_1244 = arith.addf %scan3A_1105, %unpack3A_1242 : vector<16xf32>
        %add3A_1245 = arith.constant 1400 : i32
        %add3A_1246 = arith.addi %add3A_1245, %add3A_1111 : i32
        %get3A_1247 = arith.index_cast %add3A_1246 : i32 to index
        %get3A_1248 = arith.constant 32 : index
        %get3A_1249 = tpu.vector_load %arg7[%get3A_1247, %get3A_1248] {strides = array<i32>} : memref<1600x64xbf16, #tpu.memory_space<vmem>>, vector<32xbf16>,
        %unpack3A_1250 = tpu.unpack_subelements %get3A_1249, 0 {pack_format = #tpu.pack_format<interleaved>} : vector<32xbf16> -> vector<16xf32>
        %unpack3A_1251 = tpu.unpack_subelements %get3A_1249, 1 {pack_format = #tpu.pack_format<interleaved>} : vector<32xbf16> -> vector<16xf32>
        %add3A_1252 = arith.addf %scan3A_1106, %unpack3A_1250 : vector<16xf32>
        %add3A_1253 = arith.addf %scan3A_1107, %unpack3A_1251 : vector<16xf32>
        %scan3A_1254 = arith.constant 1 : i32
        %scan3A_1255 = arith.addi %scan3A_1075, %scan3A_1254 : i32
        %mul3A_1256 = arith.constant 1 : i32
        %mul3A_1257 = arith.muli %scan3A_1255, %mul3A_1256 : i32
        %add3A_1258 = arith.constant 0 : i32
        %add3A_1259 = arith.addi %add3A_1258, %mul3A_1257 : i32
        %add3A_1260 = arith.constant 0 : i32
        %add3A_1261 = arith.addi %add3A_1260, %add3A_1259 : i32
        %get3A_1262 = arith.index_cast %add3A_1261 : i32 to index
        %get3A_1263 = arith.constant 0 : index
        %get3A_1264 = tpu.vector_load %arg7[%get3A_1262, %get3A_1263] {strides = array<i32>} : memref<1600x64xbf16, #tpu.memory_space<vmem>>, vector<32xbf16>,
        %unpack3A_1265 = tpu.unpack_subelements %get3A_1264, 0 {pack_format = #tpu.pack_format<interleaved>} : vector<32xbf16> -> vector<16xf32>
        %unpack3A_1266 = tpu.unpack_subelements %get3A_1264, 1 {pack_format = #tpu.pack_format<interleaved>} : vector<32xbf16> -> vector<16xf32>
        %add3A_1267 = arith.addf %add3A_1117, %unpack3A_1265 : vector<16xf32>
        %add3A_1268 = arith.addf %add3A_1118, %unpack3A_1266 : vector<16xf32>
        %add3A_1269 = arith.constant 0 : i32
        %add3A_1270 = arith.addi %add3A_1269, %add3A_1259 : i32
        %get3A_1271 = arith.index_cast %add3A_1270 : i32 to index
        %get3A_1272 = arith.constant 32 : index
        %get3A_1273 = tpu.vector_load %arg7[%get3A_1271, %get3A_1272] {strides = array<i32>} : memref<1600x64xbf16, #tpu.memory_space<vmem>>, vector<32xbf16>,
        %unpack3A_1274 = tpu.unpack_subelements %get3A_1273, 0 {pack_format = #tpu.pack_format<interleaved>} : vector<32xbf16> -> vector<16xf32>
        %unpack3A_1275 = tpu.unpack_subelements %get3A_1273, 1 {pack_format = #tpu.pack_format<interleaved>} : vector<32xbf16> -> vector<16xf32>
        %add3A_1276 = arith.addf %add3A_1126, %unpack3A_1274 : vector<16xf32>
        %add3A_1277 = arith.addf %add3A_1127, %unpack3A_1275 : vector<16xf32>
        %add3A_1278 = arith.constant 200 : i32
        %add3A_1279 = arith.addi %add3A_1278, %add3A_1259 : i32
        %get3A_1280 = arith.index_cast %add3A_1279 : i32 to index
        %get3A_1281 = arith.constant 0 : index
        %get3A_1282 = tpu.vector_load %arg7[%get3A_1280, %get3A_1281] {strides = array<i32>} : memref<1600x64xbf16, #tpu.memory_space<vmem>>, vector<32xbf16>,
        %unpack3A_1283 = tpu.unpack_subelements %get3A_1282, 0 {pack_format = #tpu.pack_format<interleaved>} : vector<32xbf16> -> vector<16xf32>
        %unpack3A_1284 = tpu.unpack_subelements %get3A_1282, 1 {pack_format = #tpu.pack_format<interleaved>} : vector<32xbf16> -> vector<16xf32>
        %add3A_1285 = arith.addf %add3A_1135, %unpack3A_1283 : vector<16xf32>
        %add3A_1286 = arith.addf %add3A_1136, %unpack3A_1284 : vector<16xf32>
        %add3A_1287 = arith.constant 200 : i32
        %add3A_1288 = arith.addi %add3A_1287, %add3A_1259 : i32
        %get3A_1289 = arith.index_cast %add3A_1288 : i32 to index
        %get3A_1290 = arith.constant 32 : index
        %get3A_1291 = tpu.vector_load %arg7[%get3A_1289, %get3A_1290] {strides = array<i32>} : memref<1600x64xbf16, #tpu.memory_space<vmem>>, vector<32xbf16>,
        %unpack3A_1292 = tpu.unpack_subelements %get3A_1291, 0 {pack_format = #tpu.pack_format<interleaved>} : vector<32xbf16> -> vector<16xf32>
        %unpack3A_1293 = tpu.unpack_subelements %get3A_1291, 1 {pack_format = #tpu.pack_format<interleaved>} : vector<32xbf16> -> vector<16xf32>
        %add3A_1294 = arith.addf %add3A_1144, %unpack3A_1292 : vector<16xf32>
        %add3A_1295 = arith.addf %add3A_1145, %unpack3A_1293 : vector<16xf32>
        %add3A_1296 = arith.constant 400 : i32
        %add3A_1297 = arith.addi %add3A_1296, %add3A_1259 : i32
        %get3A_1298 = arith.index_cast %add3A_1297 : i32 to index
        %get3A_1299 = arith.constant 0 : index
        %get3A_1300 = tpu.vector_load %arg7[%get3A_1298, %get3A_1299] {strides = array<i32>} : memref<1600x64xbf16, #tpu.memory_space<vmem>>, vector<32xbf16>,
        %unpack3A_1301 = tpu.unpack_subelements %get3A_1300, 0 {pack_format = #tpu.pack_format<interleaved>} : vector<32xbf16> -> vector<16xf32>
        %unpack3A_1302 = tpu.unpack_subelements %get3A_1300, 1 {pack_format = #tpu.pack_format<interleaved>} : vector<32xbf16> -> vector<16xf32>
        %add3A_1303 = arith.addf %add3A_1153, %unpack3A_1301 : vector<16xf32>
        %add3A_1304 = arith.addf %add3A_1154, %unpack3A_1302 : vector<16xf32>
        %add3A_1305 = arith.constant 400 : i32
        %add3A_1306 = arith.addi %add3A_1305, %add3A_1259 : i32
        %get3A_1307 = arith.index_cast %add3A_1306 : i32 to index
        %get3A_1308 = arith.constant 32 : index
        %get3A_1309 = tpu.vector_load %arg7[%get3A_1307, %get3A_1308] {strides = array<i32>} : memref<1600x64xbf16, #tpu.memory_space<vmem>>, vector<32xbf16>,
        %unpack3A_1310 = tpu.unpack_subelements %get3A_1309, 0 {pack_format = #tpu.pack_format<interleaved>} : vector<32xbf16> -> vector<16xf32>
        %unpack3A_1311 = tpu.unpack_subelements %get3A_1309, 1 {pack_format = #tpu.pack_format<interleaved>} : vector<32xbf16> -> vector<16xf32>
        %add3A_1312 = arith.addf %add3A_1162, %unpack3A_1310 : vector<16xf32>
        %add3A_1313 = arith.addf %add3A_1163, %unpack3A_1311 : vector<16xf32>
        %add3A_1314 = arith.constant 600 : i32
        %add3A_1315 = arith.addi %add3A_1314, %add3A_1259 : i32
        %get3A_1316 = arith.index_cast %add3A_1315 : i32 to index
        %get3A_1317 = arith.constant 0 : index
        %get3A_1318 = tpu.vector_load %arg7[%get3A_1316, %get3A_1317] {strides = array<i32>} : memref<1600x64xbf16, #tpu.memory_space<vmem>>, vector<32xbf16>,
        %unpack3A_1319 = tpu.unpack_subelements %get3A_1318, 0 {pack_format = #tpu.pack_format<interleaved>} : vector<32xbf16> -> vector<16xf32>
        %unpack3A_1320 = tpu.unpack_subelements %get3A_1318, 1 {pack_format = #tpu.pack_format<interleaved>} : vector<32xbf16> -> vector<16xf32>
        %add3A_1321 = arith.addf %add3A_1171, %unpack3A_1319 : vector<16xf32>
        %add3A_1322 = arith.addf %add3A_1172, %unpack3A_1320 : vector<16xf32>
        %add3A_1323 = arith.constant 600 : i32
        %add3A_1324 = arith.addi %add3A_1323, %add3A_1259 : i32
        %get3A_1325 = arith.index_cast %add3A_1324 : i32 to index
        %get3A_1326 = arith.constant 32 : index
        %get3A_1327 = tpu.vector_load %arg7[%get3A_1325, %get3A_1326] {strides = array<i32>} : memref<1600x64xbf16, #tpu.memory_space<vmem>>, vector<32xbf16>,
        %unpack3A_1328 = tpu.unpack_subelements %get3A_1327, 0 {pack_format = #tpu.pack_format<interleaved>} : vector<32xbf16> -> vector<16xf32>
        %unpack3A_1329 = tpu.unpack_subelements %get3A_1327, 1 {pack_format = #tpu.pack_format<interleaved>} : vector<32xbf16> -> vector<16xf32>
        %add3A_1330 = arith.addf %add3A_1180, %unpack3A_1328 : vector<16xf32>
        %add3A_1331 = arith.addf %add3A_1181, %unpack3A_1329 : vector<16xf32>
        %add3A_1332 = arith.constant 800 : i32
        %add3A_1333 = arith.addi %add3A_1332, %add3A_1259 : i32
        %get3A_1334 = arith.index_cast %add3A_1333 : i32 to index
        %get3A_1335 = arith.constant 0 : index
        %get3A_1336 = tpu.vector_load %arg7[%get3A_1334, %get3A_1335] {strides = array<i32>} : memref<1600x64xbf16, #tpu.memory_space<vmem>>, vector<32xbf16>,
        %unpack3A_1337 = tpu.unpack_subelements %get3A_1336, 0 {pack_format = #tpu.pack_format<interleaved>} : vector<32xbf16> -> vector<16xf32>
        %unpack3A_1338 = tpu.unpack_subelements %get3A_1336, 1 {pack_format = #tpu.pack_format<interleaved>} : vector<32xbf16> -> vector<16xf32>
        %add3A_1339 = arith.addf %add3A_1189, %unpack3A_1337 : vector<16xf32>
        %add3A_1340 = arith.addf %add3A_1190, %unpack3A_1338 : vector<16xf32>
        %add3A_1341 = arith.constant 800 : i32
        %add3A_1342 = arith.addi %add3A_1341, %add3A_1259 : i32
        %get3A_1343 = arith.index_cast %add3A_1342 : i32 to index
        %get3A_1344 = arith.constant 32 : index
        %get3A_1345 = tpu.vector_load %arg7[%get3A_1343, %get3A_1344] {strides = array<i32>} : memref<1600x64xbf16, #tpu.memory_space<vmem>>, vector<32xbf16>,
        %unpack3A_1346 = tpu.unpack_subelements %get3A_1345, 0 {pack_format = #tpu.pack_format<interleaved>} : vector<32xbf16> -> vector<16xf32>
        %unpack3A_1347 = tpu.unpack_subelements %get3A_1345, 1 {pack_format = #tpu.pack_format<interleaved>} : vector<32xbf16> -> vector<16xf32>
        %add3A_1348 = arith.addf %add3A_1198, %unpack3A_1346 : vector<16xf32>
        %add3A_1349 = arith.addf %add3A_1199, %unpack3A_1347 : vector<16xf32>
        %add3A_1350 = arith.constant 1000 : i32
        %add3A_1351 = arith.addi %add3A_1350, %add3A_1259 : i32
        %get3A_1352 = arith.index_cast %add3A_1351 : i32 to index
        %get3A_1353 = arith.constant 0 : index
        %get3A_1354 = tpu.vector_load %arg7[%get3A_1352, %get3A_1353] {strides = array<i32>} : memref<1600x64xbf16, #tpu.memory_space<vmem>>, vector<32xbf16>,
        %unpack3A_1355 = tpu.unpack_subelements %get3A_1354, 0 {pack_format = #tpu.pack_format<interleaved>} : vector<32xbf16> -> vector<16xf32>
        %unpack3A_1356 = tpu.unpack_subelements %get3A_1354, 1 {pack_format = #tpu.pack_format<interleaved>} : vector<32xbf16> -> vector<16xf32>
        %add3A_1357 = arith.addf %add3A_1207, %unpack3A_1355 : vector<16xf32>
        %add3A_1358 = arith.addf %add3A_1208, %unpack3A_1356 : vector<16xf32>
        %add3A_1359 = arith.constant 1000 : i32
        %add3A_1360 = arith.addi %add3A_1359, %add3A_1259 : i32
        %get3A_1361 = arith.index_cast %add3A_1360 : i32 to index
        %get3A_1362 = arith.constant 32 : index
        %get3A_1363 = tpu.vector_load %arg7[%get3A_1361, %get3A_1362] {strides = array<i32>} : memref<1600x64xbf16, #tpu.memory_space<vmem>>, vector<32xbf16>,
        %unpack3A_1364 = tpu.unpack_subelements %get3A_1363, 0 {pack_format = #tpu.pack_format<interleaved>} : vector<32xbf16> -> vector<16xf32>
        %unpack3A_1365 = tpu.unpack_subelements %get3A_1363, 1 {pack_format = #tpu.pack_format<interleaved>} : vector<32xbf16> -> vector<16xf32>
        %add3A_1366 = arith.addf %add3A_1216, %unpack3A_1364 : vector<16xf32>
        %add3A_1367 = arith.addf %add3A_1217, %unpack3A_1365 : vector<16xf32>
        %add3A_1368 = arith.constant 1200 : i32
        %add3A_1369 = arith.addi %add3A_1368, %add3A_1259 : i32
        %get3A_1370 = arith.index_cast %add3A_1369 : i32 to index
        %get3A_1371 = arith.constant 0 : index
        %get3A_1372 = tpu.vector_load %arg7[%get3A_1370, %get3A_1371] {strides = array<i32>} : memref<1600x64xbf16, #tpu.memory_space<vmem>>, vector<32xbf16>,
        %unpack3A_1373 = tpu.unpack_subelements %get3A_1372, 0 {pack_format = #tpu.pack_format<interleaved>} : vector<32xbf16> -> vector<16xf32>
        %unpack3A_1374 = tpu.unpack_subelements %get3A_1372, 1 {pack_format = #tpu.pack_format<interleaved>} : vector<32xbf16> -> vector<16xf32>
        %add3A_1375 = arith.addf %add3A_1225, %unpack3A_1373 : vector<16xf32>
        %add3A_1376 = arith.addf %add3A_1226, %unpack3A_1374 : vector<16xf32>
        %add3A_1377 = arith.constant 1200 : i32
        %add3A_1378 = arith.addi %add3A_1377, %add3A_1259 : i32
        %get3A_1379 = arith.index_cast %add3A_1378 : i32 to index
        %get3A_1380 = arith.constant 32 : index
        %get3A_1381 = tpu.vector_load %arg7[%get3A_1379, %get3A_1380] {strides = array<i32>} : memref<1600x64xbf16, #tpu.memory_space<vmem>>, vector<32xbf16>,
        %unpack3A_1382 = tpu.unpack_subelements %get3A_1381, 0 {pack_format = #tpu.pack_format<interleaved>} : vector<32xbf16> -> vector<16xf32>
        %unpack3A_1383 = tpu.unpack_subelements %get3A_1381, 1 {pack_format = #tpu.pack_format<interleaved>} : vector<32xbf16> -> vector<16xf32>
        %add3A_1384 = arith.addf %add3A_1234, %unpack3A_1382 : vector<16xf32>
        %add3A_1385 = arith.addf %add3A_1235, %unpack3A_1383 : vector<16xf32>
        %add3A_1386 = arith.constant 1400 : i32
        %add3A_1387 = arith.addi %add3A_1386, %add3A_1259 : i32
        %get3A_1388 = arith.index_cast %add3A_1387 : i32 to index
        %get3A_1389 = arith.constant 0 : index
        %get3A_1390 = tpu.vector_load %arg7[%get3A_1388, %get3A_1389] {strides = array<i32>} : memref<1600x64xbf16, #tpu.memory_space<vmem>>, vector<32xbf16>,
        %unpack3A_1391 = tpu.unpack_subelements %get3A_1390, 0 {pack_format = #tpu.pack_format<interleaved>} : vector<32xbf16> -> vector<16xf32>
        %unpack3A_1392 = tpu.unpack_subelements %get3A_1390, 1 {pack_format = #tpu.pack_format<interleaved>} : vector<32xbf16> -> vector<16xf32>
        %add3A_1393 = arith.addf %add3A_1243, %unpack3A_1391 : vector<16xf32>
        %add3A_1394 = arith.addf %add3A_1244, %unpack3A_1392 : vector<16xf32>
        %add3A_1395 = arith.constant 1400 : i32
        %add3A_1396 = arith.addi %add3A_1395, %add3A_1259 : i32
        %get3A_1397 = arith.index_cast %add3A_1396 : i32 to index
        %get3A_1398 = arith.constant 32 : index
        %get3A_1399 = tpu.vector_load %arg7[%get3A_1397, %get3A_1398] {strides = array<i32>} : memref<1600x64xbf16, #tpu.memory_space<vmem>>, vector<32xbf16>,
        %unpack3A_1400 = tpu.unpack_subelements %get3A_1399, 0 {pack_format = #tpu.pack_format<interleaved>} : vector<32xbf16> -> vector<16xf32>
        %unpack3A_1401 = tpu.unpack_subelements %get3A_1399, 1 {pack_format = #tpu.pack_format<interleaved>} : vector<32xbf16> -> vector<16xf32>
        %add3A_1402 = arith.addf %add3A_1252, %unpack3A_1400 : vector<16xf32>
        %add3A_1403 = arith.addf %add3A_1253, %unpack3A_1401 : vector<16xf32>
        scf.yield %add3A_1267, %add3A_1268, %add3A_1276, %add3A_1277, %add3A_1285, %add3A_1286, %add3A_1294, %add3A_1295, %add3A_1303, %add3A_1304, %add3A_1312, %add3A_1313, %add3A_1321, %add3A_1322, %add3A_1330, %add3A_1331, %add3A_1339, %add3A_1340, %add3A_1348, %add3A_1349, %add3A_1357, %add3A_1358, %add3A_1366, %add3A_1367, %add3A_1375, %add3A_1376, %add3A_1384, %add3A_1385, %add3A_1393, %add3A_1394, %add3A_1402, %add3A_1403 : vector<16xf32>, vector<16xf32>, vector<16xf32>, vector<16xf32>, vector<16xf32>, vector<16xf32>, vector<16xf32>, vector<16xf32>, vector<16xf32>, vector<16xf32>, vector<16xf32>, vector<16xf32>, vector<16xf32>, vector<16xf32>, vector<16xf32>, vector<16xf32>, vector<16xf32>, vector<16xf32>, vector<16xf32>, vector<16xf32>, vector<16xf32>, vector<16xf32>, vector<16xf32>, vector<16xf32>, vector<16xf32>, vector<16xf32>, vector<16xf32>, vector<16xf32>, vector<16xf32>, vector<16xf32>, vector<16xf32>, vector<16xf32>
      }
      %scan3A_861 = arith.constant 200 : i32
      %ge3A_862 = arith.constant 2 : i32
      %ge3A_863 = arith.cmpi sge, %add3A_663, %ge3A_862 : i32
      %convert_element_type3A_864 = arith.extui %ge3A_863 : i1 to i32
      %cond3A_865 = arith.constant 0 : i32
      %cond3A_866 = arith.cmpi ne, %convert_element_type3A_864, %cond3A_865 : i32
      scf.if %cond3A_866 {
        %dma_wait3A_1075 = arith.constant 1 : i32
        %dma_wait3A_1076 = arith.constant 0 : i32
        %dma_wait3A_1077 = arith.constant 0 : i32
        %dma_wait3A_1078 = tpu.memref_slice %arg8[%dma_wait3A_1075, %dma_wait3A_1076, %dma_wait3A_1077] : memref<2x8x64xf32, #tpu.memory_space<vmem>> -> memref<1x8x64xf32, #tpu.memory_space<vmem>>
        %dma_wait3A_1079 = tpu.memref_squeeze %dma_wait3A_1078 : memref<1x8x64xf32, #tpu.memory_space<vmem>> -> memref<8x64xf32, #tpu.memory_space<vmem>>
        %dma_wait3A_1080 = arith.constant 0 : i32
        %dma_wait3A_1081 = tpu.memref_slice %arg4[%mul3A_2, %dma_wait3A_1080] : memref<16384x64xf32, #tpu.memory_space<hbm>> -> memref<8x64xf32, #tpu.memory_space<hbm>>
        %dma_wait3A_1082 = arith.constant 0 : i32
        %dma_wait3A_1083 = tpu.memref_slice %arg4[%mul3A_2, %dma_wait3A_1082] : memref<16384x64xf32, #tpu.memory_space<hbm>> -> memref<8x64xf32, #tpu.memory_space<hbm>>
        %dma_wait3A_1084 = arith.constant 0 : i32
        %dma_wait3A_1085 = arith.constant 0 : i32
        %dma_wait3A_1086 = tpu.memref_slice %arg8[%dma_wait3A_1075, %dma_wait3A_1084, %dma_wait3A_1085] : memref<2x8x64xf32, #tpu.memory_space<vmem>> -> memref<1x8x64xf32, #tpu.memory_space<vmem>>
        %dma_wait3A_1087 = tpu.memref_squeeze %dma_wait3A_1086 : memref<1x8x64xf32, #tpu.memory_space<vmem>> -> memref<8x64xf32, #tpu.memory_space<vmem>>
        tpu.wait_dma2 semaphore(%arg14 : memref<!tpu.dma_semaphore, #tpu.memory_space<semaphore_mem>>) src(%dma_wait3A_1087 : memref<8x64xf32, #tpu.memory_space<vmem>>) dst(%dma_wait3A_1083 : memref<8x64xf32, #tpu.memory_space<hbm>>)
      } else {
      }
      %swap3A_867 = arith.constant 1 : i32
      %swap3A_868 = arith.constant 0 : i32
      %swap3A_869 = arith.index_cast %swap3A_867 : i32 to index
      %swap3A_870 = arith.index_cast %swap3A_868 : i32 to index
      %swap3A_871 = arith.constant 0 : index
      %swap3A_872 = tpu.vector_load %arg8[%swap3A_869, %swap3A_870, %swap3A_871] {strides = array<i32>} : memref<2x8x64xf32, #tpu.memory_space<vmem>>, vector<16xf32>,
      tpu.vector_store %arg8[%swap3A_869, %swap3A_870, %swap3A_871], %scan3A_860#0 {strides = array<i32>} : memref<2x8x64xf32, #tpu.memory_space<vmem>>, vector<16xf32>,
      %swap3A_873 = arith.constant 1 : i32
      %swap3A_874 = arith.constant 0 : i32
      %swap3A_875 = arith.index_cast %swap3A_873 : i32 to index
      %swap3A_876 = arith.index_cast %swap3A_874 : i32 to index
      %swap3A_877 = arith.constant 16 : index
      %swap3A_878 = tpu.vector_load %arg8[%swap3A_875, %swap3A_876, %swap3A_877] {strides = array<i32>} : memref<2x8x64xf32, #tpu.memory_space<vmem>>, vector<16xf32>,
      tpu.vector_store %arg8[%swap3A_875, %swap3A_876, %swap3A_877], %scan3A_860#1 {strides = array<i32>} : memref<2x8x64xf32, #tpu.memory_space<vmem>>, vector<16xf32>,
      %swap3A_879 = arith.constant 1 : i32
      %swap3A_880 = arith.constant 0 : i32
      %swap3A_881 = arith.index_cast %swap3A_879 : i32 to index
      %swap3A_882 = arith.index_cast %swap3A_880 : i32 to index
      %swap3A_883 = arith.constant 32 : index
      %swap3A_884 = tpu.vector_load %arg8[%swap3A_881, %swap3A_882, %swap3A_883] {strides = array<i32>} : memref<2x8x64xf32, #tpu.memory_space<vmem>>, vector<16xf32>,
      tpu.vector_store %arg8[%swap3A_881, %swap3A_882, %swap3A_883], %scan3A_860#2 {strides = array<i32>} : memref<2x8x64xf32, #tpu.memory_space<vmem>>, vector<16xf32>,
      %swap3A_885 = arith.constant 1 : i32
      %swap3A_886 = arith.constant 0 : i32
      %swap3A_887 = arith.index_cast %swap3A_885 : i32 to index
      %swap3A_888 = arith.index_cast %swap3A_886 : i32 to index
      %swap3A_889 = arith.constant 48 : index
      %swap3A_890 = tpu.vector_load %arg8[%swap3A_887, %swap3A_888, %swap3A_889] {strides = array<i32>} : memref<2x8x64xf32, #tpu.memory_space<vmem>>, vector<16xf32>,
      tpu.vector_store %arg8[%swap3A_887, %swap3A_888, %swap3A_889], %scan3A_860#3 {strides = array<i32>} : memref<2x8x64xf32, #tpu.memory_space<vmem>>, vector<16xf32>,
      %swap3A_891 = arith.constant 1 : i32
      %swap3A_892 = arith.constant 1 : i32
      %swap3A_893 = arith.index_cast %swap3A_891 : i32 to index
      %swap3A_894 = arith.index_cast %swap3A_892 : i32 to index
      %swap3A_895 = arith.constant 0 : index
      %swap3A_896 = tpu.vector_load %arg8[%swap3A_893, %swap3A_894, %swap3A_895] {strides = array<i32>} : memref<2x8x64xf32, #tpu.memory_space<vmem>>, vector<16xf32>,
      tpu.vector_store %arg8[%swap3A_893, %swap3A_894, %swap3A_895], %scan3A_860#4 {strides = array<i32>} : memref<2x8x64xf32, #tpu.memory_space<vmem>>, vector<16xf32>,
      %swap3A_897 = arith.constant 1 : i32
      %swap3A_898 = arith.constant 1 : i32
      %swap3A_899 = arith.index_cast %swap3A_897 : i32 to index
      %swap3A_900 = arith.index_cast %swap3A_898 : i32 to index
      %swap3A_901 = arith.constant 16 : index
      %swap3A_902 = tpu.vector_load %arg8[%swap3A_899, %swap3A_900, %swap3A_901] {strides = array<i32>} : memref<2x8x64xf32, #tpu.memory_space<vmem>>, vector<16xf32>,
      tpu.vector_store %arg8[%swap3A_899, %swap3A_900, %swap3A_901], %scan3A_860#5 {strides = array<i32>} : memref<2x8x64xf32, #tpu.memory_space<vmem>>, vector<16xf32>,
      %swap3A_903 = arith.constant 1 : i32
      %swap3A_904 = arith.constant 1 : i32
      %swap3A_905 = arith.index_cast %swap3A_903 : i32 to index
      %swap3A_906 = arith.index_cast %swap3A_904 : i32 to index
      %swap3A_907 = arith.constant 32 : index
      %swap3A_908 = tpu.vector_load %arg8[%swap3A_905, %swap3A_906, %swap3A_907] {strides = array<i32>} : memref<2x8x64xf32, #tpu.memory_space<vmem>>, vector<16xf32>,
      tpu.vector_store %arg8[%swap3A_905, %swap3A_906, %swap3A_907], %scan3A_860#6 {strides = array<i32>} : memref<2x8x64xf32, #tpu.memory_space<vmem>>, vector<16xf32>,
      %swap3A_909 = arith.constant 1 : i32
      %swap3A_910 = arith.constant 1 : i32
      %swap3A_911 = arith.index_cast %swap3A_909 : i32 to index
      %swap3A_912 = arith.index_cast %swap3A_910 : i32 to index
      %swap3A_913 = arith.constant 48 : index
      %swap3A_914 = tpu.vector_load %arg8[%swap3A_911, %swap3A_912, %swap3A_913] {strides = array<i32>} : memref<2x8x64xf32, #tpu.memory_space<vmem>>, vector<16xf32>,
      tpu.vector_store %arg8[%swap3A_911, %swap3A_912, %swap3A_913], %scan3A_860#7 {strides = array<i32>} : memref<2x8x64xf32, #tpu.memory_space<vmem>>, vector<16xf32>,
      %swap3A_915 = arith.constant 1 : i32
      %swap3A_916 = arith.constant 2 : i32
      %swap3A_917 = arith.index_cast %swap3A_915 : i32 to index
      %swap3A_918 = arith.index_cast %swap3A_916 : i32 to index
      %swap3A_919 = arith.constant 0 : index
      %swap3A_920 = tpu.vector_load %arg8[%swap3A_917, %swap3A_918, %swap3A_919] {strides = array<i32>} : memref<2x8x64xf32, #tpu.memory_space<vmem>>, vector<16xf32>,
      tpu.vector_store %arg8[%swap3A_917, %swap3A_918, %swap3A_919], %scan3A_860#8 {strides = array<i32>} : memref<2x8x64xf32, #tpu.memory_space<vmem>>, vector<16xf32>,
      %swap3A_921 = arith.constant 1 : i32
      %swap3A_922 = arith.constant 2 : i32
      %swap3A_923 = arith.index_cast %swap3A_921 : i32 to index
      %swap3A_924 = arith.index_cast %swap3A_922 : i32 to index
      %swap3A_925 = arith.constant 16 : index
      %swap3A_926 = tpu.vector_load %arg8[%swap3A_923, %swap3A_924, %swap3A_925] {strides = array<i32>} : memref<2x8x64xf32, #tpu.memory_space<vmem>>, vector<16xf32>,
      tpu.vector_store %arg8[%swap3A_923, %swap3A_924, %swap3A_925], %scan3A_860#9 {strides = array<i32>} : memref<2x8x64xf32, #tpu.memory_space<vmem>>, vector<16xf32>,
      %swap3A_927 = arith.constant 1 : i32
      %swap3A_928 = arith.constant 2 : i32
      %swap3A_929 = arith.index_cast %swap3A_927 : i32 to index
      %swap3A_930 = arith.index_cast %swap3A_928 : i32 to index
      %swap3A_931 = arith.constant 32 : index
      %swap3A_932 = tpu.vector_load %arg8[%swap3A_929, %swap3A_930, %swap3A_931] {strides = array<i32>} : memref<2x8x64xf32, #tpu.memory_space<vmem>>, vector<16xf32>,
      tpu.vector_store %arg8[%swap3A_929, %swap3A_930, %swap3A_931], %scan3A_860#10 {strides = array<i32>} : memref<2x8x64xf32, #tpu.memory_space<vmem>>, vector<16xf32>,
      %swap3A_933 = arith.constant 1 : i32
      %swap3A_934 = arith.constant 2 : i32
      %swap3A_935 = arith.index_cast %swap3A_933 : i32 to index
      %swap3A_936 = arith.index_cast %swap3A_934 : i32 to index
      %swap3A_937 = arith.constant 48 : index
      %swap3A_938 = tpu.vector_load %arg8[%swap3A_935, %swap3A_936, %swap3A_937] {strides = array<i32>} : memref<2x8x64xf32, #tpu.memory_space<vmem>>, vector<16xf32>,
      tpu.vector_store %arg8[%swap3A_935, %swap3A_936, %swap3A_937], %scan3A_860#11 {strides = array<i32>} : memref<2x8x64xf32, #tpu.memory_space<vmem>>, vector<16xf32>,
      %swap3A_939 = arith.constant 1 : i32
      %swap3A_940 = arith.constant 3 : i32
      %swap3A_941 = arith.index_cast %swap3A_939 : i32 to index
      %swap3A_942 = arith.index_cast %swap3A_940 : i32 to index
      %swap3A_943 = arith.constant 0 : index
      %swap3A_944 = tpu.vector_load %arg8[%swap3A_941, %swap3A_942, %swap3A_943] {strides = array<i32>} : memref<2x8x64xf32, #tpu.memory_space<vmem>>, vector<16xf32>,
      tpu.vector_store %arg8[%swap3A_941, %swap3A_942, %swap3A_943], %scan3A_860#12 {strides = array<i32>} : memref<2x8x64xf32, #tpu.memory_space<vmem>>, vector<16xf32>,
      %swap3A_945 = arith.constant 1 : i32
      %swap3A_946 = arith.constant 3 : i32
      %swap3A_947 = arith.index_cast %swap3A_945 : i32 to index
      %swap3A_948 = arith.index_cast %swap3A_946 : i32 to index
      %swap3A_949 = arith.constant 16 : index
      %swap3A_950 = tpu.vector_load %arg8[%swap3A_947, %swap3A_948, %swap3A_949] {strides = array<i32>} : memref<2x8x64xf32, #tpu.memory_space<vmem>>, vector<16xf32>,
      tpu.vector_store %arg8[%swap3A_947, %swap3A_948, %swap3A_949], %scan3A_860#13 {strides = array<i32>} : memref<2x8x64xf32, #tpu.memory_space<vmem>>, vector<16xf32>,
      %swap3A_951 = arith.constant 1 : i32
      %swap3A_952 = arith.constant 3 : i32
      %swap3A_953 = arith.index_cast %swap3A_951 : i32 to index
      %swap3A_954 = arith.index_cast %swap3A_952 : i32 to index
      %swap3A_955 = arith.constant 32 : index
      %swap3A_956 = tpu.vector_load %arg8[%swap3A_953, %swap3A_954, %swap3A_955] {strides = array<i32>} : memref<2x8x64xf32, #tpu.memory_space<vmem>>, vector<16xf32>,
      tpu.vector_store %arg8[%swap3A_953, %swap3A_954, %swap3A_955], %scan3A_860#14 {strides = array<i32>} : memref<2x8x64xf32, #tpu.memory_space<vmem>>, vector<16xf32>,
      %swap3A_957 = arith.constant 1 : i32
      %swap3A_958 = arith.constant 3 : i32
      %swap3A_959 = arith.index_cast %swap3A_957 : i32 to index
      %swap3A_960 = arith.index_cast %swap3A_958 : i32 to index
      %swap3A_961 = arith.constant 48 : index
      %swap3A_962 = tpu.vector_load %arg8[%swap3A_959, %swap3A_960, %swap3A_961] {strides = array<i32>} : memref<2x8x64xf32, #tpu.memory_space<vmem>>, vector<16xf32>,
      tpu.vector_store %arg8[%swap3A_959, %swap3A_960, %swap3A_961], %scan3A_860#15 {strides = array<i32>} : memref<2x8x64xf32, #tpu.memory_space<vmem>>, vector<16xf32>,
      %swap3A_963 = arith.constant 1 : i32
      %swap3A_964 = arith.constant 4 : i32
      %swap3A_965 = arith.index_cast %swap3A_963 : i32 to index
      %swap3A_966 = arith.index_cast %swap3A_964 : i32 to index
      %swap3A_967 = arith.constant 0 : index
      %swap3A_968 = tpu.vector_load %arg8[%swap3A_965, %swap3A_966, %swap3A_967] {strides = array<i32>} : memref<2x8x64xf32, #tpu.memory_space<vmem>>, vector<16xf32>,
      tpu.vector_store %arg8[%swap3A_965, %swap3A_966, %swap3A_967], %scan3A_860#16 {strides = array<i32>} : memref<2x8x64xf32, #tpu.memory_space<vmem>>, vector<16xf32>,
      %swap3A_969 = arith.constant 1 : i32
      %swap3A_970 = arith.constant 4 : i32
      %swap3A_971 = arith.index_cast %swap3A_969 : i32 to index
      %swap3A_972 = arith.index_cast %swap3A_970 : i32 to index
      %swap3A_973 = arith.constant 16 : index
      %swap3A_974 = tpu.vector_load %arg8[%swap3A_971, %swap3A_972, %swap3A_973] {strides = array<i32>} : memref<2x8x64xf32, #tpu.memory_space<vmem>>, vector<16xf32>,
      tpu.vector_store %arg8[%swap3A_971, %swap3A_972, %swap3A_973], %scan3A_860#17 {strides = array<i32>} : memref<2x8x64xf32, #tpu.memory_space<vmem>>, vector<16xf32>,
      %swap3A_975 = arith.constant 1 : i32
      %swap3A_976 = arith.constant 4 : i32
      %swap3A_977 = arith.index_cast %swap3A_975 : i32 to index
      %swap3A_978 = arith.index_cast %swap3A_976 : i32 to index
      %swap3A_979 = arith.constant 32 : index
      %swap3A_980 = tpu.vector_load %arg8[%swap3A_977, %swap3A_978, %swap3A_979] {strides = array<i32>} : memref<2x8x64xf32, #tpu.memory_space<vmem>>, vector<16xf32>,
      tpu.vector_store %arg8[%swap3A_977, %swap3A_978, %swap3A_979], %scan3A_860#18 {strides = array<i32>} : memref<2x8x64xf32, #tpu.memory_space<vmem>>, vector<16xf32>,
      %swap3A_981 = arith.constant 1 : i32
      %swap3A_982 = arith.constant 4 : i32
      %swap3A_983 = arith.index_cast %swap3A_981 : i32 to index
      %swap3A_984 = arith.index_cast %swap3A_982 : i32 to index
      %swap3A_985 = arith.constant 48 : index
      %swap3A_986 = tpu.vector_load %arg8[%swap3A_983, %swap3A_984, %swap3A_985] {strides = array<i32>} : memref<2x8x64xf32, #tpu.memory_space<vmem>>, vector<16xf32>,
      tpu.vector_store %arg8[%swap3A_983, %swap3A_984, %swap3A_985], %scan3A_860#19 {strides = array<i32>} : memref<2x8x64xf32, #tpu.memory_space<vmem>>, vector<16xf32>,
      %swap3A_987 = arith.constant 1 : i32
      %swap3A_988 = arith.constant 5 : i32
      %swap3A_989 = arith.index_cast %swap3A_987 : i32 to index
      %swap3A_990 = arith.index_cast %swap3A_988 : i32 to index
      %swap3A_991 = arith.constant 0 : index
      %swap3A_992 = tpu.vector_load %arg8[%swap3A_989, %swap3A_990, %swap3A_991] {strides = array<i32>} : memref<2x8x64xf32, #tpu.memory_space<vmem>>, vector<16xf32>,
      tpu.vector_store %arg8[%swap3A_989, %swap3A_990, %swap3A_991], %scan3A_860#20 {strides = array<i32>} : memref<2x8x64xf32, #tpu.memory_space<vmem>>, vector<16xf32>,
      %swap3A_993 = arith.constant 1 : i32
      %swap3A_994 = arith.constant 5 : i32
      %swap3A_995 = arith.index_cast %swap3A_993 : i32 to index
      %swap3A_996 = arith.index_cast %swap3A_994 : i32 to index
      %swap3A_997 = arith.constant 16 : index
      %swap3A_998 = tpu.vector_load %arg8[%swap3A_995, %swap3A_996, %swap3A_997] {strides = array<i32>} : memref<2x8x64xf32, #tpu.memory_space<vmem>>, vector<16xf32>,
      tpu.vector_store %arg8[%swap3A_995, %swap3A_996, %swap3A_997], %scan3A_860#21 {strides = array<i32>} : memref<2x8x64xf32, #tpu.memory_space<vmem>>, vector<16xf32>,
      %swap3A_999 = arith.constant 1 : i32
      %swap3A_1000 = arith.constant 5 : i32
      %swap3A_1001 = arith.index_cast %swap3A_999 : i32 to index
      %swap3A_1002 = arith.index_cast %swap3A_1000 : i32 to index
      %swap3A_1003 = arith.constant 32 : index
      %swap3A_1004 = tpu.vector_load %arg8[%swap3A_1001, %swap3A_1002, %swap3A_1003] {strides = array<i32>} : memref<2x8x64xf32, #tpu.memory_space<vmem>>, vector<16xf32>,
      tpu.vector_store %arg8[%swap3A_1001, %swap3A_1002, %swap3A_1003], %scan3A_860#22 {strides = array<i32>} : memref<2x8x64xf32, #tpu.memory_space<vmem>>, vector<16xf32>,
      %swap3A_1005 = arith.constant 1 : i32
      %swap3A_1006 = arith.constant 5 : i32
      %swap3A_1007 = arith.index_cast %swap3A_1005 : i32 to index
      %swap3A_1008 = arith.index_cast %swap3A_1006 : i32 to index
      %swap3A_1009 = arith.constant 48 : index
      %swap3A_1010 = tpu.vector_load %arg8[%swap3A_1007, %swap3A_1008, %swap3A_1009] {strides = array<i32>} : memref<2x8x64xf32, #tpu.memory_space<vmem>>, vector<16xf32>,
      tpu.vector_store %arg8[%swap3A_1007, %swap3A_1008, %swap3A_1009], %scan3A_860#23 {strides = array<i32>} : memref<2x8x64xf32, #tpu.memory_space<vmem>>, vector<16xf32>,
      %swap3A_1011 = arith.constant 1 : i32
      %swap3A_1012 = arith.constant 6 : i32
      %swap3A_1013 = arith.index_cast %swap3A_1011 : i32 to index
      %swap3A_1014 = arith.index_cast %swap3A_1012 : i32 to index
      %swap3A_1015 = arith.constant 0 : index
      %swap3A_1016 = tpu.vector_load %arg8[%swap3A_1013, %swap3A_1014, %swap3A_1015] {strides = array<i32>} : memref<2x8x64xf32, #tpu.memory_space<vmem>>, vector<16xf32>,
      tpu.vector_store %arg8[%swap3A_1013, %swap3A_1014, %swap3A_1015], %scan3A_860#24 {strides = array<i32>} : memref<2x8x64xf32, #tpu.memory_space<vmem>>, vector<16xf32>,
      %swap3A_1017 = arith.constant 1 : i32
      %swap3A_1018 = arith.constant 6 : i32
      %swap3A_1019 = arith.index_cast %swap3A_1017 : i32 to index
      %swap3A_1020 = arith.index_cast %swap3A_1018 : i32 to index
      %swap3A_1021 = arith.constant 16 : index
      %swap3A_1022 = tpu.vector_load %arg8[%swap3A_1019, %swap3A_1020, %swap3A_1021] {strides = array<i32>} : memref<2x8x64xf32, #tpu.memory_space<vmem>>, vector<16xf32>,
      tpu.vector_store %arg8[%swap3A_1019, %swap3A_1020, %swap3A_1021], %scan3A_860#25 {strides = array<i32>} : memref<2x8x64xf32, #tpu.memory_space<vmem>>, vector<16xf32>,
      %swap3A_1023 = arith.constant 1 : i32
      %swap3A_1024 = arith.constant 6 : i32
      %swap3A_1025 = arith.index_cast %swap3A_1023 : i32 to index
      %swap3A_1026 = arith.index_cast %swap3A_1024 : i32 to index
      %swap3A_1027 = arith.constant 32 : index
      %swap3A_1028 = tpu.vector_load %arg8[%swap3A_1025, %swap3A_1026, %swap3A_1027] {strides = array<i32>} : memref<2x8x64xf32, #tpu.memory_space<vmem>>, vector<16xf32>,
      tpu.vector_store %arg8[%swap3A_1025, %swap3A_1026, %swap3A_1027], %scan3A_860#26 {strides = array<i32>} : memref<2x8x64xf32, #tpu.memory_space<vmem>>, vector<16xf32>,
      %swap3A_1029 = arith.constant 1 : i32
      %swap3A_1030 = arith.constant 6 : i32
      %swap3A_1031 = arith.index_cast %swap3A_1029 : i32 to index
      %swap3A_1032 = arith.index_cast %swap3A_1030 : i32 to index
      %swap3A_1033 = arith.constant 48 : index
      %swap3A_1034 = tpu.vector_load %arg8[%swap3A_1031, %swap3A_1032, %swap3A_1033] {strides = array<i32>} : memref<2x8x64xf32, #tpu.memory_space<vmem>>, vector<16xf32>,
      tpu.vector_store %arg8[%swap3A_1031, %swap3A_1032, %swap3A_1033], %scan3A_860#27 {strides = array<i32>} : memref<2x8x64xf32, #tpu.memory_space<vmem>>, vector<16xf32>,
      %swap3A_1035 = arith.constant 1 : i32
      %swap3A_1036 = arith.constant 7 : i32
      %swap3A_1037 = arith.index_cast %swap3A_1035 : i32 to index
      %swap3A_1038 = arith.index_cast %swap3A_1036 : i32 to index
      %swap3A_1039 = arith.constant 0 : index
      %swap3A_1040 = tpu.vector_load %arg8[%swap3A_1037, %swap3A_1038, %swap3A_1039] {strides = array<i32>} : memref<2x8x64xf32, #tpu.memory_space<vmem>>, vector<16xf32>,
      tpu.vector_store %arg8[%swap3A_1037, %swap3A_1038, %swap3A_1039], %scan3A_860#28 {strides = array<i32>} : memref<2x8x64xf32, #tpu.memory_space<vmem>>, vector<16xf32>,
      %swap3A_1041 = arith.constant 1 : i32
      %swap3A_1042 = arith.constant 7 : i32
      %swap3A_1043 = arith.index_cast %swap3A_1041 : i32 to index
      %swap3A_1044 = arith.index_cast %swap3A_1042 : i32 to index
      %swap3A_1045 = arith.constant 16 : index
      %swap3A_1046 = tpu.vector_load %arg8[%swap3A_1043, %swap3A_1044, %swap3A_1045] {strides = array<i32>} : memref<2x8x64xf32, #tpu.memory_space<vmem>>, vector<16xf32>,
      tpu.vector_store %arg8[%swap3A_1043, %swap3A_1044, %swap3A_1045], %scan3A_860#29 {strides = array<i32>} : memref<2x8x64xf32, #tpu.memory_space<vmem>>, vector<16xf32>,
      %swap3A_1047 = arith.constant 1 : i32
      %swap3A_1048 = arith.constant 7 : i32
      %swap3A_1049 = arith.index_cast %swap3A_1047 : i32 to index
      %swap3A_1050 = arith.index_cast %swap3A_1048 : i32 to index
      %swap3A_1051 = arith.constant 32 : index
      %swap3A_1052 = tpu.vector_load %arg8[%swap3A_1049, %swap3A_1050, %swap3A_1051] {strides = array<i32>} : memref<2x8x64xf32, #tpu.memory_space<vmem>>, vector<16xf32>,
      tpu.vector_store %arg8[%swap3A_1049, %swap3A_1050, %swap3A_1051], %scan3A_860#30 {strides = array<i32>} : memref<2x8x64xf32, #tpu.memory_space<vmem>>, vector<16xf32>,
      %swap3A_1053 = arith.constant 1 : i32
      %swap3A_1054 = arith.constant 7 : i32
      %swap3A_1055 = arith.index_cast %swap3A_1053 : i32 to index
      %swap3A_1056 = arith.index_cast %swap3A_1054 : i32 to index
      %swap3A_1057 = arith.constant 48 : index
      %swap3A_1058 = tpu.vector_load %arg8[%swap3A_1055, %swap3A_1056, %swap3A_1057] {strides = array<i32>} : memref<2x8x64xf32, #tpu.memory_space<vmem>>, vector<16xf32>,
      tpu.vector_store %arg8[%swap3A_1055, %swap3A_1056, %swap3A_1057], %scan3A_860#31 {strides = array<i32>} : memref<2x8x64xf32, #tpu.memory_space<vmem>>, vector<16xf32>,
      %mul3A_1059 = arith.constant 8 : i32
      %mul3A_1060 = arith.muli %add3A_663, %mul3A_1059 : i32
      %add3A_1061 = arith.addi %mul3A_2, %mul3A_1060 : i32
      %dma_start3A_1062 = arith.constant 1 : i32
      %dma_start3A_1063 = arith.constant 0 : i32
      %dma_start3A_1064 = arith.constant 0 : i32
      %dma_start3A_1065 = tpu.memref_slice %arg8[%dma_start3A_1062, %dma_start3A_1063, %dma_start3A_1064] : memref<2x8x64xf32, #tpu.memory_space<vmem>> -> memref<1x8x64xf32, #tpu.memory_space<vmem>>
      %dma_start3A_1066 = tpu.memref_squeeze %dma_start3A_1065 : memref<1x8x64xf32, #tpu.memory_space<vmem>> -> memref<8x64xf32, #tpu.memory_space<vmem>>
      %dma_start3A_1067 = arith.constant 0 : i32
      %dma_start3A_1068 = tpu.memref_slice %arg4[%add3A_1061, %dma_start3A_1067] : memref<16384x64xf32, #tpu.memory_space<hbm>> -> memref<8x64xf32, #tpu.memory_space<hbm>>
      %dma_start3A_1069 = arith.constant 0 : i32
      %dma_start3A_1070 = tpu.memref_slice %arg4[%add3A_1061, %dma_start3A_1069] : memref<16384x64xf32, #tpu.memory_space<hbm>> -> memref<8x64xf32, #tpu.memory_space<hbm>>
      %dma_start3A_1071 = arith.constant 0 : i32
      %dma_start3A_1072 = arith.constant 0 : i32
      %dma_start3A_1073 = tpu.memref_slice %arg8[%dma_start3A_1062, %dma_start3A_1071, %dma_start3A_1072] : memref<2x8x64xf32, #tpu.memory_space<vmem>> -> memref<1x8x64xf32, #tpu.memory_space<vmem>>
      %dma_start3A_1074 = tpu.memref_squeeze %dma_start3A_1073 : memref<1x8x64xf32, #tpu.memory_space<vmem>> -> memref<8x64xf32, #tpu.memory_space<vmem>>
      tpu.enqueue_dma source(%dma_start3A_1074 : memref<8x64xf32, #tpu.memory_space<vmem>>) target(%dma_start3A_1070 : memref<8x64xf32, #tpu.memory_space<hbm>>) target_semaphore(%arg14 : memref<!tpu.dma_semaphore, #tpu.memory_space<semaphore_mem>>)
    }
    %scan3A_223 = arith.constant 32 : i32
    %dma_wait3A_224 = arith.constant 0 : i32
    %dma_wait3A_225 = arith.constant 0 : i32
    %dma_wait3A_226 = arith.constant 0 : i32
    %dma_wait3A_227 = tpu.memref_slice %arg8[%dma_wait3A_224, %dma_wait3A_225, %dma_wait3A_226] : memref<2x8x64xf32, #tpu.memory_space<vmem>> -> memref<1x8x64xf32, #tpu.memory_space<vmem>>
    %dma_wait3A_228 = tpu.memref_squeeze %dma_wait3A_227 : memref<1x8x64xf32, #tpu.memory_space<vmem>> -> memref<8x64xf32, #tpu.memory_space<vmem>>
    %dma_wait3A_229 = arith.constant 0 : i32
    %dma_wait3A_230 = tpu.memref_slice %arg4[%mul3A_2, %dma_wait3A_229] : memref<16384x64xf32, #tpu.memory_space<hbm>> -> memref<8x64xf32, #tpu.memory_space<hbm>>
    %dma_wait3A_231 = arith.constant 0 : i32
    %dma_wait3A_232 = tpu.memref_slice %arg4[%mul3A_2, %dma_wait3A_231] : memref<16384x64xf32, #tpu.memory_space<hbm>> -> memref<8x64xf32, #tpu.memory_space<hbm>>
    %dma_wait3A_233 = arith.constant 0 : i32
    %dma_wait3A_234 = arith.constant 0 : i32
    %dma_wait3A_235 = tpu.memref_slice %arg8[%dma_wait3A_224, %dma_wait3A_233, %dma_wait3A_234] : memref<2x8x64xf32, #tpu.memory_space<vmem>> -> memref<1x8x64xf32, #tpu.memory_space<vmem>>
    %dma_wait3A_236 = tpu.memref_squeeze %dma_wait3A_235 : memref<1x8x64xf32, #tpu.memory_space<vmem>> -> memref<8x64xf32, #tpu.memory_space<vmem>>
    tpu.wait_dma2 semaphore(%arg13 : memref<!tpu.dma_semaphore, #tpu.memory_space<semaphore_mem>>) src(%dma_wait3A_236 : memref<8x64xf32, #tpu.memory_space<vmem>>) dst(%dma_wait3A_232 : memref<8x64xf32, #tpu.memory_space<hbm>>)
    %dma_wait3A_237 = arith.constant 1 : i32
    %dma_wait3A_238 = arith.constant 0 : i32
    %dma_wait3A_239 = arith.constant 0 : i32
    %dma_wait3A_240 = tpu.memref_slice %arg8[%dma_wait3A_237, %dma_wait3A_238, %dma_wait3A_239] : memref<2x8x64xf32, #tpu.memory_space<vmem>> -> memref<1x8x64xf32, #tpu.memory_space<vmem>>
    %dma_wait3A_241 = tpu.memref_squeeze %dma_wait3A_240 : memref<1x8x64xf32, #tpu.memory_space<vmem>> -> memref<8x64xf32, #tpu.memory_space<vmem>>
    %dma_wait3A_242 = arith.constant 0 : i32
    %dma_wait3A_243 = tpu.memref_slice %arg4[%mul3A_2, %dma_wait3A_242] : memref<16384x64xf32, #tpu.memory_space<hbm>> -> memref<8x64xf32, #tpu.memory_space<hbm>>
    %dma_wait3A_244 = arith.constant 0 : i32
    %dma_wait3A_245 = tpu.memref_slice %arg4[%mul3A_2, %dma_wait3A_244] : memref<16384x64xf32, #tpu.memory_space<hbm>> -> memref<8x64xf32, #tpu.memory_space<hbm>>
    %dma_wait3A_246 = arith.constant 0 : i32
    %dma_wait3A_247 = arith.constant 0 : i32
    %dma_wait3A_248 = tpu.memref_slice %arg8[%dma_wait3A_237, %dma_wait3A_246, %dma_wait3A_247] : memref<2x8x64xf32, #tpu.memory_space<vmem>> -> memref<1x8x64xf32, #tpu.memory_space<vmem>>
    %dma_wait3A_249 = tpu.memref_squeeze %dma_wait3A_248 : memref<1x8x64xf32, #tpu.memory_space<vmem>> -> memref<8x64xf32, #tpu.memory_space<vmem>>
    tpu.wait_dma2 semaphore(%arg14 : memref<!tpu.dma_semaphore, #tpu.memory_space<semaphore_mem>>) src(%dma_wait3A_249 : memref<8x64xf32, #tpu.memory_space<vmem>>) dst(%dma_wait3A_245 : memref<8x64xf32, #tpu.memory_space<hbm>>)
    return
  }
}

module attributes {stable_mosaic.version = 14 : i64} {
  func.func @body(%arg0: i32, %arg1: memref<2048x200xi32, #tpu.memory_space<vmem>>, %arg2: memref<2048x64xf32, #tpu.memory_space<vmem>>, %arg3: memref<64x64xf32, #tpu.memory_space<vmem>>, %arg4: memref<1x64xf32, #tpu.memory_space<vmem>>, %arg5: memref<2048x64xf32, #tpu.memory_space<vmem>>) attributes {dimension_semantics = [#tpu.dimension_semantics<arbitrary>], iteration_bounds = array<i64: 8>, scalar_prefetch = 0 : i64, scratch_operands = 0 : i64, tpu.core_type = #tpu.core_type<tc>, window_params = [{transform_indices = @transform_0, window_bounds = array<i64: 2048, 200>}, {transform_indices = @transform_1, window_bounds = array<i64: 2048, 64>}, {pipeline_mode = #tpu.pipeline_mode<synchronous>, transform_indices = @transform_2, window_bounds = array<i64: 64, 64>}, {pipeline_mode = #tpu.pipeline_mode<synchronous>, transform_indices = @transform_3, window_bounds = array<i64: 1, 64>}, {transform_indices = @transform_4, window_bounds = array<i64: 2048, 64>}]} {
    %get3A = arith.constant 0 : index
    %get3A_0 = arith.constant 0 : index
    %get3A_1 = vector.load %arg1[%get3A, %get3A_0] : memref<2048x200xi32, #tpu.memory_space<vmem>>, vector<2048x200xi32>
    %ne3A = arith.constant 100000 : i32
    %ne3A_2 = vector.broadcast %ne3A : i32 to vector<2048x200xi32>
    %ne3A_3 = arith.cmpi ne, %get3A_1, %ne3A_2 : vector<2048x200xi32>
    %convert_element_type3A = arith.extui %ne3A_3 : vector<2048x200xi1> to vector<2048x200xi32>
    %convert_element_type3A_4 = arith.sitofp %convert_element_type3A : vector<2048x200xi32> to vector<2048x200xf32>
    %reduce_sum3A = arith.constant dense<0.000000e+00> : vector<2048xf32>
    %reduce_sum3A_5 = vector.multi_reduction <add>, %convert_element_type3A_4, %reduce_sum3A [1] : vector<2048x200xf32> to vector<2048xf32>
    %broadcast_in_dim3A = vector.shape_cast %reduce_sum3A_5 : vector<2048xf32> to vector<2048x1xf32>
    %get3A_6 = arith.constant 0 : index
    %get3A_7 = arith.constant 0 : index
    %get3A_8 = vector.load %arg2[%get3A_6, %get3A_7] : memref<2048x64xf32, #tpu.memory_space<vmem>>, vector<2048x64xf32>
    %add3A = arith.constant 9.99999997E-7 : f32
    %add3A_9 = vector.broadcast %add3A : f32 to vector<2048x1xf32>
    %add3A_10 = arith.addf %broadcast_in_dim3A, %add3A_9 : vector<2048x1xf32>
    %div3A = vector.broadcast %add3A_10 : vector<2048x1xf32> to vector<2048x64xf32>
    %div3A_11 = arith.divf %get3A_8, %div3A : vector<2048x64xf32>
    %get3A_12 = arith.constant 0 : index
    %get3A_13 = arith.constant 0 : index
    %get3A_14 = vector.load %arg3[%get3A_12, %get3A_13] : memref<64x64xf32, #tpu.memory_space<vmem>>, vector<64x64xf32>
    %dot_general3A = arith.constant dense<0.000000e+00> : vector<2048x64xf32>
    %dot_general3A_15 = tpu.matmul %div3A_11, %get3A_14, %dot_general3A {dimension_numbers = #tpu.dot_dimension_numbers<[1], [1], [0], [0], [0, 0, 1, 0], [], []>, transpose_lhs_hint = false} : vector<2048x64xf32>, vector<64x64xf32>, vector<2048x64xf32> -> vector<2048x64xf32>
    %get3A_16 = arith.constant 0 : index
    %get3A_17 = arith.constant 0 : index
    %get3A_18 = vector.load %arg4[%get3A_16, %get3A_17] : memref<1x64xf32, #tpu.memory_space<vmem>>, vector<1x64xf32>
    %add3A_19 = vector.broadcast %get3A_18 : vector<1x64xf32> to vector<2048x64xf32>
    %add3A_20 = arith.addf %dot_general3A_15, %add3A_19 : vector<2048x64xf32>
    %tanh3A = math.tanh %add3A_20 : vector<2048x64xf32>
    %swap3A = arith.constant 0 : index
    %swap3A_21 = arith.constant 0 : index
    %swap3A_22 = vector.load %arg5[%swap3A, %swap3A_21] : memref<2048x64xf32, #tpu.memory_space<vmem>>, vector<2048x64xf32>
    tpu.vector_store %arg5[%swap3A, %swap3A_21], %tanh3A {strides = array<i32>} : memref<2048x64xf32, #tpu.memory_space<vmem>>, vector<2048x64xf32>,
    return
  }
  func.func @transform_0(%arg0: i32) -> (i32, i32) {
    %c0_i32 = arith.constant 0 : i32
    %c0_i32_0 = arith.constant 0 : i32
    return %arg0, %c0_i32 : i32, i32
  }
  func.func @transform_1(%arg0: i32) -> (i32, i32) {
    %c0_i32 = arith.constant 0 : i32
    %c0_i32_0 = arith.constant 0 : i32
    return %arg0, %c0_i32 : i32, i32
  }
  func.func @transform_2(%arg0: i32) -> (i32, i32) {
    %c0_i32 = arith.constant 0 : i32
    %c0_i32_0 = arith.constant 0 : i32
    %c0_i32_1 = arith.constant 0 : i32
    return %c0_i32, %c0_i32_0 : i32, i32
  }
  func.func @transform_3(%arg0: i32) -> (i32, i32) {
    %c0_i32 = arith.constant 0 : i32
    %c0_i32_0 = arith.constant 0 : i32
    %c0_i32_1 = arith.constant 0 : i32
    return %c0_i32, %c0_i32_0 : i32, i32
  }
  func.func @transform_4(%arg0: i32) -> (i32, i32) {
    %c0_i32 = arith.constant 0 : i32
    %c0_i32_0 = arith.constant 0 : i32
    return %arg0, %c0_i32 : i32, i32
  }
}

</mosaic_0001>

<sc_bundles>
// kernel: kernel.5.cloned.1.call-start
scs
__scs_entry_jumppad:
0x0: {  	(pc) =	sbr.rel $0x88, $3  }
0x1: {  	(tag) =	ssettag $0x0;
	lr =	simm.s32 $0x1  }
0x2: {  	[smem:$0x3F9D] =	sst lr;
	_ =	strace $0xD0000000  }
0x3: {  	_ = 	snop  }
0x4: {  	_ = 	snop  }
0x5: {  	_ = 	snop  }
0x6: {  	_ = 	snop  }
0x7: {  	_ = 	snop  }
__scs_overlays_trampoline_lowered:
0x8: {  	[smem:$0x3FAC] =	sst s0  }
0x9: {  	[smem:$0x3FAD] =	sst s1  }
0xa: {  	[smem:$0x3FAE] =	sst s2  }
0xb: {  	[smem:$0x3FAF] =	sst s3  }
0xc: {  	[smem:$0x3FB0] =	sst s4  }
0xd: {  	[smem:$0x3FB1] =	sst s5  }
0xe: {  	[smem:$0x3FB2] =	sst s6  }
0xf: {  	[smem:$0x3FB3] =	sst s7  }
0x10: {  	[smem:$0x3FB4] =	sst s8  }
0x11: {  	[smem:$0x3FB5] =	sst s9;
	s0 =	simm.s32 @!p0 $0x0  }
0x12: {  	s1 =	sld [smem:$0x3F9B];
	s0 =	simm.s32 @p0 $0x1  }
0x13: {  	[smem:$0x3FB6] =	sst s0;
	s0 =	simm.s32 @!p1 $0x0  }
0x14: {  	s2 =	sld [smem:$0x3F9A];
	s0 =	simm.s32 @p1 $0x1  }
0x15: {  	[smem:$0x3FB7] =	sst s0;
	s0 =	simm.s32 @!p2 $0x0  }
0x16: {  	s3 =	sld [smem:$0x3FDB];
	s0 =	simm.s32 @p2 $0x1  }
0x17: {  	s4 =	simm.s32 $0x1BF5;
	[smem:$0x3FB9] =	sst s0  }
0x18: {  	s0 =	sld [smem:$0x3F9C];
	_ =	swait.ge [sflag:s4], $0x0  }
0x19: {  	s7 =	sld [smem:$0x3F9D]  }
0x1a: {  	s8 =	sadd.s32 $0xFFFFE003, lr  }
0x1b: {  	s9 =	sadd.s32 $0xFFFFFEF7, lr;
	s5 =	simm.s32 $0xFFFFFFFF;
	p2 =	slt.u32 s8, $0xFFFFF086  }
0x1c: {  	p1 =	slt.u32 s9, $0xF7A;
	s5 =	simm.s32 @!p2 $0x0  }
0x1d: {  	s5 =	simm.s32 @p1 $0x1;
	p0 =	seq.s32 s7, s2  }
0x1e: {  	s7 =	smul.u32 @!p0 $0xF7A, s2;
	p2 =	seq.s32 @!p0 s5, $0x0  }
0x1f: {  	s9 =	smul.u32 $0xF7A, s1;
	s8 =	simm.s32 @!p0 $0x1BF5;
	p2 =	por !p2, p0  }
0x20: {  	[sflag:s8] =	ssyncset.s32 @!p0 $0xFFFFF086;
	s6 =	sadd.s32 @!p0 s3, s7;
	s7 =	simm.s32 @!p0 $0x108  }
0x21: {  	s3 =	sadd.s32 s3, s9;
	s6 =	sadd.s32 @!p0 $0x88, s6;
	s7 =	simm.s32 @p2 $0x1082  }
0x22: {  	[simem:s7], [sflag:s8] =	dma.local @!p0 [hbm:s6], $0xF7A  }
0x23: {  	s9 =	sor.u32 $0xD0000000, s2;
	s6 =	simm.s32 $0x108;
	_ =	swait.ge @!p0 [sflag:s8], $0x0  }
0x24: {  	s3 =	sadd.s32 $0x88, s3;
	s6 =	simm.s32 @!p1 $0x1082;
	[sflag:s4] =	ssyncset.s32 $0xFFFFF086  }
0x25: {  	[simem:s6], [sflag:s4] =	dma.local [hbm:s3], $0xF7A  }
0x26: {  	[smem:$0x3F9D] =	sst s1;
	(tag) =	ssettag s2;
	_ =	strace s9  }
0x27: {  	s1 =	sld [smem:$0x3FAD]  }
0x28: {  	s2 =	sld [smem:$0x3FAE]  }
0x29: {  	s4 =	sld [smem:$0x3FB0]  }
0x2a: {  	p0 =	seq.s32 s5, $0x0;
	s5 =	sld [smem:$0x3FB1]  }
0x2b: {  	s6 =	sld [smem:$0x3FB2]  }
0x2c: {  	s7 =	sld [smem:$0x3FB3]  }
0x2d: {  	s3 =	simm.s32 $0x108;
	s8 =	sld [smem:$0x3FB4]  }
0x2e: {  	s3 =	simm.s32 @!p0 $0x1082;
	s9 =	sld [smem:$0x3FB5]  }
0x2f: {  	lr =	sadd.s32 s0, s3;
	s0 =	sld [smem:$0x3FAC]  }
0x30: {  	s3 =	sld [smem:$0x3FAF]  }
0x31: {  	[smem:$0x3FB8] =	sst s10  }
0x32: {  	s10 =	sld [smem:$0x3FB6];
	_ =	sdelay $0x3  }
0x33: {  	p0 =	seq.s32 s10, $0x1;
	s10 =	sld [smem:$0x3FB8];
	_ =	sdelay $0x3  }
0x34: {  	[smem:$0x3FB8] =	sst s10  }
0x35: {  	s10 =	sld [smem:$0x3FB7];
	_ =	sdelay $0x3  }
0x36: {  	p1 =	seq.s32 s10, $0x1;
	s10 =	sld [smem:$0x3FB8];
	_ =	sdelay $0x3  }
0x37: {  	[smem:$0x3FB8] =	sst s10  }
0x38: {  	s10 =	sld [smem:$0x3FB9]  }
0x39: {  	_ = 	snop;
	(pc) =	sbr.ind lr, $3  }
0x3a: {  	_ = 	snop  }
0x3b: {  	_ = 	snop  }
0x3c: {  	p2 =	seq.s32 s10, $0x1;
	s10 =	sld [smem:$0x3FB8]  }
0x3d: {  	_ =	shalt  }
0x3e: {  	_ =	shalt  }
0x3f: {  	_ =	shalt  }
0x40: {  	_ =	shalt  }
0x41: {  	_ =	shalt  }
0x42: {  	_ =	shalt  }
0x43: {  	_ =	shalt  }
0x44: {  	_ =	shalt  }
0x45: {  	_ =	shalt  }
0x46: {  	_ =	shalt  }
0x47: {  	_ =	shalt  }
0x48: {  	_ =	shalt  }
0x49: {  	_ =	shalt  }
0x4a: {  	_ =	shalt  }
0x4b: {  	_ =	shalt  }
0x4c: {  	_ =	shalt  }
0x4d: {  	_ =	shalt  }
0x4e: {  	_ =	shalt  }
0x4f: {  	_ =	shalt  }
0x50: {  	_ =	shalt  }
0x51: {  	_ =	shalt  }
0x52: {  	_ =	shalt  }
0x53: {  	_ =	shalt  }
0x54: {  	_ =	shalt  }
0x55: {  	_ =	shalt  }
0x56: {  	_ =	shalt  }
0x57: {  	_ =	shalt  }
0x58: {  	_ =	shalt  }
0x59: {  	_ =	shalt  }
0x5a: {  	_ =	shalt  }
0x5b: {  	_ =	shalt  }
0x5c: {  	_ =	shalt  }
0x5d: {  	_ =	shalt  }
0x5e: {  	_ =	shalt  }
0x5f: {  	_ =	shalt  }
0x60: {  	_ =	shalt  }
0x61: {  	_ =	shalt  }
0x62: {  	_ =	shalt  }
0x63: {  	_ =	shalt  }
0x64: {  	_ =	shalt  }
0x65: {  	_ =	shalt  }
0x66: {  	_ =	shalt  }
0x67: {  	_ =	shalt  }
0x68: {  	_ =	shalt  }
0x69: {  	_ =	shalt  }
0x6a: {  	_ =	shalt  }
0x6b: {  	_ =	shalt  }
0x6c: {  	_ =	shalt  }
0x6d: {  	_ =	shalt  }
0x6e: {  	_ =	shalt  }
0x6f: {  	_ =	shalt  }
0x70: {  	_ =	shalt  }
0x71: {  	_ =	shalt  }
0x72: {  	_ =	shalt  }
0x73: {  	_ =	shalt  }
0x74: {  	_ =	shalt  }
0x75: {  	_ =	shalt  }
0x76: {  	_ =	shalt  }
0x77: {  	_ =	shalt  }
0x78: {  	_ =	shalt  }
0x79: {  	_ =	shalt  }
0x7a: {  	_ =	shalt  }
0x7b: {  	_ =	shalt  }
0x7c: {  	_ =	shalt  }
0x7d: {  	_ =	shalt  }
0x7e: {  	_ =	shalt  }
0x7f: {  	_ =	shalt  }
0x80: {  	_ =	shalt  }
0x81: {  	_ =	shalt  }
0x82: {  	_ =	shalt  }
0x83: {  	_ =	shalt  }
0x84: {  	_ =	shalt  }
0x85: {  	_ =	shalt  }
0x86: {  	_ =	shalt  }
0x87: {  	_ =	shalt  }
.Lfunc_end0:
.L_simem_size_0:
called_computation_lowered:
.L_overlay_start_0:
0x88: {  	s2 =	sld [smem:$0x3FD9]  }
0x89: {  	s3 =	sld [smem:$0x3FFE];
	_ =	sdelay $0x1  }
0x8a: {  	s1 =	srdreg.scid  }
0x8b: {  	s0 =	sand.u32 $0x1, s1  }
0x8c: {  	s16 =	sshll.u32 s0, $0xA;
	s2 =	sadd.s32 s3, s2  }
0x8d: {  	s2 =	sadd.s32 s2, s16  }
0x8e: {  	[smem:$0x3FC4] =	sst s2  }
0x8f: {  	_ = 	snop  }
0x90: {  	(tm) =	ssettm $0x1  }
0x91: {  	s17 =	sld [smem:$0x3FFB];
	_ =	sdelay $0x3  }
0x92: {  	_ =	strace s17  }
0x93: {  	s2 =	sld [smem:$0x3FFC];
	_ =	sdelay $0x3  }
0x94: {  	_ =	strace s2  }
0x95: {  	s2 =	sld [smem:$0x3FFD];
	_ =	sdelay $0x3  }
0x96: {  	_ =	strace s2  }
0x97: {  	_ =	strace $0x8FFFFFFF  }
0x98: {  	s18 =	sld [smem:$0x3FDB];
	_ =	sdelay $0x1  }
0x99: {  	s19 =	simm.s32 $_scs_section_size  }
0x9a: {  	s4 =	simm.s32 $_size__tile_overlayer_lowered;
	s5 =	simm.s32 $_tile_overlayer_lowered  }
0x9b: {  	s22 =	simm.s32 $0x1BFF;
	s21 =	sshll.u32 s5, $0x1;
	s2 =	sadd.s32 s19, s18  }
0x9c: {  	s6 =	simm.s32 $0x0;
	s20 =	sshll.u32 s4, $0x1;
	s4 =	sadd.s32 s21, s2  }
0x9d: {  	[timem:s6], [sflag:s22] =	dma.local [hbm:s4], s20  }
0x9e: {  	_ =	swait.ge [sflag:s22], s20  }
0x9f: {  	s3 =	ssub.s32 $0x0, s20;
	[sflag:s22] =	ssyncset.done $0x0  }
0xa0: {  	[sflag:s22] =	ssyncadd.s32 s3;
	_ =	sdelay $0x1  }
0xa1: {  	s23 =	simm.s32 $0x1B8B  }
0xa2: {  	_ =	swait.ge [sflag:s23], $0x1  }
0xa3: {  	[sflag:s23] =	ssyncset.done $0x0  }
0xa4: {  	s25 =	simm.s32 $0x1B8E;
	s24 =	sld [smem:$0x3FFE];
	[sflag:s23] =	ssyncadd.s32 $0xFFFFFFFF  }
0xa5: {  	s26 =	simm.s32 $execute0_lowered;
	[smem:$0x3FD2] =	sst s25  }
0xa6: {  	s4 =	sshll.u32 s26, $0x1;
	_ =	strace $0x80000046;
	[dreg:$0x1] =	wrdreg $0xFFFFFFFF  }
0xa7: {  	s28 =	simm.s32 $_size_execute0_lowered;
	s2 =	sadd.s32 s2, s4;
	[dreg:$0x0] =	wrdreg $0x0  }
0xa8: {  	s4 =	sshll.u32 s28, $0x1;
	[dreg:$0x2] =	wrdreg s2  }
0xa9: {  	[dreg:$0x3] =	wrdreg s4  }
0xaa: {  	[dreg:$0x4] =	wrdreg $0xC0  }
0xab: {  	_ =	task [dreg:s6], $0x5FFFF  }
0xac: {  	[dreg:$0x1] =	wrdreg $0xFFFFFFFF  }
0xad: {  	[dreg:$0x0] =	wrdreg $0x60  }
0xae: {  	[dreg:$0x2] =	wrdreg s24  }
0xaf: {  	[dreg:$0x3] =	wrdreg $0x9  }
0xb0: {  	_ =	task.clear_ibuf [dreg:s6], $0x4FFFF;
	_ =	strace $0x90000046  }
0xb1: {  	s29 =	simm.s32 $0x9;
	_ =	strace $0x80000048  }
0xb2: {  	_ =	swait.ge [sflag:s29], $0x1  }
0xb3: {  	[sflag:s29] =	ssyncadd.s32 $0xFFFFFFFF  }
0xb4: {  	_ =	strace $0x90000048  }
0xb5: {  	_ =	sfence  }
0xb6: {  	s30 =	sld [smem:$0x0];
	_ =	sdelay $0x2  }
0xb7: {  	s31 =	sshll.u32 s1, $0xD;
	s1 =	sshrl.u32 s1, $0x2  }
0xb8: {  	s3 =	sand.u32 $0x4000, s31;
	s1 =	sadd.s32 s1, s30  }
0xb9: {  	s0 =	sor.u32 s3, s0;
	s1 =	sshll.u32 s1, $0x11  }
0xba: {  	s0 =	sor.u32 s1, s0  }
0xbb: {  	s0 =	sadd.s32 $0x8F2B, s0  }
0xbc: {  	[sflag:s0] =	ssyncadd.remote.s32 $0x1  }
0xbd: {  	_ =	sfence.sel $0xFFFF  }
0xbe: {  	[dreg:$0x0] =	wrdreg $0xFFFFFFFF;
	(pc) =	sbr.abs _section_cstart, $3  }
0xbf: {  	[dreg:$0x1] =	wrdreg $0xFFFFFFFF  }
0xc0: {  	_ =	task.clear_ibuf [dreg:s6], $0x2FFFF;
	_ =	strace $0x9FFFFFFF  }
0xc1: {  	(tm) =	ssettm $0x7FFFFFFF  }
tec
execute0_lowered:
.L_overlay_start_1:
0x0: {  	(tag) =	ssettag $0x1  }
0x1: {  	s1 =	srdreg.scid;
	s0 =	stileid.u32  }
0x2: {  	s3 =	rddreg [dreg:$0x0];
	s2 =	simm.s32 $0x0;
	s15 =	simm.s32 $0x1  }
0x3: {  	s16 =	simm.s32 $0x14000;
	s17 =	simm.s32 $0x2;
	s18 =	simm.s32 $0x19000  }
0x4: {  	s19 =	simm.s32 $0x3;
	s4 =	sand.u32 $0x1, s1;
	s5 =	sshll.u32 s0, $0x1  }
0x5: {  	s21 =	simm.s32 $0x0;
	s1 =	rddreg [dreg:$0x1];
	s20 =	sor.u32 s4, s5  }
0x6: {  	[smem:$0x7FF] =	sst s2;
	s9 =	sadd.s32 $0x188A00, s3;
	s6 =	smul.u32 $0x280, s20  }
0x7: {  	s11 =	sadd.s32 $0x1E00, s3;
	s4 =	ssub.s32 $0x2, s4;
	s5 =	smul.u32 $0x1400, s20  }
0x8: {  	_ =	strace $0x80000047;
	s7 =	sshrl.u32 s4, $0x1;
	s8 =	smul.u32 $0xA00, s20  }
0x9: {  	p0 =	sgt.u32 s20, $0x1C;
	s20 =	simm.s32 $0x4;
	s13 =	ssub.s32 s4, s7  }
0xa: {  	s3 =	sadd.s32 s9, s5;
	s5 =	sadd.s32 s11, s8;
	s10 =	smin.u32 s6, $0x4421  }
.Ltmp0:
0xb: {  	s13 =	smax.u32 s13, $0x1;
	s4 =	sadd.s32 $0x28000, s3;
	(pc) =	sbr.rel .LBB2_1-.Ltmp0, $4  }
0xc: {  	s6 =	sadd.s32 $0x50000, s3;
	s7 =	sadd.s32 $0x14000, s5;
	s12 =	sshll.u32 s10, $0x3  }
0xd: {  	s8 =	sadd.s32 $0x78000, s3;
	s14 =	sshll.u32 s10, $0x2;
	s12 =	sadd.s32 s12, s9  }
0xe: {  	s9 =	sadd.s32 $0x28000, s5;
	s31 =	sadd.s32 s14, s11;
	s11 =	sadd.s32 $0x3C000, s5  }
0xf: {  	s14 =	simm.s32 $0xA000;
	s10 =	sadd.s32 $0xA0000, s12;
	s12 =	sadd.s32 $0x50000, s31  }
.LBB2_12:
0x10: {  	v0 =	vld [tilespmem:s22+$0x60]  }
0x11: {  	v1 =	vld [tilespmem:s22+$0x70];
	_ =	sdelay $0x4  }
0x12: {  	v0 =	vpack.i.f32.bf16 v1, v0  }
0x13: {  	[tilespmem:s24+$0x30] =	vst v0  }
0x14: {  	[hbm4b:s12+s2] =	stream.linear.scatter [tilespmem:s16], [sflag:$0x3], $0x5000, $0x38;
	[tilespmem:$0x1E000] =	vst v63  }
.LBB2_13:
0x15: {  	s21 =	sadd.s32 $0x1, s21  }
0x16: {  	_ =	swait.ge [sflag:s19], $0x5000;
	p1 =	sne.s32 s21, s13  }
.Ltmp1:
0x17: {  	[sflag:s19] =	ssyncset.done $0x0;
	(pc) =	sbr.rel @!p1 .LBB2_14-.Ltmp1, $4  }
0x18: {  	[sflag:s19] =	ssyncadd.s32 $0xFFFFB000  }
0x19: {  	_ =	swait.ge [sflag:s20], $0x5000  }
0x1a: {  	[sflag:s20] =	ssyncset.done $0x0  }
0x1b: {  	[sflag:s20] =	ssyncadd.s32 $0xFFFFB000  }
.LBB2_1:
0x1c: {  	[tilespmem:s2], [sflag:$0x1] =	stream.linear.gather [hbm4b:s3+s2], $0xA000, $0x38;
	[tilespmem:$0x1E000] =	vst v63  }
0x1d: {  	_ = 	snop  }
0x1e: {  	[tilespmem:s14], [sflag:$0x2] =	stream.linear.gather [hbm4b:s4+s2], $0xA000, $0x38;
	[tilespmem:$0x1E000] =	vst v63  }
0x1f: {  	_ =	swait.ge [sflag:s15], $0xA000  }
0x20: {  	[sflag:s15] =	ssyncset.done $0x0  }
0x21: {  	s22 =	simm.s32 $0x80;
	[sflag:s15] =	ssyncadd.s32 $0xFFFF6000  }
0x22: {  	v0 =	vld [tilespmem:s22+$0xFFFFFF80]  }
0x23: {  	v1 =	vld [tilespmem:s22+$0xFFFFFF90];
	_ =	sdelay $0x4  }
0x24: {  	s23 =	simm.s32 $0x14040;
	v0 =	vpack.i.f32.bf16 v1, v0  }
0x25: {  	[tilespmem:s23+$0xFFFFFFC0] =	vst v0  }
0x26: {  	v0 =	vld [tilespmem:s22+$0xFFFFFFB0]  }
0x27: {  	v58 =	vld [tilespmem:s22+$0xFFFFFFA0];
	_ =	sdelay $0x4  }
0x28: {  	v0 =	vpack.i.f32.bf16 v0, v58  }
0x29: {  	[tilespmem:s23+$0xFFFFFFD0] =	vst v0  }
0x2a: {  	v0 =	vld [tilespmem:s22+$0xFFFFFFC0]  }
0x2b: {  	v59 =	vld [tilespmem:s22+$0xFFFFFFD0];
	_ =	sdelay $0x4  }
0x2c: {  	v0 =	vpack.i.f32.bf16 v59, v0  }
0x2d: {  	[tilespmem:s23+$0xFFFFFFE0] =	vst v0  }
0x2e: {  	v0 =	vld [tilespmem:s22+$0xFFFFFFE0]  }
0x2f: {  	v60 =	vld [tilespmem:s22+$0xFFFFFFF0];
	_ =	sdelay $0x4  }
0x30: {  	v0 =	vpack.i.f32.bf16 v60, v0  }
0x31: {  	[tilespmem:s23+$0xFFFFFFF0] =	vst v0  }
0x32: {  	v0 =	vld [tilespmem:s22+$0x0]  }
0x33: {  	v61 =	vld [tilespmem:s22+$0x10];
	_ =	sdelay $0x4  }
0x34: {  	v0 =	vpack.i.f32.bf16 v61, v0  }
0x35: {  	[tilespmem:s23+$0x0] =	vst v0  }
0x36: {  	v0 =	vld [tilespmem:s22+$0x20]  }
0x37: {  	v62 =	vld [tilespmem:s22+$0x30];
	_ =	sdelay $0x4  }
0x38: {  	v0 =	vpack.i.f32.bf16 v62, v0  }
0x39: {  	[tilespmem:s23+$0x10] =	vst v0  }
0x3a: {  	v0 =	vld [tilespmem:s22+$0x40]  }
0x3b: {  	v63 =	vld [tilespmem:s22+$0x50];
	_ =	sdelay $0x4  }
0x3c: {  	v0 =	vpack.i.f32.bf16 v63, v0  }
0x3d: {  	s25 =	simm.s32 $0x0;
	s26 =	simm.s32 $0x80;
	s24 =	simm.s32 $0x14040;
	[tilespmem:s23+$0x20] =	vst v0  }
.LBB2_2:
0x3e: {  	s25 =	sadd.s32 $0x4, s25;
	v0 =	vld [tilespmem:s22+$0x60];
	s26 =	sadd.s32 $0x100, s26;
	s23 =	sadd.s32 $0x80, s23  }
0x3f: {  	p1 =	slt.u32 s25, $0x27C;
	v1 =	vld [tilespmem:s22+$0x70];
	s22 =	smov.u32 s26;
	_ =	sdelay $0x4  }
0x40: {  	v0 =	vpack.i.f32.bf16 v1, v0  }
0x41: {  	[tilespmem:s24+$0x30] =	vst v0;
	s24 =	smov.u32 s23  }
0x42: {  	v0 =	vld [tilespmem:s26+$0xFFFFFF80]  }
0x43: {  	v1 =	vld [tilespmem:s26+$0xFFFFFF90];
	_ =	sdelay $0x4  }
0x44: {  	v0 =	vpack.i.f32.bf16 v1, v0  }
0x45: {  	[tilespmem:s23+$0xFFFFFFC0] =	vst v0  }
0x46: {  	v0 =	vld [tilespmem:s26+$0xFFFFFFB0]  }
0x47: {  	v1 =	vld [tilespmem:s26+$0xFFFFFFA0];
	_ =	sdelay $0x4  }
0x48: {  	v0 =	vpack.i.f32.bf16 v0, v1  }
0x49: {  	[tilespmem:s23+$0xFFFFFFD0] =	vst v0  }
0x4a: {  	v0 =	vld [tilespmem:s26+$0xFFFFFFC0]  }
0x4b: {  	v1 =	vld [tilespmem:s26+$0xFFFFFFD0];
	_ =	sdelay $0x4  }
0x4c: {  	v0 =	vpack.i.f32.bf16 v1, v0  }
0x4d: {  	[tilespmem:s23+$0xFFFFFFE0] =	vst v0  }
0x4e: {  	v0 =	vld [tilespmem:s26+$0xFFFFFFE0]  }
0x4f: {  	v1 =	vld [tilespmem:s26+$0xFFFFFFF0];
	_ =	sdelay $0x4  }
0x50: {  	v0 =	vpack.i.f32.bf16 v1, v0  }
0x51: {  	[tilespmem:s23+$0xFFFFFFF0] =	vst v0  }
0x52: {  	v0 =	vld [tilespmem:s26+$0x0]  }
0x53: {  	v1 =	vld [tilespmem:s26+$0x10];
	_ =	sdelay $0x4  }
0x54: {  	v0 =	vpack.i.f32.bf16 v1, v0  }
0x55: {  	[tilespmem:s23+$0x0] =	vst v0  }
0x56: {  	v0 =	vld [tilespmem:s26+$0x20]  }
0x57: {  	v1 =	vld [tilespmem:s26+$0x30];
	_ =	sdelay $0x4  }
0x58: {  	v0 =	vpack.i.f32.bf16 v1, v0  }
0x59: {  	[tilespmem:s23+$0x10] =	vst v0  }
0x5a: {  	v0 =	vld [tilespmem:s26+$0x40]  }
0x5b: {  	v1 =	vld [tilespmem:s26+$0x50];
	_ =	sdelay $0x1  }
.Ltmp2:
0x5c: {  	(pc) =	sbr.rel @p1 .LBB2_2-.Ltmp2, $3  }
0x5d: {  	_ =	sdelay $0x1  }
0x5e: {  	v0 =	vpack.i.f32.bf16 v1, v0  }
0x5f: {  	[tilespmem:s23+$0x20] =	vst v0  }
0x60: {  	v0 =	vld [tilespmem:s22+$0x60]  }
0x61: {  	v1 =	vld [tilespmem:s22+$0x70];
	_ =	sdelay $0x4  }
0x62: {  	v0 =	vpack.i.f32.bf16 v1, v0  }
0x63: {  	[tilespmem:s24+$0x30] =	vst v0  }
0x64: {  	[hbm4b:s5+s2] =	stream.linear.scatter [tilespmem:s16], [sflag:$0x3], $0x5000, $0x38;
	[tilespmem:$0x1E000] =	vst v63  }
0x65: {  	_ = 	snop  }
0x66: {  	[tilespmem:s2], [sflag:$0x1] =	stream.linear.gather [hbm4b:s6+s2], $0xA000, $0x38;
	[tilespmem:$0x1E000] =	vst v63  }
0x67: {  	_ =	swait.ge [sflag:s17], $0xA000  }
0x68: {  	[sflag:s17] =	ssyncset.done $0x0  }
0x69: {  	s22 =	simm.s32 $0xA080;
	[sflag:s17] =	ssyncadd.s32 $0xFFFF6000  }
0x6a: {  	v56 =	vld [tilespmem:s22+$0xFFFFFF80]  }
0x6b: {  	v57 =	vld [tilespmem:s22+$0xFFFFFF90];
	_ =	sdelay $0x4  }
0x6c: {  	s23 =	simm.s32 $0x19040;
	v0 =	vpack.i.f32.bf16 v57, v56  }
0x6d: {  	[tilespmem:s23+$0xFFFFFFC0] =	vst v0  }
0x6e: {  	v0 =	vld [tilespmem:s22+$0xFFFFFFB0]  }
0x6f: {  	v58 =	vld [tilespmem:s22+$0xFFFFFFA0];
	_ =	sdelay $0x4  }
0x70: {  	v0 =	vpack.i.f32.bf16 v0, v58  }
0x71: {  	[tilespmem:s23+$0xFFFFFFD0] =	vst v0  }
0x72: {  	v0 =	vld [tilespmem:s22+$0xFFFFFFC0]  }
0x73: {  	v59 =	vld [tilespmem:s22+$0xFFFFFFD0];
	_ =	sdelay $0x4  }
0x74: {  	v0 =	vpack.i.f32.bf16 v59, v0  }
0x75: {  	[tilespmem:s23+$0xFFFFFFE0] =	vst v0  }
0x76: {  	v0 =	vld [tilespmem:s22+$0xFFFFFFE0]  }
0x77: {  	v60 =	vld [tilespmem:s22+$0xFFFFFFF0];
	_ =	sdelay $0x4  }
0x78: {  	v0 =	vpack.i.f32.bf16 v60, v0  }
0x79: {  	[tilespmem:s23+$0xFFFFFFF0] =	vst v0  }
0x7a: {  	v0 =	vld [tilespmem:s22+$0x0]  }
0x7b: {  	v61 =	vld [tilespmem:s22+$0x10];
	_ =	sdelay $0x4  }
0x7c: {  	v0 =	vpack.i.f32.bf16 v61, v0  }
0x7d: {  	[tilespmem:s23+$0x0] =	vst v0  }
0x7e: {  	v0 =	vld [tilespmem:s22+$0x20]  }
0x7f: {  	v62 =	vld [tilespmem:s22+$0x30];
	_ =	sdelay $0x4  }
0x80: {  	v0 =	vpack.i.f32.bf16 v62, v0  }
0x81: {  	[tilespmem:s23+$0x10] =	vst v0  }
0x82: {  	v0 =	vld [tilespmem:s22+$0x40]  }
0x83: {  	v63 =	vld [tilespmem:s22+$0x50];
	_ =	sdelay $0x4  }
0x84: {  	v0 =	vpack.i.f32.bf16 v63, v0  }
0x85: {  	s25 =	simm.s32 $0x0;
	s26 =	simm.s32 $0xA080;
	s24 =	simm.s32 $0x19040;
	[tilespmem:s23+$0x20] =	vst v0  }
.LBB2_4:
0x86: {  	s25 =	sadd.s32 $0x4, s25;
	v0 =	vld [tilespmem:s22+$0x60];
	s26 =	sadd.s32 $0x100, s26;
	s23 =	sadd.s32 $0x80, s23  }
0x87: {  	p1 =	slt.u32 s25, $0x27C;
	v1 =	vld [tilespmem:s22+$0x70];
	s22 =	smov.u32 s26;
	_ =	sdelay $0x4  }
0x88: {  	v0 =	vpack.i.f32.bf16 v1, v0  }
0x89: {  	[tilespmem:s24+$0x30] =	vst v0;
	s24 =	smov.u32 s23  }
0x8a: {  	v0 =	vld [tilespmem:s26+$0xFFFFFF80]  }
0x8b: {  	v1 =	vld [tilespmem:s26+$0xFFFFFF90];
	_ =	sdelay $0x4  }
0x8c: {  	v0 =	vpack.i.f32.bf16 v1, v0  }
0x8d: {  	[tilespmem:s23+$0xFFFFFFC0] =	vst v0  }
0x8e: {  	v0 =	vld [tilespmem:s26+$0xFFFFFFB0]  }
0x8f: {  	v1 =	vld [tilespmem:s26+$0xFFFFFFA0];
	_ =	sdelay $0x4  }
0x90: {  	v0 =	vpack.i.f32.bf16 v0, v1  }
0x91: {  	[tilespmem:s23+$0xFFFFFFD0] =	vst v0  }
0x92: {  	v0 =	vld [tilespmem:s26+$0xFFFFFFC0]  }
0x93: {  	v1 =	vld [tilespmem:s26+$0xFFFFFFD0];
	_ =	sdelay $0x4  }
0x94: {  	v0 =	vpack.i.f32.bf16 v1, v0  }
0x95: {  	[tilespmem:s23+$0xFFFFFFE0] =	vst v0  }
0x96: {  	v0 =	vld [tilespmem:s26+$0xFFFFFFE0]  }
0x97: {  	v1 =	vld [tilespmem:s26+$0xFFFFFFF0];
	_ =	sdelay $0x4  }
0x98: {  	v0 =	vpack.i.f32.bf16 v1, v0  }
0x99: {  	[tilespmem:s23+$0xFFFFFFF0] =	vst v0  }
0x9a: {  	v0 =	vld [tilespmem:s26+$0x0]  }
0x9b: {  	v1 =	vld [tilespmem:s26+$0x10];
	_ =	sdelay $0x4  }
0x9c: {  	v0 =	vpack.i.f32.bf16 v1, v0  }
0x9d: {  	[tilespmem:s23+$0x0] =	vst v0  }
0x9e: {  	v0 =	vld [tilespmem:s26+$0x20]  }
0x9f: {  	v1 =	vld [tilespmem:s26+$0x30];
	_ =	sdelay $0x4  }
0xa0: {  	v0 =	vpack.i.f32.bf16 v1, v0  }
0xa1: {  	[tilespmem:s23+$0x10] =	vst v0  }
0xa2: {  	v0 =	vld [tilespmem:s26+$0x40]  }
0xa3: {  	v1 =	vld [tilespmem:s26+$0x50];
	_ =	sdelay $0x1  }
.Ltmp3:
0xa4: {  	(pc) =	sbr.rel @p1 .LBB2_4-.Ltmp3, $3  }
0xa5: {  	_ =	sdelay $0x1  }
0xa6: {  	v0 =	vpack.i.f32.bf16 v1, v0  }
0xa7: {  	[tilespmem:s23+$0x20] =	vst v0  }
0xa8: {  	v0 =	vld [tilespmem:s22+$0x60]  }
0xa9: {  	v1 =	vld [tilespmem:s22+$0x70];
	_ =	sdelay $0x4  }
0xaa: {  	v0 =	vpack.i.f32.bf16 v1, v0  }
0xab: {  	[tilespmem:s24+$0x30] =	vst v0  }
0xac: {  	[hbm4b:s7+s2] =	stream.linear.scatter [tilespmem:s18], [sflag:$0x4], $0x5000, $0x38;
	[tilespmem:$0x1E000] =	vst v63  }
0xad: {  	_ = 	snop  }
0xae: {  	[tilespmem:s14], [sflag:$0x2] =	stream.linear.gather [hbm4b:s8+s2], $0xA000, $0x38;
	[tilespmem:$0x1E000] =	vst v63  }
0xaf: {  	_ =	swait.ge [sflag:s15], $0xA000  }
0xb0: {  	[sflag:s15] =	ssyncset.done $0x0  }
0xb1: {  	[sflag:s15] =	ssyncadd.s32 $0xFFFF6000  }
0xb2: {  	_ =	swait.ge [sflag:s19], $0x5000  }
0xb3: {  	[sflag:s19] =	ssyncset.done $0x0  }
0xb4: {  	s22 =	simm.s32 $0x80;
	[sflag:s19] =	ssyncadd.s32 $0xFFFFB000  }
0xb5: {  	v56 =	vld [tilespmem:s22+$0xFFFFFF80]  }
0xb6: {  	v57 =	vld [tilespmem:s22+$0xFFFFFF90];
	_ =	sdelay $0x4  }
0xb7: {  	s23 =	simm.s32 $0x14040;
	v0 =	vpack.i.f32.bf16 v57, v56  }
0xb8: {  	[tilespmem:s23+$0xFFFFFFC0] =	vst v0  }
0xb9: {  	v0 =	vld [tilespmem:s22+$0xFFFFFFB0]  }
0xba: {  	v58 =	vld [tilespmem:s22+$0xFFFFFFA0];
	_ =	sdelay $0x4  }
0xbb: {  	v0 =	vpack.i.f32.bf16 v0, v58  }
0xbc: {  	[tilespmem:s23+$0xFFFFFFD0] =	vst v0  }
0xbd: {  	v0 =	vld [tilespmem:s22+$0xFFFFFFC0]  }
0xbe: {  	v59 =	vld [tilespmem:s22+$0xFFFFFFD0];
	_ =	sdelay $0x4  }
0xbf: {  	v0 =	vpack.i.f32.bf16 v59, v0  }
0xc0: {  	[tilespmem:s23+$0xFFFFFFE0] =	vst v0  }
0xc1: {  	v0 =	vld [tilespmem:s22+$0xFFFFFFE0]  }
0xc2: {  	v60 =	vld [tilespmem:s22+$0xFFFFFFF0];
	_ =	sdelay $0x4  }
0xc3: {  	v0 =	vpack.i.f32.bf16 v60, v0  }
0xc4: {  	[tilespmem:s23+$0xFFFFFFF0] =	vst v0  }
0xc5: {  	v0 =	vld [tilespmem:s22+$0x0]  }
0xc6: {  	v61 =	vld [tilespmem:s22+$0x10];
	_ =	sdelay $0x4  }
0xc7: {  	v0 =	vpack.i.f32.bf16 v61, v0  }
0xc8: {  	[tilespmem:s23+$0x0] =	vst v0  }
0xc9: {  	v0 =	vld [tilespmem:s22+$0x20]  }
0xca: {  	v62 =	vld [tilespmem:s22+$0x30];
	_ =	sdelay $0x4  }
0xcb: {  	v0 =	vpack.i.f32.bf16 v62, v0  }
0xcc: {  	[tilespmem:s23+$0x10] =	vst v0  }
0xcd: {  	v0 =	vld [tilespmem:s22+$0x40]  }
0xce: {  	v63 =	vld [tilespmem:s22+$0x50];
	_ =	sdelay $0x4  }
0xcf: {  	v0 =	vpack.i.f32.bf16 v63, v0  }
0xd0: {  	s25 =	simm.s32 $0x0;
	s26 =	simm.s32 $0x80;
	s24 =	simm.s32 $0x14040;
	[tilespmem:s23+$0x20] =	vst v0  }
.LBB2_6:
0xd1: {  	s25 =	sadd.s32 $0x4, s25;
	v0 =	vld [tilespmem:s22+$0x60];
	s26 =	sadd.s32 $0x100, s26;
	s23 =	sadd.s32 $0x80, s23  }
0xd2: {  	p1 =	slt.u32 s25, $0x27C;
	v1 =	vld [tilespmem:s22+$0x70];
	s22 =	smov.u32 s26;
	_ =	sdelay $0x4  }
0xd3: {  	v0 =	vpack.i.f32.bf16 v1, v0  }
0xd4: {  	[tilespmem:s24+$0x30] =	vst v0;
	s24 =	smov.u32 s23  }
0xd5: {  	v0 =	vld [tilespmem:s26+$0xFFFFFF80]  }
0xd6: {  	v1 =	vld [tilespmem:s26+$0xFFFFFF90];
	_ =	sdelay $0x4  }
0xd7: {  	v0 =	vpack.i.f32.bf16 v1, v0  }
0xd8: {  	[tilespmem:s23+$0xFFFFFFC0] =	vst v0  }
0xd9: {  	v0 =	vld [tilespmem:s26+$0xFFFFFFB0]  }
0xda: {  	v1 =	vld [tilespmem:s26+$0xFFFFFFA0];
	_ =	sdelay $0x4  }
0xdb: {  	v0 =	vpack.i.f32.bf16 v0, v1  }
0xdc: {  	[tilespmem:s23+$0xFFFFFFD0] =	vst v0  }
0xdd: {  	v0 =	vld [tilespmem:s26+$0xFFFFFFC0]  }
0xde: {  	v1 =	vld [tilespmem:s26+$0xFFFFFFD0];
	_ =	sdelay $0x4  }
0xdf: {  	v0 =	vpack.i.f32.bf16 v1, v0  }
0xe0: {  	[tilespmem:s23+$0xFFFFFFE0] =	vst v0  }
0xe1: {  	v0 =	vld [tilespmem:s26+$0xFFFFFFE0]  }
0xe2: {  	v1 =	vld [tilespmem:s26+$0xFFFFFFF0];
	_ =	sdelay $0x4  }
0xe3: {  	v0 =	vpack.i.f32.bf16 v1, v0  }
0xe4: {  	[tilespmem:s23+$0xFFFFFFF0] =	vst v0  }
0xe5: {  	v0 =	vld [tilespmem:s26+$0x0]  }
0xe6: {  	v1 =	vld [tilespmem:s26+$0x10];
	_ =	sdelay $0x4  }
0xe7: {  	v0 =	vpack.i.f32.bf16 v1, v0  }
0xe8: {  	[tilespmem:s23+$0x0] =	vst v0  }
0xe9: {  	v0 =	vld [tilespmem:s26+$0x20]  }
0xea: {  	v1 =	vld [tilespmem:s26+$0x30];
	_ =	sdelay $0x4  }
0xeb: {  	v0 =	vpack.i.f32.bf16 v1, v0  }
0xec: {  	[tilespmem:s23+$0x10] =	vst v0  }
0xed: {  	v0 =	vld [tilespmem:s26+$0x40]  }
0xee: {  	v1 =	vld [tilespmem:s26+$0x50];
	_ =	sdelay $0x1  }
.Ltmp4:
0xef: {  	(pc) =	sbr.rel @p1 .LBB2_6-.Ltmp4, $3  }
0xf0: {  	_ =	sdelay $0x1  }
0xf1: {  	v0 =	vpack.i.f32.bf16 v1, v0  }
0xf2: {  	[tilespmem:s23+$0x20] =	vst v0  }
0xf3: {  	v0 =	vld [tilespmem:s22+$0x60]  }
0xf4: {  	v1 =	vld [tilespmem:s22+$0x70];
	_ =	sdelay $0x4  }
0xf5: {  	v0 =	vpack.i.f32.bf16 v1, v0  }
0xf6: {  	[tilespmem:s24+$0x30] =	vst v0  }
0xf7: {  	[hbm4b:s9+s2] =	stream.linear.scatter [tilespmem:s16], [sflag:$0x3], $0x5000, $0x38;
	[tilespmem:$0x1E000] =	vst v63  }
0xf8: {  	s22 =	simm.s32 @!p0 $0x0  }
0xf9: {  	[tilespmem:s22], [sflag:$0x1] =	stream.linear.gather @!p0 [hbm4b:s10+s22], $0xA000, $0x38;
	[tilespmem:$0x1E000] =	vst v63  }
0xfa: {  	_ =	swait.ge [sflag:s17], $0xA000  }
0xfb: {  	[sflag:s17] =	ssyncset.done $0x0  }
0xfc: {  	[sflag:s17] =	ssyncadd.s32 $0xFFFF6000  }
0xfd: {  	_ =	swait.ge [sflag:s20], $0x5000  }
0xfe: {  	[sflag:s20] =	ssyncset.done $0x0  }
0xff: {  	s22 =	simm.s32 $0xA080;
	[sflag:s20] =	ssyncadd.s32 $0xFFFFB000  }
0x100: {  	v56 =	vld [tilespmem:s22+$0xFFFFFF80]  }
0x101: {  	v57 =	vld [tilespmem:s22+$0xFFFFFF90];
	_ =	sdelay $0x4  }
0x102: {  	s23 =	simm.s32 $0x19040;
	v0 =	vpack.i.f32.bf16 v57, v56  }
0x103: {  	[tilespmem:s23+$0xFFFFFFC0] =	vst v0  }
0x104: {  	v0 =	vld [tilespmem:s22+$0xFFFFFFB0]  }
0x105: {  	v58 =	vld [tilespmem:s22+$0xFFFFFFA0];
	_ =	sdelay $0x4  }
0x106: {  	v0 =	vpack.i.f32.bf16 v0, v58  }
0x107: {  	[tilespmem:s23+$0xFFFFFFD0] =	vst v0  }
0x108: {  	v0 =	vld [tilespmem:s22+$0xFFFFFFC0]  }
0x109: {  	v59 =	vld [tilespmem:s22+$0xFFFFFFD0];
	_ =	sdelay $0x4  }
0x10a: {  	v0 =	vpack.i.f32.bf16 v59, v0  }
0x10b: {  	[tilespmem:s23+$0xFFFFFFE0] =	vst v0  }
0x10c: {  	v0 =	vld [tilespmem:s22+$0xFFFFFFE0]  }
0x10d: {  	v60 =	vld [tilespmem:s22+$0xFFFFFFF0];
	_ =	sdelay $0x4  }
0x10e: {  	v0 =	vpack.i.f32.bf16 v60, v0  }
0x10f: {  	[tilespmem:s23+$0xFFFFFFF0] =	vst v0  }
0x110: {  	v0 =	vld [tilespmem:s22+$0x0]  }
0x111: {  	v61 =	vld [tilespmem:s22+$0x10];
	_ =	sdelay $0x4  }
0x112: {  	v0 =	vpack.i.f32.bf16 v61, v0  }
0x113: {  	[tilespmem:s23+$0x0] =	vst v0  }
0x114: {  	v0 =	vld [tilespmem:s22+$0x20]  }
0x115: {  	v62 =	vld [tilespmem:s22+$0x30];
	_ =	sdelay $0x4  }
0x116: {  	v0 =	vpack.i.f32.bf16 v62, v0  }
0x117: {  	[tilespmem:s23+$0x10] =	vst v0  }
0x118: {  	v0 =	vld [tilespmem:s22+$0x40]  }
0x119: {  	v63 =	vld [tilespmem:s22+$0x50];
	_ =	sdelay $0x4  }
0x11a: {  	v0 =	vpack.i.f32.bf16 v63, v0  }
0x11b: {  	s25 =	simm.s32 $0x0;
	s26 =	simm.s32 $0xA080;
	s24 =	simm.s32 $0x19040;
	[tilespmem:s23+$0x20] =	vst v0  }
.LBB2_8:
0x11c: {  	s25 =	sadd.s32 $0x4, s25;
	v0 =	vld [tilespmem:s22+$0x60];
	s26 =	sadd.s32 $0x100, s26;
	s23 =	sadd.s32 $0x80, s23  }
0x11d: {  	p1 =	slt.u32 s25, $0x27C;
	v1 =	vld [tilespmem:s22+$0x70];
	s22 =	smov.u32 s26;
	_ =	sdelay $0x4  }
0x11e: {  	v0 =	vpack.i.f32.bf16 v1, v0  }
0x11f: {  	[tilespmem:s24+$0x30] =	vst v0;
	s24 =	smov.u32 s23  }
0x120: {  	v0 =	vld [tilespmem:s26+$0xFFFFFF80]  }
0x121: {  	v1 =	vld [tilespmem:s26+$0xFFFFFF90];
	_ =	sdelay $0x4  }
0x122: {  	v0 =	vpack.i.f32.bf16 v1, v0  }
0x123: {  	[tilespmem:s23+$0xFFFFFFC0] =	vst v0  }
0x124: {  	v0 =	vld [tilespmem:s26+$0xFFFFFFB0]  }
0x125: {  	v1 =	vld [tilespmem:s26+$0xFFFFFFA0];
	_ =	sdelay $0x4  }
0x126: {  	v0 =	vpack.i.f32.bf16 v0, v1  }
0x127: {  	[tilespmem:s23+$0xFFFFFFD0] =	vst v0  }
0x128: {  	v0 =	vld [tilespmem:s26+$0xFFFFFFC0]  }
0x129: {  	v1 =	vld [tilespmem:s26+$0xFFFFFFD0];
	_ =	sdelay $0x4  }
0x12a: {  	v0 =	vpack.i.f32.bf16 v1, v0  }
0x12b: {  	[tilespmem:s23+$0xFFFFFFE0] =	vst v0  }
0x12c: {  	v0 =	vld [tilespmem:s26+$0xFFFFFFE0]  }
0x12d: {  	v1 =	vld [tilespmem:s26+$0xFFFFFFF0];
	_ =	sdelay $0x4  }
0x12e: {  	v0 =	vpack.i.f32.bf16 v1, v0  }
0x12f: {  	[tilespmem:s23+$0xFFFFFFF0] =	vst v0  }
0x130: {  	v0 =	vld [tilespmem:s26+$0x0]  }
0x131: {  	v1 =	vld [tilespmem:s26+$0x10];
	_ =	sdelay $0x4  }
0x132: {  	v0 =	vpack.i.f32.bf16 v1, v0  }
0x133: {  	[tilespmem:s23+$0x0] =	vst v0  }
0x134: {  	v0 =	vld [tilespmem:s26+$0x20]  }
0x135: {  	v1 =	vld [tilespmem:s26+$0x30];
	_ =	sdelay $0x4  }
0x136: {  	v0 =	vpack.i.f32.bf16 v1, v0  }
0x137: {  	[tilespmem:s23+$0x10] =	vst v0  }
0x138: {  	v0 =	vld [tilespmem:s26+$0x40]  }
0x139: {  	v1 =	vld [tilespmem:s26+$0x50];
	_ =	sdelay $0x1  }
.Ltmp5:
0x13a: {  	(pc) =	sbr.rel @p1 .LBB2_8-.Ltmp5, $3  }
0x13b: {  	_ =	sdelay $0x1  }
0x13c: {  	v0 =	vpack.i.f32.bf16 v1, v0  }
0x13d: {  	[tilespmem:s23+$0x20] =	vst v0  }
0x13e: {  	v0 =	vld [tilespmem:s22+$0x60]  }
0x13f: {  	v1 =	vld [tilespmem:s22+$0x70];
	_ =	sdelay $0x2  }
.Ltmp6:
0x140: {  	_ = 	snop;
	(pc) =	sbr.rel @p0 .LBB2_13-.Ltmp6, $4  }
0x141: {  	_ = 	snop  }
0x142: {  	v0 =	vpack.i.f32.bf16 v1, v0  }
0x143: {  	[tilespmem:s24+$0x30] =	vst v0  }
0x144: {  	[hbm4b:s11+s2] =	stream.linear.scatter [tilespmem:s18], [sflag:$0x4], $0x5000, $0x38;
	[tilespmem:$0x1E000] =	vst v63  }
0x145: {  	_ =	swait.ge [sflag:s15], $0xA000  }
0x146: {  	[sflag:s15] =	ssyncset.done $0x0  }
0x147: {  	[sflag:s15] =	ssyncadd.s32 $0xFFFF6000  }
0x148: {  	_ =	swait.ge [sflag:s19], $0x5000  }
0x149: {  	[sflag:s19] =	ssyncset.done $0x0  }
0x14a: {  	s22 =	simm.s32 $0x80;
	[sflag:s19] =	ssyncadd.s32 $0xFFFFB000  }
0x14b: {  	v0 =	vld [tilespmem:s22+$0xFFFFFF80]  }
0x14c: {  	v1 =	vld [tilespmem:s22+$0xFFFFFF90];
	_ =	sdelay $0x4  }
0x14d: {  	s23 =	simm.s32 $0x14040;
	v0 =	vpack.i.f32.bf16 v1, v0  }
0x14e: {  	[tilespmem:s23+$0xFFFFFFC0] =	vst v0  }
0x14f: {  	v0 =	vld [tilespmem:s22+$0xFFFFFFB0]  }
0x150: {  	v58 =	vld [tilespmem:s22+$0xFFFFFFA0];
	_ =	sdelay $0x4  }
0x151: {  	v0 =	vpack.i.f32.bf16 v0, v58  }
0x152: {  	[tilespmem:s23+$0xFFFFFFD0] =	vst v0  }
0x153: {  	v0 =	vld [tilespmem:s22+$0xFFFFFFC0]  }
0x154: {  	v59 =	vld [tilespmem:s22+$0xFFFFFFD0];
	_ =	sdelay $0x4  }
0x155: {  	v0 =	vpack.i.f32.bf16 v59, v0  }
0x156: {  	[tilespmem:s23+$0xFFFFFFE0] =	vst v0  }
0x157: {  	v0 =	vld [tilespmem:s22+$0xFFFFFFE0]  }
0x158: {  	v60 =	vld [tilespmem:s22+$0xFFFFFFF0];
	_ =	sdelay $0x4  }
0x159: {  	v0 =	vpack.i.f32.bf16 v60, v0  }
0x15a: {  	[tilespmem:s23+$0xFFFFFFF0] =	vst v0  }
0x15b: {  	v0 =	vld [tilespmem:s22+$0x0]  }
0x15c: {  	v61 =	vld [tilespmem:s22+$0x10];
	_ =	sdelay $0x4  }
0x15d: {  	v0 =	vpack.i.f32.bf16 v61, v0  }
0x15e: {  	[tilespmem:s23+$0x0] =	vst v0  }
0x15f: {  	v0 =	vld [tilespmem:s22+$0x20]  }
0x160: {  	v62 =	vld [tilespmem:s22+$0x30];
	_ =	sdelay $0x4  }
0x161: {  	v0 =	vpack.i.f32.bf16 v62, v0  }
0x162: {  	[tilespmem:s23+$0x10] =	vst v0  }
0x163: {  	v0 =	vld [tilespmem:s22+$0x40]  }
0x164: {  	v63 =	vld [tilespmem:s22+$0x50];
	_ =	sdelay $0x4  }
0x165: {  	v0 =	vpack.i.f32.bf16 v63, v0  }
0x166: {  	s25 =	simm.s32 $0x0;
	s26 =	simm.s32 $0x80;
	s24 =	simm.s32 $0x14040;
	[tilespmem:s23+$0x20] =	vst v0  }
.LBB2_11:
0x167: {  	s25 =	sadd.s32 $0x4, s25;
	v0 =	vld [tilespmem:s22+$0x60];
	s26 =	sadd.s32 $0x100, s26;
	s23 =	sadd.s32 $0x80, s23  }
0x168: {  	p1 =	slt.u32 s25, $0x27C;
	v1 =	vld [tilespmem:s22+$0x70];
	s22 =	smov.u32 s26;
	_ =	sdelay $0x4  }
0x169: {  	v0 =	vpack.i.f32.bf16 v1, v0  }
0x16a: {  	[tilespmem:s24+$0x30] =	vst v0;
	s24 =	smov.u32 s23  }
0x16b: {  	v0 =	vld [tilespmem:s26+$0xFFFFFF80]  }
0x16c: {  	v1 =	vld [tilespmem:s26+$0xFFFFFF90];
	_ =	sdelay $0x4  }
0x16d: {  	v0 =	vpack.i.f32.bf16 v1, v0  }
0x16e: {  	[tilespmem:s23+$0xFFFFFFC0] =	vst v0  }
0x16f: {  	v0 =	vld [tilespmem:s26+$0xFFFFFFB0]  }
0x170: {  	v1 =	vld [tilespmem:s26+$0xFFFFFFA0];
	_ =	sdelay $0x4  }
0x171: {  	v0 =	vpack.i.f32.bf16 v0, v1  }
0x172: {  	[tilespmem:s23+$0xFFFFFFD0] =	vst v0  }
0x173: {  	v0 =	vld [tilespmem:s26+$0xFFFFFFC0]  }
0x174: {  	v1 =	vld [tilespmem:s26+$0xFFFFFFD0];
	_ =	sdelay $0x4  }
0x175: {  	v0 =	vpack.i.f32.bf16 v1, v0  }
0x176: {  	[tilespmem:s23+$0xFFFFFFE0] =	vst v0  }
0x177: {  	v0 =	vld [tilespmem:s26+$0xFFFFFFE0]  }
0x178: {  	v1 =	vld [tilespmem:s26+$0xFFFFFFF0];
	_ =	sdelay $0x4  }
0x179: {  	v0 =	vpack.i.f32.bf16 v1, v0  }
0x17a: {  	[tilespmem:s23+$0xFFFFFFF0] =	vst v0  }
0x17b: {  	v0 =	vld [tilespmem:s26+$0x0]  }
0x17c: {  	v1 =	vld [tilespmem:s26+$0x10];
	_ =	sdelay $0x4  }
0x17d: {  	v0 =	vpack.i.f32.bf16 v1, v0  }
0x17e: {  	[tilespmem:s23+$0x0] =	vst v0  }
0x17f: {  	v0 =	vld [tilespmem:s26+$0x20]  }
0x180: {  	v1 =	vld [tilespmem:s26+$0x30];
	_ =	sdelay $0x4  }
0x181: {  	v0 =	vpack.i.f32.bf16 v1, v0  }
0x182: {  	[tilespmem:s23+$0x10] =	vst v0  }
0x183: {  	v0 =	vld [tilespmem:s26+$0x40]  }
0x184: {  	v1 =	vld [tilespmem:s26+$0x50];
	_ =	sdelay $0x1  }
.Ltmp7:
0x185: {  	(pc) =	sbr.rel @p1 .LBB2_11-.Ltmp7, $3  }
0x186: {  	_ =	sdelay $0x1  }
0x187: {  	v0 =	vpack.i.f32.bf16 v1, v0  }
0x188: {  	[tilespmem:s23+$0x20] =	vst v0  }
.Ltmp8:
0x189: {  	_ = 	snop;
	(pc) =	sbr.rel .LBB2_12-.Ltmp8, $1  }
0x18a: {  	_ =	sdelay $0x3  }
.LBB2_14:
0x18b: {  	_ =	sfence.sel $0x180000  }
0x18c: {  	[bflag:$0x0] =	sbarrier.arrive $0xFFFF  }
0x18d: {  	p0 =	sne.s32 s0, $0x0;
	_ =	strace $0x90000047  }
0x18e: {  	s0 =	sadd.s32 @!p0 $0x100000, s1;
	[bflag:$0x2] =	sbarrier.arrive $0xFFFF  }
0x18f: {  	[sflag:s0] =	ssyncadd.tile.s32 @!p0 $0x1;
	_ =	shalt  }
.Lfunc_end2:
_tile_overlayer_lowered:
.L_overlay_start_2:
0x190: {  	(tag) =	ssettag $0x2  }
0x191: {  	s0 =	rddreg [dreg:$0x0];
	s2 =	stileid.u32  }
0x192: {  	s1 =	rddreg [dreg:$0x1];
	p0 =	sne.s32 s2, $0x0  }
0x193: {  	s3 =	rddreg [dreg:$0x2];
	[bflag:$0x3] =	sbarrier.arrive $0xFFFF;
	s2 =	simm.s32 @!p0 $0x1C05  }
0x194: {  	[timem:s3], [sflag:s2] =	dma.local @!p0 [hbm:s0], s1  }
0x195: {  	s0 =	simm.s32 @!p0 $0x5  }
0x196: {  	_ =	swait.ge @!p0 [sflag:s0], s1  }
0x197: {  	s1 =	ssub.s32 @!p0 $0x0, s1;
	[sflag:s0] =	ssyncset.done @!p0 $0x0  }
0x198: {  	[sflag:s0] =	ssyncadd.s32 @!p0 s1  }
0x199: {  	[bflag:$0x3] =	sbarrier.arrive $0xFFFF  }
0x19a: {  	_ =	shalt  }

// kernel: kernel.8.cloned.1.call-start
scs
__scs_entry_jumppad:
0x0: {  	(pc) =	sbr.rel $0x88, $3  }
0x1: {  	(tag) =	ssettag $0x0;
	lr =	simm.s32 $0x1  }
0x2: {  	[smem:$0x3F9D] =	sst lr;
	_ =	strace $0xD0000000  }
0x3: {  	_ = 	snop  }
0x4: {  	_ = 	snop  }
0x5: {  	_ = 	snop  }
0x6: {  	_ = 	snop  }
0x7: {  	_ = 	snop  }
__scs_overlays_trampoline_lowered:
0x8: {  	[smem:$0x3FAC] =	sst s0  }
0x9: {  	[smem:$0x3FAD] =	sst s1  }
0xa: {  	[smem:$0x3FAE] =	sst s2  }
0xb: {  	[smem:$0x3FAF] =	sst s3  }
0xc: {  	[smem:$0x3FB0] =	sst s4  }
0xd: {  	[smem:$0x3FB1] =	sst s5  }
0xe: {  	[smem:$0x3FB2] =	sst s6  }
0xf: {  	[smem:$0x3FB3] =	sst s7  }
0x10: {  	[smem:$0x3FB4] =	sst s8  }
0x11: {  	[smem:$0x3FB5] =	sst s9;
	s0 =	simm.s32 @!p0 $0x0  }
0x12: {  	s1 =	sld [smem:$0x3F9B];
	s0 =	simm.s32 @p0 $0x1  }
0x13: {  	[smem:$0x3FB6] =	sst s0;
	s0 =	simm.s32 @!p1 $0x0  }
0x14: {  	s2 =	sld [smem:$0x3F9A];
	s0 =	simm.s32 @p1 $0x1  }
0x15: {  	[smem:$0x3FB7] =	sst s0;
	s0 =	simm.s32 @!p2 $0x0  }
0x16: {  	s3 =	sld [smem:$0x3FDB];
	s0 =	simm.s32 @p2 $0x1  }
0x17: {  	s4 =	simm.s32 $0x1BF5;
	[smem:$0x3FB9] =	sst s0  }
0x18: {  	s0 =	sld [smem:$0x3F9C];
	_ =	swait.ge [sflag:s4], $0x0  }
0x19: {  	s7 =	sld [smem:$0x3F9D]  }
0x1a: {  	s8 =	sadd.s32 $0xFFFFE003, lr  }
0x1b: {  	s9 =	sadd.s32 $0xFFFFFEF7, lr;
	s5 =	simm.s32 $0xFFFFFFFF;
	p2 =	slt.u32 s8, $0xFFFFF086  }
0x1c: {  	p1 =	slt.u32 s9, $0xF7A;
	s5 =	simm.s32 @!p2 $0x0  }
0x1d: {  	s5 =	simm.s32 @p1 $0x1;
	p0 =	seq.s32 s7, s2  }
0x1e: {  	s7 =	smul.u32 @!p0 $0xF7A, s2;
	p2 =	seq.s32 @!p0 s5, $0x0  }
0x1f: {  	s9 =	smul.u32 $0xF7A, s1;
	s8 =	simm.s32 @!p0 $0x1BF5;
	p2 =	por !p2, p0  }
0x20: {  	[sflag:s8] =	ssyncset.s32 @!p0 $0xFFFFF086;
	s6 =	sadd.s32 @!p0 s3, s7;
	s7 =	simm.s32 @!p0 $0x108  }
0x21: {  	s3 =	sadd.s32 s3, s9;
	s6 =	sadd.s32 @!p0 $0x88, s6;
	s7 =	simm.s32 @p2 $0x1082  }
0x22: {  	[simem:s7], [sflag:s8] =	dma.local @!p0 [hbm:s6], $0xF7A  }
0x23: {  	s9 =	sor.u32 $0xD0000000, s2;
	s6 =	simm.s32 $0x108;
	_ =	swait.ge @!p0 [sflag:s8], $0x0  }
0x24: {  	s3 =	sadd.s32 $0x88, s3;
	s6 =	simm.s32 @!p1 $0x1082;
	[sflag:s4] =	ssyncset.s32 $0xFFFFF086  }
0x25: {  	[simem:s6], [sflag:s4] =	dma.local [hbm:s3], $0xF7A  }
0x26: {  	[smem:$0x3F9D] =	sst s1;
	(tag) =	ssettag s2;
	_ =	strace s9  }
0x27: {  	s1 =	sld [smem:$0x3FAD]  }
0x28: {  	s2 =	sld [smem:$0x3FAE]  }
0x29: {  	s4 =	sld [smem:$0x3FB0]  }
0x2a: {  	p0 =	seq.s32 s5, $0x0;
	s5 =	sld [smem:$0x3FB1]  }
0x2b: {  	s6 =	sld [smem:$0x3FB2]  }
0x2c: {  	s7 =	sld [smem:$0x3FB3]  }
0x2d: {  	s3 =	simm.s32 $0x108;
	s8 =	sld [smem:$0x3FB4]  }
0x2e: {  	s3 =	simm.s32 @!p0 $0x1082;
	s9 =	sld [smem:$0x3FB5]  }
0x2f: {  	lr =	sadd.s32 s0, s3;
	s0 =	sld [smem:$0x3FAC]  }
0x30: {  	s3 =	sld [smem:$0x3FAF]  }
0x31: {  	[smem:$0x3FB8] =	sst s10  }
0x32: {  	s10 =	sld [smem:$0x3FB6];
	_ =	sdelay $0x3  }
0x33: {  	p0 =	seq.s32 s10, $0x1;
	s10 =	sld [smem:$0x3FB8];
	_ =	sdelay $0x3  }
0x34: {  	[smem:$0x3FB8] =	sst s10  }
0x35: {  	s10 =	sld [smem:$0x3FB7];
	_ =	sdelay $0x3  }
0x36: {  	p1 =	seq.s32 s10, $0x1;
	s10 =	sld [smem:$0x3FB8];
	_ =	sdelay $0x3  }
0x37: {  	[smem:$0x3FB8] =	sst s10  }
0x38: {  	s10 =	sld [smem:$0x3FB9]  }
0x39: {  	_ = 	snop;
	(pc) =	sbr.ind lr, $3  }
0x3a: {  	_ = 	snop  }
0x3b: {  	_ = 	snop  }
0x3c: {  	p2 =	seq.s32 s10, $0x1;
	s10 =	sld [smem:$0x3FB8]  }
0x3d: {  	_ =	shalt  }
0x3e: {  	_ =	shalt  }
0x3f: {  	_ =	shalt  }
0x40: {  	_ =	shalt  }
0x41: {  	_ =	shalt  }
0x42: {  	_ =	shalt  }
0x43: {  	_ =	shalt  }
0x44: {  	_ =	shalt  }
0x45: {  	_ =	shalt  }
0x46: {  	_ =	shalt  }
0x47: {  	_ =	shalt  }
0x48: {  	_ =	shalt  }
0x49: {  	_ =	shalt  }
0x4a: {  	_ =	shalt  }
0x4b: {  	_ =	shalt  }
0x4c: {  	_ =	shalt  }
0x4d: {  	_ =	shalt  }
0x4e: {  	_ =	shalt  }
0x4f: {  	_ =	shalt  }
0x50: {  	_ =	shalt  }
0x51: {  	_ =	shalt  }
0x52: {  	_ =	shalt  }
0x53: {  	_ =	shalt  }
0x54: {  	_ =	shalt  }
0x55: {  	_ =	shalt  }
0x56: {  	_ =	shalt  }
0x57: {  	_ =	shalt  }
0x58: {  	_ =	shalt  }
0x59: {  	_ =	shalt  }
0x5a: {  	_ =	shalt  }
0x5b: {  	_ =	shalt  }
0x5c: {  	_ =	shalt  }
0x5d: {  	_ =	shalt  }
0x5e: {  	_ =	shalt  }
0x5f: {  	_ =	shalt  }
0x60: {  	_ =	shalt  }
0x61: {  	_ =	shalt  }
0x62: {  	_ =	shalt  }
0x63: {  	_ =	shalt  }
0x64: {  	_ =	shalt  }
0x65: {  	_ =	shalt  }
0x66: {  	_ =	shalt  }
0x67: {  	_ =	shalt  }
0x68: {  	_ =	shalt  }
0x69: {  	_ =	shalt  }
0x6a: {  	_ =	shalt  }
0x6b: {  	_ =	shalt  }
0x6c: {  	_ =	shalt  }
0x6d: {  	_ =	shalt  }
0x6e: {  	_ =	shalt  }
0x6f: {  	_ =	shalt  }
0x70: {  	_ =	shalt  }
0x71: {  	_ =	shalt  }
0x72: {  	_ =	shalt  }
0x73: {  	_ =	shalt  }
0x74: {  	_ =	shalt  }
0x75: {  	_ =	shalt  }
0x76: {  	_ =	shalt  }
0x77: {  	_ =	shalt  }
0x78: {  	_ =	shalt  }
0x79: {  	_ =	shalt  }
0x7a: {  	_ =	shalt  }
0x7b: {  	_ =	shalt  }
0x7c: {  	_ =	shalt  }
0x7d: {  	_ =	shalt  }
0x7e: {  	_ =	shalt  }
0x7f: {  	_ =	shalt  }
0x80: {  	_ =	shalt  }
0x81: {  	_ =	shalt  }
0x82: {  	_ =	shalt  }
0x83: {  	_ =	shalt  }
0x84: {  	_ =	shalt  }
0x85: {  	_ =	shalt  }
0x86: {  	_ =	shalt  }
0x87: {  	_ =	shalt  }
.Lfunc_end0:
.L_simem_size_0:
called_computation.1_lowered:
.L_overlay_start_0:
0x88: {  	s2 =	sld [smem:$0x3FD9]  }
0x89: {  	s3 =	sld [smem:$0x3FFE];
	_ =	sdelay $0x1  }
0x8a: {  	s1 =	srdreg.scid  }
0x8b: {  	s0 =	sand.u32 $0x1, s1  }
0x8c: {  	s17 =	sshll.u32 s0, $0xA;
	s2 =	sadd.s32 s3, s2  }
0x8d: {  	s2 =	sadd.s32 s2, s17  }
0x8e: {  	[smem:$0x3FC4] =	sst s2  }
0x8f: {  	_ = 	snop  }
0x90: {  	s2 =	sld [smem:$0x3FD0];
	(tm) =	ssettm $0x1  }
0x91: {  	s18 =	sld [smem:$0x3FFB];
	_ =	sdelay $0x3  }
0x92: {  	_ =	strace s18  }
0x93: {  	s3 =	sld [smem:$0x3FFC];
	_ =	sdelay $0x3  }
0x94: {  	_ =	strace s3  }
0x95: {  	s3 =	sld [smem:$0x3FFD];
	_ =	sdelay $0x3  }
0x96: {  	_ =	strace s3  }
0x97: {  	_ =	strace $0x8FFFFFFF  }
0x98: {  	s19 =	sld [smem:$0x3FDB];
	_ =	sdelay $0x1  }
0x99: {  	s4 =	simm.s32 $_scs_section_size  }
0x9a: {  	s5 =	simm.s32 $_size__tile_overlayer_lowered;
	s6 =	simm.s32 $_tile_overlayer_lowered  }
0x9b: {  	s22 =	simm.s32 $0x1BFF;
	s21 =	sshll.u32 s6, $0x1;
	s3 =	sadd.s32 s4, s19  }
0x9c: {  	s7 =	simm.s32 $0x0;
	s20 =	sshll.u32 s5, $0x1;
	s5 =	sadd.s32 s21, s3  }
0x9d: {  	[timem:s7], [sflag:s22] =	dma.local [hbm:s5], s20  }
0x9e: {  	_ =	swait.ge [sflag:s22], s20  }
0x9f: {  	s4 =	ssub.s32 $0x0, s20;
	[sflag:s22] =	ssyncset.done $0x0  }
0xa0: {  	[sflag:s22] =	ssyncadd.s32 s4;
	_ =	sdelay $0x1  }
0xa1: {  	s23 =	simm.s32 $0x1B8B  }
0xa2: {  	_ =	swait.ge [sflag:s23], $0x1  }
0xa3: {  	[sflag:s23] =	ssyncset.done $0x0  }
0xa4: {  	s25 =	simm.s32 $0x1B8E;
	s24 =	sld [smem:$0x3FFE];
	[sflag:s23] =	ssyncadd.s32 $0xFFFFFFFF  }
0xa5: {  	s26 =	simm.s32 $execute0_lowered;
	[smem:$0x3FD2] =	sst s25  }
0xa6: {  	s5 =	sshll.u32 s26, $0x1;
	_ =	strace $0x80000049;
	[dreg:$0x1] =	wrdreg $0xFFFFFFFF  }
0xa7: {  	s28 =	simm.s32 $_size_execute0_lowered;
	s3 =	sadd.s32 s3, s5;
	[dreg:$0x0] =	wrdreg $0x0  }
0xa8: {  	s5 =	sshll.u32 s28, $0x1;
	[dreg:$0x2] =	wrdreg s3  }
0xa9: {  	[dreg:$0x3] =	wrdreg s5  }
0xaa: {  	[dreg:$0x4] =	wrdreg $0xC0  }
0xab: {  	_ =	task [dreg:s7], $0x5FFFF  }
0xac: {  	[dreg:$0x1] =	wrdreg $0xFFFFFFFF  }
0xad: {  	[dreg:$0x0] =	wrdreg $0x60  }
0xae: {  	[dreg:$0x2] =	wrdreg s24  }
0xaf: {  	[dreg:$0x3] =	wrdreg s2  }
0xb0: {  	[dreg:$0x4] =	wrdreg $0x9  }
0xb1: {  	_ =	task.clear_ibuf [dreg:s7], $0x5FFFF;
	_ =	strace $0x90000049  }
0xb2: {  	s29 =	simm.s32 $0x9;
	_ =	strace $0x8000004B  }
0xb3: {  	_ =	swait.ge [sflag:s29], $0x1  }
0xb4: {  	[sflag:s29] =	ssyncadd.s32 $0xFFFFFFFF  }
0xb5: {  	_ =	strace $0x9000004B  }
0xb6: {  	_ =	sfence  }
0xb7: {  	s30 =	sld [smem:$0x0];
	_ =	sdelay $0x2  }
0xb8: {  	s31 =	sshll.u32 s1, $0xD;
	s1 =	sshrl.u32 s1, $0x2  }
0xb9: {  	s3 =	sand.u32 $0x4000, s31;
	s1 =	sadd.s32 s1, s30  }
0xba: {  	s0 =	sor.u32 s3, s0;
	s1 =	sshll.u32 s1, $0x11  }
0xbb: {  	s0 =	sor.u32 s1, s0  }
0xbc: {  	s0 =	sadd.s32 $0x8F2B, s0  }
0xbd: {  	[sflag:s0] =	ssyncadd.remote.s32 $0x1  }
0xbe: {  	_ =	sfence.sel $0xFFFF  }
0xbf: {  	[dreg:$0x0] =	wrdreg $0xFFFFFFFF;
	(pc) =	sbr.abs _section_cstart, $3  }
0xc0: {  	[dreg:$0x1] =	wrdreg $0xFFFFFFFF  }
0xc1: {  	_ =	task.clear_ibuf [dreg:s7], $0x2FFFF;
	_ =	strace $0x9FFFFFFF  }
0xc2: {  	(tm) =	ssettm $0x7FFFFFFF  }
0xc3: {  	_ =	shalt  }
tec
execute0_lowered:
.L_overlay_start_1:
0x0: {  	(tag) =	ssettag $0x1  }
0x1: {  	s0 =	srdreg.scid;
	s1 =	rddreg [dreg:$0x0]  }
0x2: {  	s2 =	stileid.u32;
	s11 =	rddreg [dreg:$0x1];
	s14 =	simm.s32 $0x80  }
0x3: {  	s16 =	simm.s32 $0x48;
	s30 =	simm.s32 $0x640;
	s31 =	simm.s32 $0x2  }
0x4: {  	s17 =	simm.s32 $0xAF0;
	s18 =	simm.s32 $0x16A80;
	s19 =	simm.s32 $0xB70  }
0x5: {  	s20 =	simm.s32 $0x17A80;
	s21 =	simm.s32 $0xBB8;
	s22 =	simm.s32 $0x18380  }
0x6: {  	s23 =	simm.s32 $0xC38;
	s24 =	simm.s32 $0x19380;
	s25 =	simm.s32 $0x3  }
0x7: {  	s28 =	simm.s32 $0x4;
	s29 =	simm.s32 $0x19E80;
	s0 =	sand.u32 $0x1, s0  }
0x8: {  	s2 =	sshll.u32 s2, $0xA;
	s4 =	sadd.s32 $0xE3A00, s1;
	s6 =	sadd.s32 $0x1E00, s1  }
0x9: {  	s11 =	sadd.s32 $0x40, s11;
	s3 =	sshll.u32 s0, $0x9;
	s0 =	ssub.s32 $0x2, s0  }
0xa: {  	s2 =	sor.u32 s3, s2;
	s3 =	simm.s32 $0x0;
	s7 =	sshrl.u32 s0, $0x1  }
0xb: {  	s5 =	smul.u32 $0x19, s2;
	[smem:$0x7FF] =	sst s3;
	s0 =	ssub.s32 s0, s7  }
0xc: {  	s8 =	sor.u32 $0x10, s2;
	s9 =	sshll.u32 s2, $0x3;
	s0 =	smax.u32 s0, $0x1  }
0xd: {  	_ =	strace $0x8000004A;
	s5 =	sadd.s32 s4, s5;
	[dreg:$0x5] =	wrdreg s0  }
0xe: {  	s10 =	sor.u32 $0x18, s2;
	[dreg:$0x3] =	wrdreg s5;
	s26 =	sadd.s32 $0xC8, s5  }
0xf: {  	s2 =	simm.s32 $0x0;
	[dreg:$0x4] =	wrdreg s26;
	s26 =	simm.s32 $0x19C80  }
.LBB2_1:
0x10: {  	[dreg:$0x6] =	wrdreg s2  }
0x11: {  	s0 =	rddreg [dreg:$0x3];
	s2 =	simm.s32 $0x1  }
0x12: {  	[tilespmem:s3], [sflag:$0x1] =	stream.linear.gather [hbm4b:s0+s3], $0x640, $0x38;
	[tilespmem:$0x1A080] =	vst v63  }
0x13: {  	_ =	swait.ge [sflag:s2], $0x640  }
0x14: {  	[sflag:s2] =	ssyncset.done $0x0  }
0x15: {  	s5 =	simm.s32 $0xC80;
	[sflag:s2] =	ssyncadd.s32 $0xFFFFF9C0  }
0x16: {  	[tilespmem:s5], [sflag:$0x3] =	stream.indirect.gather [hbm4b:s6+s14], $0x20, s3, s14, $0xb8;
	[tilespmem:$0x1A080] =	vst v63  }
0x17: {  	s7 =	simm.s32 $0x1C80  }
0x18: {  	[tilespmem:s7], [sflag:$0x3] =	stream.indirect.gather [hbm4b:s6+s16], $0x20, s14, s16, $0xb8;
	[tilespmem:$0x1A080] =	vst v63  }
0x19: {  	s12 =	simm.s32 $0xC8;
	s1 =	simm.s32 $0x2580  }
0x1a: {  	[tilespmem:s1], [sflag:$0x3] =	stream.indirect.gather [hbm4b:s6+s14], $0x20, s12, s14, $0xb8;
	[tilespmem:$0x1A080] =	vst v63  }
0x1b: {  	s13 =	simm.s32 $0x148;
	s15 =	simm.s32 $0x3580  }
0x1c: {  	[tilespmem:s15], [sflag:$0x3] =	stream.indirect.gather [hbm4b:s6+s16], $0x20, s13, s16, $0xb8;
	[tilespmem:$0x1A080] =	vst v63  }
0x1d: {  	s2 =	simm.s32 $0x190;
	s5 =	simm.s32 $0x3E80  }
0x1e: {  	[tilespmem:s5], [sflag:$0x3] =	stream.indirect.gather [hbm4b:s6+s14], $0x20, s2, s14, $0xb8;
	[tilespmem:$0x1A080] =	vst v63  }
0x1f: {  	s7 =	simm.s32 $0x210;
	s12 =	simm.s32 $0x4E80  }
0x20: {  	[tilespmem:s12], [sflag:$0x3] =	stream.indirect.gather [hbm4b:s6+s16], $0x20, s7, s16, $0xb8;
	[tilespmem:$0x1A080] =	vst v63  }
0x21: {  	s13 =	simm.s32 $0x258;
	s15 =	simm.s32 $0x5780  }
0x22: {  	[tilespmem:s15], [sflag:$0x3] =	stream.indirect.gather [hbm4b:s6+s14], $0x20, s13, s14, $0xb8;
	[tilespmem:$0x1A080] =	vst v63  }
0x23: {  	s2 =	simm.s32 $0x2D8;
	s5 =	simm.s32 $0x6780  }
0x24: {  	[tilespmem:s5], [sflag:$0x3] =	stream.indirect.gather [hbm4b:s6+s16], $0x20, s2, s16, $0xb8;
	[tilespmem:$0x1A080] =	vst v63  }
0x25: {  	s7 =	simm.s32 $0x320;
	s12 =	simm.s32 $0x7080  }
0x26: {  	[tilespmem:s12], [sflag:$0x3] =	stream.indirect.gather [hbm4b:s6+s14], $0x20, s7, s14, $0xb8;
	[tilespmem:$0x1A080] =	vst v63  }
0x27: {  	s13 =	simm.s32 $0x3A0;
	s15 =	simm.s32 $0x8080  }
0x28: {  	[tilespmem:s15], [sflag:$0x3] =	stream.indirect.gather [hbm4b:s6+s16], $0x20, s13, s16, $0xb8;
	[tilespmem:$0x1A080] =	vst v63  }
0x29: {  	s2 =	simm.s32 $0x3E8;
	s5 =	simm.s32 $0x8980  }
0x2a: {  	[tilespmem:s5], [sflag:$0x3] =	stream.indirect.gather [hbm4b:s6+s14], $0x20, s2, s14, $0xb8;
	[tilespmem:$0x1A080] =	vst v63  }
0x2b: {  	s7 =	simm.s32 $0x468;
	s12 =	simm.s32 $0x9980  }
0x2c: {  	[tilespmem:s12], [sflag:$0x3] =	stream.indirect.gather [hbm4b:s6+s16], $0x20, s7, s16, $0xb8;
	[tilespmem:$0x1A080] =	vst v63  }
0x2d: {  	s13 =	simm.s32 $0x4B0;
	s15 =	simm.s32 $0xA280  }
0x2e: {  	[tilespmem:s15], [sflag:$0x3] =	stream.indirect.gather [hbm4b:s6+s14], $0x20, s13, s14, $0xb8;
	[tilespmem:$0x1A080] =	vst v63  }
0x2f: {  	s1 =	simm.s32 $0x530;
	s2 =	simm.s32 $0xB280  }
0x30: {  	[tilespmem:s2], [sflag:$0x3] =	stream.indirect.gather [hbm4b:s6+s16], $0x20, s1, s16, $0xb8;
	[tilespmem:$0x1A080] =	vst v63  }
0x31: {  	s5 =	simm.s32 $0x578;
	s7 =	simm.s32 $0xBB80  }
0x32: {  	[tilespmem:s7], [sflag:$0x3] =	stream.indirect.gather [hbm4b:s6+s14], $0x20, s5, s14, $0xb8;
	[tilespmem:$0x1A080] =	vst v63  }
0x33: {  	s12 =	simm.s32 $0x5F8;
	s13 =	simm.s32 $0xCB80  }
0x34: {  	[tilespmem:s13], [sflag:$0x3] =	stream.indirect.gather [hbm4b:s6+s16], $0x20, s12, s16, $0xb8;
	[tilespmem:$0x1A080] =	vst v63  }
0x35: {  	s15 =	rddreg [dreg:$0x4];
	s7 =	simm.s32 $0x0  }
0x36: {  	[tilespmem:s30], [sflag:$0x2] =	stream.linear.gather [hbm4b:s15+s3], $0x640, $0x38;
	[tilespmem:$0x1A080] =	vst v63  }
.LBB2_2:
0x37: {  	_ =	swait.ge [sflag:s31], $0x640  }
0x38: {  	[sflag:s31] =	ssyncset.done $0x0  }
0x39: {  	s0 =	simm.s32 $0xD480;
	[sflag:s31] =	ssyncadd.s32 $0xFFFFF9C0  }
0x3a: {  	[tilespmem:s0], [sflag:$0x4] =	stream.indirect.gather [hbm4b:s6+s14], $0x20, s30, s14, $0xb8;
	[tilespmem:$0x1A080] =	vst v63  }
0x3b: {  	s2 =	simm.s32 $0x6C0;
	s1 =	simm.s32 $0xE480  }
0x3c: {  	[tilespmem:s1], [sflag:$0x4] =	stream.indirect.gather [hbm4b:s6+s16], $0x20, s2, s16, $0xb8;
	[tilespmem:$0x1A080] =	vst v63  }
0x3d: {  	s5 =	simm.s32 $0x708;
	s12 =	simm.s32 $0xED80  }
0x3e: {  	[tilespmem:s12], [sflag:$0x4] =	stream.indirect.gather [hbm4b:s6+s14], $0x20, s5, s14, $0xb8;
	[tilespmem:$0x1A080] =	vst v63  }
0x3f: {  	s13 =	simm.s32 $0x788;
	s15 =	simm.s32 $0xFD80  }
0x40: {  	[tilespmem:s15], [sflag:$0x4] =	stream.indirect.gather [hbm4b:s6+s16], $0x20, s13, s16, $0xb8;
	[tilespmem:$0x1A080] =	vst v63  }
0x41: {  	s1 =	simm.s32 $0x7D0;
	s2 =	simm.s32 $0x10680  }
0x42: {  	[tilespmem:s2], [sflag:$0x4] =	stream.indirect.gather [hbm4b:s6+s14], $0x20, s1, s14, $0xb8;
	[tilespmem:$0x1A080] =	vst v63  }
0x43: {  	s5 =	simm.s32 $0x850;
	s12 =	simm.s32 $0x11680  }
0x44: {  	[tilespmem:s12], [sflag:$0x4] =	stream.indirect.gather [hbm4b:s6+s16], $0x20, s5, s16, $0xb8;
	[tilespmem:$0x1A080] =	vst v63  }
0x45: {  	s13 =	simm.s32 $0x898;
	s15 =	simm.s32 $0x11F80  }
0x46: {  	[tilespmem:s15], [sflag:$0x4] =	stream.indirect.gather [hbm4b:s6+s14], $0x20, s13, s14, $0xb8;
	[tilespmem:$0x1A080] =	vst v63  }
0x47: {  	s1 =	simm.s32 $0x918;
	s2 =	simm.s32 $0x12F80  }
0x48: {  	[tilespmem:s2], [sflag:$0x4] =	stream.indirect.gather [hbm4b:s6+s16], $0x20, s1, s16, $0xb8;
	[tilespmem:$0x1A080] =	vst v63  }
0x49: {  	s5 =	simm.s32 $0x960;
	s12 =	simm.s32 $0x13880  }
0x4a: {  	[tilespmem:s12], [sflag:$0x4] =	stream.indirect.gather [hbm4b:s6+s14], $0x20, s5, s14, $0xb8;
	[tilespmem:$0x1A080] =	vst v63  }
0x4b: {  	s13 =	simm.s32 $0x9E0;
	s15 =	simm.s32 $0x14880  }
0x4c: {  	[tilespmem:s15], [sflag:$0x4] =	stream.indirect.gather [hbm4b:s6+s16], $0x20, s13, s16, $0xb8;
	[tilespmem:$0x1A080] =	vst v63  }
0x4d: {  	s2 =	simm.s32 $0xA28;
	s5 =	simm.s32 $0x15180  }
0x4e: {  	[tilespmem:s5], [sflag:$0x4] =	stream.indirect.gather [hbm4b:s6+s14], $0x20, s2, s14, $0xb8;
	[tilespmem:$0x1A080] =	vst v63  }
0x4f: {  	s12 =	simm.s32 $0xAA8;
	s13 =	simm.s32 $0x16180  }
0x50: {  	[tilespmem:s13], [sflag:$0x4] =	stream.indirect.gather [hbm4b:s6+s16], $0x20, s12, s16, $0xb8;
	[tilespmem:$0x1A080] =	vst v63  }
0x51: {  	_ = 	snop  }
0x52: {  	[tilespmem:s18], [sflag:$0x4] =	stream.indirect.gather [hbm4b:s6+s14], $0x20, s17, s14, $0xb8;
	[tilespmem:$0x1A080] =	vst v63  }
0x53: {  	_ = 	snop  }
0x54: {  	[tilespmem:s20], [sflag:$0x4] =	stream.indirect.gather [hbm4b:s6+s16], $0x20, s19, s16, $0xb8;
	[tilespmem:$0x1A080] =	vst v63  }
0x55: {  	_ = 	snop  }
0x56: {  	[tilespmem:s22], [sflag:$0x4] =	stream.indirect.gather [hbm4b:s6+s14], $0x20, s21, s14, $0xb8;
	[tilespmem:$0x1A080] =	vst v63  }
0x57: {  	_ = 	snop  }
0x58: {  	[tilespmem:s24], [sflag:$0x4] =	stream.indirect.gather [hbm4b:s6+s16], $0x20, s23, s16, $0xb8;
	[tilespmem:$0x1A080] =	vst v63  }
0x59: {  	_ =	swait.ge [sflag:s25], $0x1000  }
0x5a: {  	[sflag:s25] =	ssyncset.done $0x0  }
0x5b: {  	[sflag:s25] =	ssyncadd.s32 $0xFFFFF000  }
0x5c: {  	_ =	swait.ge [sflag:s25], $0x900  }
0x5d: {  	[sflag:s25] =	ssyncset.done $0x0  }
0x5e: {  	[sflag:s25] =	ssyncadd.s32 $0xFFFFF700  }
0x5f: {  	_ =	swait.ge [sflag:s25], $0x1000  }
0x60: {  	[sflag:s25] =	ssyncset.done $0x0  }
0x61: {  	[sflag:s25] =	ssyncadd.s32 $0xFFFFF000  }
0x62: {  	_ =	swait.ge [sflag:s25], $0x900  }
0x63: {  	[sflag:s25] =	ssyncset.done $0x0  }
0x64: {  	[sflag:s25] =	ssyncadd.s32 $0xFFFFF700  }
0x65: {  	_ =	swait.ge [sflag:s25], $0x1000  }
0x66: {  	[sflag:s25] =	ssyncset.done $0x0  }
0x67: {  	[sflag:s25] =	ssyncadd.s32 $0xFFFFF000  }
0x68: {  	_ =	swait.ge [sflag:s25], $0x900  }
0x69: {  	[sflag:s25] =	ssyncset.done $0x0  }
0x6a: {  	[sflag:s25] =	ssyncadd.s32 $0xFFFFF700  }
0x6b: {  	_ =	swait.ge [sflag:s25], $0x1000  }
0x6c: {  	[sflag:s25] =	ssyncset.done $0x0  }
0x6d: {  	[sflag:s25] =	ssyncadd.s32 $0xFFFFF000  }
0x6e: {  	_ =	swait.ge [sflag:s25], $0x900  }
0x6f: {  	[sflag:s25] =	ssyncset.done $0x0  }
0x70: {  	[sflag:s25] =	ssyncadd.s32 $0xFFFFF700  }
0x71: {  	_ =	swait.ge [sflag:s25], $0x1000  }
0x72: {  	[sflag:s25] =	ssyncset.done $0x0  }
0x73: {  	[sflag:s25] =	ssyncadd.s32 $0xFFFFF000  }
0x74: {  	_ =	swait.ge [sflag:s25], $0x900  }
0x75: {  	[sflag:s25] =	ssyncset.done $0x0  }
0x76: {  	[sflag:s25] =	ssyncadd.s32 $0xFFFFF700  }
0x77: {  	_ =	swait.ge [sflag:s25], $0x1000  }
0x78: {  	[sflag:s25] =	ssyncset.done $0x0  }
0x79: {  	[sflag:s25] =	ssyncadd.s32 $0xFFFFF000  }
0x7a: {  	_ =	swait.ge [sflag:s25], $0x900  }
0x7b: {  	[sflag:s25] =	ssyncset.done $0x0  }
0x7c: {  	[sflag:s25] =	ssyncadd.s32 $0xFFFFF700  }
0x7d: {  	_ =	swait.ge [sflag:s25], $0x1000  }
0x7e: {  	[sflag:s25] =	ssyncset.done $0x0  }
0x7f: {  	[sflag:s25] =	ssyncadd.s32 $0xFFFFF000  }
0x80: {  	_ =	swait.ge [sflag:s25], $0x900  }
0x81: {  	[sflag:s25] =	ssyncset.done $0x0  }
0x82: {  	[sflag:s25] =	ssyncadd.s32 $0xFFFFF700  }
0x83: {  	p0 =	seq.s32 s7, $0x1F;
	_ =	swait.ge [sflag:s25], $0x1000  }
0x84: {  	s12 =	sshll.u32 @!p0 s7, $0x4;
	[sflag:s25] =	ssyncset.done $0x0  }
0x85: {  	s2 =	sadd.s32 @!p0 s12, s8;
	[sflag:s25] =	ssyncadd.s32 $0xFFFFF000  }
0x86: {  	s2 =	smul.u32 @!p0 $0x19, s2;
	_ =	swait.ge [sflag:s25], $0x900  }
0x87: {  	s15 =	simm.s32 $0xC80;
	[sflag:s25] =	ssyncset.done $0x0  }
0x88: {  	s5 =	simm.s32 @!p0 $0x0;
	s2 =	sadd.s32 @!p0 s4, s2;
	[sflag:s25] =	ssyncadd.s32 $0xFFFFF700  }
0x89: {  	[tilespmem:s5], [sflag:$0x1] =	stream.linear.gather @!p0 [hbm4b:s2+s5], $0x640, $0x38;
	[tilespmem:$0x1A080] =	vst v63  }
0x8a: {  	v0 =	vld [tilespmem:s15+$0x0]  }
0x8b: {  	v5 =	vld [tilespmem:s15+$0x7D30]  }
0x8c: {  	v3 =	vld [tilespmem:s15+$0xAF30]  }
0x8d: {  	v12 =	vld [tilespmem:s15+$0x6410]  }
0x8e: {  	v6 =	vld [tilespmem:s15+$0x7D20]  }
0x8f: {  	v4 =	vld [tilespmem:s15+$0xAF10]  }
0x90: {  	v8 =	vld [tilespmem:s15+$0x4B20]  }
0x91: {  	v20 =	vld [tilespmem:s15+$0xAF20]  }
0x92: {  	v16 =	vld [tilespmem:s15+$0x9620]  }
0x93: {  	v17 =	vld [tilespmem:s15+$0x3200]  }
0x94: {  	v24 =	vld [tilespmem:s15+$0x1900]  }
0x95: {  	v56 =	vimm.f32 $0.0e+00;
	v21 =	vld [tilespmem:s15+$0x4B10];
	v7 =	vunpack.i.u.bf16.f32 v0  }
0x96: {  	v36 =	vld [tilespmem:s15+$0xAF00];
	v0 =	vunpack.i.l.bf16.f32 v0;
	v14 =	vunpack.i.u.bf16.f32 v4;
	v4 =	vunpack.i.l.bf16.f32 v4  }
0x97: {  	v41 =	vld [tilespmem:s15+$0x9630];
	v18 =	vunpack.i.u.bf16.f32 v3;
	v3 =	vunpack.i.l.bf16.f32 v3;
	v27 =	vunpack.i.u.bf16.f32 v20  }
0x98: {  	v50 =	vld [tilespmem:s15+$0x30];
	v31 =	vunpack.i.u.bf16.f32 v8;
	v15 =	vunpack.i.l.bf16.f32 v8;
	v58 =	vunpack.i.l.bf16.f32 v6  }
0x99: {  	v61 =	vld [tilespmem:s15+$0x1930];
	v28 =	vunpack.i.u.bf16.f32 v17;
	v26 =	vunpack.i.l.bf16.f32 v17;
	v32 =	vunpack.i.u.bf16.f32 v24  }
0x9a: {  	v9 =	vld [tilespmem:s15+$0x7D10];
	v33 =	vunpack.i.u.bf16.f32 v5;
	v34 =	vunpack.i.l.bf16.f32 v16;
	v35 =	vunpack.i.u.bf16.f32 v12  }
0x9b: {  	v37 =	vunpack.i.l.bf16.f32 v21;
	v16 =	vunpack.i.u.bf16.f32 v16;
	v49 =	vunpack.i.l.bf16.f32 v36  }
0x9c: {  	v1 =	vld [tilespmem:s15+$0x3220];
	v52 =	vunpack.i.l.bf16.f32 v41;
	v41 =	vunpack.i.u.bf16.f32 v41;
	v12 =	vunpack.i.l.bf16.f32 v12  }
0x9d: {  	v54 =	vunpack.i.l.bf16.f32 v50;
	v47 =	vunpack.i.u.bf16.f32 v50;
	v24 =	vunpack.i.l.bf16.f32 v24  }
0x9e: {  	v38 =	vld [tilespmem:s15+$0x10];
	v50 =	vunpack.i.u.bf16.f32 v61;
	v13 =	vadd.f32 v0, v56;
	v11 =	vadd.f32 v7, v56  }
0x9f: {  	v19 =	vadd.f32 v4, v56;
	v4 =	vunpack.i.u.bf16.f32 v9;
	v22 =	vadd.f32 v14, v56  }
0xa0: {  	v0 =	vld [tilespmem:s15+$0x20];
	v9 =	vunpack.i.l.bf16.f32 v9;
	v39 =	vadd.f32 v35, v56;
	v35 =	vadd.f32 v49, v56  }
0xa1: {  	v8 =	vld [tilespmem:s15+$0x6400];
	v7 =	vunpack.i.u.bf16.f32 v1;
	v49 =	vadd.f32 v32, v56;
	v23 =	vadd.f32 v9, v56  }
0xa2: {  	v17 =	vld [tilespmem:s15+$0x9610];
	v32 =	vimm.f32 $0.0e+00;
	v25 =	vadd.f32 v4, v56;
	v55 =	vadd.f32 v18, v22  }
0xa3: {  	v14 =	vld [tilespmem:s15+$0x4B30];
	v57 =	vadd.f32 v3, v19;
	v19 =	vunpack.i.u.bf16.f32 v21;
	v21 =	vunpack.i.l.bf16.f32 v38  }
0xa4: {  	v48 =	vld [tilespmem:s15+$0x6430];
	v38 =	vunpack.i.u.bf16.f32 v38;
	v18 =	vimm.f32 $0.0e+00;
	v19 =	vadd.f32 v19, v56  }
0xa5: {  	v22 =	vld [tilespmem:s15+$0x9600];
	v53 =	vadd.f32 v21, v56;
	v42 =	vadd.f32 v38, v56;
	v9 =	vunpack.i.u.bf16.f32 v0  }
0xa6: {  	v29 =	vunpack.i.l.bf16.f32 v8;
	v4 =	vadd.f32 v9, v11;
	v9 =	vunpack.i.u.bf16.f32 v6;
	v6 =	vld [tilespmem:s15+$0x4B00]  }
0xa7: {  	v44 =	vunpack.i.u.bf16.f32 v17;
	v46 =	vunpack.i.l.bf16.f32 v17;
	v30 =	vunpack.i.l.bf16.f32 v0  }
0xa8: {  	v62 =	vld [tilespmem:s15+$0x1920];
	v40 =	vunpack.i.u.bf16.f32 v14;
	v38 =	vadd.f32 v54, v53;
	v11 =	vunpack.i.l.bf16.f32 v5  }
0xa9: {  	v10 =	vld [tilespmem:s15+$0x6420];
	v21 =	vadd.f32 v40, v19;
	v19 =	vunpack.i.l.bf16.f32 v48;
	v51 =	vadd.f32 v30, v13  }
0xaa: {  	v59 =	vadd.f32 v11, v23;
	v23 =	vunpack.i.u.bf16.f32 v8;
	v8 =	vunpack.i.u.bf16.f32 v22  }
0xab: {  	v22 =	vunpack.i.l.bf16.f32 v22;
	v23 =	vadd.f32 v23, v56;
	v43 =	vunpack.i.l.bf16.f32 v6  }
0xac: {  	v45 =	vld [tilespmem:s15+$0x3210];
	v17 =	vunpack.i.u.bf16.f32 v6;
	v6 =	vadd.f32 v8, v56;
	v8 =	vunpack.i.u.bf16.f32 v36  }
0xad: {  	v30 =	vunpack.i.l.bf16.f32 v62;
	v22 =	vadd.f32 v22, v56;
	v8 =	vadd.f32 v8, v56  }
0xae: {  	v11 =	vunpack.i.l.bf16.f32 v10;
	v60 =	vadd.f32 v17, v56;
	v36 =	vadd.f32 v43, v56  }
0xaf: {  	v6 =	vadd.f32 v16, v6;
	v16 =	vunpack.i.u.bf16.f32 v48;
	v8 =	vadd.f32 v27, v8  }
0xb0: {  	v27 =	vld [tilespmem:s15+$0x1910];
	v17 =	vadd.f32 v16, v39;
	v39 =	vunpack.i.u.bf16.f32 v10;
	v10 =	vadd.f32 v12, v56  }
0xb1: {  	v16 =	vadd.f32 v34, v22;
	v12 =	vunpack.i.u.bf16.f32 v45;
	v22 =	vadd.f32 v44, v56  }
0xb2: {  	v44 =	vunpack.i.l.bf16.f32 v20;
	v48 =	vadd.f32 v12, v56;
	v12 =	vadd.f32 v19, v10  }
0xb3: {  	v20 =	vimm.f32 $0.0e+00;
	v19 =	vadd.f32 v31, v60;
	v10 =	vadd.f32 v41, v22  }
0xb4: {  	v22 =	vadd.f32 v24, v56;
	v31 =	vunpack.i.l.bf16.f32 v61;
	v41 =	vadd.f32 v33, v25  }
0xb5: {  	v63 =	vunpack.i.u.bf16.f32 v27;
	v24 =	vunpack.i.l.bf16.f32 v27;
	v27 =	vadd.f32 v46, v56  }
0xb6: {  	v33 =	vimm.f32 $0.0e+00;
	v40 =	vadd.f32 v63, v56;
	v24 =	vadd.f32 v24, v56  }
0xb7: {  	v34 =	vld [tilespmem:s15+$0x7D00];
	v13 =	vadd.f32 v52, v27;
	v52 =	vunpack.i.u.bf16.f32 v62;
	v27 =	vimm.f32 $0.0e+00  }
0xb8: {  	s13 =	simm.s32 $0x0;
	s5 =	sshll.u32 s7, $0x7;
	s2 =	simm.s32 $0xCC0;
	v25 =	vld [tilespmem:s15+$0x3230];
	v24 =	vadd.f32 v31, v24;
	v31 =	vadd.f32 v30, v22;
	v30 =	vimm.f32 $0.0e+00  }
.LBB2_3:
0xb9: {  	v46 =	vld [tilespmem:s2+$0x0]  }
0xba: {  	v27 =	vadd.f32 v37, v27;
	v61 =	vld [tilespmem:s2+$0x7D30];
	v40 =	vadd.f32 v50, v40  }
0xbb: {  	v35 =	vadd.f32 v44, v35;
	v50 =	vld [tilespmem:s2+$0x6410];
	v23 =	vadd.f32 v39, v23  }
0xbc: {  	v14 =	vunpack.i.l.bf16.f32 v14;
	v0 =	vadd.f32 v15, v36;
	v15 =	vadd.f32 v26, v32;
	v26 =	vld [tilespmem:s2+$0x3220]  }
0xbd: {  	v1 =	vunpack.i.l.bf16.f32 v1;
	v39 =	vadd.f32 v47, v42;
	v49 =	vadd.f32 v52, v49;
	v47 =	vld [tilespmem:s2+$0x4B10]  }
0xbe: {  	v27 =	vadd.f32 v14, v27;
	v14 =	vld [tilespmem:s2+$0xAF30];
	v32 =	vadd.f32 v1, v15  }
0xbf: {  	v15 =	vld [tilespmem:s2+$0x4B20];
	v2 =	vadd.f32 v28, v56;
	v28 =	vunpack.i.u.bf16.f32 v34;
	v60 =	vunpack.i.l.bf16.f32 v34  }
0xc0: {  	v22 =	vadd.f32 v28, v18;
	v28 =	vunpack.i.l.bf16.f32 v45;
	v45 =	vld [tilespmem:s2+$0x9620];
	v20 =	vadd.f32 v60, v20  }
0xc1: {  	[tilespmem:$0x1FFE0] =	vst v0;
	v37 =	vunpack.i.u.bf16.f32 v50;
	v0 =	vadd.f32 v7, v2;
	v7 =	vadd.f32 v29, v30;
	v1 =	vmovc v26;
	v26 =	vld [tilespmem:s2+$0xAF10]  }
0xc2: {  	v29 =	vunpack.i.u.bf16.f32 v46;
	v30 =	vunpack.i.l.bf16.f32 v46;
	v28 =	vadd.f32 v28, v33;
	v46 =	vld [tilespmem:s2+$0xAF20]  }
0xc3: {  	v2 =	vunpack.i.u.bf16.f32 v25;
	v17 =	vadd.f32 v37, v17;
	v18 =	vadd.f32 v29, v4;
	v4 =	vld [tilespmem:s2+$0x20]  }
0xc4: {  	v25 =	vunpack.i.l.bf16.f32 v25;
	v48 =	vadd.f32 v2, v48;
	v29 =	vld [tilespmem:s2+$0x3200];
	[tilespmem:$0x1FFB0] =	vst v0;
	v0 =	vadd.f32 v9, v22  }
0xc5: {  	v37 =	vunpack.i.l.bf16.f32 v47;
	v44 =	vadd.f32 v58, v20;
	v9 =	vld [tilespmem:s2+$0x7D20];
	v33 =	vadd.f32 v25, v28  }
0xc6: {  	v62 =	vunpack.i.l.bf16.f32 v14;
	[tilespmem:$0x1FFF0] =	vst v0;
	v0 =	vadd.f32 v30, v51;
	v30 =	vadd.f32 v11, v7;
	v11 =	vld [tilespmem:s2+$0x7D10]  }
0xc7: {  	v54 =	vunpack.i.u.bf16.f32 v15;
	v36 =	vunpack.i.l.bf16.f32 v15;
	v15 =	vunpack.i.u.bf16.f32 v61  }
0xc8: {  	v51 =	vld [tilespmem:s2+$0x1900];
	v60 =	vunpack.i.l.bf16.f32 v45;
	v28 =	vunpack.i.u.bf16.f32 v26;
	v26 =	vunpack.i.l.bf16.f32 v26  }
0xc9: {  	v52 =	vunpack.i.u.bf16.f32 v46;
	[tilespmem:$0x1FFC0] =	vst v0;
	v0 =	vunpack.i.u.bf16.f32 v1;
	v3 =	vadd.f32 v26, v57  }
0xca: {  	v43 =	vld [tilespmem:s2+$0x6420];
	v26 =	vunpack.i.u.bf16.f32 v14;
	v53 =	vunpack.i.l.bf16.f32 v4;
	[tilespmem:$0x1FFD0] =	vst v0;
	v0 =	vadd.f32 v28, v55  }
0xcb: {  	v20 =	vmovc v13;
	v57 =	vld [tilespmem:s2+$0x4B00];
	v13 =	vunpack.i.l.bf16.f32 v9;
	v28 =	vunpack.i.u.bf16.f32 v29;
	v14 =	vunpack.i.u.bf16.f32 v11  }
0xcc: {  	v56 =	vld [tilespmem:s2+$0x9600];
	v11 =	vunpack.i.l.bf16.f32 v11;
	v7 =	vadd.f32 v26, v0;
	v26 =	vunpack.i.l.bf16.f32 v29  }
0xcd: {  	v55 =	vld [tilespmem:s2+$0x6400];
	v58 =	vunpack.i.u.bf16.f32 v51;
	v29 =	vunpack.i.u.bf16.f32 v47;
	v5 =	vadd.f32 v11, v59  }
0xce: {  	v2 =	vld [tilespmem:s2+$0x9630];
	v41 =	vadd.f32 v14, v41;
	v11 =	vunpack.i.u.bf16.f32 v4;
	v21 =	vadd.f32 v29, v21  }
0xcf: {  	v42 =	vld [tilespmem:s2+$0x9610];
	v49 =	vadd.f32 v58, v49;
	v22 =	vadd.f32 v11, v18;
	v18 =	vunpack.i.u.bf16.f32 v9  }
0xd0: {  	v63 =	vld [tilespmem:s2+$0x10];
	v11 =	vunpack.i.l.bf16.f32 v61;
	v9 =	vadd.f32 v62, v3;
	v0 =	vunpack.i.l.bf16.f32 v57  }
0xd1: {  	v62 =	vld [tilespmem:s2+$0xAF00];
	v47 =	vunpack.i.u.bf16.f32 v57;
	v59 =	vadd.f32 v11, v5;
	v11 =	vunpack.i.l.bf16.f32 v43  }
0xd2: {  	v61 =	vunpack.i.u.bf16.f32 v55;
	v29 =	vunpack.i.l.bf16.f32 v55;
	v55 =	vunpack.i.u.bf16.f32 v56  }
0xd3: {  	v56 =	vunpack.i.l.bf16.f32 v56;
	v5 =	vunpack.i.l.bf16.f32 v2;
	v19 =	vadd.f32 v47, v19  }
0xd4: {  	v41 =	vadd.f32 v15, v41;
	v23 =	vadd.f32 v61, v23;
	v61 =	vunpack.i.u.bf16.f32 v42  }
0xd5: {  	v14 =	vld [tilespmem:s2+$0x4B30];
	v16 =	vadd.f32 v56, v16;
	v56 =	vunpack.i.l.bf16.f32 v42;
	v42 =	vunpack.i.u.bf16.f32 v45  }
0xd6: {  	v4 =	vld [tilespmem:s2+$0x6430];
	v6 =	vadd.f32 v55, v6;
	v55 =	vunpack.i.l.bf16.f32 v63;
	v45 =	vunpack.i.u.bf16.f32 v62  }
0xd7: {  	v63 =	vunpack.i.u.bf16.f32 v63;
	v38 =	vadd.f32 v55, v38;
	v8 =	vadd.f32 v45, v8;
	v45 =	vld [tilespmem:s2+$0x3210]  }
0xd8: {  	v2 =	vunpack.i.u.bf16.f32 v2;
	v6 =	vadd.f32 v42, v6;
	v42 =	vadd.f32 v63, v39;
	v63 =	vld [tilespmem:s2+$0x1910]  }
0xd9: {  	v10 =	vadd.f32 v61, v10;
	v19 =	vadd.f32 v54, v19;
	v57 =	vunpack.i.l.bf16.f32 v62  }
0xda: {  	v3 =	vunpack.i.u.bf16.f32 v14;
	v62 =	vld [tilespmem:s2+$0x30];
	v35 =	vadd.f32 v57, v35;
	v57 =	vunpack.i.l.bf16.f32 v50  }
0xdb: {  	v58 =	vmovc v13;
	v13 =	vld [tilespmem:$0x1FFC0];
	v39 =	vunpack.i.u.bf16.f32 v4;
	v21 =	vadd.f32 v3, v21;
	v3 =	vadd.f32 v57, v12  }
0xdc: {  	v4 =	vunpack.i.l.bf16.f32 v4;
	v17 =	vadd.f32 v39, v17;
	v12 =	vunpack.i.u.bf16.f32 v45  }
0xdd: {  	v61 =	vld [tilespmem:s2+$0x1920];
	v48 =	vadd.f32 v12, v48;
	v12 =	vadd.f32 v4, v3;
	v3 =	vunpack.i.u.bf16.f32 v63  }
0xde: {  	v39 =	vunpack.i.u.bf16.f32 v43;
	v43 =	vld [tilespmem:s2+$0x1930];
	v40 =	vadd.f32 v3, v40;
	v3 =	vadd.f32 v56, v20  }
0xdf: {  	s13 =	sadd.s32 $0x2, s13;
	v16 =	vadd.f32 v60, v16;
	v55 =	vunpack.i.l.bf16.f32 v62;
	v47 =	vunpack.i.u.bf16.f32 v62  }
0xe0: {  	p1 =	slt.u32 s13, $0xC6;
	v62 =	vunpack.i.l.bf16.f32 v51;
	v51 =	vadd.f32 v53, v13;
	v13 =	vadd.f32 v5, v3;
	v3 =	vld [tilespmem:$0x1FFE0]  }
.Ltmp0:
0xe1: {  	v34 =	vld [tilespmem:s2+$0x7D00];
	v10 =	vadd.f32 v2, v10;
	v8 =	vadd.f32 v52, v8;
	(pc) =	sbr.rel @p1 .LBB2_3-.Ltmp0, $4  }
0xe2: {  	v25 =	vld [tilespmem:s2+$0x3230];
	v52 =	vunpack.i.u.bf16.f32 v61;
	v2 =	vadd.f32 v62, v31;
	v4 =	vunpack.i.l.bf16.f32 v63  }
0xe3: {  	v57 =	vmovc v9;
	v9 =	vmovc v18;
	v18 =	vld [tilespmem:$0x1FFF0];
	v50 =	vunpack.i.u.bf16.f32 v43;
	v31 =	vunpack.i.l.bf16.f32 v61;
	v63 =	vadd.f32 v4, v24  }
0xe4: {  	v15 =	vmovc v36;
	v38 =	vadd.f32 v55, v38;
	v20 =	vmovc v44;
	v56 =	vld [tilespmem:$0x1FFB0];
	v24 =	vunpack.i.l.bf16.f32 v43;
	v31 =	vadd.f32 v31, v2  }
0xe5: {  	s2 =	sadd.s32 $0x40, s2;
	v55 =	vmovc v7;
	v7 =	vld [tilespmem:$0x1FFD0];
	v44 =	vunpack.i.l.bf16.f32 v46;
	v24 =	vadd.f32 v24, v63;
	v4 =	vmovc v22;
	v36 =	vadd.f32 v0, v3  }
0xe6: {  	p1 =	seq.s32 s7, $0x0  }
0xe7: {  	s2 =	simm.s32 @!p1 $0x5  }
0xe8: {  	_ =	swait.ge @!p1 [sflag:s2], $0x200  }
0xe9: {  	[sflag:s2] =	ssyncset.done @!p1 $0x0  }
0xea: {  	[sflag:s2] =	ssyncadd.s32 @!p1 $0xFFFFFE00  }
0xeb: {  	[tilespmem:$0x19C80] =	vst v51  }
0xec: {  	v0 =	vadd.f32 v47, v42;
	[tilespmem:$0x19C90] =	vst v4  }
0xed: {  	[tilespmem:$0x19CA0] =	vst v38  }
0xee: {  	v2 =	vadd.f32 v52, v49;
	v3 =	vadd.f32 v26, v32;
	[tilespmem:$0x19CB0] =	vst v0  }
0xef: {  	v1 =	vunpack.i.l.bf16.f32 v1;
	[tilespmem:$0x19CC0] =	vst v31  }
0xf0: {  	v1 =	vadd.f32 v1, v3;
	[tilespmem:$0x19CD0] =	vst v2  }
0xf1: {  	[tilespmem:$0x19CE0] =	vst v24  }
0xf2: {  	[tilespmem:$0x19D00] =	vst v1  }
0xf3: {  	[tilespmem:$0x19D50] =	vst v19  }
0xf4: {  	[tilespmem:$0x19D70] =	vst v21  }
0xf5: {  	[tilespmem:$0x19DA0] =	vst v12  }
0xf6: {  	[tilespmem:$0x19DB0] =	vst v17  }
0xf7: {  	[tilespmem:$0x19DE0] =	vst v59  }
0xf8: {  	[tilespmem:$0x19DF0] =	vst v41  }
0xf9: {  	[tilespmem:$0x19E00] =	vst v16  }
0xfa: {  	[tilespmem:$0x19E10] =	vst v6  }
0xfb: {  	v5 =	vunpack.i.l.bf16.f32 v45;
	v0 =	vadd.f32 v28, v56;
	[tilespmem:$0x19E20] =	vst v13  }
0xfc: {  	v4 =	vadd.f32 v50, v40;
	v2 =	vadd.f32 v5, v33;
	[tilespmem:$0x19E30] =	vst v10  }
0xfd: {  	v3 =	vunpack.i.l.bf16.f32 v25;
	[tilespmem:$0x19E50] =	vst v8;
	v0 =	vadd.f32 v7, v0  }
0xfe: {  	[tilespmem:$0x19CF0] =	vst v4;
	v4 =	vunpack.i.u.bf16.f32 v25;
	v2 =	vadd.f32 v3, v2  }
0xff: {  	v1 =	vadd.f32 v4, v48;
	[tilespmem:$0x19D10] =	vst v0;
	v0 =	vadd.f32 v37, v27  }
0x100: {  	[tilespmem:$0x19D20] =	vst v2;
	v2 =	vunpack.i.l.bf16.f32 v14  }
0x101: {  	[tilespmem:$0x19D30] =	vst v1;
	v1 =	vadd.f32 v29, v30;
	v0 =	vadd.f32 v2, v0  }
0x102: {  	[tilespmem:$0x19E60] =	vst v57;
	v3 =	vadd.f32 v15, v36  }
0x103: {  	v1 =	vadd.f32 v11, v1;
	[tilespmem:$0x19D60] =	vst v0;
	v0 =	vunpack.i.l.bf16.f32 v34  }
0x104: {  	[tilespmem:$0x19D40] =	vst v3;
	v3 =	vunpack.i.u.bf16.f32 v34;
	v0 =	vadd.f32 v0, v20  }
0x105: {  	v2 =	vadd.f32 v39, v23;
	[tilespmem:$0x19D80] =	vst v1;
	v1 =	vadd.f32 v3, v18  }
0x106: {  	[tilespmem:$0x19E70] =	vst v55;
	v0 =	vadd.f32 v58, v0  }
0x107: {  	[tilespmem:$0x19D90] =	vst v2;
	v1 =	vadd.f32 v9, v1  }
0x108: {  	[tilespmem:$0x19DC0] =	vst v0;
	v0 =	vadd.f32 v44, v35  }
0x109: {  	s5 =	sadd.s32 s9, s5;
	s0 =	rddreg [dreg:$0x1];
	[tilespmem:$0x19DD0] =	vst v1  }
0x10a: {  	s2 =	simm.s32 @!p0 $0x1;
	s13 =	sadd.s32 s0, s5;
	[tilespmem:$0x19E40] =	vst v0  }
0x10b: {  	[hbm4b:s13+s3] =	stream.linear.scatter [tilespmem:s26], [sflag:$0x5], $0x200, $0x38;
	[tilespmem:$0x1A080] =	vst v63  }
0x10c: {  	_ =	swait.ge @!p0 [sflag:s2], $0x640  }
0x10d: {  	s1 =	simm.s32 @!p0 $0xC80;
	[sflag:s2] =	ssyncset.done @!p0 $0x0  }
0x10e: {  	s13 =	simm.s32 @!p0 $0x80;
	[sflag:s2] =	ssyncadd.s32 @!p0 $0xFFFFF9C0;
	s2 =	simm.s32 @!p0 $0x0  }
0x10f: {  	[tilespmem:s1], [sflag:$0x3] =	stream.indirect.gather @!p0 [hbm4b:s6+s13], $0x20, s2, s13, $0xb8;
	[tilespmem:$0x1A080] =	vst v63  }
0x110: {  	s0 =	simm.s32 @!p0 $0x1C80;
	s1 =	simm.s32 @!p0 $0x48  }
0x111: {  	[tilespmem:s0], [sflag:$0x3] =	stream.indirect.gather @!p0 [hbm4b:s6+s1], $0x20, s13, s1, $0xb8;
	[tilespmem:$0x1A080] =	vst v63  }
0x112: {  	s15 =	simm.s32 @!p0 $0x2580;
	s0 =	simm.s32 @!p0 $0xC8  }
0x113: {  	[tilespmem:s15], [sflag:$0x3] =	stream.indirect.gather @!p0 [hbm4b:s6+s13], $0x20, s0, s13, $0xb8;
	[tilespmem:$0x1A080] =	vst v63  }
0x114: {  	s0 =	simm.s32 @!p0 $0x148;
	s15 =	simm.s32 @!p0 $0x3580  }
0x115: {  	[tilespmem:s15], [sflag:$0x3] =	stream.indirect.gather @!p0 [hbm4b:s6+s1], $0x20, s0, s1, $0xb8;
	[tilespmem:$0x1A080] =	vst v63  }
0x116: {  	s0 =	simm.s32 @!p0 $0x190;
	s15 =	simm.s32 @!p0 $0x3E80  }
0x117: {  	[tilespmem:s15], [sflag:$0x3] =	stream.indirect.gather @!p0 [hbm4b:s6+s13], $0x20, s0, s13, $0xb8;
	[tilespmem:$0x1A080] =	vst v63  }
0x118: {  	s0 =	simm.s32 @!p0 $0x210;
	s15 =	simm.s32 @!p0 $0x4E80  }
0x119: {  	[tilespmem:s15], [sflag:$0x3] =	stream.indirect.gather @!p0 [hbm4b:s6+s1], $0x20, s0, s1, $0xb8;
	[tilespmem:$0x1A080] =	vst v63  }
0x11a: {  	s0 =	simm.s32 @!p0 $0x258;
	s15 =	simm.s32 @!p0 $0x5780  }
0x11b: {  	[tilespmem:s15], [sflag:$0x3] =	stream.indirect.gather @!p0 [hbm4b:s6+s13], $0x20, s0, s13, $0xb8;
	[tilespmem:$0x1A080] =	vst v63  }
0x11c: {  	s0 =	simm.s32 @!p0 $0x2D8;
	s15 =	simm.s32 @!p0 $0x6780  }
0x11d: {  	[tilespmem:s15], [sflag:$0x3] =	stream.indirect.gather @!p0 [hbm4b:s6+s1], $0x20, s0, s1, $0xb8;
	[tilespmem:$0x1A080] =	vst v63  }
0x11e: {  	s0 =	simm.s32 @!p0 $0x320;
	s15 =	simm.s32 @!p0 $0x7080  }
0x11f: {  	[tilespmem:s15], [sflag:$0x3] =	stream.indirect.gather @!p0 [hbm4b:s6+s13], $0x20, s0, s13, $0xb8;
	[tilespmem:$0x1A080] =	vst v63  }
0x120: {  	s0 =	simm.s32 @!p0 $0x3A0;
	s15 =	simm.s32 @!p0 $0x8080  }
0x121: {  	[tilespmem:s15], [sflag:$0x3] =	stream.indirect.gather @!p0 [hbm4b:s6+s1], $0x20, s0, s1, $0xb8;
	[tilespmem:$0x1A080] =	vst v63  }
0x122: {  	s0 =	simm.s32 @!p0 $0x3E8;
	s15 =	simm.s32 @!p0 $0x8980  }
0x123: {  	[tilespmem:s15], [sflag:$0x3] =	stream.indirect.gather @!p0 [hbm4b:s6+s13], $0x20, s0, s13, $0xb8;
	[tilespmem:$0x1A080] =	vst v63  }
0x124: {  	s0 =	simm.s32 @!p0 $0x468;
	s15 =	simm.s32 @!p0 $0x9980  }
0x125: {  	[tilespmem:s15], [sflag:$0x3] =	stream.indirect.gather @!p0 [hbm4b:s6+s1], $0x20, s0, s1, $0xb8;
	[tilespmem:$0x1A080] =	vst v63  }
0x126: {  	s0 =	simm.s32 @!p0 $0x4B0;
	s15 =	simm.s32 @!p0 $0xA280  }
0x127: {  	[tilespmem:s15], [sflag:$0x3] =	stream.indirect.gather @!p0 [hbm4b:s6+s13], $0x20, s0, s13, $0xb8;
	[tilespmem:$0x1A080] =	vst v63  }
0x128: {  	s0 =	simm.s32 @!p0 $0x530;
	s15 =	simm.s32 @!p0 $0xB280  }
0x129: {  	[tilespmem:s15], [sflag:$0x3] =	stream.indirect.gather @!p0 [hbm4b:s6+s1], $0x20, s0, s1, $0xb8;
	[tilespmem:$0x1A080] =	vst v63  }
0x12a: {  	s0 =	simm.s32 @!p0 $0x578;
	s15 =	simm.s32 @!p0 $0xBB80  }
0x12b: {  	[tilespmem:s15], [sflag:$0x3] =	stream.indirect.gather @!p0 [hbm4b:s6+s13], $0x20, s0, s13, $0xb8;
	[tilespmem:$0x1A080] =	vst v63  }
0x12c: {  	s0 =	simm.s32 @!p0 $0x5F8;
	s13 =	simm.s32 @!p0 $0xCB80  }
0x12d: {  	[tilespmem:s13], [sflag:$0x3] =	stream.indirect.gather @!p0 [hbm4b:s6+s1], $0x20, s0, s1, $0xb8;
	[tilespmem:$0x1A080] =	vst v63  }
0x12e: {  	_ =	swait.ge [sflag:s28], $0x1000  }
0x12f: {  	[sflag:s28] =	ssyncset.done $0x0  }
0x130: {  	[sflag:s28] =	ssyncadd.s32 $0xFFFFF000  }
0x131: {  	_ =	swait.ge [sflag:s28], $0x900  }
0x132: {  	[sflag:s28] =	ssyncset.done $0x0  }
0x133: {  	[sflag:s28] =	ssyncadd.s32 $0xFFFFF700  }
0x134: {  	_ =	swait.ge [sflag:s28], $0x1000  }
0x135: {  	[sflag:s28] =	ssyncset.done $0x0  }
0x136: {  	[sflag:s28] =	ssyncadd.s32 $0xFFFFF000  }
0x137: {  	_ =	swait.ge [sflag:s28], $0x900  }
0x138: {  	[sflag:s28] =	ssyncset.done $0x0  }
0x139: {  	[sflag:s28] =	ssyncadd.s32 $0xFFFFF700  }
0x13a: {  	_ =	swait.ge [sflag:s28], $0x1000  }
0x13b: {  	[sflag:s28] =	ssyncset.done $0x0  }
0x13c: {  	[sflag:s28] =	ssyncadd.s32 $0xFFFFF000  }
0x13d: {  	_ =	swait.ge [sflag:s28], $0x900  }
0x13e: {  	[sflag:s28] =	ssyncset.done $0x0  }
0x13f: {  	[sflag:s28] =	ssyncadd.s32 $0xFFFFF700  }
0x140: {  	_ =	swait.ge [sflag:s28], $0x1000  }
0x141: {  	[sflag:s28] =	ssyncset.done $0x0  }
0x142: {  	[sflag:s28] =	ssyncadd.s32 $0xFFFFF000  }
0x143: {  	_ =	swait.ge [sflag:s28], $0x900  }
0x144: {  	[sflag:s28] =	ssyncset.done $0x0  }
0x145: {  	[sflag:s28] =	ssyncadd.s32 $0xFFFFF700  }
0x146: {  	_ =	swait.ge [sflag:s28], $0x1000  }
0x147: {  	[sflag:s28] =	ssyncset.done $0x0  }
0x148: {  	[sflag:s28] =	ssyncadd.s32 $0xFFFFF000  }
0x149: {  	_ =	swait.ge [sflag:s28], $0x900  }
0x14a: {  	[sflag:s28] =	ssyncset.done $0x0  }
0x14b: {  	[sflag:s28] =	ssyncadd.s32 $0xFFFFF700  }
0x14c: {  	_ =	swait.ge [sflag:s28], $0x1000  }
0x14d: {  	[sflag:s28] =	ssyncset.done $0x0  }
0x14e: {  	[sflag:s28] =	ssyncadd.s32 $0xFFFFF000  }
0x14f: {  	_ =	swait.ge [sflag:s28], $0x900  }
0x150: {  	[sflag:s28] =	ssyncset.done $0x0  }
0x151: {  	[sflag:s28] =	ssyncadd.s32 $0xFFFFF700  }
0x152: {  	_ =	swait.ge [sflag:s28], $0x1000  }
0x153: {  	[sflag:s28] =	ssyncset.done $0x0  }
0x154: {  	[sflag:s28] =	ssyncadd.s32 $0xFFFFF000  }
0x155: {  	_ =	swait.ge [sflag:s28], $0x900  }
0x156: {  	[sflag:s28] =	ssyncset.done $0x0  }
0x157: {  	[sflag:s28] =	ssyncadd.s32 $0xFFFFF700  }
0x158: {  	_ =	swait.ge [sflag:s28], $0x1000  }
0x159: {  	[sflag:s28] =	ssyncset.done $0x0  }
0x15a: {  	s0 =	sadd.s32 @!p0 s12, s10;
	[sflag:s28] =	ssyncadd.s32 $0xFFFFF000  }
0x15b: {  	s0 =	smul.u32 @!p0 $0x19, s0;
	_ =	swait.ge [sflag:s28], $0x900  }
0x15c: {  	s15 =	simm.s32 $0xD480;
	[sflag:s28] =	ssyncset.done $0x0  }
0x15d: {  	s1 =	simm.s32 @!p0 $0x640;
	s0 =	sadd.s32 @!p0 s4, s0;
	[sflag:s28] =	ssyncadd.s32 $0xFFFFF700  }
0x15e: {  	[tilespmem:s1], [sflag:$0x2] =	stream.linear.gather @!p0 [hbm4b:s0+s2], $0x640, $0x38;
	[tilespmem:$0x1A080] =	vst v63  }
0x15f: {  	v0 =	vld [tilespmem:s15+$0x0]  }
0x160: {  	v5 =	vld [tilespmem:s15+$0x7D30]  }
0x161: {  	v3 =	vld [tilespmem:s15+$0xAF30]  }
0x162: {  	v12 =	vld [tilespmem:s15+$0x6410]  }
0x163: {  	v6 =	vld [tilespmem:s15+$0x7D20]  }
0x164: {  	v4 =	vld [tilespmem:s15+$0xAF10]  }
0x165: {  	v8 =	vld [tilespmem:s15+$0x4B20]  }
0x166: {  	v20 =	vld [tilespmem:s15+$0xAF20]  }
0x167: {  	v16 =	vld [tilespmem:s15+$0x9620]  }
0x168: {  	v17 =	vld [tilespmem:s15+$0x3200]  }
0x169: {  	v21 =	vld [tilespmem:s15+$0x4B10]  }
0x16a: {  	v24 =	vld [tilespmem:s15+$0x1900]  }
0x16b: {  	v56 =	vimm.f32 $0.0e+00;
	v54 =	vld [tilespmem:s15+$0xAF00];
	v7 =	vunpack.i.u.bf16.f32 v0  }
0x16c: {  	v60 =	vld [tilespmem:s15+$0x10];
	v0 =	vunpack.i.l.bf16.f32 v0;
	v14 =	vunpack.i.u.bf16.f32 v4;
	v4 =	vunpack.i.l.bf16.f32 v4  }
0x16d: {  	v61 =	vld [tilespmem:s15+$0x9630];
	v18 =	vunpack.i.u.bf16.f32 v3;
	v3 =	vunpack.i.l.bf16.f32 v3;
	v27 =	vunpack.i.u.bf16.f32 v20  }
0x16e: {  	v50 =	vld [tilespmem:s15+$0x30];
	v31 =	vunpack.i.u.bf16.f32 v8;
	v15 =	vunpack.i.l.bf16.f32 v8;
	v58 =	vunpack.i.l.bf16.f32 v6  }
0x16f: {  	v28 =	vunpack.i.u.bf16.f32 v17;
	v26 =	vunpack.i.l.bf16.f32 v17;
	v32 =	vunpack.i.u.bf16.f32 v24  }
0x170: {  	v1 =	vld [tilespmem:s15+$0x3220];
	v33 =	vunpack.i.u.bf16.f32 v5;
	v34 =	vunpack.i.l.bf16.f32 v16;
	v53 =	vunpack.i.u.bf16.f32 v12  }
0x171: {  	v9 =	vld [tilespmem:s15+$0x7D10];
	v37 =	vunpack.i.l.bf16.f32 v21;
	v16 =	vunpack.i.u.bf16.f32 v16;
	v49 =	vunpack.i.l.bf16.f32 v54  }
0x172: {  	v38 =	vunpack.i.u.bf16.f32 v60;
	v52 =	vunpack.i.l.bf16.f32 v61;
	v41 =	vunpack.i.u.bf16.f32 v61  }
0x173: {  	v12 =	vunpack.i.l.bf16.f32 v12;
	v47 =	vunpack.i.u.bf16.f32 v50;
	v24 =	vunpack.i.l.bf16.f32 v24  }
0x174: {  	v44 =	vunpack.i.l.bf16.f32 v20;
	v20 =	vimm.f32 $0.0e+00;
	v13 =	vadd.f32 v0, v56  }
0x175: {  	v8 =	vld [tilespmem:s15+$0x6400];
	v11 =	vadd.f32 v7, v56;
	v7 =	vunpack.i.u.bf16.f32 v1;
	v19 =	vadd.f32 v4, v56  }
0x176: {  	v17 =	vld [tilespmem:s15+$0x9610];
	v4 =	vunpack.i.u.bf16.f32 v9;
	v22 =	vadd.f32 v14, v56;
	v39 =	vadd.f32 v53, v56  }
0x177: {  	v0 =	vld [tilespmem:s15+$0x20];
	v9 =	vunpack.i.l.bf16.f32 v9;
	v35 =	vadd.f32 v49, v56;
	v42 =	vadd.f32 v38, v56  }
0x178: {  	v14 =	vld [tilespmem:s15+$0x4B30];
	v49 =	vadd.f32 v32, v56;
	v32 =	vimm.f32 $0.0e+00;
	v23 =	vadd.f32 v9, v56  }
0x179: {  	v10 =	vld [tilespmem:s15+$0x6420];
	v25 =	vadd.f32 v4, v56;
	v55 =	vadd.f32 v18, v22;
	v18 =	vunpack.i.u.bf16.f32 v6  }
0x17a: {  	v22 =	vld [tilespmem:s15+$0x9600];
	v57 =	vadd.f32 v3, v19;
	v19 =	vunpack.i.u.bf16.f32 v21;
	v21 =	vunpack.i.l.bf16.f32 v60  }
0x17b: {  	v6 =	vld [tilespmem:s15+$0x4B00];
	v19 =	vadd.f32 v19, v56;
	v53 =	vadd.f32 v21, v56;
	v29 =	vunpack.i.l.bf16.f32 v8  }
0x17c: {  	v62 =	vunpack.i.u.bf16.f32 v17;
	v45 =	vunpack.i.l.bf16.f32 v17;
	v9 =	vunpack.i.u.bf16.f32 v0  }
0x17d: {  	v30 =	vunpack.i.l.bf16.f32 v0;
	v40 =	vunpack.i.u.bf16.f32 v14;
	v4 =	vadd.f32 v9, v11  }
0x17e: {  	v11 =	vunpack.i.l.bf16.f32 v5;
	v21 =	vadd.f32 v40, v19;
	v51 =	vadd.f32 v30, v13  }
0x17f: {  	v63 =	vld [tilespmem:s15+$0x6430];
	v59 =	vadd.f32 v11, v23;
	v11 =	vunpack.i.l.bf16.f32 v10;
	v23 =	vunpack.i.u.bf16.f32 v8  }
0x180: {  	v8 =	vunpack.i.u.bf16.f32 v22;
	v43 =	vunpack.i.l.bf16.f32 v6;
	v22 =	vunpack.i.l.bf16.f32 v22  }
0x181: {  	v46 =	vld [tilespmem:s15+$0x3210];
	v17 =	vunpack.i.u.bf16.f32 v6;
	v23 =	vadd.f32 v23, v56;
	v22 =	vadd.f32 v22, v56  }
0x182: {  	v6 =	vadd.f32 v8, v56;
	v8 =	vunpack.i.u.bf16.f32 v54;
	v60 =	vadd.f32 v17, v56  }
0x183: {  	v61 =	vld [tilespmem:s15+$0x1930];
	v54 =	vunpack.i.l.bf16.f32 v50;
	v36 =	vadd.f32 v43, v56;
	v8 =	vadd.f32 v8, v56  }
0x184: {  	v38 =	vadd.f32 v54, v53;
	v6 =	vadd.f32 v16, v6;
	v16 =	vunpack.i.u.bf16.f32 v63  }
0x185: {  	v8 =	vadd.f32 v27, v8;
	v17 =	vadd.f32 v16, v39;
	v39 =	vunpack.i.u.bf16.f32 v10  }
0x186: {  	v27 =	vld [tilespmem:s15+$0x1910];
	v10 =	vadd.f32 v12, v56;
	v16 =	vadd.f32 v34, v22;
	v12 =	vunpack.i.u.bf16.f32 v46  }
0x187: {  	v19 =	vunpack.i.l.bf16.f32 v63;
	v22 =	vadd.f32 v62, v56;
	v62 =	vld [tilespmem:s15+$0x1920];
	v48 =	vadd.f32 v12, v56  }
0x188: {  	v50 =	vunpack.i.u.bf16.f32 v61;
	v12 =	vadd.f32 v19, v10;
	v19 =	vadd.f32 v31, v60  }
0x189: {  	v53 =	vimm.f32 $0.0e+00;
	v10 =	vadd.f32 v41, v22;
	v22 =	vadd.f32 v24, v56  }
0x18a: {  	v31 =	vunpack.i.l.bf16.f32 v61;
	v41 =	vadd.f32 v33, v25;
	v33 =	vimm.f32 $0.0e+00  }
0x18b: {  	v63 =	vunpack.i.u.bf16.f32 v27;
	v24 =	vunpack.i.l.bf16.f32 v27;
	v27 =	vadd.f32 v45, v56  }
0x18c: {  	v30 =	vunpack.i.l.bf16.f32 v62;
	v40 =	vadd.f32 v63, v56;
	v24 =	vadd.f32 v24, v56  }
0x18d: {  	v34 =	vld [tilespmem:s15+$0x7D00];
	v13 =	vadd.f32 v52, v27;
	v52 =	vunpack.i.u.bf16.f32 v62;
	v27 =	vimm.f32 $0.0e+00  }
0x18e: {  	s12 =	simm.s32 $0x0;
	s2 =	simm.s32 $0xD4C0;
	v25 =	vld [tilespmem:s15+$0x3230];
	v24 =	vadd.f32 v31, v24;
	v31 =	vadd.f32 v30, v22;
	v30 =	vimm.f32 $0.0e+00  }
.LBB2_5:
0x18f: {  	v45 =	vld [tilespmem:s2+$0x0];
	v27 =	vadd.f32 v37, v27  }
0x190: {  	v61 =	vld [tilespmem:s2+$0x7D30];
	v40 =	vadd.f32 v50, v40;
	v35 =	vadd.f32 v44, v35  }
0x191: {  	v50 =	vld [tilespmem:s2+$0x6410];
	v23 =	vadd.f32 v39, v23;
	v39 =	vadd.f32 v47, v42  }
0x192: {  	v14 =	vunpack.i.l.bf16.f32 v14;
	v9 =	vld [tilespmem:s2+$0x7D20];
	v0 =	vadd.f32 v15, v36;
	v15 =	vadd.f32 v26, v32  }
0x193: {  	v1 =	vunpack.i.l.bf16.f32 v1;
	v49 =	vadd.f32 v52, v49;
	v26 =	vld [tilespmem:s2+$0x3220];
	v27 =	vadd.f32 v14, v27  }
0x194: {  	v47 =	vld [tilespmem:s2+$0x4B10];
	v32 =	vadd.f32 v1, v15;
	v2 =	vadd.f32 v28, v56;
	v28 =	vunpack.i.u.bf16.f32 v34  }
0x195: {  	v14 =	vld [tilespmem:s2+$0xAF30];
	v60 =	vunpack.i.l.bf16.f32 v34;
	v22 =	vadd.f32 v28, v53;
	v28 =	vunpack.i.l.bf16.f32 v46  }
0x196: {  	[tilespmem:$0x1FFA0] =	vst v0;
	v15 =	vld [tilespmem:s2+$0x4B20];
	v20 =	vadd.f32 v60, v20;
	v37 =	vunpack.i.u.bf16.f32 v50;
	v0 =	vadd.f32 v7, v2  }
0x197: {  	v46 =	vld [tilespmem:s2+$0x9620];
	v7 =	vadd.f32 v29, v30;
	v29 =	vunpack.i.u.bf16.f32 v45;
	v30 =	vunpack.i.l.bf16.f32 v45  }
0x198: {  	v28 =	vadd.f32 v28, v33;
	v2 =	vunpack.i.u.bf16.f32 v25;
	v1 =	vmovc v26;
	v26 =	vld [tilespmem:s2+$0xAF10];
	v17 =	vadd.f32 v37, v17  }
0x199: {  	v25 =	vunpack.i.l.bf16.f32 v25;
	v45 =	vld [tilespmem:s2+$0xAF20];
	v53 =	vadd.f32 v18, v22;
	v48 =	vadd.f32 v2, v48  }
0x19a: {  	v37 =	vunpack.i.l.bf16.f32 v47;
	v18 =	vadd.f32 v29, v4;
	v4 =	vld [tilespmem:s2+$0x20];
	[tilespmem:$0x1FF70] =	vst v0;
	v0 =	vadd.f32 v30, v51  }
0x19b: {  	v62 =	vunpack.i.l.bf16.f32 v14;
	v30 =	vadd.f32 v11, v7;
	v11 =	vld [tilespmem:s2+$0x7D10];
	v33 =	vadd.f32 v25, v28  }
0x19c: {  	v51 =	vld [tilespmem:s2+$0x1900];
	v54 =	vunpack.i.u.bf16.f32 v15;
	v44 =	vunpack.i.l.bf16.f32 v15;
	v15 =	vunpack.i.u.bf16.f32 v61  }
0x19d: {  	[tilespmem:$0x1FF80] =	vst v0;
	v0 =	vadd.f32 v58, v20;
	v20 =	vmovc v13;
	v13 =	vunpack.i.l.bf16.f32 v9;
	v60 =	vunpack.i.l.bf16.f32 v46  }
0x19e: {  	v29 =	vld [tilespmem:s2+$0x3200];
	v28 =	vunpack.i.u.bf16.f32 v26;
	v26 =	vunpack.i.l.bf16.f32 v26;
	v52 =	vunpack.i.u.bf16.f32 v45  }
0x19f: {  	v43 =	vld [tilespmem:s2+$0x6420];
	[tilespmem:$0x1FF60] =	vst v0;
	v0 =	vunpack.i.u.bf16.f32 v1;
	v3 =	vadd.f32 v26, v57;
	v26 =	vunpack.i.u.bf16.f32 v14  }
0x1a0: {  	v2 =	vld [tilespmem:s2+$0x9630];
	v36 =	vunpack.i.l.bf16.f32 v4;
	v14 =	vunpack.i.u.bf16.f32 v11;
	v11 =	vunpack.i.l.bf16.f32 v11  }
0x1a1: {  	v57 =	vld [tilespmem:s2+$0x4B00];
	[tilespmem:$0x1FF90] =	vst v0;
	v0 =	vadd.f32 v28, v55;
	v58 =	vunpack.i.u.bf16.f32 v51;
	v5 =	vadd.f32 v11, v59  }
0x1a2: {  	v55 =	vld [tilespmem:s2+$0x6400];
	v41 =	vadd.f32 v14, v41;
	v11 =	vunpack.i.u.bf16.f32 v4;
	v49 =	vadd.f32 v58, v49  }
0x1a3: {  	v56 =	vld [tilespmem:s2+$0x9600];
	v28 =	vunpack.i.u.bf16.f32 v29;
	v7 =	vadd.f32 v26, v0;
	v22 =	vadd.f32 v11, v18  }
0x1a4: {  	v42 =	vld [tilespmem:s2+$0x9610];
	v18 =	vunpack.i.u.bf16.f32 v9;
	v26 =	vunpack.i.l.bf16.f32 v29;
	v11 =	vunpack.i.l.bf16.f32 v61  }
0x1a5: {  	v9 =	vadd.f32 v62, v3;
	v29 =	vunpack.i.u.bf16.f32 v47;
	v62 =	vld [tilespmem:s2+$0xAF00];
	v59 =	vadd.f32 v11, v5  }
0x1a6: {  	v63 =	vld [tilespmem:s2+$0x10];
	v11 =	vunpack.i.l.bf16.f32 v43;
	v21 =	vadd.f32 v29, v21;
	v5 =	vunpack.i.l.bf16.f32 v2  }
0x1a7: {  	v14 =	vld [tilespmem:s2+$0x4B30];
	v41 =	vadd.f32 v15, v41;
	v47 =	vunpack.i.u.bf16.f32 v57;
	v61 =	vunpack.i.u.bf16.f32 v55  }
0x1a8: {  	v29 =	vunpack.i.l.bf16.f32 v55;
	v55 =	vunpack.i.u.bf16.f32 v56;
	v56 =	vunpack.i.l.bf16.f32 v56  }
0x1a9: {  	v23 =	vadd.f32 v61, v23;
	v61 =	vunpack.i.u.bf16.f32 v42;
	v16 =	vadd.f32 v56, v16  }
0x1aa: {  	v56 =	vunpack.i.l.bf16.f32 v42;
	v42 =	vunpack.i.u.bf16.f32 v46;
	v46 =	vunpack.i.u.bf16.f32 v62  }
0x1ab: {  	v4 =	vld [tilespmem:s2+$0x6430];
	v0 =	vunpack.i.l.bf16.f32 v57;
	v19 =	vadd.f32 v47, v19;
	v8 =	vadd.f32 v46, v8  }
0x1ac: {  	v3 =	vunpack.i.u.bf16.f32 v14;
	v6 =	vadd.f32 v55, v6;
	v55 =	vunpack.i.l.bf16.f32 v63;
	v46 =	vld [tilespmem:s2+$0x3210]  }
0x1ad: {  	v63 =	vunpack.i.u.bf16.f32 v63;
	v38 =	vadd.f32 v55, v38;
	v8 =	vadd.f32 v52, v8;
	v52 =	vld [tilespmem:s2+$0x1910]  }
0x1ae: {  	v57 =	vunpack.i.l.bf16.f32 v62;
	v21 =	vadd.f32 v3, v21;
	v10 =	vadd.f32 v61, v10  }
0x1af: {  	v62 =	vld [tilespmem:s2+$0x30];
	v6 =	vadd.f32 v42, v6;
	v35 =	vadd.f32 v57, v35;
	v57 =	vunpack.i.l.bf16.f32 v50  }
0x1b0: {  	v2 =	vunpack.i.u.bf16.f32 v2;
	v58 =	vmovc v13;
	v13 =	vld [tilespmem:$0x1FF80];
	v42 =	vadd.f32 v63, v39;
	v3 =	vadd.f32 v57, v12  }
0x1b1: {  	v63 =	vunpack.i.u.bf16.f32 v4;
	v4 =	vunpack.i.l.bf16.f32 v4;
	v12 =	vunpack.i.u.bf16.f32 v46  }
0x1b2: {  	v48 =	vadd.f32 v12, v48;
	v12 =	vadd.f32 v4, v3;
	v3 =	vunpack.i.u.bf16.f32 v52  }
0x1b3: {  	v39 =	vunpack.i.u.bf16.f32 v43;
	v43 =	vld [tilespmem:s2+$0x1930];
	v40 =	vadd.f32 v3, v40;
	v3 =	vadd.f32 v56, v20  }
0x1b4: {  	s12 =	sadd.s32 $0x2, s12;
	v17 =	vadd.f32 v63, v17;
	v55 =	vunpack.i.l.bf16.f32 v62;
	v47 =	vunpack.i.u.bf16.f32 v62;
	v62 =	vld [tilespmem:s2+$0x1920]  }
0x1b5: {  	p0 =	slt.u32 s12, $0xC6;
	v63 =	vunpack.i.l.bf16.f32 v51;
	v51 =	vadd.f32 v36, v13;
	v13 =	vadd.f32 v5, v3;
	v3 =	vld [tilespmem:$0x1FFA0]  }
.Ltmp1:
0x1b6: {  	v34 =	vld [tilespmem:s2+$0x7D00];
	v19 =	vadd.f32 v54, v19;
	v16 =	vadd.f32 v60, v16;
	v4 =	vunpack.i.l.bf16.f32 v52;
	(pc) =	sbr.rel @p0 .LBB2_5-.Ltmp1, $4  }
0x1b7: {  	v25 =	vld [tilespmem:s2+$0x3230];
	v15 =	vmovc v44;
	v44 =	vunpack.i.l.bf16.f32 v45;
	v10 =	vadd.f32 v2, v10;
	v52 =	vadd.f32 v4, v24  }
0x1b8: {  	v2 =	vadd.f32 v63, v31;
	v38 =	vadd.f32 v55, v38;
	v55 =	vmovc v7;
	v7 =	vld [tilespmem:$0x1FF90];
	v24 =	vunpack.i.l.bf16.f32 v43  }
0x1b9: {  	v50 =	vunpack.i.u.bf16.f32 v43;
	v20 =	vld [tilespmem:$0x1FF60];
	v31 =	vunpack.i.l.bf16.f32 v62;
	v24 =	vadd.f32 v24, v52  }
0x1ba: {  	v57 =	vmovc v9;
	s2 =	sadd.s32 $0x40, s2;
	v56 =	vld [tilespmem:$0x1FF70];
	v4 =	vmovc v22;
	v52 =	vunpack.i.u.bf16.f32 v62;
	v31 =	vadd.f32 v31, v2;
	v36 =	vadd.f32 v0, v3  }
0x1bb: {  	s0 =	simm.s32 @!p1 $0x6  }
0x1bc: {  	_ =	swait.ge @!p1 [sflag:s0], $0x200  }
0x1bd: {  	[sflag:s0] =	ssyncset.done @!p1 $0x0  }
0x1be: {  	[sflag:s0] =	ssyncadd.s32 @!p1 $0xFFFFFE00  }
0x1bf: {  	[tilespmem:$0x19E80] =	vst v51  }
0x1c0: {  	v0 =	vadd.f32 v47, v42;
	[tilespmem:$0x19E90] =	vst v4  }
0x1c1: {  	[tilespmem:$0x19EA0] =	vst v38  }
0x1c2: {  	v2 =	vadd.f32 v52, v49;
	[tilespmem:$0x19EB0] =	vst v0  }
0x1c3: {  	v3 =	vadd.f32 v26, v32;
	[tilespmem:$0x19EC0] =	vst v31  }
0x1c4: {  	v43 =	vadd.f32 v50, v40;
	v1 =	vunpack.i.l.bf16.f32 v1;
	[tilespmem:$0x19ED0] =	vst v2  }
0x1c5: {  	v47 =	vunpack.i.u.bf16.f32 v25;
	v1 =	vadd.f32 v1, v3;
	[tilespmem:$0x19EE0] =	vst v24  }
0x1c6: {  	v49 =	vadd.f32 v47, v48;
	[tilespmem:$0x19EF0] =	vst v43  }
0x1c7: {  	[tilespmem:$0x19F00] =	vst v1  }
0x1c8: {  	[tilespmem:$0x19F30] =	vst v49  }
0x1c9: {  	v60 =	vadd.f32 v39, v23;
	[tilespmem:$0x19F50] =	vst v19  }
0x1ca: {  	[tilespmem:$0x19F70] =	vst v21  }
0x1cb: {  	[tilespmem:$0x19F90] =	vst v60  }
0x1cc: {  	[tilespmem:$0x19FA0] =	vst v12  }
0x1cd: {  	[tilespmem:$0x19FB0] =	vst v17  }
0x1ce: {  	[tilespmem:$0x19FE0] =	vst v59  }
0x1cf: {  	[tilespmem:$0x19FF0] =	vst v41  }
0x1d0: {  	[tilespmem:$0x1A000] =	vst v16  }
0x1d1: {  	[tilespmem:$0x1A010] =	vst v6  }
0x1d2: {  	v63 =	vadd.f32 v44, v35;
	[tilespmem:$0x1A020] =	vst v13  }
0x1d3: {  	[tilespmem:$0x1A030] =	vst v10  }
0x1d4: {  	v5 =	vunpack.i.l.bf16.f32 v46;
	v42 =	vadd.f32 v28, v56;
	[tilespmem:$0x1A040] =	vst v63  }
0x1d5: {  	v45 =	vadd.f32 v5, v33;
	[tilespmem:$0x1A050] =	vst v8  }
0x1d6: {  	v50 =	vadd.f32 v37, v27;
	v46 =	vunpack.i.l.bf16.f32 v25;
	[tilespmem:$0x1A060] =	vst v57;
	v0 =	vadd.f32 v7, v42  }
0x1d7: {  	v52 =	vunpack.i.l.bf16.f32 v14;
	v54 =	vadd.f32 v29, v30;
	v2 =	vadd.f32 v46, v45;
	[tilespmem:$0x1A070] =	vst v55  }
0x1d8: {  	v61 =	vunpack.i.u.bf16.f32 v34;
	[tilespmem:$0x19F10] =	vst v0;
	v0 =	vadd.f32 v52, v50  }
0x1d9: {  	s7 =	sadd.s32 $0x1, s7;
	v62 =	vadd.f32 v61, v53;
	v1 =	vadd.f32 v11, v54;
	v56 =	vunpack.i.l.bf16.f32 v34;
	[tilespmem:$0x19F20] =	vst v2  }
0x1da: {  	p0 =	sne.s32 s7, $0x20;
	v51 =	vadd.f32 v15, v36;
	[tilespmem:$0x19F60] =	vst v0;
	v0 =	vadd.f32 v56, v20  }
.Ltmp2:
0x1db: {  	[tilespmem:$0x19F80] =	vst v1;
	v1 =	vadd.f32 v18, v62;
	(pc) =	sbr.rel @p0 .LBB2_2-.Ltmp2, $4  }
0x1dc: {  	[tilespmem:$0x19F40] =	vst v51;
	v0 =	vadd.f32 v58, v0  }
0x1dd: {  	[tilespmem:$0x19FD0] =	vst v1  }
0x1de: {  	s15 =	sadd.s32 s5, s11;
	[tilespmem:$0x19FC0] =	vst v0  }
0x1df: {  	[hbm4b:s15+s3] =	stream.linear.scatter [tilespmem:s29], [sflag:$0x6], $0x200, $0x38;
	[tilespmem:$0x1A080] =	vst v63  }
0x1e0: {  	s0 =	simm.s32 $0x5  }
0x1e1: {  	_ =	swait.ge [sflag:s0], $0x200  }
0x1e2: {  	[sflag:s0] =	ssyncset.done $0x0  }
0x1e3: {  	s1 =	simm.s32 $0x6;
	[sflag:s0] =	ssyncadd.s32 $0xFFFFFE00  }
0x1e4: {  	_ =	swait.ge [sflag:s1], $0x200  }
0x1e5: {  	s2 =	rddreg [dreg:$0x6]  }
0x1e6: {  	s15 =	rddreg [dreg:$0x5];
	s2 =	sadd.s32 $0x1, s2  }
0x1e7: {  	p0 =	sne.s32 s2, s15  }
.Ltmp3:
0x1e8: {  	_ = 	snop;
	(pc) =	sbr.rel @p0 .LBB2_1-.Ltmp3, $3  }
0x1e9: {  	_ =	sdelay $0x1  }
0x1ea: {  	[sflag:s1] =	ssyncset.done $0x0  }
0x1eb: {  	[sflag:s1] =	ssyncadd.s32 $0xFFFFFE00  }
0x1ec: {  	_ =	sfence.sel $0x180000  }
0x1ed: {  	[bflag:$0x0] =	sbarrier.arrive $0xFFFF  }
0x1ee: {  	_ =	strace $0x9000004A  }
0x1ef: {  	s0 =	stileid.u32;
	[bflag:$0x2] =	sbarrier.arrive $0xFFFF  }
0x1f0: {  	p0 =	sne.s32 s0, $0x0;
	s0 =	rddreg [dreg:$0x2]  }
0x1f1: {  	s0 =	sadd.s32 @!p0 $0x100000, s0  }
0x1f2: {  	[sflag:s0] =	ssyncadd.tile.s32 @!p0 $0x1;
	_ =	shalt  }
.Lfunc_end2:
_tile_overlayer_lowered:
.L_overlay_start_2:
0x1f3: {  	(tag) =	ssettag $0x2  }
0x1f4: {  	s0 =	rddreg [dreg:$0x0];
	s2 =	stileid.u32  }
0x1f5: {  	s1 =	rddreg [dreg:$0x1];
	p0 =	sne.s32 s2, $0x0  }
0x1f6: {  	s3 =	rddreg [dreg:$0x2];
	[bflag:$0x3] =	sbarrier.arrive $0xFFFF;
	s2 =	simm.s32 @!p0 $0x1C07  }
0x1f7: {  	[timem:s3], [sflag:s2] =	dma.local @!p0 [hbm:s0], s1  }
0x1f8: {  	s0 =	simm.s32 @!p0 $0x7  }
0x1f9: {  	_ =	swait.ge @!p0 [sflag:s0], s1  }
0x1fa: {  	s1 =	ssub.s32 @!p0 $0x0, s1;
	[sflag:s0] =	ssyncset.done @!p0 $0x0  }
0x1fb: {  	[sflag:s0] =	ssyncadd.s32 @!p0 s1  }
0x1fc: {  	[bflag:$0x3] =	sbarrier.arrive $0xFFFF  }
0x1fd: {  	_ =	shalt  }

</sc_bundles>
